<compile_context>
chip_gen: v7x
topology: tpu7x:2x2x1
jax: 0.10.2.dev20260603
libtpu: 0.0.44.dev20260713+nightly
codegen_flags: <defaults>
</compile_context>

<pallas_src>
import jax
import jax.numpy as jnp
from jax import lax
from jax.experimental import pallas as pl
from jax.experimental.pallas import tpu as pltpu
from jax.experimental.pallas import tpu_sc as plsc

N = 10000
E = 320000
D = 128
DH = D // 2
G = 128
NC, NS, L = 2, 16, 16
EPT = E // NS
CH = 128
NCHUNK = 158
EPAD = NCHUNK * CH
BLK = 1000
NBLK = N // BLK
NZCH = (N + CH - 1) // CH



def _pre_body(x_ref, w_ref, att2_ref, h2_ref, as_ref, ad_ref):
    h = jnp.dot(x_ref[...], w_ref[...], preferred_element_type=jnp.float32)
    h2_ref[0] = h[:, :DH]
    h2_ref[1] = h[:, DH:]
    asd = jnp.dot(h, att2_ref[...], preferred_element_type=jnp.float32)
    as_ref[...] = asd[:, 0:1]
    ad_ref[...] = asd[:, 1:2]


_pre = pl.pallas_call(
    _pre_body,
    grid=(NBLK,),
    in_specs=[
        pl.BlockSpec((BLK, D), lambda i: (i, 0)),
        pl.BlockSpec((D, D), lambda i: (0, 0)),
        pl.BlockSpec((D, 2), lambda i: (0, 0)),
    ],
    out_specs=[
        pl.BlockSpec((NC, BLK, DH), lambda i: (0, i, 0)),
        pl.BlockSpec((BLK, 1), lambda i: (i, 0)),
        pl.BlockSpec((BLK, 1), lambda i: (i, 0)),
    ],
    out_shape=[
        jax.ShapeDtypeStruct((NC, N, DH), jnp.float32),
        jax.ShapeDtypeStruct((N, 1), jnp.float32),
        jax.ShapeDtypeStruct((N, 1), jnp.float32),
    ],
)


def _sc_body(h2_hbm, as_hbm, ad_hbm, src_hbm, dst_hbm, zeros_hbm,
             num_out, den_out,
             src_v, dst_v, as_v, ad_v, ex0_v, ex1_v, rows0_v, rows1_v,
             num_sh, den_sh, gsem0, gsem1, ssem0, ssem1, dsem0, dsem1):
    cid = lax.axis_index("c")
    sid = lax.axis_index("s")

    for k in range(5):
        c = sid + k * NS

        @pl.when(c < NZCH - 1)
        def _():
            pltpu.sync_copy(zeros_hbm, num_sh.at[pl.ds(c * CH, CH)])

        @pl.when(c == NZCH - 1)
        def _():
            rem = N - (NZCH - 1) * CH
            pltpu.sync_copy(zeros_hbm.at[pl.ds(0, rem)],
                            num_sh.at[pl.ds((NZCH - 1) * CH, rem)])
    NDCH = N // DH
    for k in range(10):
        c = sid + k * NS

        @pl.when(c < NDCH)
        def _():
            pltpu.sync_copy(zeros_hbm.at[0], den_sh.at[pl.ds(c * DH, DH)])

        @pl.when(c == NDCH)
        def _():
            pltpu.sync_copy(zeros_hbm.at[0, pl.ds(0, N - NDCH * DH)],
                            den_sh.at[pl.ds(NDCH * DH, N - NDCH * DH)])
    plsc.subcore_barrier()

    pltpu.sync_copy(src_hbm.at[sid], src_v)
    pltpu.sync_copy(dst_hbm.at[sid], dst_v)
    pltpu.sync_copy(as_hbm, as_v)
    pltpu.sync_copy(ad_hbm, ad_v)

    iota16 = lax.iota(jnp.int32, L)
    h_half = h2_hbm.at[cid]

    def _weights(c, exbuf):
        for j in range(CH // L):
            s16 = src_v[c, pl.ds(j * L, L)]
            d16 = dst_v[c, pl.ds(j * L, L)]
            a_s = plsc.load_gather(as_v, [s16])
            a_d = plsc.load_gather(ad_v, [d16])
            e = a_s + a_d
            e = jnp.where(e > 0.0, e, 0.2 * e)
            ex = jnp.exp(e)
            valid = (c * CH + j * L + iota16) < EPT
            exbuf[pl.ds(j * L, L)] = jnp.where(valid, ex, 0.0)

    def _scale(exbuf, rbuf):
        def _sgrp(jj, carry2):
            exv = exbuf[pl.ds(jj * L, L)]
            for rl in range(L):
                r = jj * L + rl
                b = jnp.full((L,), exv[rl], jnp.float32)
                for k in range(DH // L):
                    rbuf[r, pl.ds(k * L, L)] = rbuf[r, pl.ds(k * L, L)] * b
            return carry2
        lax.fori_loop(0, CH // L, _sgrp, 0)

    def _duo(i, carry):
        c0 = 2 * i
        c1 = c0 + 1
        g0 = pltpu.async_copy(h_half.at[src_v.at[c0]], rows0_v, gsem0)
        g1 = pltpu.async_copy(h_half.at[src_v.at[c1]], rows1_v, gsem1)
        _weights(c0, ex0_v)
        d0 = pltpu.async_copy(ex0_v, den_sh.at[dst_v.at[c0]],
                              dsem0, add=True)
        _weights(c1, ex1_v)
        d1 = pltpu.async_copy(ex1_v, den_sh.at[dst_v.at[c1]],
                              dsem1, add=True)
        g0.wait()
        _scale(ex0_v, rows0_v)
        s0 = pltpu.async_copy(rows0_v, num_sh.at[dst_v.at[c0]],
                              ssem0, add=True)
        g1.wait()
        _scale(ex1_v, rows1_v)
        s1 = pltpu.async_copy(rows1_v, num_sh.at[dst_v.at[c1]],
                              ssem1, add=True)
        d0.wait()
        d1.wait()
        s0.wait()
        s1.wait()
        return carry
    lax.fori_loop(0, NCHUNK // 2, _duo, 0)

    plsc.subcore_barrier()

    rpt = 624
    pltpu.sync_copy(num_sh.at[pl.ds(sid * rpt, rpt)],
                    num_out.at[cid, pl.ds(sid * rpt, rpt)])

    @pl.when(sid == NS - 1)
    def _():
        pltpu.sync_copy(num_sh.at[pl.ds(NS * rpt, N - NS * rpt)],
                        num_out.at[cid, pl.ds(NS * rpt, N - NS * rpt)])

    @pl.when(sid == 0)
    def _():
        pltpu.sync_copy(den_sh, den_out.at[cid])


_sc_edges = pl.kernel(
    _sc_body,
    out_type=[
        jax.ShapeDtypeStruct((NC, N, DH), jnp.float32),
        jax.ShapeDtypeStruct((NC, N), jnp.float32),
    ],
    mesh=plsc.VectorSubcoreMesh(core_axis_name="c", subcore_axis_name="s"),
    compiler_params=pltpu.CompilerParams(needs_layout_passes=False,
                                         use_tc_tiling_on_sc=False),
    scratch_types=[
        pltpu.VMEM((NCHUNK, CH), jnp.int32),
        pltpu.VMEM((NCHUNK, CH), jnp.int32),
        pltpu.VMEM((N,), jnp.float32),
        pltpu.VMEM((N,), jnp.float32),
        pltpu.VMEM((CH,), jnp.float32),
        pltpu.VMEM((CH,), jnp.float32),
        pltpu.VMEM((CH, DH), jnp.float32),
        pltpu.VMEM((CH, DH), jnp.float32),
        pltpu.VMEM_SHARED((N, DH), jnp.float32),
        pltpu.VMEM_SHARED((N,), jnp.float32),
        pltpu.SemaphoreType.DMA,
        pltpu.SemaphoreType.DMA,
        pltpu.SemaphoreType.DMA,
        pltpu.SemaphoreType.DMA,
        pltpu.SemaphoreType.DMA,
        pltpu.SemaphoreType.DMA,
    ],
)


def _post_body(num_ref, den_ref, batch_ref, bias_ref, wf_ref, bf_ref,
               out_ref, sums_ref, counts_ref):
    i = pl.program_id(0)

    @pl.when(i == 0)
    def _():
        sums_ref[...] = jnp.zeros_like(sums_ref)
        counts_ref[...] = jnp.zeros_like(counts_ref)

    halves = []
    for c in range(NC):
        den = den_ref[...][:, c]
        safe = jnp.where(den > 0.0, den, 1.0)
        halves.append(jnp.where(den[:, None] > 0.0,
                                num_ref[c] / safe[:, None], 0.0))
    out = jnp.concatenate(halves, axis=1) + bias_ref[...]
    g = out * jax.nn.sigmoid(out)
    b = batch_ref[0, 0, :]
    cols = lax.broadcasted_iota(jnp.int32, (BLK, G), 1)
    p = (b[:, None] == cols).astype(jnp.float32)
    sums_ref[...] += lax.dot_general(
        p, g, (((0,), (0,)), ((), ())), preferred_element_type=jnp.float32)
    counts_ref[...] += lax.dot_general(
        p, jnp.ones((BLK, 1), jnp.float32), (((0,), (0,)), ((), ())),
        preferred_element_type=jnp.float32)

    @pl.when(i == NBLK - 1)
    def _():
        mean = sums_ref[...] / jnp.maximum(counts_ref[...], 1.0)
        out_ref[...] = jnp.dot(mean, wf_ref[...],
                               preferred_element_type=jnp.float32) + bf_ref[...]


_post = pl.pallas_call(
    _post_body,
    grid=(NBLK,),
    in_specs=[
        pl.BlockSpec((NC, BLK, DH), lambda i: (0, i, 0)),
        pl.BlockSpec((BLK, NC), lambda i: (i, 0)),
        pl.BlockSpec((1, 1, BLK), lambda i: (i, 0, 0)),
        pl.BlockSpec((1, D), lambda i: (0, 0)),
        pl.BlockSpec((D, 1), lambda i: (0, 0)),
        pl.BlockSpec((1, 1), lambda i: (0, 0)),
    ],
    out_specs=pl.BlockSpec((G, 1), lambda i: (0, 0)),
    out_shape=jax.ShapeDtypeStruct((G, 1), jnp.float32),
    scratch_shapes=[
        pltpu.VMEM((G, D), jnp.float32),
        pltpu.VMEM((G, 1), jnp.float32),
    ],
)


def kernel(x, edge_index, batch, W, att_src, att_dst, bias, Wf, bf):
    src = edge_index[0].astype(jnp.int32).reshape(NS, EPT)
    dst = edge_index[1].astype(jnp.int32).reshape(NS, EPT)
    srcp = jnp.pad(src, ((0, 0), (0, EPAD - EPT))).reshape(NS, NCHUNK, CH)
    dstp = jnp.pad(dst, ((0, 0), (0, EPAD - EPT))).reshape(NS, NCHUNK, CH)
    att2 = jnp.stack([att_src, att_dst], axis=1)
    h2, a_s, a_d = _pre(x, W, att2)
    zeros_blk = jnp.zeros((CH, DH), jnp.float32)
    num, den = _sc_edges(h2, a_s.reshape(N), a_d.reshape(N), srcp, dstp,
                         zeros_blk)
    den_t = den.T
    batch3 = batch.astype(jnp.int32).reshape(NBLK, 1, BLK)
    return _post(num, den_t, batch3, bias.reshape(1, D), Wf,
                 bf.reshape(1, 1))

# --- scband reference (transcript-rebuilt; emitter-appended) ---
"""Pipeline reference for scband-gnn-55207509622967 (READ-ONLY COPY).

The authoritative reference and input builder live on the scoring server;
editing this copy changes nothing except your own understanding.
"""

import jax, jax.numpy as jnp
import numpy as np

N_NODES = 10000
N_EDGES = 320000
D_IN = 128
D_HID = 128
N_GRAPHS = 128

def setup_inputs(seed: int = 0) -> dict:
    key = jax.random.key(seed)
    ks = jax.random.split(key, 8)
    x = jax.random.normal(ks[0], (N_NODES, D_IN), dtype=jnp.float32)
    edge_index = jax.random.randint(ks[1], (2, N_EDGES), 0, N_NODES, dtype=jnp.int64)
    batch = jnp.sort(jax.random.randint(ks[2], (N_NODES,), 0, N_GRAPHS, dtype=jnp.int64))
    W = jax.random.normal(ks[3], (D_IN, D_HID), dtype=jnp.float32) * 0.05
    att_src = jax.random.normal(ks[4], (D_HID,), dtype=jnp.float32) * 0.05
    att_dst = jax.random.normal(ks[5], (D_HID,), dtype=jnp.float32) * 0.05
    bias = jnp.zeros((D_HID,), dtype=jnp.float32)
    Wf = jax.random.normal(ks[6], (D_HID, 1), dtype=jnp.float32) * 0.05
    bf = jnp.zeros((1,), dtype=jnp.float32)
    return {"x": x, "edge_index": edge_index, "batch": batch, "W": W,
            "att_src": att_src, "att_dst": att_dst, "bias": bias, "Wf": Wf, "bf": bf}

def reference(x, edge_index, batch, W, att_src, att_dst, bias, Wf, bf):
    src = edge_index[0]
    dst = edge_index[1]
    N = x.shape[0]
    # GATConv, heads=1, add_self_loops=False
    h = x @ W
    a_s = h @ att_src
    a_d = h @ att_dst
    e = a_s[src] + a_d[dst]
    e = jnp.where(e > 0, e, 0.2 * e)  # LeakyReLU(0.2)
    m = jax.ops.segment_max(e, dst, num_segments=N)
    m = jnp.where(jnp.isfinite(m), m, 0.0)
    m = jax.lax.stop_gradient(m)
    ex = jnp.exp(e - m[dst])
    denom = jax.ops.segment_sum(ex, dst, num_segments=N)
    denom_e = jnp.where(denom[dst] > 0, denom[dst], 1.0)
    alpha = ex / denom_e
    msg = h[src] * alpha[:, None]
    out = jax.ops.segment_sum(msg, dst, num_segments=N) + bias
    # SiLU
    g = out * jax.nn.sigmoid(out)
    # global mean pool over batch ids
    sums = jax.ops.segment_sum(g, batch, num_segments=N_GRAPHS)
    counts = jax.ops.segment_sum(jnp.ones((N,), dtype=jnp.float32), batch, num_segments=N_GRAPHS)
    mean = sums / jnp.clip(counts, 1.0)[:, None]
    return mean @ Wf + bf

if __name__ == "__main__":
    import jax
    _d = setup_inputs()
    print(jax.jit(kernel)(*tuple(_d.values())))

</pallas_src>

<mosaic_0001>
#map = affine_map<(d0, d1) -> (0, 0, 0)>
#map1 = affine_map<(d0, d1) -> (0)>
#map2 = affine_map<(d0, d1) -> (0, 0)>
module attributes {stable_mosaic.version = 14 : i64} {
  func.func @_sc_body(%arg0: i32, %arg1: i32, %arg2: memref<2x10000x64xf32, #tpu.memory_space<hbm>>, %arg3: memref<10000xf32, #tpu.memory_space<hbm>>, %arg4: memref<10000xf32, #tpu.memory_space<hbm>>, %arg5: memref<16x158x128xi32, #tpu.memory_space<hbm>>, %arg6: memref<16x158x128xi32, #tpu.memory_space<hbm>>, %arg7: memref<128x64xf32, #tpu.memory_space<hbm>>, %arg8: memref<2x10000x64xf32, #tpu.memory_space<hbm>>, %arg9: memref<2x10000xf32, #tpu.memory_space<hbm>>, %arg10: memref<158x128xi32, #tpu.memory_space<vmem>>, %arg11: memref<158x128xi32, #tpu.memory_space<vmem>>, %arg12: memref<10000xf32, #tpu.memory_space<vmem>>, %arg13: memref<10000xf32, #tpu.memory_space<vmem>>, %arg14: memref<128xf32, #tpu.memory_space<vmem>>, %arg15: memref<128xf32, #tpu.memory_space<vmem>>, %arg16: memref<128x64xf32, #tpu.memory_space<vmem>>, %arg17: memref<128x64xf32, #tpu.memory_space<vmem>>, %arg18: memref<10000x64xf32, #tpu.memory_space<vmem_shared>>, %arg19: memref<10000xf32, #tpu.memory_space<vmem_shared>>, %arg20: memref<!tpu.dma_semaphore, #tpu.memory_space<semaphore_mem>>, %arg21: memref<!tpu.dma_semaphore, #tpu.memory_space<semaphore_mem>>, %arg22: memref<!tpu.dma_semaphore, #tpu.memory_space<semaphore_mem>>, %arg23: memref<!tpu.dma_semaphore, #tpu.memory_space<semaphore_mem>>, %arg24: memref<!tpu.dma_semaphore, #tpu.memory_space<semaphore_mem>>, %arg25: memref<!tpu.dma_semaphore, #tpu.memory_space<semaphore_mem>>) attributes {dimension_semantics = [#tpu.dimension_semantics<core_parallel>, #tpu.dimension_semantics<subcore_parallel>], iteration_bounds = array<i64: 2, 16>, scalar_prefetch = 0 : i64, scratch_operands = 16 : i64, tpu.core_type = #tpu.core_type<sc_vector_subcore>, window_params = [{transform_indices = #map}, {transform_indices = #map1}, {transform_indices = #map1}, {transform_indices = #map}, {transform_indices = #map}, {transform_indices = #map2}, {transform_indices = #map}, {transform_indices = #map2}]} {
    %add3A = arith.constant 0 : i32
    %add3A_0 = arith.addi %arg1, %add3A : i32
    %lt3A = arith.constant 78 : i32
    %lt3A_1 = arith.cmpi slt, %add3A_0, %lt3A : i32
    %convert_element_type3A = arith.extui %lt3A_1 : i1 to i32
    %cond3A = arith.constant 0 : i32
    %cond3A_2 = arith.cmpi ne, %convert_element_type3A, %cond3A : i32
    scf.if %cond3A_2 {
      %mul3A_194 = arith.constant 128 : i32
      %mul3A_195 = arith.muli %add3A_0, %mul3A_194 : i32
      "tpu.region"() ({
        %run_scoped3A = tpu.sem_alloc : memref<!tpu.dma_semaphore, #tpu.memory_space<semaphore_mem>>
        %dma_start3A = arith.constant 0 : i32
        %dma_start3A_196 = tpu.memref_slice %arg18[%mul3A_195, %dma_start3A] : memref<10000x64xf32, #tpu.memory_space<vmem_shared>> -> memref<128x64xf32, #tpu.memory_space<vmem_shared>>
        tpu.enqueue_dma source(%arg7 : memref<128x64xf32, #tpu.memory_space<hbm>>) target(%dma_start3A_196 : memref<128x64xf32, #tpu.memory_space<vmem_shared>>) target_semaphore(%run_scoped3A : memref<!tpu.dma_semaphore, #tpu.memory_space<semaphore_mem>>)
        %dma_wait3A = arith.constant 0 : i32
        %dma_wait3A_197 = tpu.memref_slice %arg18[%mul3A_195, %dma_wait3A] : memref<10000x64xf32, #tpu.memory_space<vmem_shared>> -> memref<128x64xf32, #tpu.memory_space<vmem_shared>>
        tpu.wait_dma2 semaphore(%run_scoped3A : memref<!tpu.dma_semaphore, #tpu.memory_space<semaphore_mem>>) src(%arg7 : memref<128x64xf32, #tpu.memory_space<hbm>>) dst(%dma_wait3A_197 : memref<128x64xf32, #tpu.memory_space<vmem_shared>>)
        tpu.yield
      }) : () -> ()
    } else {
    }
    %eq3A = arith.constant 78 : i32
    %eq3A_3 = arith.cmpi eq, %add3A_0, %eq3A : i32
    %convert_element_type3A_4 = arith.extui %eq3A_3 : i1 to i32
    %cond3A_5 = arith.constant 0 : i32
    %cond3A_6 = arith.cmpi ne, %convert_element_type3A_4, %cond3A_5 : i32
    scf.if %cond3A_6 {
      "tpu.region"() ({
        %run_scoped3A = tpu.sem_alloc : memref<!tpu.dma_semaphore, #tpu.memory_space<semaphore_mem>>
        %dma_start3A = arith.constant 9984 : i32
        %dma_start3A_194 = arith.constant 0 : i32
        %dma_start3A_195 = tpu.memref_slice %arg18[%dma_start3A, %dma_start3A_194] : memref<10000x64xf32, #tpu.memory_space<vmem_shared>> -> memref<16x64xf32, #tpu.memory_space<vmem_shared>>
        %dma_start3A_196 = arith.constant 0 : i32
        %dma_start3A_197 = arith.constant 0 : i32
        %dma_start3A_198 = tpu.memref_slice %arg7[%dma_start3A_196, %dma_start3A_197] : memref<128x64xf32, #tpu.memory_space<hbm>> -> memref<16x64xf32, #tpu.memory_space<hbm>>
        tpu.enqueue_dma source(%dma_start3A_198 : memref<16x64xf32, #tpu.memory_space<hbm>>) target(%dma_start3A_195 : memref<16x64xf32, #tpu.memory_space<vmem_shared>>) target_semaphore(%run_scoped3A : memref<!tpu.dma_semaphore, #tpu.memory_space<semaphore_mem>>)
        %dma_wait3A = arith.constant 9984 : i32
        %dma_wait3A_199 = arith.constant 0 : i32
        %dma_wait3A_200 = tpu.memref_slice %arg18[%dma_wait3A, %dma_wait3A_199] : memref<10000x64xf32, #tpu.memory_space<vmem_shared>> -> memref<16x64xf32, #tpu.memory_space<vmem_shared>>
        %dma_wait3A_201 = arith.constant 0 : i32
        %dma_wait3A_202 = arith.constant 0 : i32
        %dma_wait3A_203 = tpu.memref_slice %arg7[%dma_wait3A_201, %dma_wait3A_202] : memref<128x64xf32, #tpu.memory_space<hbm>> -> memref<16x64xf32, #tpu.memory_space<hbm>>
        tpu.wait_dma2 semaphore(%run_scoped3A : memref<!tpu.dma_semaphore, #tpu.memory_space<semaphore_mem>>) src(%dma_wait3A_203 : memref<16x64xf32, #tpu.memory_space<hbm>>) dst(%dma_wait3A_200 : memref<16x64xf32, #tpu.memory_space<vmem_shared>>)
        tpu.yield
      }) : () -> ()
    } else {
    }
    %add3A_7 = arith.constant 16 : i32
    %add3A_8 = arith.addi %arg1, %add3A_7 : i32
    %lt3A_9 = arith.constant 78 : i32
    %lt3A_10 = arith.cmpi slt, %add3A_8, %lt3A_9 : i32
    %convert_element_type3A_11 = arith.extui %lt3A_10 : i1 to i32
    %cond3A_12 = arith.constant 0 : i32
    %cond3A_13 = arith.cmpi ne, %convert_element_type3A_11, %cond3A_12 : i32
    scf.if %cond3A_13 {
      %mul3A_194 = arith.constant 128 : i32
      %mul3A_195 = arith.muli %add3A_8, %mul3A_194 : i32
      "tpu.region"() ({
        %run_scoped3A = tpu.sem_alloc : memref<!tpu.dma_semaphore, #tpu.memory_space<semaphore_mem>>
        %dma_start3A = arith.constant 0 : i32
        %dma_start3A_196 = tpu.memref_slice %arg18[%mul3A_195, %dma_start3A] : memref<10000x64xf32, #tpu.memory_space<vmem_shared>> -> memref<128x64xf32, #tpu.memory_space<vmem_shared>>
        tpu.enqueue_dma source(%arg7 : memref<128x64xf32, #tpu.memory_space<hbm>>) target(%dma_start3A_196 : memref<128x64xf32, #tpu.memory_space<vmem_shared>>) target_semaphore(%run_scoped3A : memref<!tpu.dma_semaphore, #tpu.memory_space<semaphore_mem>>)
        %dma_wait3A = arith.constant 0 : i32
        %dma_wait3A_197 = tpu.memref_slice %arg18[%mul3A_195, %dma_wait3A] : memref<10000x64xf32, #tpu.memory_space<vmem_shared>> -> memref<128x64xf32, #tpu.memory_space<vmem_shared>>
        tpu.wait_dma2 semaphore(%run_scoped3A : memref<!tpu.dma_semaphore, #tpu.memory_space<semaphore_mem>>) src(%arg7 : memref<128x64xf32, #tpu.memory_space<hbm>>) dst(%dma_wait3A_197 : memref<128x64xf32, #tpu.memory_space<vmem_shared>>)
        tpu.yield
      }) : () -> ()
    } else {
    }
    %eq3A_14 = arith.constant 78 : i32
    %eq3A_15 = arith.cmpi eq, %add3A_8, %eq3A_14 : i32
    %convert_element_type3A_16 = arith.extui %eq3A_15 : i1 to i32
    %cond3A_17 = arith.constant 0 : i32
    %cond3A_18 = arith.cmpi ne, %convert_element_type3A_16, %cond3A_17 : i32
    scf.if %cond3A_18 {
      "tpu.region"() ({
        %run_scoped3A = tpu.sem_alloc : memref<!tpu.dma_semaphore, #tpu.memory_space<semaphore_mem>>
        %dma_start3A = arith.constant 9984 : i32
        %dma_start3A_194 = arith.constant 0 : i32
        %dma_start3A_195 = tpu.memref_slice %arg18[%dma_start3A, %dma_start3A_194] : memref<10000x64xf32, #tpu.memory_space<vmem_shared>> -> memref<16x64xf32, #tpu.memory_space<vmem_shared>>
        %dma_start3A_196 = arith.constant 0 : i32
        %dma_start3A_197 = arith.constant 0 : i32
        %dma_start3A_198 = tpu.memref_slice %arg7[%dma_start3A_196, %dma_start3A_197] : memref<128x64xf32, #tpu.memory_space<hbm>> -> memref<16x64xf32, #tpu.memory_space<hbm>>
        tpu.enqueue_dma source(%dma_start3A_198 : memref<16x64xf32, #tpu.memory_space<hbm>>) target(%dma_start3A_195 : memref<16x64xf32, #tpu.memory_space<vmem_shared>>) target_semaphore(%run_scoped3A : memref<!tpu.dma_semaphore, #tpu.memory_space<semaphore_mem>>)
        %dma_wait3A = arith.constant 9984 : i32
        %dma_wait3A_199 = arith.constant 0 : i32
        %dma_wait3A_200 = tpu.memref_slice %arg18[%dma_wait3A, %dma_wait3A_199] : memref<10000x64xf32, #tpu.memory_space<vmem_shared>> -> memref<16x64xf32, #tpu.memory_space<vmem_shared>>
        %dma_wait3A_201 = arith.constant 0 : i32
        %dma_wait3A_202 = arith.constant 0 : i32
        %dma_wait3A_203 = tpu.memref_slice %arg7[%dma_wait3A_201, %dma_wait3A_202] : memref<128x64xf32, #tpu.memory_space<hbm>> -> memref<16x64xf32, #tpu.memory_space<hbm>>
        tpu.wait_dma2 semaphore(%run_scoped3A : memref<!tpu.dma_semaphore, #tpu.memory_space<semaphore_mem>>) src(%dma_wait3A_203 : memref<16x64xf32, #tpu.memory_space<hbm>>) dst(%dma_wait3A_200 : memref<16x64xf32, #tpu.memory_space<vmem_shared>>)
        tpu.yield
      }) : () -> ()
    } else {
    }
    %add3A_19 = arith.constant 32 : i32
    %add3A_20 = arith.addi %arg1, %add3A_19 : i32
    %lt3A_21 = arith.constant 78 : i32
    %lt3A_22 = arith.cmpi slt, %add3A_20, %lt3A_21 : i32
    %convert_element_type3A_23 = arith.extui %lt3A_22 : i1 to i32
    %cond3A_24 = arith.constant 0 : i32
    %cond3A_25 = arith.cmpi ne, %convert_element_type3A_23, %cond3A_24 : i32
    scf.if %cond3A_25 {
      %mul3A_194 = arith.constant 128 : i32
      %mul3A_195 = arith.muli %add3A_20, %mul3A_194 : i32
      "tpu.region"() ({
        %run_scoped3A = tpu.sem_alloc : memref<!tpu.dma_semaphore, #tpu.memory_space<semaphore_mem>>
        %dma_start3A = arith.constant 0 : i32
        %dma_start3A_196 = tpu.memref_slice %arg18[%mul3A_195, %dma_start3A] : memref<10000x64xf32, #tpu.memory_space<vmem_shared>> -> memref<128x64xf32, #tpu.memory_space<vmem_shared>>
        tpu.enqueue_dma source(%arg7 : memref<128x64xf32, #tpu.memory_space<hbm>>) target(%dma_start3A_196 : memref<128x64xf32, #tpu.memory_space<vmem_shared>>) target_semaphore(%run_scoped3A : memref<!tpu.dma_semaphore, #tpu.memory_space<semaphore_mem>>)
        %dma_wait3A = arith.constant 0 : i32
        %dma_wait3A_197 = tpu.memref_slice %arg18[%mul3A_195, %dma_wait3A] : memref<10000x64xf32, #tpu.memory_space<vmem_shared>> -> memref<128x64xf32, #tpu.memory_space<vmem_shared>>
        tpu.wait_dma2 semaphore(%run_scoped3A : memref<!tpu.dma_semaphore, #tpu.memory_space<semaphore_mem>>) src(%arg7 : memref<128x64xf32, #tpu.memory_space<hbm>>) dst(%dma_wait3A_197 : memref<128x64xf32, #tpu.memory_space<vmem_shared>>)
        tpu.yield
      }) : () -> ()
    } else {
    }
    %eq3A_26 = arith.constant 78 : i32
    %eq3A_27 = arith.cmpi eq, %add3A_20, %eq3A_26 : i32
    %convert_element_type3A_28 = arith.extui %eq3A_27 : i1 to i32
    %cond3A_29 = arith.constant 0 : i32
    %cond3A_30 = arith.cmpi ne, %convert_element_type3A_28, %cond3A_29 : i32
    scf.if %cond3A_30 {
      "tpu.region"() ({
        %run_scoped3A = tpu.sem_alloc : memref<!tpu.dma_semaphore, #tpu.memory_space<semaphore_mem>>
        %dma_start3A = arith.constant 9984 : i32
        %dma_start3A_194 = arith.constant 0 : i32
        %dma_start3A_195 = tpu.memref_slice %arg18[%dma_start3A, %dma_start3A_194] : memref<10000x64xf32, #tpu.memory_space<vmem_shared>> -> memref<16x64xf32, #tpu.memory_space<vmem_shared>>
        %dma_start3A_196 = arith.constant 0 : i32
        %dma_start3A_197 = arith.constant 0 : i32
        %dma_start3A_198 = tpu.memref_slice %arg7[%dma_start3A_196, %dma_start3A_197] : memref<128x64xf32, #tpu.memory_space<hbm>> -> memref<16x64xf32, #tpu.memory_space<hbm>>
        tpu.enqueue_dma source(%dma_start3A_198 : memref<16x64xf32, #tpu.memory_space<hbm>>) target(%dma_start3A_195 : memref<16x64xf32, #tpu.memory_space<vmem_shared>>) target_semaphore(%run_scoped3A : memref<!tpu.dma_semaphore, #tpu.memory_space<semaphore_mem>>)
        %dma_wait3A = arith.constant 9984 : i32
        %dma_wait3A_199 = arith.constant 0 : i32
        %dma_wait3A_200 = tpu.memref_slice %arg18[%dma_wait3A, %dma_wait3A_199] : memref<10000x64xf32, #tpu.memory_space<vmem_shared>> -> memref<16x64xf32, #tpu.memory_space<vmem_shared>>
        %dma_wait3A_201 = arith.constant 0 : i32
        %dma_wait3A_202 = arith.constant 0 : i32
        %dma_wait3A_203 = tpu.memref_slice %arg7[%dma_wait3A_201, %dma_wait3A_202] : memref<128x64xf32, #tpu.memory_space<hbm>> -> memref<16x64xf32, #tpu.memory_space<hbm>>
        tpu.wait_dma2 semaphore(%run_scoped3A : memref<!tpu.dma_semaphore, #tpu.memory_space<semaphore_mem>>) src(%dma_wait3A_203 : memref<16x64xf32, #tpu.memory_space<hbm>>) dst(%dma_wait3A_200 : memref<16x64xf32, #tpu.memory_space<vmem_shared>>)
        tpu.yield
      }) : () -> ()
    } else {
    }
    %add3A_31 = arith.constant 48 : i32
    %add3A_32 = arith.addi %arg1, %add3A_31 : i32
    %lt3A_33 = arith.constant 78 : i32
    %lt3A_34 = arith.cmpi slt, %add3A_32, %lt3A_33 : i32
    %convert_element_type3A_35 = arith.extui %lt3A_34 : i1 to i32
    %cond3A_36 = arith.constant 0 : i32
    %cond3A_37 = arith.cmpi ne, %convert_element_type3A_35, %cond3A_36 : i32
    scf.if %cond3A_37 {
      %mul3A_194 = arith.constant 128 : i32
      %mul3A_195 = arith.muli %add3A_32, %mul3A_194 : i32
      "tpu.region"() ({
        %run_scoped3A = tpu.sem_alloc : memref<!tpu.dma_semaphore, #tpu.memory_space<semaphore_mem>>
        %dma_start3A = arith.constant 0 : i32
        %dma_start3A_196 = tpu.memref_slice %arg18[%mul3A_195, %dma_start3A] : memref<10000x64xf32, #tpu.memory_space<vmem_shared>> -> memref<128x64xf32, #tpu.memory_space<vmem_shared>>
        tpu.enqueue_dma source(%arg7 : memref<128x64xf32, #tpu.memory_space<hbm>>) target(%dma_start3A_196 : memref<128x64xf32, #tpu.memory_space<vmem_shared>>) target_semaphore(%run_scoped3A : memref<!tpu.dma_semaphore, #tpu.memory_space<semaphore_mem>>)
        %dma_wait3A = arith.constant 0 : i32
        %dma_wait3A_197 = tpu.memref_slice %arg18[%mul3A_195, %dma_wait3A] : memref<10000x64xf32, #tpu.memory_space<vmem_shared>> -> memref<128x64xf32, #tpu.memory_space<vmem_shared>>
        tpu.wait_dma2 semaphore(%run_scoped3A : memref<!tpu.dma_semaphore, #tpu.memory_space<semaphore_mem>>) src(%arg7 : memref<128x64xf32, #tpu.memory_space<hbm>>) dst(%dma_wait3A_197 : memref<128x64xf32, #tpu.memory_space<vmem_shared>>)
        tpu.yield
      }) : () -> ()
    } else {
    }
    %eq3A_38 = arith.constant 78 : i32
    %eq3A_39 = arith.cmpi eq, %add3A_32, %eq3A_38 : i32
    %convert_element_type3A_40 = arith.extui %eq3A_39 : i1 to i32
    %cond3A_41 = arith.constant 0 : i32
    %cond3A_42 = arith.cmpi ne, %convert_element_type3A_40, %cond3A_41 : i32
    scf.if %cond3A_42 {
      "tpu.region"() ({
        %run_scoped3A = tpu.sem_alloc : memref<!tpu.dma_semaphore, #tpu.memory_space<semaphore_mem>>
        %dma_start3A = arith.constant 9984 : i32
        %dma_start3A_194 = arith.constant 0 : i32
        %dma_start3A_195 = tpu.memref_slice %arg18[%dma_start3A, %dma_start3A_194] : memref<10000x64xf32, #tpu.memory_space<vmem_shared>> -> memref<16x64xf32, #tpu.memory_space<vmem_shared>>
        %dma_start3A_196 = arith.constant 0 : i32
        %dma_start3A_197 = arith.constant 0 : i32
        %dma_start3A_198 = tpu.memref_slice %arg7[%dma_start3A_196, %dma_start3A_197] : memref<128x64xf32, #tpu.memory_space<hbm>> -> memref<16x64xf32, #tpu.memory_space<hbm>>
        tpu.enqueue_dma source(%dma_start3A_198 : memref<16x64xf32, #tpu.memory_space<hbm>>) target(%dma_start3A_195 : memref<16x64xf32, #tpu.memory_space<vmem_shared>>) target_semaphore(%run_scoped3A : memref<!tpu.dma_semaphore, #tpu.memory_space<semaphore_mem>>)
        %dma_wait3A = arith.constant 9984 : i32
        %dma_wait3A_199 = arith.constant 0 : i32
        %dma_wait3A_200 = tpu.memref_slice %arg18[%dma_wait3A, %dma_wait3A_199] : memref<10000x64xf32, #tpu.memory_space<vmem_shared>> -> memref<16x64xf32, #tpu.memory_space<vmem_shared>>
        %dma_wait3A_201 = arith.constant 0 : i32
        %dma_wait3A_202 = arith.constant 0 : i32
        %dma_wait3A_203 = tpu.memref_slice %arg7[%dma_wait3A_201, %dma_wait3A_202] : memref<128x64xf32, #tpu.memory_space<hbm>> -> memref<16x64xf32, #tpu.memory_space<hbm>>
        tpu.wait_dma2 semaphore(%run_scoped3A : memref<!tpu.dma_semaphore, #tpu.memory_space<semaphore_mem>>) src(%dma_wait3A_203 : memref<16x64xf32, #tpu.memory_space<hbm>>) dst(%dma_wait3A_200 : memref<16x64xf32, #tpu.memory_space<vmem_shared>>)
        tpu.yield
      }) : () -> ()
    } else {
    }
    %add3A_43 = arith.constant 64 : i32
    %add3A_44 = arith.addi %arg1, %add3A_43 : i32
    %lt3A_45 = arith.constant 78 : i32
    %lt3A_46 = arith.cmpi slt, %add3A_44, %lt3A_45 : i32
    %convert_element_type3A_47 = arith.extui %lt3A_46 : i1 to i32
    %cond3A_48 = arith.constant 0 : i32
    %cond3A_49 = arith.cmpi ne, %convert_element_type3A_47, %cond3A_48 : i32
    scf.if %cond3A_49 {
      %mul3A_194 = arith.constant 128 : i32
      %mul3A_195 = arith.muli %add3A_44, %mul3A_194 : i32
      "tpu.region"() ({
        %run_scoped3A = tpu.sem_alloc : memref<!tpu.dma_semaphore, #tpu.memory_space<semaphore_mem>>
        %dma_start3A = arith.constant 0 : i32
        %dma_start3A_196 = tpu.memref_slice %arg18[%mul3A_195, %dma_start3A] : memref<10000x64xf32, #tpu.memory_space<vmem_shared>> -> memref<128x64xf32, #tpu.memory_space<vmem_shared>>
        tpu.enqueue_dma source(%arg7 : memref<128x64xf32, #tpu.memory_space<hbm>>) target(%dma_start3A_196 : memref<128x64xf32, #tpu.memory_space<vmem_shared>>) target_semaphore(%run_scoped3A : memref<!tpu.dma_semaphore, #tpu.memory_space<semaphore_mem>>)
        %dma_wait3A = arith.constant 0 : i32
        %dma_wait3A_197 = tpu.memref_slice %arg18[%mul3A_195, %dma_wait3A] : memref<10000x64xf32, #tpu.memory_space<vmem_shared>> -> memref<128x64xf32, #tpu.memory_space<vmem_shared>>
        tpu.wait_dma2 semaphore(%run_scoped3A : memref<!tpu.dma_semaphore, #tpu.memory_space<semaphore_mem>>) src(%arg7 : memref<128x64xf32, #tpu.memory_space<hbm>>) dst(%dma_wait3A_197 : memref<128x64xf32, #tpu.memory_space<vmem_shared>>)
        tpu.yield
      }) : () -> ()
    } else {
    }
    %eq3A_50 = arith.constant 78 : i32
    %eq3A_51 = arith.cmpi eq, %add3A_44, %eq3A_50 : i32
    %convert_element_type3A_52 = arith.extui %eq3A_51 : i1 to i32
    %cond3A_53 = arith.constant 0 : i32
    %cond3A_54 = arith.cmpi ne, %convert_element_type3A_52, %cond3A_53 : i32
    scf.if %cond3A_54 {
      "tpu.region"() ({
        %run_scoped3A = tpu.sem_alloc : memref<!tpu.dma_semaphore, #tpu.memory_space<semaphore_mem>>
        %dma_start3A = arith.constant 9984 : i32
        %dma_start3A_194 = arith.constant 0 : i32
        %dma_start3A_195 = tpu.memref_slice %arg18[%dma_start3A, %dma_start3A_194] : memref<10000x64xf32, #tpu.memory_space<vmem_shared>> -> memref<16x64xf32, #tpu.memory_space<vmem_shared>>
        %dma_start3A_196 = arith.constant 0 : i32
        %dma_start3A_197 = arith.constant 0 : i32
        %dma_start3A_198 = tpu.memref_slice %arg7[%dma_start3A_196, %dma_start3A_197] : memref<128x64xf32, #tpu.memory_space<hbm>> -> memref<16x64xf32, #tpu.memory_space<hbm>>
        tpu.enqueue_dma source(%dma_start3A_198 : memref<16x64xf32, #tpu.memory_space<hbm>>) target(%dma_start3A_195 : memref<16x64xf32, #tpu.memory_space<vmem_shared>>) target_semaphore(%run_scoped3A : memref<!tpu.dma_semaphore, #tpu.memory_space<semaphore_mem>>)
        %dma_wait3A = arith.constant 9984 : i32
        %dma_wait3A_199 = arith.constant 0 : i32
        %dma_wait3A_200 = tpu.memref_slice %arg18[%dma_wait3A, %dma_wait3A_199] : memref<10000x64xf32, #tpu.memory_space<vmem_shared>> -> memref<16x64xf32, #tpu.memory_space<vmem_shared>>
        %dma_wait3A_201 = arith.constant 0 : i32
        %dma_wait3A_202 = arith.constant 0 : i32
        %dma_wait3A_203 = tpu.memref_slice %arg7[%dma_wait3A_201, %dma_wait3A_202] : memref<128x64xf32, #tpu.memory_space<hbm>> -> memref<16x64xf32, #tpu.memory_space<hbm>>
        tpu.wait_dma2 semaphore(%run_scoped3A : memref<!tpu.dma_semaphore, #tpu.memory_space<semaphore_mem>>) src(%dma_wait3A_203 : memref<16x64xf32, #tpu.memory_space<hbm>>) dst(%dma_wait3A_200 : memref<16x64xf32, #tpu.memory_space<vmem_shared>>)
        tpu.yield
      }) : () -> ()
    } else {
    }
    %add3A_55 = arith.constant 0 : i32
    %add3A_56 = arith.addi %arg1, %add3A_55 : i32
    %lt3A_57 = arith.constant 156 : i32
    %lt3A_58 = arith.cmpi slt, %add3A_56, %lt3A_57 : i32
    %convert_element_type3A_59 = arith.extui %lt3A_58 : i1 to i32
    %cond3A_60 = arith.constant 0 : i32
    %cond3A_61 = arith.cmpi ne, %convert_element_type3A_59, %cond3A_60 : i32
    scf.if %cond3A_61 {
      %mul3A_194 = arith.constant 64 : i32
      %mul3A_195 = arith.muli %add3A_56, %mul3A_194 : i32
      %run_scoped3A = arith.constant 0 : i32
      "tpu.region"() ({
        %run_scoped3A_196 = tpu.sem_alloc : memref<!tpu.dma_semaphore, #tpu.memory_space<semaphore_mem>>
        %dma_start3A = tpu.memref_slice %arg19[%mul3A_195] : memref<10000xf32, #tpu.memory_space<vmem_shared>> -> memref<64xf32, #tpu.memory_space<vmem_shared>>
        %dma_start3A_197 = arith.constant 0 : i32
        %dma_start3A_198 = tpu.memref_slice %arg7[%run_scoped3A, %dma_start3A_197] : memref<128x64xf32, #tpu.memory_space<hbm>> -> memref<1x64xf32, #tpu.memory_space<hbm>>
        %dma_start3A_199 = tpu.memref_squeeze %dma_start3A_198 : memref<1x64xf32, #tpu.memory_space<hbm>> -> memref<64xf32, #tpu.memory_space<hbm>>
        tpu.enqueue_dma source(%dma_start3A_199 : memref<64xf32, #tpu.memory_space<hbm>>) target(%dma_start3A : memref<64xf32, #tpu.memory_space<vmem_shared>>) target_semaphore(%run_scoped3A_196 : memref<!tpu.dma_semaphore, #tpu.memory_space<semaphore_mem>>)
        %dma_wait3A = tpu.memref_slice %arg19[%mul3A_195] : memref<10000xf32, #tpu.memory_space<vmem_shared>> -> memref<64xf32, #tpu.memory_space<vmem_shared>>
        %dma_wait3A_200 = arith.constant 0 : i32
        %dma_wait3A_201 = tpu.memref_slice %arg7[%run_scoped3A, %dma_wait3A_200] : memref<128x64xf32, #tpu.memory_space<hbm>> -> memref<1x64xf32, #tpu.memory_space<hbm>>
        %dma_wait3A_202 = tpu.memref_squeeze %dma_wait3A_201 : memref<1x64xf32, #tpu.memory_space<hbm>> -> memref<64xf32, #tpu.memory_space<hbm>>
        tpu.wait_dma2 semaphore(%run_scoped3A_196 : memref<!tpu.dma_semaphore, #tpu.memory_space<semaphore_mem>>) src(%dma_wait3A_202 : memref<64xf32, #tpu.memory_space<hbm>>) dst(%dma_wait3A : memref<64xf32, #tpu.memory_space<vmem_shared>>)
        tpu.yield
      }) : () -> ()
    } else {
    }
    %eq3A_62 = arith.constant 156 : i32
    %eq3A_63 = arith.cmpi eq, %add3A_56, %eq3A_62 : i32
    %convert_element_type3A_64 = arith.extui %eq3A_63 : i1 to i32
    %cond3A_65 = arith.constant 0 : i32
    %cond3A_66 = arith.cmpi ne, %convert_element_type3A_64, %cond3A_65 : i32
    scf.if %cond3A_66 {
      %run_scoped3A = arith.constant 0 : i32
      "tpu.region"() ({
        %run_scoped3A_194 = tpu.sem_alloc : memref<!tpu.dma_semaphore, #tpu.memory_space<semaphore_mem>>
        %dma_start3A = arith.constant 9984 : i32
        %dma_start3A_195 = tpu.memref_slice %arg19[%dma_start3A] : memref<10000xf32, #tpu.memory_space<vmem_shared>> -> memref<16xf32, #tpu.memory_space<vmem_shared>>
        %dma_start3A_196 = arith.constant 0 : i32
        %dma_start3A_197 = tpu.memref_slice %arg7[%run_scoped3A, %dma_start3A_196] : memref<128x64xf32, #tpu.memory_space<hbm>> -> memref<1x16xf32, #tpu.memory_space<hbm>>
        %dma_start3A_198 = tpu.memref_squeeze %dma_start3A_197 : memref<1x16xf32, #tpu.memory_space<hbm>> -> memref<16xf32, #tpu.memory_space<hbm>>
        tpu.enqueue_dma source(%dma_start3A_198 : memref<16xf32, #tpu.memory_space<hbm>>) target(%dma_start3A_195 : memref<16xf32, #tpu.memory_space<vmem_shared>>) target_semaphore(%run_scoped3A_194 : memref<!tpu.dma_semaphore, #tpu.memory_space<semaphore_mem>>)
        %dma_wait3A = arith.constant 9984 : i32
        %dma_wait3A_199 = tpu.memref_slice %arg19[%dma_wait3A] : memref<10000xf32, #tpu.memory_space<vmem_shared>> -> memref<16xf32, #tpu.memory_space<vmem_shared>>
        %dma_wait3A_200 = arith.constant 0 : i32
        %dma_wait3A_201 = tpu.memref_slice %arg7[%run_scoped3A, %dma_wait3A_200] : memref<128x64xf32, #tpu.memory_space<hbm>> -> memref<1x16xf32, #tpu.memory_space<hbm>>
        %dma_wait3A_202 = tpu.memref_squeeze %dma_wait3A_201 : memref<1x16xf32, #tpu.memory_space<hbm>> -> memref<16xf32, #tpu.memory_space<hbm>>
        tpu.wait_dma2 semaphore(%run_scoped3A_194 : memref<!tpu.dma_semaphore, #tpu.memory_space<semaphore_mem>>) src(%dma_wait3A_202 : memref<16xf32, #tpu.memory_space<hbm>>) dst(%dma_wait3A_199 : memref<16xf32, #tpu.memory_space<vmem_shared>>)
        tpu.yield
      }) : () -> ()
    } else {
    }
    %add3A_67 = arith.constant 16 : i32
    %add3A_68 = arith.addi %arg1, %add3A_67 : i32
    %lt3A_69 = arith.constant 156 : i32
    %lt3A_70 = arith.cmpi slt, %add3A_68, %lt3A_69 : i32
    %convert_element_type3A_71 = arith.extui %lt3A_70 : i1 to i32
    %cond3A_72 = arith.constant 0 : i32
    %cond3A_73 = arith.cmpi ne, %convert_element_type3A_71, %cond3A_72 : i32
    scf.if %cond3A_73 {
      %mul3A_194 = arith.constant 64 : i32
      %mul3A_195 = arith.muli %add3A_68, %mul3A_194 : i32
      %run_scoped3A = arith.constant 0 : i32
      "tpu.region"() ({
        %run_scoped3A_196 = tpu.sem_alloc : memref<!tpu.dma_semaphore, #tpu.memory_space<semaphore_mem>>
        %dma_start3A = tpu.memref_slice %arg19[%mul3A_195] : memref<10000xf32, #tpu.memory_space<vmem_shared>> -> memref<64xf32, #tpu.memory_space<vmem_shared>>
        %dma_start3A_197 = arith.constant 0 : i32
        %dma_start3A_198 = tpu.memref_slice %arg7[%run_scoped3A, %dma_start3A_197] : memref<128x64xf32, #tpu.memory_space<hbm>> -> memref<1x64xf32, #tpu.memory_space<hbm>>
        %dma_start3A_199 = tpu.memref_squeeze %dma_start3A_198 : memref<1x64xf32, #tpu.memory_space<hbm>> -> memref<64xf32, #tpu.memory_space<hbm>>
        tpu.enqueue_dma source(%dma_start3A_199 : memref<64xf32, #tpu.memory_space<hbm>>) target(%dma_start3A : memref<64xf32, #tpu.memory_space<vmem_shared>>) target_semaphore(%run_scoped3A_196 : memref<!tpu.dma_semaphore, #tpu.memory_space<semaphore_mem>>)
        %dma_wait3A = tpu.memref_slice %arg19[%mul3A_195] : memref<10000xf32, #tpu.memory_space<vmem_shared>> -> memref<64xf32, #tpu.memory_space<vmem_shared>>
        %dma_wait3A_200 = arith.constant 0 : i32
        %dma_wait3A_201 = tpu.memref_slice %arg7[%run_scoped3A, %dma_wait3A_200] : memref<128x64xf32, #tpu.memory_space<hbm>> -> memref<1x64xf32, #tpu.memory_space<hbm>>
        %dma_wait3A_202 = tpu.memref_squeeze %dma_wait3A_201 : memref<1x64xf32, #tpu.memory_space<hbm>> -> memref<64xf32, #tpu.memory_space<hbm>>
        tpu.wait_dma2 semaphore(%run_scoped3A_196 : memref<!tpu.dma_semaphore, #tpu.memory_space<semaphore_mem>>) src(%dma_wait3A_202 : memref<64xf32, #tpu.memory_space<hbm>>) dst(%dma_wait3A : memref<64xf32, #tpu.memory_space<vmem_shared>>)
        tpu.yield
      }) : () -> ()
    } else {
    }
    %eq3A_74 = arith.constant 156 : i32
    %eq3A_75 = arith.cmpi eq, %add3A_68, %eq3A_74 : i32
    %convert_element_type3A_76 = arith.extui %eq3A_75 : i1 to i32
    %cond3A_77 = arith.constant 0 : i32
    %cond3A_78 = arith.cmpi ne, %convert_element_type3A_76, %cond3A_77 : i32
    scf.if %cond3A_78 {
      %run_scoped3A = arith.constant 0 : i32
      "tpu.region"() ({
        %run_scoped3A_194 = tpu.sem_alloc : memref<!tpu.dma_semaphore, #tpu.memory_space<semaphore_mem>>
        %dma_start3A = arith.constant 9984 : i32
        %dma_start3A_195 = tpu.memref_slice %arg19[%dma_start3A] : memref<10000xf32, #tpu.memory_space<vmem_shared>> -> memref<16xf32, #tpu.memory_space<vmem_shared>>
        %dma_start3A_196 = arith.constant 0 : i32
        %dma_start3A_197 = tpu.memref_slice %arg7[%run_scoped3A, %dma_start3A_196] : memref<128x64xf32, #tpu.memory_space<hbm>> -> memref<1x16xf32, #tpu.memory_space<hbm>>
        %dma_start3A_198 = tpu.memref_squeeze %dma_start3A_197 : memref<1x16xf32, #tpu.memory_space<hbm>> -> memref<16xf32, #tpu.memory_space<hbm>>
        tpu.enqueue_dma source(%dma_start3A_198 : memref<16xf32, #tpu.memory_space<hbm>>) target(%dma_start3A_195 : memref<16xf32, #tpu.memory_space<vmem_shared>>) target_semaphore(%run_scoped3A_194 : memref<!tpu.dma_semaphore, #tpu.memory_space<semaphore_mem>>)
        %dma_wait3A = arith.constant 9984 : i32
        %dma_wait3A_199 = tpu.memref_slice %arg19[%dma_wait3A] : memref<10000xf32, #tpu.memory_space<vmem_shared>> -> memref<16xf32, #tpu.memory_space<vmem_shared>>
        %dma_wait3A_200 = arith.constant 0 : i32
        %dma_wait3A_201 = tpu.memref_slice %arg7[%run_scoped3A, %dma_wait3A_200] : memref<128x64xf32, #tpu.memory_space<hbm>> -> memref<1x16xf32, #tpu.memory_space<hbm>>
        %dma_wait3A_202 = tpu.memref_squeeze %dma_wait3A_201 : memref<1x16xf32, #tpu.memory_space<hbm>> -> memref<16xf32, #tpu.memory_space<hbm>>
        tpu.wait_dma2 semaphore(%run_scoped3A_194 : memref<!tpu.dma_semaphore, #tpu.memory_space<semaphore_mem>>) src(%dma_wait3A_202 : memref<16xf32, #tpu.memory_space<hbm>>) dst(%dma_wait3A_199 : memref<16xf32, #tpu.memory_space<vmem_shared>>)
        tpu.yield
      }) : () -> ()
    } else {
    }
    %add3A_79 = arith.constant 32 : i32
    %add3A_80 = arith.addi %arg1, %add3A_79 : i32
    %lt3A_81 = arith.constant 156 : i32
    %lt3A_82 = arith.cmpi slt, %add3A_80, %lt3A_81 : i32
    %convert_element_type3A_83 = arith.extui %lt3A_82 : i1 to i32
    %cond3A_84 = arith.constant 0 : i32
    %cond3A_85 = arith.cmpi ne, %convert_element_type3A_83, %cond3A_84 : i32
    scf.if %cond3A_85 {
      %mul3A_194 = arith.constant 64 : i32
      %mul3A_195 = arith.muli %add3A_80, %mul3A_194 : i32
      %run_scoped3A = arith.constant 0 : i32
      "tpu.region"() ({
        %run_scoped3A_196 = tpu.sem_alloc : memref<!tpu.dma_semaphore, #tpu.memory_space<semaphore_mem>>
        %dma_start3A = tpu.memref_slice %arg19[%mul3A_195] : memref<10000xf32, #tpu.memory_space<vmem_shared>> -> memref<64xf32, #tpu.memory_space<vmem_shared>>
        %dma_start3A_197 = arith.constant 0 : i32
        %dma_start3A_198 = tpu.memref_slice %arg7[%run_scoped3A, %dma_start3A_197] : memref<128x64xf32, #tpu.memory_space<hbm>> -> memref<1x64xf32, #tpu.memory_space<hbm>>
        %dma_start3A_199 = tpu.memref_squeeze %dma_start3A_198 : memref<1x64xf32, #tpu.memory_space<hbm>> -> memref<64xf32, #tpu.memory_space<hbm>>
        tpu.enqueue_dma source(%dma_start3A_199 : memref<64xf32, #tpu.memory_space<hbm>>) target(%dma_start3A : memref<64xf32, #tpu.memory_space<vmem_shared>>) target_semaphore(%run_scoped3A_196 : memref<!tpu.dma_semaphore, #tpu.memory_space<semaphore_mem>>)
        %dma_wait3A = tpu.memref_slice %arg19[%mul3A_195] : memref<10000xf32, #tpu.memory_space<vmem_shared>> -> memref<64xf32, #tpu.memory_space<vmem_shared>>
        %dma_wait3A_200 = arith.constant 0 : i32
        %dma_wait3A_201 = tpu.memref_slice %arg7[%run_scoped3A, %dma_wait3A_200] : memref<128x64xf32, #tpu.memory_space<hbm>> -> memref<1x64xf32, #tpu.memory_space<hbm>>
        %dma_wait3A_202 = tpu.memref_squeeze %dma_wait3A_201 : memref<1x64xf32, #tpu.memory_space<hbm>> -> memref<64xf32, #tpu.memory_space<hbm>>
        tpu.wait_dma2 semaphore(%run_scoped3A_196 : memref<!tpu.dma_semaphore, #tpu.memory_space<semaphore_mem>>) src(%dma_wait3A_202 : memref<64xf32, #tpu.memory_space<hbm>>) dst(%dma_wait3A : memref<64xf32, #tpu.memory_space<vmem_shared>>)
        tpu.yield
      }) : () -> ()
    } else {
    }
    %eq3A_86 = arith.constant 156 : i32
    %eq3A_87 = arith.cmpi eq, %add3A_80, %eq3A_86 : i32
    %convert_element_type3A_88 = arith.extui %eq3A_87 : i1 to i32
    %cond3A_89 = arith.constant 0 : i32
    %cond3A_90 = arith.cmpi ne, %convert_element_type3A_88, %cond3A_89 : i32
    scf.if %cond3A_90 {
      %run_scoped3A = arith.constant 0 : i32
      "tpu.region"() ({
        %run_scoped3A_194 = tpu.sem_alloc : memref<!tpu.dma_semaphore, #tpu.memory_space<semaphore_mem>>
        %dma_start3A = arith.constant 9984 : i32
        %dma_start3A_195 = tpu.memref_slice %arg19[%dma_start3A] : memref<10000xf32, #tpu.memory_space<vmem_shared>> -> memref<16xf32, #tpu.memory_space<vmem_shared>>
        %dma_start3A_196 = arith.constant 0 : i32
        %dma_start3A_197 = tpu.memref_slice %arg7[%run_scoped3A, %dma_start3A_196] : memref<128x64xf32, #tpu.memory_space<hbm>> -> memref<1x16xf32, #tpu.memory_space<hbm>>
        %dma_start3A_198 = tpu.memref_squeeze %dma_start3A_197 : memref<1x16xf32, #tpu.memory_space<hbm>> -> memref<16xf32, #tpu.memory_space<hbm>>
        tpu.enqueue_dma source(%dma_start3A_198 : memref<16xf32, #tpu.memory_space<hbm>>) target(%dma_start3A_195 : memref<16xf32, #tpu.memory_space<vmem_shared>>) target_semaphore(%run_scoped3A_194 : memref<!tpu.dma_semaphore, #tpu.memory_space<semaphore_mem>>)
        %dma_wait3A = arith.constant 9984 : i32
        %dma_wait3A_199 = tpu.memref_slice %arg19[%dma_wait3A] : memref<10000xf32, #tpu.memory_space<vmem_shared>> -> memref<16xf32, #tpu.memory_space<vmem_shared>>
        %dma_wait3A_200 = arith.constant 0 : i32
        %dma_wait3A_201 = tpu.memref_slice %arg7[%run_scoped3A, %dma_wait3A_200] : memref<128x64xf32, #tpu.memory_space<hbm>> -> memref<1x16xf32, #tpu.memory_space<hbm>>
        %dma_wait3A_202 = tpu.memref_squeeze %dma_wait3A_201 : memref<1x16xf32, #tpu.memory_space<hbm>> -> memref<16xf32, #tpu.memory_space<hbm>>
        tpu.wait_dma2 semaphore(%run_scoped3A_194 : memref<!tpu.dma_semaphore, #tpu.memory_space<semaphore_mem>>) src(%dma_wait3A_202 : memref<16xf32, #tpu.memory_space<hbm>>) dst(%dma_wait3A_199 : memref<16xf32, #tpu.memory_space<vmem_shared>>)
        tpu.yield
      }) : () -> ()
    } else {
    }
    %add3A_91 = arith.constant 48 : i32
    %add3A_92 = arith.addi %arg1, %add3A_91 : i32
    %lt3A_93 = arith.constant 156 : i32
    %lt3A_94 = arith.cmpi slt, %add3A_92, %lt3A_93 : i32
    %convert_element_type3A_95 = arith.extui %lt3A_94 : i1 to i32
    %cond3A_96 = arith.constant 0 : i32
    %cond3A_97 = arith.cmpi ne, %convert_element_type3A_95, %cond3A_96 : i32
    scf.if %cond3A_97 {
      %mul3A_194 = arith.constant 64 : i32
      %mul3A_195 = arith.muli %add3A_92, %mul3A_194 : i32
      %run_scoped3A = arith.constant 0 : i32
      "tpu.region"() ({
        %run_scoped3A_196 = tpu.sem_alloc : memref<!tpu.dma_semaphore, #tpu.memory_space<semaphore_mem>>
        %dma_start3A = tpu.memref_slice %arg19[%mul3A_195] : memref<10000xf32, #tpu.memory_space<vmem_shared>> -> memref<64xf32, #tpu.memory_space<vmem_shared>>
        %dma_start3A_197 = arith.constant 0 : i32
        %dma_start3A_198 = tpu.memref_slice %arg7[%run_scoped3A, %dma_start3A_197] : memref<128x64xf32, #tpu.memory_space<hbm>> -> memref<1x64xf32, #tpu.memory_space<hbm>>
        %dma_start3A_199 = tpu.memref_squeeze %dma_start3A_198 : memref<1x64xf32, #tpu.memory_space<hbm>> -> memref<64xf32, #tpu.memory_space<hbm>>
        tpu.enqueue_dma source(%dma_start3A_199 : memref<64xf32, #tpu.memory_space<hbm>>) target(%dma_start3A : memref<64xf32, #tpu.memory_space<vmem_shared>>) target_semaphore(%run_scoped3A_196 : memref<!tpu.dma_semaphore, #tpu.memory_space<semaphore_mem>>)
        %dma_wait3A = tpu.memref_slice %arg19[%mul3A_195] : memref<10000xf32, #tpu.memory_space<vmem_shared>> -> memref<64xf32, #tpu.memory_space<vmem_shared>>
        %dma_wait3A_200 = arith.constant 0 : i32
        %dma_wait3A_201 = tpu.memref_slice %arg7[%run_scoped3A, %dma_wait3A_200] : memref<128x64xf32, #tpu.memory_space<hbm>> -> memref<1x64xf32, #tpu.memory_space<hbm>>
        %dma_wait3A_202 = tpu.memref_squeeze %dma_wait3A_201 : memref<1x64xf32, #tpu.memory_space<hbm>> -> memref<64xf32, #tpu.memory_space<hbm>>
        tpu.wait_dma2 semaphore(%run_scoped3A_196 : memref<!tpu.dma_semaphore, #tpu.memory_space<semaphore_mem>>) src(%dma_wait3A_202 : memref<64xf32, #tpu.memory_space<hbm>>) dst(%dma_wait3A : memref<64xf32, #tpu.memory_space<vmem_shared>>)
        tpu.yield
      }) : () -> ()
    } else {
    }
    %eq3A_98 = arith.constant 156 : i32
    %eq3A_99 = arith.cmpi eq, %add3A_92, %eq3A_98 : i32
    %convert_element_type3A_100 = arith.extui %eq3A_99 : i1 to i32
    %cond3A_101 = arith.constant 0 : i32
    %cond3A_102 = arith.cmpi ne, %convert_element_type3A_100, %cond3A_101 : i32
    scf.if %cond3A_102 {
      %run_scoped3A = arith.constant 0 : i32
      "tpu.region"() ({
        %run_scoped3A_194 = tpu.sem_alloc : memref<!tpu.dma_semaphore, #tpu.memory_space<semaphore_mem>>
        %dma_start3A = arith.constant 9984 : i32
        %dma_start3A_195 = tpu.memref_slice %arg19[%dma_start3A] : memref<10000xf32, #tpu.memory_space<vmem_shared>> -> memref<16xf32, #tpu.memory_space<vmem_shared>>
        %dma_start3A_196 = arith.constant 0 : i32
        %dma_start3A_197 = tpu.memref_slice %arg7[%run_scoped3A, %dma_start3A_196] : memref<128x64xf32, #tpu.memory_space<hbm>> -> memref<1x16xf32, #tpu.memory_space<hbm>>
        %dma_start3A_198 = tpu.memref_squeeze %dma_start3A_197 : memref<1x16xf32, #tpu.memory_space<hbm>> -> memref<16xf32, #tpu.memory_space<hbm>>
        tpu.enqueue_dma source(%dma_start3A_198 : memref<16xf32, #tpu.memory_space<hbm>>) target(%dma_start3A_195 : memref<16xf32, #tpu.memory_space<vmem_shared>>) target_semaphore(%run_scoped3A_194 : memref<!tpu.dma_semaphore, #tpu.memory_space<semaphore_mem>>)
        %dma_wait3A = arith.constant 9984 : i32
        %dma_wait3A_199 = tpu.memref_slice %arg19[%dma_wait3A] : memref<10000xf32, #tpu.memory_space<vmem_shared>> -> memref<16xf32, #tpu.memory_space<vmem_shared>>
        %dma_wait3A_200 = arith.constant 0 : i32
        %dma_wait3A_201 = tpu.memref_slice %arg7[%run_scoped3A, %dma_wait3A_200] : memref<128x64xf32, #tpu.memory_space<hbm>> -> memref<1x16xf32, #tpu.memory_space<hbm>>
        %dma_wait3A_202 = tpu.memref_squeeze %dma_wait3A_201 : memref<1x16xf32, #tpu.memory_space<hbm>> -> memref<16xf32, #tpu.memory_space<hbm>>
        tpu.wait_dma2 semaphore(%run_scoped3A_194 : memref<!tpu.dma_semaphore, #tpu.memory_space<semaphore_mem>>) src(%dma_wait3A_202 : memref<16xf32, #tpu.memory_space<hbm>>) dst(%dma_wait3A_199 : memref<16xf32, #tpu.memory_space<vmem_shared>>)
        tpu.yield
      }) : () -> ()
    } else {
    }
    %add3A_103 = arith.constant 64 : i32
    %add3A_104 = arith.addi %arg1, %add3A_103 : i32
    %lt3A_105 = arith.constant 156 : i32
    %lt3A_106 = arith.cmpi slt, %add3A_104, %lt3A_105 : i32
    %convert_element_type3A_107 = arith.extui %lt3A_106 : i1 to i32
    %cond3A_108 = arith.constant 0 : i32
    %cond3A_109 = arith.cmpi ne, %convert_element_type3A_107, %cond3A_108 : i32
    scf.if %cond3A_109 {
      %mul3A_194 = arith.constant 64 : i32
      %mul3A_195 = arith.muli %add3A_104, %mul3A_194 : i32
      %run_scoped3A = arith.constant 0 : i32
      "tpu.region"() ({
        %run_scoped3A_196 = tpu.sem_alloc : memref<!tpu.dma_semaphore, #tpu.memory_space<semaphore_mem>>
        %dma_start3A = tpu.memref_slice %arg19[%mul3A_195] : memref<10000xf32, #tpu.memory_space<vmem_shared>> -> memref<64xf32, #tpu.memory_space<vmem_shared>>
        %dma_start3A_197 = arith.constant 0 : i32
        %dma_start3A_198 = tpu.memref_slice %arg7[%run_scoped3A, %dma_start3A_197] : memref<128x64xf32, #tpu.memory_space<hbm>> -> memref<1x64xf32, #tpu.memory_space<hbm>>
        %dma_start3A_199 = tpu.memref_squeeze %dma_start3A_198 : memref<1x64xf32, #tpu.memory_space<hbm>> -> memref<64xf32, #tpu.memory_space<hbm>>
        tpu.enqueue_dma source(%dma_start3A_199 : memref<64xf32, #tpu.memory_space<hbm>>) target(%dma_start3A : memref<64xf32, #tpu.memory_space<vmem_shared>>) target_semaphore(%run_scoped3A_196 : memref<!tpu.dma_semaphore, #tpu.memory_space<semaphore_mem>>)
        %dma_wait3A = tpu.memref_slice %arg19[%mul3A_195] : memref<10000xf32, #tpu.memory_space<vmem_shared>> -> memref<64xf32, #tpu.memory_space<vmem_shared>>
        %dma_wait3A_200 = arith.constant 0 : i32
        %dma_wait3A_201 = tpu.memref_slice %arg7[%run_scoped3A, %dma_wait3A_200] : memref<128x64xf32, #tpu.memory_space<hbm>> -> memref<1x64xf32, #tpu.memory_space<hbm>>
        %dma_wait3A_202 = tpu.memref_squeeze %dma_wait3A_201 : memref<1x64xf32, #tpu.memory_space<hbm>> -> memref<64xf32, #tpu.memory_space<hbm>>
        tpu.wait_dma2 semaphore(%run_scoped3A_196 : memref<!tpu.dma_semaphore, #tpu.memory_space<semaphore_mem>>) src(%dma_wait3A_202 : memref<64xf32, #tpu.memory_space<hbm>>) dst(%dma_wait3A : memref<64xf32, #tpu.memory_space<vmem_shared>>)
        tpu.yield
      }) : () -> ()
    } else {
    }
    %eq3A_110 = arith.constant 156 : i32
    %eq3A_111 = arith.cmpi eq, %add3A_104, %eq3A_110 : i32
    %convert_element_type3A_112 = arith.extui %eq3A_111 : i1 to i32
    %cond3A_113 = arith.constant 0 : i32
    %cond3A_114 = arith.cmpi ne, %convert_element_type3A_112, %cond3A_113 : i32
    scf.if %cond3A_114 {
      %run_scoped3A = arith.constant 0 : i32
      "tpu.region"() ({
        %run_scoped3A_194 = tpu.sem_alloc : memref<!tpu.dma_semaphore, #tpu.memory_space<semaphore_mem>>
        %dma_start3A = arith.constant 9984 : i32
        %dma_start3A_195 = tpu.memref_slice %arg19[%dma_start3A] : memref<10000xf32, #tpu.memory_space<vmem_shared>> -> memref<16xf32, #tpu.memory_space<vmem_shared>>
        %dma_start3A_196 = arith.constant 0 : i32
        %dma_start3A_197 = tpu.memref_slice %arg7[%run_scoped3A, %dma_start3A_196] : memref<128x64xf32, #tpu.memory_space<hbm>> -> memref<1x16xf32, #tpu.memory_space<hbm>>
        %dma_start3A_198 = tpu.memref_squeeze %dma_start3A_197 : memref<1x16xf32, #tpu.memory_space<hbm>> -> memref<16xf32, #tpu.memory_space<hbm>>
        tpu.enqueue_dma source(%dma_start3A_198 : memref<16xf32, #tpu.memory_space<hbm>>) target(%dma_start3A_195 : memref<16xf32, #tpu.memory_space<vmem_shared>>) target_semaphore(%run_scoped3A_194 : memref<!tpu.dma_semaphore, #tpu.memory_space<semaphore_mem>>)
        %dma_wait3A = arith.constant 9984 : i32
        %dma_wait3A_199 = tpu.memref_slice %arg19[%dma_wait3A] : memref<10000xf32, #tpu.memory_space<vmem_shared>> -> memref<16xf32, #tpu.memory_space<vmem_shared>>
        %dma_wait3A_200 = arith.constant 0 : i32
        %dma_wait3A_201 = tpu.memref_slice %arg7[%run_scoped3A, %dma_wait3A_200] : memref<128x64xf32, #tpu.memory_space<hbm>> -> memref<1x16xf32, #tpu.memory_space<hbm>>
        %dma_wait3A_202 = tpu.memref_squeeze %dma_wait3A_201 : memref<1x16xf32, #tpu.memory_space<hbm>> -> memref<16xf32, #tpu.memory_space<hbm>>
        tpu.wait_dma2 semaphore(%run_scoped3A_194 : memref<!tpu.dma_semaphore, #tpu.memory_space<semaphore_mem>>) src(%dma_wait3A_202 : memref<16xf32, #tpu.memory_space<hbm>>) dst(%dma_wait3A_199 : memref<16xf32, #tpu.memory_space<vmem_shared>>)
        tpu.yield
      }) : () -> ()
    } else {
    }
    %add3A_115 = arith.constant 80 : i32
    %add3A_116 = arith.addi %arg1, %add3A_115 : i32
    %lt3A_117 = arith.constant 156 : i32
    %lt3A_118 = arith.cmpi slt, %add3A_116, %lt3A_117 : i32
    %convert_element_type3A_119 = arith.extui %lt3A_118 : i1 to i32
    %cond3A_120 = arith.constant 0 : i32
    %cond3A_121 = arith.cmpi ne, %convert_element_type3A_119, %cond3A_120 : i32
    scf.if %cond3A_121 {
      %mul3A_194 = arith.constant 64 : i32
      %mul3A_195 = arith.muli %add3A_116, %mul3A_194 : i32
      %run_scoped3A = arith.constant 0 : i32
      "tpu.region"() ({
        %run_scoped3A_196 = tpu.sem_alloc : memref<!tpu.dma_semaphore, #tpu.memory_space<semaphore_mem>>
        %dma_start3A = tpu.memref_slice %arg19[%mul3A_195] : memref<10000xf32, #tpu.memory_space<vmem_shared>> -> memref<64xf32, #tpu.memory_space<vmem_shared>>
        %dma_start3A_197 = arith.constant 0 : i32
        %dma_start3A_198 = tpu.memref_slice %arg7[%run_scoped3A, %dma_start3A_197] : memref<128x64xf32, #tpu.memory_space<hbm>> -> memref<1x64xf32, #tpu.memory_space<hbm>>
        %dma_start3A_199 = tpu.memref_squeeze %dma_start3A_198 : memref<1x64xf32, #tpu.memory_space<hbm>> -> memref<64xf32, #tpu.memory_space<hbm>>
        tpu.enqueue_dma source(%dma_start3A_199 : memref<64xf32, #tpu.memory_space<hbm>>) target(%dma_start3A : memref<64xf32, #tpu.memory_space<vmem_shared>>) target_semaphore(%run_scoped3A_196 : memref<!tpu.dma_semaphore, #tpu.memory_space<semaphore_mem>>)
        %dma_wait3A = tpu.memref_slice %arg19[%mul3A_195] : memref<10000xf32, #tpu.memory_space<vmem_shared>> -> memref<64xf32, #tpu.memory_space<vmem_shared>>
        %dma_wait3A_200 = arith.constant 0 : i32
        %dma_wait3A_201 = tpu.memref_slice %arg7[%run_scoped3A, %dma_wait3A_200] : memref<128x64xf32, #tpu.memory_space<hbm>> -> memref<1x64xf32, #tpu.memory_space<hbm>>
        %dma_wait3A_202 = tpu.memref_squeeze %dma_wait3A_201 : memref<1x64xf32, #tpu.memory_space<hbm>> -> memref<64xf32, #tpu.memory_space<hbm>>
        tpu.wait_dma2 semaphore(%run_scoped3A_196 : memref<!tpu.dma_semaphore, #tpu.memory_space<semaphore_mem>>) src(%dma_wait3A_202 : memref<64xf32, #tpu.memory_space<hbm>>) dst(%dma_wait3A : memref<64xf32, #tpu.memory_space<vmem_shared>>)
        tpu.yield
      }) : () -> ()
    } else {
    }
    %eq3A_122 = arith.constant 156 : i32
    %eq3A_123 = arith.cmpi eq, %add3A_116, %eq3A_122 : i32
    %convert_element_type3A_124 = arith.extui %eq3A_123 : i1 to i32
    %cond3A_125 = arith.constant 0 : i32
    %cond3A_126 = arith.cmpi ne, %convert_element_type3A_124, %cond3A_125 : i32
    scf.if %cond3A_126 {
      %run_scoped3A = arith.constant 0 : i32
      "tpu.region"() ({
        %run_scoped3A_194 = tpu.sem_alloc : memref<!tpu.dma_semaphore, #tpu.memory_space<semaphore_mem>>
        %dma_start3A = arith.constant 9984 : i32
        %dma_start3A_195 = tpu.memref_slice %arg19[%dma_start3A] : memref<10000xf32, #tpu.memory_space<vmem_shared>> -> memref<16xf32, #tpu.memory_space<vmem_shared>>
        %dma_start3A_196 = arith.constant 0 : i32
        %dma_start3A_197 = tpu.memref_slice %arg7[%run_scoped3A, %dma_start3A_196] : memref<128x64xf32, #tpu.memory_space<hbm>> -> memref<1x16xf32, #tpu.memory_space<hbm>>
        %dma_start3A_198 = tpu.memref_squeeze %dma_start3A_197 : memref<1x16xf32, #tpu.memory_space<hbm>> -> memref<16xf32, #tpu.memory_space<hbm>>
        tpu.enqueue_dma source(%dma_start3A_198 : memref<16xf32, #tpu.memory_space<hbm>>) target(%dma_start3A_195 : memref<16xf32, #tpu.memory_space<vmem_shared>>) target_semaphore(%run_scoped3A_194 : memref<!tpu.dma_semaphore, #tpu.memory_space<semaphore_mem>>)
        %dma_wait3A = arith.constant 9984 : i32
        %dma_wait3A_199 = tpu.memref_slice %arg19[%dma_wait3A] : memref<10000xf32, #tpu.memory_space<vmem_shared>> -> memref<16xf32, #tpu.memory_space<vmem_shared>>
        %dma_wait3A_200 = arith.constant 0 : i32
        %dma_wait3A_201 = tpu.memref_slice %arg7[%run_scoped3A, %dma_wait3A_200] : memref<128x64xf32, #tpu.memory_space<hbm>> -> memref<1x16xf32, #tpu.memory_space<hbm>>
        %dma_wait3A_202 = tpu.memref_squeeze %dma_wait3A_201 : memref<1x16xf32, #tpu.memory_space<hbm>> -> memref<16xf32, #tpu.memory_space<hbm>>
        tpu.wait_dma2 semaphore(%run_scoped3A_194 : memref<!tpu.dma_semaphore, #tpu.memory_space<semaphore_mem>>) src(%dma_wait3A_202 : memref<16xf32, #tpu.memory_space<hbm>>) dst(%dma_wait3A_199 : memref<16xf32, #tpu.memory_space<vmem_shared>>)
        tpu.yield
      }) : () -> ()
    } else {
    }
    %add3A_127 = arith.constant 96 : i32
    %add3A_128 = arith.addi %arg1, %add3A_127 : i32
    %lt3A_129 = arith.constant 156 : i32
    %lt3A_130 = arith.cmpi slt, %add3A_128, %lt3A_129 : i32
    %convert_element_type3A_131 = arith.extui %lt3A_130 : i1 to i32
    %cond3A_132 = arith.constant 0 : i32
    %cond3A_133 = arith.cmpi ne, %convert_element_type3A_131, %cond3A_132 : i32
    scf.if %cond3A_133 {
      %mul3A_194 = arith.constant 64 : i32
      %mul3A_195 = arith.muli %add3A_128, %mul3A_194 : i32
      %run_scoped3A = arith.constant 0 : i32
      "tpu.region"() ({
        %run_scoped3A_196 = tpu.sem_alloc : memref<!tpu.dma_semaphore, #tpu.memory_space<semaphore_mem>>
        %dma_start3A = tpu.memref_slice %arg19[%mul3A_195] : memref<10000xf32, #tpu.memory_space<vmem_shared>> -> memref<64xf32, #tpu.memory_space<vmem_shared>>
        %dma_start3A_197 = arith.constant 0 : i32
        %dma_start3A_198 = tpu.memref_slice %arg7[%run_scoped3A, %dma_start3A_197] : memref<128x64xf32, #tpu.memory_space<hbm>> -> memref<1x64xf32, #tpu.memory_space<hbm>>
        %dma_start3A_199 = tpu.memref_squeeze %dma_start3A_198 : memref<1x64xf32, #tpu.memory_space<hbm>> -> memref<64xf32, #tpu.memory_space<hbm>>
        tpu.enqueue_dma source(%dma_start3A_199 : memref<64xf32, #tpu.memory_space<hbm>>) target(%dma_start3A : memref<64xf32, #tpu.memory_space<vmem_shared>>) target_semaphore(%run_scoped3A_196 : memref<!tpu.dma_semaphore, #tpu.memory_space<semaphore_mem>>)
        %dma_wait3A = tpu.memref_slice %arg19[%mul3A_195] : memref<10000xf32, #tpu.memory_space<vmem_shared>> -> memref<64xf32, #tpu.memory_space<vmem_shared>>
        %dma_wait3A_200 = arith.constant 0 : i32
        %dma_wait3A_201 = tpu.memref_slice %arg7[%run_scoped3A, %dma_wait3A_200] : memref<128x64xf32, #tpu.memory_space<hbm>> -> memref<1x64xf32, #tpu.memory_space<hbm>>
        %dma_wait3A_202 = tpu.memref_squeeze %dma_wait3A_201 : memref<1x64xf32, #tpu.memory_space<hbm>> -> memref<64xf32, #tpu.memory_space<hbm>>
        tpu.wait_dma2 semaphore(%run_scoped3A_196 : memref<!tpu.dma_semaphore, #tpu.memory_space<semaphore_mem>>) src(%dma_wait3A_202 : memref<64xf32, #tpu.memory_space<hbm>>) dst(%dma_wait3A : memref<64xf32, #tpu.memory_space<vmem_shared>>)
        tpu.yield
      }) : () -> ()
    } else {
    }
    %eq3A_134 = arith.constant 156 : i32
    %eq3A_135 = arith.cmpi eq, %add3A_128, %eq3A_134 : i32
    %convert_element_type3A_136 = arith.extui %eq3A_135 : i1 to i32
    %cond3A_137 = arith.constant 0 : i32
    %cond3A_138 = arith.cmpi ne, %convert_element_type3A_136, %cond3A_137 : i32
    scf.if %cond3A_138 {
      %run_scoped3A = arith.constant 0 : i32
      "tpu.region"() ({
        %run_scoped3A_194 = tpu.sem_alloc : memref<!tpu.dma_semaphore, #tpu.memory_space<semaphore_mem>>
        %dma_start3A = arith.constant 9984 : i32
        %dma_start3A_195 = tpu.memref_slice %arg19[%dma_start3A] : memref<10000xf32, #tpu.memory_space<vmem_shared>> -> memref<16xf32, #tpu.memory_space<vmem_shared>>
        %dma_start3A_196 = arith.constant 0 : i32
        %dma_start3A_197 = tpu.memref_slice %arg7[%run_scoped3A, %dma_start3A_196] : memref<128x64xf32, #tpu.memory_space<hbm>> -> memref<1x16xf32, #tpu.memory_space<hbm>>
        %dma_start3A_198 = tpu.memref_squeeze %dma_start3A_197 : memref<1x16xf32, #tpu.memory_space<hbm>> -> memref<16xf32, #tpu.memory_space<hbm>>
        tpu.enqueue_dma source(%dma_start3A_198 : memref<16xf32, #tpu.memory_space<hbm>>) target(%dma_start3A_195 : memref<16xf32, #tpu.memory_space<vmem_shared>>) target_semaphore(%run_scoped3A_194 : memref<!tpu.dma_semaphore, #tpu.memory_space<semaphore_mem>>)
        %dma_wait3A = arith.constant 9984 : i32
        %dma_wait3A_199 = tpu.memref_slice %arg19[%dma_wait3A] : memref<10000xf32, #tpu.memory_space<vmem_shared>> -> memref<16xf32, #tpu.memory_space<vmem_shared>>
        %dma_wait3A_200 = arith.constant 0 : i32
        %dma_wait3A_201 = tpu.memref_slice %arg7[%run_scoped3A, %dma_wait3A_200] : memref<128x64xf32, #tpu.memory_space<hbm>> -> memref<1x16xf32, #tpu.memory_space<hbm>>
        %dma_wait3A_202 = tpu.memref_squeeze %dma_wait3A_201 : memref<1x16xf32, #tpu.memory_space<hbm>> -> memref<16xf32, #tpu.memory_space<hbm>>
        tpu.wait_dma2 semaphore(%run_scoped3A_194 : memref<!tpu.dma_semaphore, #tpu.memory_space<semaphore_mem>>) src(%dma_wait3A_202 : memref<16xf32, #tpu.memory_space<hbm>>) dst(%dma_wait3A_199 : memref<16xf32, #tpu.memory_space<vmem_shared>>)
        tpu.yield
      }) : () -> ()
    } else {
    }
    %add3A_139 = arith.constant 112 : i32
    %add3A_140 = arith.addi %arg1, %add3A_139 : i32
    %lt3A_141 = arith.constant 156 : i32
    %lt3A_142 = arith.cmpi slt, %add3A_140, %lt3A_141 : i32
    %convert_element_type3A_143 = arith.extui %lt3A_142 : i1 to i32
    %cond3A_144 = arith.constant 0 : i32
    %cond3A_145 = arith.cmpi ne, %convert_element_type3A_143, %cond3A_144 : i32
    scf.if %cond3A_145 {
      %mul3A_194 = arith.constant 64 : i32
      %mul3A_195 = arith.muli %add3A_140, %mul3A_194 : i32
      %run_scoped3A = arith.constant 0 : i32
      "tpu.region"() ({
        %run_scoped3A_196 = tpu.sem_alloc : memref<!tpu.dma_semaphore, #tpu.memory_space<semaphore_mem>>
        %dma_start3A = tpu.memref_slice %arg19[%mul3A_195] : memref<10000xf32, #tpu.memory_space<vmem_shared>> -> memref<64xf32, #tpu.memory_space<vmem_shared>>
        %dma_start3A_197 = arith.constant 0 : i32
        %dma_start3A_198 = tpu.memref_slice %arg7[%run_scoped3A, %dma_start3A_197] : memref<128x64xf32, #tpu.memory_space<hbm>> -> memref<1x64xf32, #tpu.memory_space<hbm>>
        %dma_start3A_199 = tpu.memref_squeeze %dma_start3A_198 : memref<1x64xf32, #tpu.memory_space<hbm>> -> memref<64xf32, #tpu.memory_space<hbm>>
        tpu.enqueue_dma source(%dma_start3A_199 : memref<64xf32, #tpu.memory_space<hbm>>) target(%dma_start3A : memref<64xf32, #tpu.memory_space<vmem_shared>>) target_semaphore(%run_scoped3A_196 : memref<!tpu.dma_semaphore, #tpu.memory_space<semaphore_mem>>)
        %dma_wait3A = tpu.memref_slice %arg19[%mul3A_195] : memref<10000xf32, #tpu.memory_space<vmem_shared>> -> memref<64xf32, #tpu.memory_space<vmem_shared>>
        %dma_wait3A_200 = arith.constant 0 : i32
        %dma_wait3A_201 = tpu.memref_slice %arg7[%run_scoped3A, %dma_wait3A_200] : memref<128x64xf32, #tpu.memory_space<hbm>> -> memref<1x64xf32, #tpu.memory_space<hbm>>
        %dma_wait3A_202 = tpu.memref_squeeze %dma_wait3A_201 : memref<1x64xf32, #tpu.memory_space<hbm>> -> memref<64xf32, #tpu.memory_space<hbm>>
        tpu.wait_dma2 semaphore(%run_scoped3A_196 : memref<!tpu.dma_semaphore, #tpu.memory_space<semaphore_mem>>) src(%dma_wait3A_202 : memref<64xf32, #tpu.memory_space<hbm>>) dst(%dma_wait3A : memref<64xf32, #tpu.memory_space<vmem_shared>>)
        tpu.yield
      }) : () -> ()
    } else {
    }
    %eq3A_146 = arith.constant 156 : i32
    %eq3A_147 = arith.cmpi eq, %add3A_140, %eq3A_146 : i32
    %convert_element_type3A_148 = arith.extui %eq3A_147 : i1 to i32
    %cond3A_149 = arith.constant 0 : i32
    %cond3A_150 = arith.cmpi ne, %convert_element_type3A_148, %cond3A_149 : i32
    scf.if %cond3A_150 {
      %run_scoped3A = arith.constant 0 : i32
      "tpu.region"() ({
        %run_scoped3A_194 = tpu.sem_alloc : memref<!tpu.dma_semaphore, #tpu.memory_space<semaphore_mem>>
        %dma_start3A = arith.constant 9984 : i32
        %dma_start3A_195 = tpu.memref_slice %arg19[%dma_start3A] : memref<10000xf32, #tpu.memory_space<vmem_shared>> -> memref<16xf32, #tpu.memory_space<vmem_shared>>
        %dma_start3A_196 = arith.constant 0 : i32
        %dma_start3A_197 = tpu.memref_slice %arg7[%run_scoped3A, %dma_start3A_196] : memref<128x64xf32, #tpu.memory_space<hbm>> -> memref<1x16xf32, #tpu.memory_space<hbm>>
        %dma_start3A_198 = tpu.memref_squeeze %dma_start3A_197 : memref<1x16xf32, #tpu.memory_space<hbm>> -> memref<16xf32, #tpu.memory_space<hbm>>
        tpu.enqueue_dma source(%dma_start3A_198 : memref<16xf32, #tpu.memory_space<hbm>>) target(%dma_start3A_195 : memref<16xf32, #tpu.memory_space<vmem_shared>>) target_semaphore(%run_scoped3A_194 : memref<!tpu.dma_semaphore, #tpu.memory_space<semaphore_mem>>)
        %dma_wait3A = arith.constant 9984 : i32
        %dma_wait3A_199 = tpu.memref_slice %arg19[%dma_wait3A] : memref<10000xf32, #tpu.memory_space<vmem_shared>> -> memref<16xf32, #tpu.memory_space<vmem_shared>>
        %dma_wait3A_200 = arith.constant 0 : i32
        %dma_wait3A_201 = tpu.memref_slice %arg7[%run_scoped3A, %dma_wait3A_200] : memref<128x64xf32, #tpu.memory_space<hbm>> -> memref<1x16xf32, #tpu.memory_space<hbm>>
        %dma_wait3A_202 = tpu.memref_squeeze %dma_wait3A_201 : memref<1x16xf32, #tpu.memory_space<hbm>> -> memref<16xf32, #tpu.memory_space<hbm>>
        tpu.wait_dma2 semaphore(%run_scoped3A_194 : memref<!tpu.dma_semaphore, #tpu.memory_space<semaphore_mem>>) src(%dma_wait3A_202 : memref<16xf32, #tpu.memory_space<hbm>>) dst(%dma_wait3A_199 : memref<16xf32, #tpu.memory_space<vmem_shared>>)
        tpu.yield
      }) : () -> ()
    } else {
    }
    %add3A_151 = arith.constant 128 : i32
    %add3A_152 = arith.addi %arg1, %add3A_151 : i32
    %lt3A_153 = arith.constant 156 : i32
    %lt3A_154 = arith.cmpi slt, %add3A_152, %lt3A_153 : i32
    %convert_element_type3A_155 = arith.extui %lt3A_154 : i1 to i32
    %cond3A_156 = arith.constant 0 : i32
    %cond3A_157 = arith.cmpi ne, %convert_element_type3A_155, %cond3A_156 : i32
    scf.if %cond3A_157 {
      %mul3A_194 = arith.constant 64 : i32
      %mul3A_195 = arith.muli %add3A_152, %mul3A_194 : i32
      %run_scoped3A = arith.constant 0 : i32
      "tpu.region"() ({
        %run_scoped3A_196 = tpu.sem_alloc : memref<!tpu.dma_semaphore, #tpu.memory_space<semaphore_mem>>
        %dma_start3A = tpu.memref_slice %arg19[%mul3A_195] : memref<10000xf32, #tpu.memory_space<vmem_shared>> -> memref<64xf32, #tpu.memory_space<vmem_shared>>
        %dma_start3A_197 = arith.constant 0 : i32
        %dma_start3A_198 = tpu.memref_slice %arg7[%run_scoped3A, %dma_start3A_197] : memref<128x64xf32, #tpu.memory_space<hbm>> -> memref<1x64xf32, #tpu.memory_space<hbm>>
        %dma_start3A_199 = tpu.memref_squeeze %dma_start3A_198 : memref<1x64xf32, #tpu.memory_space<hbm>> -> memref<64xf32, #tpu.memory_space<hbm>>
        tpu.enqueue_dma source(%dma_start3A_199 : memref<64xf32, #tpu.memory_space<hbm>>) target(%dma_start3A : memref<64xf32, #tpu.memory_space<vmem_shared>>) target_semaphore(%run_scoped3A_196 : memref<!tpu.dma_semaphore, #tpu.memory_space<semaphore_mem>>)
        %dma_wait3A = tpu.memref_slice %arg19[%mul3A_195] : memref<10000xf32, #tpu.memory_space<vmem_shared>> -> memref<64xf32, #tpu.memory_space<vmem_shared>>
        %dma_wait3A_200 = arith.constant 0 : i32
        %dma_wait3A_201 = tpu.memref_slice %arg7[%run_scoped3A, %dma_wait3A_200] : memref<128x64xf32, #tpu.memory_space<hbm>> -> memref<1x64xf32, #tpu.memory_space<hbm>>
        %dma_wait3A_202 = tpu.memref_squeeze %dma_wait3A_201 : memref<1x64xf32, #tpu.memory_space<hbm>> -> memref<64xf32, #tpu.memory_space<hbm>>
        tpu.wait_dma2 semaphore(%run_scoped3A_196 : memref<!tpu.dma_semaphore, #tpu.memory_space<semaphore_mem>>) src(%dma_wait3A_202 : memref<64xf32, #tpu.memory_space<hbm>>) dst(%dma_wait3A : memref<64xf32, #tpu.memory_space<vmem_shared>>)
        tpu.yield
      }) : () -> ()
    } else {
    }
    %eq3A_158 = arith.constant 156 : i32
    %eq3A_159 = arith.cmpi eq, %add3A_152, %eq3A_158 : i32
    %convert_element_type3A_160 = arith.extui %eq3A_159 : i1 to i32
    %cond3A_161 = arith.constant 0 : i32
    %cond3A_162 = arith.cmpi ne, %convert_element_type3A_160, %cond3A_161 : i32
    scf.if %cond3A_162 {
      %run_scoped3A = arith.constant 0 : i32
      "tpu.region"() ({
        %run_scoped3A_194 = tpu.sem_alloc : memref<!tpu.dma_semaphore, #tpu.memory_space<semaphore_mem>>
        %dma_start3A = arith.constant 9984 : i32
        %dma_start3A_195 = tpu.memref_slice %arg19[%dma_start3A] : memref<10000xf32, #tpu.memory_space<vmem_shared>> -> memref<16xf32, #tpu.memory_space<vmem_shared>>
        %dma_start3A_196 = arith.constant 0 : i32
        %dma_start3A_197 = tpu.memref_slice %arg7[%run_scoped3A, %dma_start3A_196] : memref<128x64xf32, #tpu.memory_space<hbm>> -> memref<1x16xf32, #tpu.memory_space<hbm>>
        %dma_start3A_198 = tpu.memref_squeeze %dma_start3A_197 : memref<1x16xf32, #tpu.memory_space<hbm>> -> memref<16xf32, #tpu.memory_space<hbm>>
        tpu.enqueue_dma source(%dma_start3A_198 : memref<16xf32, #tpu.memory_space<hbm>>) target(%dma_start3A_195 : memref<16xf32, #tpu.memory_space<vmem_shared>>) target_semaphore(%run_scoped3A_194 : memref<!tpu.dma_semaphore, #tpu.memory_space<semaphore_mem>>)
        %dma_wait3A = arith.constant 9984 : i32
        %dma_wait3A_199 = tpu.memref_slice %arg19[%dma_wait3A] : memref<10000xf32, #tpu.memory_space<vmem_shared>> -> memref<16xf32, #tpu.memory_space<vmem_shared>>
        %dma_wait3A_200 = arith.constant 0 : i32
        %dma_wait3A_201 = tpu.memref_slice %arg7[%run_scoped3A, %dma_wait3A_200] : memref<128x64xf32, #tpu.memory_space<hbm>> -> memref<1x16xf32, #tpu.memory_space<hbm>>
        %dma_wait3A_202 = tpu.memref_squeeze %dma_wait3A_201 : memref<1x16xf32, #tpu.memory_space<hbm>> -> memref<16xf32, #tpu.memory_space<hbm>>
        tpu.wait_dma2 semaphore(%run_scoped3A_194 : memref<!tpu.dma_semaphore, #tpu.memory_space<semaphore_mem>>) src(%dma_wait3A_202 : memref<16xf32, #tpu.memory_space<hbm>>) dst(%dma_wait3A_199 : memref<16xf32, #tpu.memory_space<vmem_shared>>)
        tpu.yield
      }) : () -> ()
    } else {
    }
    %add3A_163 = arith.constant 144 : i32
    %add3A_164 = arith.addi %arg1, %add3A_163 : i32
    %lt3A_165 = arith.constant 156 : i32
    %lt3A_166 = arith.cmpi slt, %add3A_164, %lt3A_165 : i32
    %convert_element_type3A_167 = arith.extui %lt3A_166 : i1 to i32
    %cond3A_168 = arith.constant 0 : i32
    %cond3A_169 = arith.cmpi ne, %convert_element_type3A_167, %cond3A_168 : i32
    scf.if %cond3A_169 {
      %mul3A_194 = arith.constant 64 : i32
      %mul3A_195 = arith.muli %add3A_164, %mul3A_194 : i32
      %run_scoped3A = arith.constant 0 : i32
      "tpu.region"() ({
        %run_scoped3A_196 = tpu.sem_alloc : memref<!tpu.dma_semaphore, #tpu.memory_space<semaphore_mem>>
        %dma_start3A = tpu.memref_slice %arg19[%mul3A_195] : memref<10000xf32, #tpu.memory_space<vmem_shared>> -> memref<64xf32, #tpu.memory_space<vmem_shared>>
        %dma_start3A_197 = arith.constant 0 : i32
        %dma_start3A_198 = tpu.memref_slice %arg7[%run_scoped3A, %dma_start3A_197] : memref<128x64xf32, #tpu.memory_space<hbm>> -> memref<1x64xf32, #tpu.memory_space<hbm>>
        %dma_start3A_199 = tpu.memref_squeeze %dma_start3A_198 : memref<1x64xf32, #tpu.memory_space<hbm>> -> memref<64xf32, #tpu.memory_space<hbm>>
        tpu.enqueue_dma source(%dma_start3A_199 : memref<64xf32, #tpu.memory_space<hbm>>) target(%dma_start3A : memref<64xf32, #tpu.memory_space<vmem_shared>>) target_semaphore(%run_scoped3A_196 : memref<!tpu.dma_semaphore, #tpu.memory_space<semaphore_mem>>)
        %dma_wait3A = tpu.memref_slice %arg19[%mul3A_195] : memref<10000xf32, #tpu.memory_space<vmem_shared>> -> memref<64xf32, #tpu.memory_space<vmem_shared>>
        %dma_wait3A_200 = arith.constant 0 : i32
        %dma_wait3A_201 = tpu.memref_slice %arg7[%run_scoped3A, %dma_wait3A_200] : memref<128x64xf32, #tpu.memory_space<hbm>> -> memref<1x64xf32, #tpu.memory_space<hbm>>
        %dma_wait3A_202 = tpu.memref_squeeze %dma_wait3A_201 : memref<1x64xf32, #tpu.memory_space<hbm>> -> memref<64xf32, #tpu.memory_space<hbm>>
        tpu.wait_dma2 semaphore(%run_scoped3A_196 : memref<!tpu.dma_semaphore, #tpu.memory_space<semaphore_mem>>) src(%dma_wait3A_202 : memref<64xf32, #tpu.memory_space<hbm>>) dst(%dma_wait3A : memref<64xf32, #tpu.memory_space<vmem_shared>>)
        tpu.yield
      }) : () -> ()
    } else {
    }
    %eq3A_170 = arith.constant 156 : i32
    %eq3A_171 = arith.cmpi eq, %add3A_164, %eq3A_170 : i32
    %convert_element_type3A_172 = arith.extui %eq3A_171 : i1 to i32
    %cond3A_173 = arith.constant 0 : i32
    %cond3A_174 = arith.cmpi ne, %convert_element_type3A_172, %cond3A_173 : i32
    scf.if %cond3A_174 {
      %run_scoped3A = arith.constant 0 : i32
      "tpu.region"() ({
        %run_scoped3A_194 = tpu.sem_alloc : memref<!tpu.dma_semaphore, #tpu.memory_space<semaphore_mem>>
        %dma_start3A = arith.constant 9984 : i32
        %dma_start3A_195 = tpu.memref_slice %arg19[%dma_start3A] : memref<10000xf32, #tpu.memory_space<vmem_shared>> -> memref<16xf32, #tpu.memory_space<vmem_shared>>
        %dma_start3A_196 = arith.constant 0 : i32
        %dma_start3A_197 = tpu.memref_slice %arg7[%run_scoped3A, %dma_start3A_196] : memref<128x64xf32, #tpu.memory_space<hbm>> -> memref<1x16xf32, #tpu.memory_space<hbm>>
        %dma_start3A_198 = tpu.memref_squeeze %dma_start3A_197 : memref<1x16xf32, #tpu.memory_space<hbm>> -> memref<16xf32, #tpu.memory_space<hbm>>
        tpu.enqueue_dma source(%dma_start3A_198 : memref<16xf32, #tpu.memory_space<hbm>>) target(%dma_start3A_195 : memref<16xf32, #tpu.memory_space<vmem_shared>>) target_semaphore(%run_scoped3A_194 : memref<!tpu.dma_semaphore, #tpu.memory_space<semaphore_mem>>)
        %dma_wait3A = arith.constant 9984 : i32
        %dma_wait3A_199 = tpu.memref_slice %arg19[%dma_wait3A] : memref<10000xf32, #tpu.memory_space<vmem_shared>> -> memref<16xf32, #tpu.memory_space<vmem_shared>>
        %dma_wait3A_200 = arith.constant 0 : i32
        %dma_wait3A_201 = tpu.memref_slice %arg7[%run_scoped3A, %dma_wait3A_200] : memref<128x64xf32, #tpu.memory_space<hbm>> -> memref<1x16xf32, #tpu.memory_space<hbm>>
        %dma_wait3A_202 = tpu.memref_squeeze %dma_wait3A_201 : memref<1x16xf32, #tpu.memory_space<hbm>> -> memref<16xf32, #tpu.memory_space<hbm>>
        tpu.wait_dma2 semaphore(%run_scoped3A_194 : memref<!tpu.dma_semaphore, #tpu.memory_space<semaphore_mem>>) src(%dma_wait3A_202 : memref<16xf32, #tpu.memory_space<hbm>>) dst(%dma_wait3A_199 : memref<16xf32, #tpu.memory_space<vmem_shared>>)
        tpu.yield
      }) : () -> ()
    } else {
    }
    %barrier3A = arith.constant 0 : index
    tpu.barrier barrier_id(%barrier3A)
    "tpu.region"() ({
      %run_scoped3A = tpu.sem_alloc : memref<!tpu.dma_semaphore, #tpu.memory_space<semaphore_mem>>
      %dma_start3A = arith.constant 0 : i32
      %dma_start3A_194 = arith.constant 0 : i32
      %dma_start3A_195 = tpu.memref_slice %arg5[%arg1, %dma_start3A, %dma_start3A_194] : memref<16x158x128xi32, #tpu.memory_space<hbm>> -> memref<1x158x128xi32, #tpu.memory_space<hbm>>
      %dma_start3A_196 = tpu.memref_squeeze %dma_start3A_195 : memref<1x158x128xi32, #tpu.memory_space<hbm>> -> memref<158x128xi32, #tpu.memory_space<hbm>>
      %dma_start3A_197 = arith.constant 0 : i32
      %dma_start3A_198 = arith.constant 0 : i32
      %dma_start3A_199 = tpu.memref_slice %arg5[%arg1, %dma_start3A_197, %dma_start3A_198] : memref<16x158x128xi32, #tpu.memory_space<hbm>> -> memref<1x158x128xi32, #tpu.memory_space<hbm>>
      %dma_start3A_200 = tpu.memref_squeeze %dma_start3A_199 : memref<1x158x128xi32, #tpu.memory_space<hbm>> -> memref<158x128xi32, #tpu.memory_space<hbm>>
      tpu.enqueue_dma source(%dma_start3A_200 : memref<158x128xi32, #tpu.memory_space<hbm>>) target(%arg10 : memref<158x128xi32, #tpu.memory_space<vmem>>) target_semaphore(%run_scoped3A : memref<!tpu.dma_semaphore, #tpu.memory_space<semaphore_mem>>)
      %dma_wait3A = arith.constant 0 : i32
      %dma_wait3A_201 = arith.constant 0 : i32
      %dma_wait3A_202 = tpu.memref_slice %arg5[%arg1, %dma_wait3A, %dma_wait3A_201] : memref<16x158x128xi32, #tpu.memory_space<hbm>> -> memref<1x158x128xi32, #tpu.memory_space<hbm>>
      %dma_wait3A_203 = tpu.memref_squeeze %dma_wait3A_202 : memref<1x158x128xi32, #tpu.memory_space<hbm>> -> memref<158x128xi32, #tpu.memory_space<hbm>>
      %dma_wait3A_204 = arith.constant 0 : i32
      %dma_wait3A_205 = arith.constant 0 : i32
      %dma_wait3A_206 = tpu.memref_slice %arg5[%arg1, %dma_wait3A_204, %dma_wait3A_205] : memref<16x158x128xi32, #tpu.memory_space<hbm>> -> memref<1x158x128xi32, #tpu.memory_space<hbm>>
      %dma_wait3A_207 = tpu.memref_squeeze %dma_wait3A_206 : memref<1x158x128xi32, #tpu.memory_space<hbm>> -> memref<158x128xi32, #tpu.memory_space<hbm>>
      tpu.wait_dma2 semaphore(%run_scoped3A : memref<!tpu.dma_semaphore, #tpu.memory_space<semaphore_mem>>) src(%dma_wait3A_207 : memref<158x128xi32, #tpu.memory_space<hbm>>) dst(%arg10 : memref<158x128xi32, #tpu.memory_space<vmem>>)
      tpu.yield
    }) : () -> ()
    "tpu.region"() ({
      %run_scoped3A = tpu.sem_alloc : memref<!tpu.dma_semaphore, #tpu.memory_space<semaphore_mem>>
      %dma_start3A = arith.constant 0 : i32
      %dma_start3A_194 = arith.constant 0 : i32
      %dma_start3A_195 = tpu.memref_slice %arg6[%arg1, %dma_start3A, %dma_start3A_194] : memref<16x158x128xi32, #tpu.memory_space<hbm>> -> memref<1x158x128xi32, #tpu.memory_space<hbm>>
      %dma_start3A_196 = tpu.memref_squeeze %dma_start3A_195 : memref<1x158x128xi32, #tpu.memory_space<hbm>> -> memref<158x128xi32, #tpu.memory_space<hbm>>
      %dma_start3A_197 = arith.constant 0 : i32
      %dma_start3A_198 = arith.constant 0 : i32
      %dma_start3A_199 = tpu.memref_slice %arg6[%arg1, %dma_start3A_197, %dma_start3A_198] : memref<16x158x128xi32, #tpu.memory_space<hbm>> -> memref<1x158x128xi32, #tpu.memory_space<hbm>>
      %dma_start3A_200 = tpu.memref_squeeze %dma_start3A_199 : memref<1x158x128xi32, #tpu.memory_space<hbm>> -> memref<158x128xi32, #tpu.memory_space<hbm>>
      tpu.enqueue_dma source(%dma_start3A_200 : memref<158x128xi32, #tpu.memory_space<hbm>>) target(%arg11 : memref<158x128xi32, #tpu.memory_space<vmem>>) target_semaphore(%run_scoped3A : memref<!tpu.dma_semaphore, #tpu.memory_space<semaphore_mem>>)
      %dma_wait3A = arith.constant 0 : i32
      %dma_wait3A_201 = arith.constant 0 : i32
      %dma_wait3A_202 = tpu.memref_slice %arg6[%arg1, %dma_wait3A, %dma_wait3A_201] : memref<16x158x128xi32, #tpu.memory_space<hbm>> -> memref<1x158x128xi32, #tpu.memory_space<hbm>>
      %dma_wait3A_203 = tpu.memref_squeeze %dma_wait3A_202 : memref<1x158x128xi32, #tpu.memory_space<hbm>> -> memref<158x128xi32, #tpu.memory_space<hbm>>
      %dma_wait3A_204 = arith.constant 0 : i32
      %dma_wait3A_205 = arith.constant 0 : i32
      %dma_wait3A_206 = tpu.memref_slice %arg6[%arg1, %dma_wait3A_204, %dma_wait3A_205] : memref<16x158x128xi32, #tpu.memory_space<hbm>> -> memref<1x158x128xi32, #tpu.memory_space<hbm>>
      %dma_wait3A_207 = tpu.memref_squeeze %dma_wait3A_206 : memref<1x158x128xi32, #tpu.memory_space<hbm>> -> memref<158x128xi32, #tpu.memory_space<hbm>>
      tpu.wait_dma2 semaphore(%run_scoped3A : memref<!tpu.dma_semaphore, #tpu.memory_space<semaphore_mem>>) src(%dma_wait3A_207 : memref<158x128xi32, #tpu.memory_space<hbm>>) dst(%arg11 : memref<158x128xi32, #tpu.memory_space<vmem>>)
      tpu.yield
    }) : () -> ()
    "tpu.region"() ({
      %run_scoped3A = tpu.sem_alloc : memref<!tpu.dma_semaphore, #tpu.memory_space<semaphore_mem>>
      tpu.enqueue_dma source(%arg3 : memref<10000xf32, #tpu.memory_space<hbm>>) target(%arg12 : memref<10000xf32, #tpu.memory_space<vmem>>) target_semaphore(%run_scoped3A : memref<!tpu.dma_semaphore, #tpu.memory_space<semaphore_mem>>)
      tpu.wait_dma2 semaphore(%run_scoped3A : memref<!tpu.dma_semaphore, #tpu.memory_space<semaphore_mem>>) src(%arg3 : memref<10000xf32, #tpu.memory_space<hbm>>) dst(%arg12 : memref<10000xf32, #tpu.memory_space<vmem>>)
      tpu.yield
    }) : () -> ()
    "tpu.region"() ({
      %run_scoped3A = tpu.sem_alloc : memref<!tpu.dma_semaphore, #tpu.memory_space<semaphore_mem>>
      tpu.enqueue_dma source(%arg4 : memref<10000xf32, #tpu.memory_space<hbm>>) target(%arg13 : memref<10000xf32, #tpu.memory_space<vmem>>) target_semaphore(%run_scoped3A : memref<!tpu.dma_semaphore, #tpu.memory_space<semaphore_mem>>)
      tpu.wait_dma2 semaphore(%run_scoped3A : memref<!tpu.dma_semaphore, #tpu.memory_space<semaphore_mem>>) src(%arg4 : memref<10000xf32, #tpu.memory_space<hbm>>) dst(%arg13 : memref<10000xf32, #tpu.memory_space<vmem>>)
      tpu.yield
    }) : () -> ()
    %iota3A = tpu.iota {dimensions = array<i32: 0>} : vector<16xi32>
    %scan3A = arith.constant 0 : i32
    %scan3A_175 = arith.constant 0 : i32
    %scan3A_176 = arith.constant 79 : i32
    %scan3A_177 = arith.addi %scan3A_175, %scan3A_176 : i32
    %scan3A_178 = arith.constant 1 : i32
    scf.for %scan3A_194 = %scan3A_175 to %scan3A_177 step %scan3A_178  : i32 {
      %mul3A_195 = arith.constant 2 : i32
      %mul3A_196 = arith.muli %mul3A_195, %scan3A_194 : i32
      %add3A_197 = arith.constant 1 : i32
      %add3A_198 = arith.addi %mul3A_196, %add3A_197 : i32
      %dma_start3A = arith.constant 0 : i32
      %dma_start3A_199 = tpu.memref_slice %arg10[%mul3A_196, %dma_start3A] : memref<158x128xi32, #tpu.memory_space<vmem>> -> memref<1x128xi32, #tpu.memory_space<vmem>>
      %dma_start3A_200 = tpu.memref_squeeze %dma_start3A_199 : memref<1x128xi32, #tpu.memory_space<vmem>> -> memref<128xi32, #tpu.memory_space<vmem>>
      %dma_start3A_201 = arith.constant 0 : i32
      %dma_start3A_202 = arith.constant 0 : i32
      %dma_start3A_203 = tpu.memref_slice %arg2[%arg0, %dma_start3A_201, %dma_start3A_202] : memref<2x10000x64xf32, #tpu.memory_space<hbm>> -> memref<1x10000x64xf32, #tpu.memory_space<hbm>>
      %dma_start3A_204 = tpu.memref_squeeze %dma_start3A_203 : memref<1x10000x64xf32, #tpu.memory_space<hbm>> -> memref<10000x64xf32, #tpu.memory_space<hbm>>
      %dma_start3A_205 = arith.constant 0 : i32
      %dma_start3A_206 = arith.constant 0 : i32
      %dma_start3A_207 = tpu.memref_slice %dma_start3A_204[%dma_start3A_205, %dma_start3A_206] : memref<10000x64xf32, #tpu.memory_space<hbm>> -> memref<10000x64xf32, #tpu.memory_space<hbm>>
      tpu.enqueue_indirect_dma source(%dma_start3A_207 : memref<10000x64xf32, #tpu.memory_space<hbm>>) target(%arg16 : memref<128x64xf32, #tpu.memory_space<vmem>>) offsets(%dma_start3A_200 : memref<128xi32, #tpu.memory_space<vmem>>) semaphore(%arg20 : memref<!tpu.dma_semaphore, #tpu.memory_space<semaphore_mem>>)
      %dma_start3A_208 = arith.constant 0 : i32
      %dma_start3A_209 = tpu.memref_slice %arg10[%add3A_198, %dma_start3A_208] : memref<158x128xi32, #tpu.memory_space<vmem>> -> memref<1x128xi32, #tpu.memory_space<vmem>>
      %dma_start3A_210 = tpu.memref_squeeze %dma_start3A_209 : memref<1x128xi32, #tpu.memory_space<vmem>> -> memref<128xi32, #tpu.memory_space<vmem>>
      %dma_start3A_211 = arith.constant 0 : i32
      %dma_start3A_212 = arith.constant 0 : i32
      %dma_start3A_213 = tpu.memref_slice %arg2[%arg0, %dma_start3A_211, %dma_start3A_212] : memref<2x10000x64xf32, #tpu.memory_space<hbm>> -> memref<1x10000x64xf32, #tpu.memory_space<hbm>>
      %dma_start3A_214 = tpu.memref_squeeze %dma_start3A_213 : memref<1x10000x64xf32, #tpu.memory_space<hbm>> -> memref<10000x64xf32, #tpu.memory_space<hbm>>
      %dma_start3A_215 = arith.constant 0 : i32
      %dma_start3A_216 = arith.constant 0 : i32
      %dma_start3A_217 = tpu.memref_slice %dma_start3A_214[%dma_start3A_215, %dma_start3A_216] : memref<10000x64xf32, #tpu.memory_space<hbm>> -> memref<10000x64xf32, #tpu.memory_space<hbm>>
      tpu.enqueue_indirect_dma source(%dma_start3A_217 : memref<10000x64xf32, #tpu.memory_space<hbm>>) target(%arg17 : memref<128x64xf32, #tpu.memory_space<vmem>>) offsets(%dma_start3A_210 : memref<128xi32, #tpu.memory_space<vmem>>) semaphore(%arg21 : memref<!tpu.dma_semaphore, #tpu.memory_space<semaphore_mem>>)
      %get3A = arith.index_cast %mul3A_196 : i32 to index
      %get3A_218 = arith.constant 0 : index
      %get3A_219 = tpu.vector_load %arg10[%get3A, %get3A_218] {strides = array<i32>} : memref<158x128xi32, #tpu.memory_space<vmem>>, vector<16xi32>,
      %get3A_220 = arith.index_cast %mul3A_196 : i32 to index
      %get3A_221 = arith.constant 0 : index
      %get3A_222 = tpu.vector_load %arg11[%get3A_220, %get3A_221] {strides = array<i32>} : memref<158x128xi32, #tpu.memory_space<vmem>>, vector<16xi32>,
      %gather3A = tpu.vector_load_idx %arg12[%get3A_219] : memref<10000xf32, #tpu.memory_space<vmem>>[vector<16xi32>], vector<16xf32>,
      %gather3A_223 = tpu.vector_load_idx %arg13[%get3A_222] : memref<10000xf32, #tpu.memory_space<vmem>>[vector<16xi32>], vector<16xf32>,
      %add3A_224 = arith.addf %gather3A, %gather3A_223 : vector<16xf32>
      %gt3A = arith.constant 0.000000e+00 : f32
      %gt3A_225 = vector.broadcast %gt3A : f32 to vector<16xf32>
      %gt3A_226 = arith.cmpf ogt, %add3A_224, %gt3A_225 : vector<16xf32>
      %mul3A_227 = arith.constant 2.000000e-01 : f32
      %mul3A_228 = vector.broadcast %mul3A_227 : f32 to vector<16xf32>
      %mul3A_229 = arith.mulf %mul3A_228, %add3A_224 : vector<16xf32>
      %select_n3A = arith.select %gt3A_226, %add3A_224, %mul3A_229 : vector<16xi1>, vector<16xf32>
      %exp3A = math.exp %select_n3A : vector<16xf32>
      %mul3A_230 = arith.constant 128 : i32
      %mul3A_231 = arith.muli %mul3A_196, %mul3A_230 : i32
      %add3A_232 = arith.constant 0 : i32
      %add3A_233 = arith.addi %mul3A_231, %add3A_232 : i32
      %add3A_234 = vector.broadcast %add3A_233 : i32 to vector<16xi32>
      %add3A_235 = arith.addi %add3A_234, %iota3A : vector<16xi32>
      %lt3A_236 = arith.constant 20000 : i32
      %lt3A_237 = vector.broadcast %lt3A_236 : i32 to vector<16xi32>
      %lt3A_238 = arith.cmpi slt, %add3A_235, %lt3A_237 : vector<16xi32>
      %jit3A = arith.constant 0.000000e+00 : f32
      %broadcast_in_dim3A = vector.broadcast %jit3A : f32 to vector<16xf32>
      %select_n3A_239 = arith.select %lt3A_238, %exp3A, %broadcast_in_dim3A : vector<16xi1>, vector<16xf32>
      %swap3A = arith.constant 0 : index
      %swap3A_240 = tpu.vector_load %arg14[%swap3A] {strides = array<i32>} : memref<128xf32, #tpu.memory_space<vmem>>, vector<16xf32>,
      tpu.vector_store %arg14[%swap3A], %select_n3A_239 {strides = array<i32>} : memref<128xf32, #tpu.memory_space<vmem>>, vector<16xf32>,
      %get3A_241 = arith.index_cast %mul3A_196 : i32 to index
      %get3A_242 = arith.constant 16 : index
      %get3A_243 = tpu.vector_load %arg10[%get3A_241, %get3A_242] {strides = array<i32>} : memref<158x128xi32, #tpu.memory_space<vmem>>, vector<16xi32>,
      %get3A_244 = arith.index_cast %mul3A_196 : i32 to index
      %get3A_245 = arith.constant 16 : index
      %get3A_246 = tpu.vector_load %arg11[%get3A_244, %get3A_245] {strides = array<i32>} : memref<158x128xi32, #tpu.memory_space<vmem>>, vector<16xi32>,
      %gather3A_247 = tpu.vector_load_idx %arg12[%get3A_243] : memref<10000xf32, #tpu.memory_space<vmem>>[vector<16xi32>], vector<16xf32>,
      %gather3A_248 = tpu.vector_load_idx %arg13[%get3A_246] : memref<10000xf32, #tpu.memory_space<vmem>>[vector<16xi32>], vector<16xf32>,
      %add3A_249 = arith.addf %gather3A_247, %gather3A_248 : vector<16xf32>
      %gt3A_250 = arith.constant 0.000000e+00 : f32
      %gt3A_251 = vector.broadcast %gt3A_250 : f32 to vector<16xf32>
      %gt3A_252 = arith.cmpf ogt, %add3A_249, %gt3A_251 : vector<16xf32>
      %mul3A_253 = arith.constant 2.000000e-01 : f32
      %mul3A_254 = vector.broadcast %mul3A_253 : f32 to vector<16xf32>
      %mul3A_255 = arith.mulf %mul3A_254, %add3A_249 : vector<16xf32>
      %select_n3A_256 = arith.select %gt3A_252, %add3A_249, %mul3A_255 : vector<16xi1>, vector<16xf32>
      %exp3A_257 = math.exp %select_n3A_256 : vector<16xf32>
      %mul3A_258 = arith.constant 128 : i32
      %mul3A_259 = arith.muli %mul3A_196, %mul3A_258 : i32
      %add3A_260 = arith.constant 16 : i32
      %add3A_261 = arith.addi %mul3A_259, %add3A_260 : i32
      %add3A_262 = vector.broadcast %add3A_261 : i32 to vector<16xi32>
      %add3A_263 = arith.addi %add3A_262, %iota3A : vector<16xi32>
      %lt3A_264 = arith.constant 20000 : i32
      %lt3A_265 = vector.broadcast %lt3A_264 : i32 to vector<16xi32>
      %lt3A_266 = arith.cmpi slt, %add3A_263, %lt3A_265 : vector<16xi32>
      %jit3A_267 = arith.constant 0.000000e+00 : f32
      %broadcast_in_dim3A_268 = vector.broadcast %jit3A_267 : f32 to vector<16xf32>
      %select_n3A_269 = arith.select %lt3A_266, %exp3A_257, %broadcast_in_dim3A_268 : vector<16xi1>, vector<16xf32>
      %swap3A_270 = arith.constant 16 : index
      %swap3A_271 = tpu.vector_load %arg14[%swap3A_270] {strides = array<i32>} : memref<128xf32, #tpu.memory_space<vmem>>, vector<16xf32>,
      tpu.vector_store %arg14[%swap3A_270], %select_n3A_269 {strides = array<i32>} : memref<128xf32, #tpu.memory_space<vmem>>, vector<16xf32>,
      %get3A_272 = arith.index_cast %mul3A_196 : i32 to index
      %get3A_273 = arith.constant 32 : index
      %get3A_274 = tpu.vector_load %arg10[%get3A_272, %get3A_273] {strides = array<i32>} : memref<158x128xi32, #tpu.memory_space<vmem>>, vector<16xi32>,
      %get3A_275 = arith.index_cast %mul3A_196 : i32 to index
      %get3A_276 = arith.constant 32 : index
      %get3A_277 = tpu.vector_load %arg11[%get3A_275, %get3A_276] {strides = array<i32>} : memref<158x128xi32, #tpu.memory_space<vmem>>, vector<16xi32>,
      %gather3A_278 = tpu.vector_load_idx %arg12[%get3A_274] : memref<10000xf32, #tpu.memory_space<vmem>>[vector<16xi32>], vector<16xf32>,
      %gather3A_279 = tpu.vector_load_idx %arg13[%get3A_277] : memref<10000xf32, #tpu.memory_space<vmem>>[vector<16xi32>], vector<16xf32>,
      %add3A_280 = arith.addf %gather3A_278, %gather3A_279 : vector<16xf32>
      %gt3A_281 = arith.constant 0.000000e+00 : f32
      %gt3A_282 = vector.broadcast %gt3A_281 : f32 to vector<16xf32>
      %gt3A_283 = arith.cmpf ogt, %add3A_280, %gt3A_282 : vector<16xf32>
      %mul3A_284 = arith.constant 2.000000e-01 : f32
      %mul3A_285 = vector.broadcast %mul3A_284 : f32 to vector<16xf32>
      %mul3A_286 = arith.mulf %mul3A_285, %add3A_280 : vector<16xf32>
      %select_n3A_287 = arith.select %gt3A_283, %add3A_280, %mul3A_286 : vector<16xi1>, vector<16xf32>
      %exp3A_288 = math.exp %select_n3A_287 : vector<16xf32>
      %mul3A_289 = arith.constant 128 : i32
      %mul3A_290 = arith.muli %mul3A_196, %mul3A_289 : i32
      %add3A_291 = arith.constant 32 : i32
      %add3A_292 = arith.addi %mul3A_290, %add3A_291 : i32
      %add3A_293 = vector.broadcast %add3A_292 : i32 to vector<16xi32>
      %add3A_294 = arith.addi %add3A_293, %iota3A : vector<16xi32>
      %lt3A_295 = arith.constant 20000 : i32
      %lt3A_296 = vector.broadcast %lt3A_295 : i32 to vector<16xi32>
      %lt3A_297 = arith.cmpi slt, %add3A_294, %lt3A_296 : vector<16xi32>
      %jit3A_298 = arith.constant 0.000000e+00 : f32
      %broadcast_in_dim3A_299 = vector.broadcast %jit3A_298 : f32 to vector<16xf32>
      %select_n3A_300 = arith.select %lt3A_297, %exp3A_288, %broadcast_in_dim3A_299 : vector<16xi1>, vector<16xf32>
      %swap3A_301 = arith.constant 32 : index
      %swap3A_302 = tpu.vector_load %arg14[%swap3A_301] {strides = array<i32>} : memref<128xf32, #tpu.memory_space<vmem>>, vector<16xf32>,
      tpu.vector_store %arg14[%swap3A_301], %select_n3A_300 {strides = array<i32>} : memref<128xf32, #tpu.memory_space<vmem>>, vector<16xf32>,
      %get3A_303 = arith.index_cast %mul3A_196 : i32 to index
      %get3A_304 = arith.constant 48 : index
      %get3A_305 = tpu.vector_load %arg10[%get3A_303, %get3A_304] {strides = array<i32>} : memref<158x128xi32, #tpu.memory_space<vmem>>, vector<16xi32>,
      %get3A_306 = arith.index_cast %mul3A_196 : i32 to index
      %get3A_307 = arith.constant 48 : index
      %get3A_308 = tpu.vector_load %arg11[%get3A_306, %get3A_307] {strides = array<i32>} : memref<158x128xi32, #tpu.memory_space<vmem>>, vector<16xi32>,
      %gather3A_309 = tpu.vector_load_idx %arg12[%get3A_305] : memref<10000xf32, #tpu.memory_space<vmem>>[vector<16xi32>], vector<16xf32>,
      %gather3A_310 = tpu.vector_load_idx %arg13[%get3A_308] : memref<10000xf32, #tpu.memory_space<vmem>>[vector<16xi32>], vector<16xf32>,
      %add3A_311 = arith.addf %gather3A_309, %gather3A_310 : vector<16xf32>
      %gt3A_312 = arith.constant 0.000000e+00 : f32
      %gt3A_313 = vector.broadcast %gt3A_312 : f32 to vector<16xf32>
      %gt3A_314 = arith.cmpf ogt, %add3A_311, %gt3A_313 : vector<16xf32>
      %mul3A_315 = arith.constant 2.000000e-01 : f32
      %mul3A_316 = vector.broadcast %mul3A_315 : f32 to vector<16xf32>
      %mul3A_317 = arith.mulf %mul3A_316, %add3A_311 : vector<16xf32>
      %select_n3A_318 = arith.select %gt3A_314, %add3A_311, %mul3A_317 : vector<16xi1>, vector<16xf32>
      %exp3A_319 = math.exp %select_n3A_318 : vector<16xf32>
      %mul3A_320 = arith.constant 128 : i32
      %mul3A_321 = arith.muli %mul3A_196, %mul3A_320 : i32
      %add3A_322 = arith.constant 48 : i32
      %add3A_323 = arith.addi %mul3A_321, %add3A_322 : i32
      %add3A_324 = vector.broadcast %add3A_323 : i32 to vector<16xi32>
      %add3A_325 = arith.addi %add3A_324, %iota3A : vector<16xi32>
      %lt3A_326 = arith.constant 20000 : i32
      %lt3A_327 = vector.broadcast %lt3A_326 : i32 to vector<16xi32>
      %lt3A_328 = arith.cmpi slt, %add3A_325, %lt3A_327 : vector<16xi32>
      %jit3A_329 = arith.constant 0.000000e+00 : f32
      %broadcast_in_dim3A_330 = vector.broadcast %jit3A_329 : f32 to vector<16xf32>
      %select_n3A_331 = arith.select %lt3A_328, %exp3A_319, %broadcast_in_dim3A_330 : vector<16xi1>, vector<16xf32>
      %swap3A_332 = arith.constant 48 : index
      %swap3A_333 = tpu.vector_load %arg14[%swap3A_332] {strides = array<i32>} : memref<128xf32, #tpu.memory_space<vmem>>, vector<16xf32>,
      tpu.vector_store %arg14[%swap3A_332], %select_n3A_331 {strides = array<i32>} : memref<128xf32, #tpu.memory_space<vmem>>, vector<16xf32>,
      %get3A_334 = arith.index_cast %mul3A_196 : i32 to index
      %get3A_335 = arith.constant 64 : index
      %get3A_336 = tpu.vector_load %arg10[%get3A_334, %get3A_335] {strides = array<i32>} : memref<158x128xi32, #tpu.memory_space<vmem>>, vector<16xi32>,
      %get3A_337 = arith.index_cast %mul3A_196 : i32 to index
      %get3A_338 = arith.constant 64 : index
      %get3A_339 = tpu.vector_load %arg11[%get3A_337, %get3A_338] {strides = array<i32>} : memref<158x128xi32, #tpu.memory_space<vmem>>, vector<16xi32>,
      %gather3A_340 = tpu.vector_load_idx %arg12[%get3A_336] : memref<10000xf32, #tpu.memory_space<vmem>>[vector<16xi32>], vector<16xf32>,
      %gather3A_341 = tpu.vector_load_idx %arg13[%get3A_339] : memref<10000xf32, #tpu.memory_space<vmem>>[vector<16xi32>], vector<16xf32>,
      %add3A_342 = arith.addf %gather3A_340, %gather3A_341 : vector<16xf32>
      %gt3A_343 = arith.constant 0.000000e+00 : f32
      %gt3A_344 = vector.broadcast %gt3A_343 : f32 to vector<16xf32>
      %gt3A_345 = arith.cmpf ogt, %add3A_342, %gt3A_344 : vector<16xf32>
      %mul3A_346 = arith.constant 2.000000e-01 : f32
      %mul3A_347 = vector.broadcast %mul3A_346 : f32 to vector<16xf32>
      %mul3A_348 = arith.mulf %mul3A_347, %add3A_342 : vector<16xf32>
      %select_n3A_349 = arith.select %gt3A_345, %add3A_342, %mul3A_348 : vector<16xi1>, vector<16xf32>
      %exp3A_350 = math.exp %select_n3A_349 : vector<16xf32>
      %mul3A_351 = arith.constant 128 : i32
      %mul3A_352 = arith.muli %mul3A_196, %mul3A_351 : i32
      %add3A_353 = arith.constant 64 : i32
      %add3A_354 = arith.addi %mul3A_352, %add3A_353 : i32
      %add3A_355 = vector.broadcast %add3A_354 : i32 to vector<16xi32>
      %add3A_356 = arith.addi %add3A_355, %iota3A : vector<16xi32>
      %lt3A_357 = arith.constant 20000 : i32
      %lt3A_358 = vector.broadcast %lt3A_357 : i32 to vector<16xi32>
      %lt3A_359 = arith.cmpi slt, %add3A_356, %lt3A_358 : vector<16xi32>
      %jit3A_360 = arith.constant 0.000000e+00 : f32
      %broadcast_in_dim3A_361 = vector.broadcast %jit3A_360 : f32 to vector<16xf32>
      %select_n3A_362 = arith.select %lt3A_359, %exp3A_350, %broadcast_in_dim3A_361 : vector<16xi1>, vector<16xf32>
      %swap3A_363 = arith.constant 64 : index
      %swap3A_364 = tpu.vector_load %arg14[%swap3A_363] {strides = array<i32>} : memref<128xf32, #tpu.memory_space<vmem>>, vector<16xf32>,
      tpu.vector_store %arg14[%swap3A_363], %select_n3A_362 {strides = array<i32>} : memref<128xf32, #tpu.memory_space<vmem>>, vector<16xf32>,
      %get3A_365 = arith.index_cast %mul3A_196 : i32 to index
      %get3A_366 = arith.constant 80 : index
      %get3A_367 = tpu.vector_load %arg10[%get3A_365, %get3A_366] {strides = array<i32>} : memref<158x128xi32, #tpu.memory_space<vmem>>, vector<16xi32>,
      %get3A_368 = arith.index_cast %mul3A_196 : i32 to index
      %get3A_369 = arith.constant 80 : index
      %get3A_370 = tpu.vector_load %arg11[%get3A_368, %get3A_369] {strides = array<i32>} : memref<158x128xi32, #tpu.memory_space<vmem>>, vector<16xi32>,
      %gather3A_371 = tpu.vector_load_idx %arg12[%get3A_367] : memref<10000xf32, #tpu.memory_space<vmem>>[vector<16xi32>], vector<16xf32>,
      %gather3A_372 = tpu.vector_load_idx %arg13[%get3A_370] : memref<10000xf32, #tpu.memory_space<vmem>>[vector<16xi32>], vector<16xf32>,
      %add3A_373 = arith.addf %gather3A_371, %gather3A_372 : vector<16xf32>
      %gt3A_374 = arith.constant 0.000000e+00 : f32
      %gt3A_375 = vector.broadcast %gt3A_374 : f32 to vector<16xf32>
      %gt3A_376 = arith.cmpf ogt, %add3A_373, %gt3A_375 : vector<16xf32>
      %mul3A_377 = arith.constant 2.000000e-01 : f32
      %mul3A_378 = vector.broadcast %mul3A_377 : f32 to vector<16xf32>
      %mul3A_379 = arith.mulf %mul3A_378, %add3A_373 : vector<16xf32>
      %select_n3A_380 = arith.select %gt3A_376, %add3A_373, %mul3A_379 : vector<16xi1>, vector<16xf32>
      %exp3A_381 = math.exp %select_n3A_380 : vector<16xf32>
      %mul3A_382 = arith.constant 128 : i32
      %mul3A_383 = arith.muli %mul3A_196, %mul3A_382 : i32
      %add3A_384 = arith.constant 80 : i32
      %add3A_385 = arith.addi %mul3A_383, %add3A_384 : i32
      %add3A_386 = vector.broadcast %add3A_385 : i32 to vector<16xi32>
      %add3A_387 = arith.addi %add3A_386, %iota3A : vector<16xi32>
      %lt3A_388 = arith.constant 20000 : i32
      %lt3A_389 = vector.broadcast %lt3A_388 : i32 to vector<16xi32>
      %lt3A_390 = arith.cmpi slt, %add3A_387, %lt3A_389 : vector<16xi32>
      %jit3A_391 = arith.constant 0.000000e+00 : f32
      %broadcast_in_dim3A_392 = vector.broadcast %jit3A_391 : f32 to vector<16xf32>
      %select_n3A_393 = arith.select %lt3A_390, %exp3A_381, %broadcast_in_dim3A_392 : vector<16xi1>, vector<16xf32>
      %swap3A_394 = arith.constant 80 : index
      %swap3A_395 = tpu.vector_load %arg14[%swap3A_394] {strides = array<i32>} : memref<128xf32, #tpu.memory_space<vmem>>, vector<16xf32>,
      tpu.vector_store %arg14[%swap3A_394], %select_n3A_393 {strides = array<i32>} : memref<128xf32, #tpu.memory_space<vmem>>, vector<16xf32>,
      %get3A_396 = arith.index_cast %mul3A_196 : i32 to index
      %get3A_397 = arith.constant 96 : index
      %get3A_398 = tpu.vector_load %arg10[%get3A_396, %get3A_397] {strides = array<i32>} : memref<158x128xi32, #tpu.memory_space<vmem>>, vector<16xi32>,
      %get3A_399 = arith.index_cast %mul3A_196 : i32 to index
      %get3A_400 = arith.constant 96 : index
      %get3A_401 = tpu.vector_load %arg11[%get3A_399, %get3A_400] {strides = array<i32>} : memref<158x128xi32, #tpu.memory_space<vmem>>, vector<16xi32>,
      %gather3A_402 = tpu.vector_load_idx %arg12[%get3A_398] : memref<10000xf32, #tpu.memory_space<vmem>>[vector<16xi32>], vector<16xf32>,
      %gather3A_403 = tpu.vector_load_idx %arg13[%get3A_401] : memref<10000xf32, #tpu.memory_space<vmem>>[vector<16xi32>], vector<16xf32>,
      %add3A_404 = arith.addf %gather3A_402, %gather3A_403 : vector<16xf32>
      %gt3A_405 = arith.constant 0.000000e+00 : f32
      %gt3A_406 = vector.broadcast %gt3A_405 : f32 to vector<16xf32>
      %gt3A_407 = arith.cmpf ogt, %add3A_404, %gt3A_406 : vector<16xf32>
      %mul3A_408 = arith.constant 2.000000e-01 : f32
      %mul3A_409 = vector.broadcast %mul3A_408 : f32 to vector<16xf32>
      %mul3A_410 = arith.mulf %mul3A_409, %add3A_404 : vector<16xf32>
      %select_n3A_411 = arith.select %gt3A_407, %add3A_404, %mul3A_410 : vector<16xi1>, vector<16xf32>
      %exp3A_412 = math.exp %select_n3A_411 : vector<16xf32>
      %mul3A_413 = arith.constant 128 : i32
      %mul3A_414 = arith.muli %mul3A_196, %mul3A_413 : i32
      %add3A_415 = arith.constant 96 : i32
      %add3A_416 = arith.addi %mul3A_414, %add3A_415 : i32
      %add3A_417 = vector.broadcast %add3A_416 : i32 to vector<16xi32>
      %add3A_418 = arith.addi %add3A_417, %iota3A : vector<16xi32>
      %lt3A_419 = arith.constant 20000 : i32
      %lt3A_420 = vector.broadcast %lt3A_419 : i32 to vector<16xi32>
      %lt3A_421 = arith.cmpi slt, %add3A_418, %lt3A_420 : vector<16xi32>
      %jit3A_422 = arith.constant 0.000000e+00 : f32
      %broadcast_in_dim3A_423 = vector.broadcast %jit3A_422 : f32 to vector<16xf32>
      %select_n3A_424 = arith.select %lt3A_421, %exp3A_412, %broadcast_in_dim3A_423 : vector<16xi1>, vector<16xf32>
      %swap3A_425 = arith.constant 96 : index
      %swap3A_426 = tpu.vector_load %arg14[%swap3A_425] {strides = array<i32>} : memref<128xf32, #tpu.memory_space<vmem>>, vector<16xf32>,
      tpu.vector_store %arg14[%swap3A_425], %select_n3A_424 {strides = array<i32>} : memref<128xf32, #tpu.memory_space<vmem>>, vector<16xf32>,
      %get3A_427 = arith.index_cast %mul3A_196 : i32 to index
      %get3A_428 = arith.constant 112 : index
      %get3A_429 = tpu.vector_load %arg10[%get3A_427, %get3A_428] {strides = array<i32>} : memref<158x128xi32, #tpu.memory_space<vmem>>, vector<16xi32>,
      %get3A_430 = arith.index_cast %mul3A_196 : i32 to index
      %get3A_431 = arith.constant 112 : index
      %get3A_432 = tpu.vector_load %arg11[%get3A_430, %get3A_431] {strides = array<i32>} : memref<158x128xi32, #tpu.memory_space<vmem>>, vector<16xi32>,
      %gather3A_433 = tpu.vector_load_idx %arg12[%get3A_429] : memref<10000xf32, #tpu.memory_space<vmem>>[vector<16xi32>], vector<16xf32>,
      %gather3A_434 = tpu.vector_load_idx %arg13[%get3A_432] : memref<10000xf32, #tpu.memory_space<vmem>>[vector<16xi32>], vector<16xf32>,
      %add3A_435 = arith.addf %gather3A_433, %gather3A_434 : vector<16xf32>
      %gt3A_436 = arith.constant 0.000000e+00 : f32
      %gt3A_437 = vector.broadcast %gt3A_436 : f32 to vector<16xf32>
      %gt3A_438 = arith.cmpf ogt, %add3A_435, %gt3A_437 : vector<16xf32>
      %mul3A_439 = arith.constant 2.000000e-01 : f32
      %mul3A_440 = vector.broadcast %mul3A_439 : f32 to vector<16xf32>
      %mul3A_441 = arith.mulf %mul3A_440, %add3A_435 : vector<16xf32>
      %select_n3A_442 = arith.select %gt3A_438, %add3A_435, %mul3A_441 : vector<16xi1>, vector<16xf32>
      %exp3A_443 = math.exp %select_n3A_442 : vector<16xf32>
      %mul3A_444 = arith.constant 128 : i32
      %mul3A_445 = arith.muli %mul3A_196, %mul3A_444 : i32
      %add3A_446 = arith.constant 112 : i32
      %add3A_447 = arith.addi %mul3A_445, %add3A_446 : i32
      %add3A_448 = vector.broadcast %add3A_447 : i32 to vector<16xi32>
      %add3A_449 = arith.addi %add3A_448, %iota3A : vector<16xi32>
      %lt3A_450 = arith.constant 20000 : i32
      %lt3A_451 = vector.broadcast %lt3A_450 : i32 to vector<16xi32>
      %lt3A_452 = arith.cmpi slt, %add3A_449, %lt3A_451 : vector<16xi32>
      %jit3A_453 = arith.constant 0.000000e+00 : f32
      %broadcast_in_dim3A_454 = vector.broadcast %jit3A_453 : f32 to vector<16xf32>
      %select_n3A_455 = arith.select %lt3A_452, %exp3A_443, %broadcast_in_dim3A_454 : vector<16xi1>, vector<16xf32>
      %swap3A_456 = arith.constant 112 : index
      %swap3A_457 = tpu.vector_load %arg14[%swap3A_456] {strides = array<i32>} : memref<128xf32, #tpu.memory_space<vmem>>, vector<16xf32>,
      tpu.vector_store %arg14[%swap3A_456], %select_n3A_455 {strides = array<i32>} : memref<128xf32, #tpu.memory_space<vmem>>, vector<16xf32>,
      %dma_start3A_458 = arith.constant 0 : i32
      %dma_start3A_459 = tpu.memref_slice %arg11[%mul3A_196, %dma_start3A_458] : memref<158x128xi32, #tpu.memory_space<vmem>> -> memref<1x128xi32, #tpu.memory_space<vmem>>
      %dma_start3A_460 = tpu.memref_squeeze %dma_start3A_459 : memref<1x128xi32, #tpu.memory_space<vmem>> -> memref<128xi32, #tpu.memory_space<vmem>>
      %dma_start3A_461 = arith.constant 0 : i32
      %dma_start3A_462 = tpu.memref_slice %arg19[%dma_start3A_461] : memref<10000xf32, #tpu.memory_space<vmem_shared>> -> memref<10000xf32, #tpu.memory_space<vmem_shared>>
      tpu.enqueue_indirect_dma source(%arg14 : memref<128xf32, #tpu.memory_space<vmem>>) target(%dma_start3A_462 : memref<10000xf32, #tpu.memory_space<vmem_shared>>) offsets(%dma_start3A_460 : memref<128xi32, #tpu.memory_space<vmem>>) semaphore(%arg24 : memref<!tpu.dma_semaphore, #tpu.memory_space<semaphore_mem>>) {add = true}
      %get3A_463 = arith.index_cast %add3A_198 : i32 to index
      %get3A_464 = arith.constant 0 : index
      %get3A_465 = tpu.vector_load %arg10[%get3A_463, %get3A_464] {strides = array<i32>} : memref<158x128xi32, #tpu.memory_space<vmem>>, vector<16xi32>,
      %get3A_466 = arith.index_cast %add3A_198 : i32 to index
      %get3A_467 = arith.constant 0 : index
      %get3A_468 = tpu.vector_load %arg11[%get3A_466, %get3A_467] {strides = array<i32>} : memref<158x128xi32, #tpu.memory_space<vmem>>, vector<16xi32>,
      %gather3A_469 = tpu.vector_load_idx %arg12[%get3A_465] : memref<10000xf32, #tpu.memory_space<vmem>>[vector<16xi32>], vector<16xf32>,
      %gather3A_470 = tpu.vector_load_idx %arg13[%get3A_468] : memref<10000xf32, #tpu.memory_space<vmem>>[vector<16xi32>], vector<16xf32>,
      %add3A_471 = arith.addf %gather3A_469, %gather3A_470 : vector<16xf32>
      %gt3A_472 = arith.constant 0.000000e+00 : f32
      %gt3A_473 = vector.broadcast %gt3A_472 : f32 to vector<16xf32>
      %gt3A_474 = arith.cmpf ogt, %add3A_471, %gt3A_473 : vector<16xf32>
      %mul3A_475 = arith.constant 2.000000e-01 : f32
      %mul3A_476 = vector.broadcast %mul3A_475 : f32 to vector<16xf32>
      %mul3A_477 = arith.mulf %mul3A_476, %add3A_471 : vector<16xf32>
      %select_n3A_478 = arith.select %gt3A_474, %add3A_471, %mul3A_477 : vector<16xi1>, vector<16xf32>
      %exp3A_479 = math.exp %select_n3A_478 : vector<16xf32>
      %mul3A_480 = arith.constant 128 : i32
      %mul3A_481 = arith.muli %add3A_198, %mul3A_480 : i32
      %add3A_482 = arith.constant 0 : i32
      %add3A_483 = arith.addi %mul3A_481, %add3A_482 : i32
      %add3A_484 = vector.broadcast %add3A_483 : i32 to vector<16xi32>
      %add3A_485 = arith.addi %add3A_484, %iota3A : vector<16xi32>
      %lt3A_486 = arith.constant 20000 : i32
      %lt3A_487 = vector.broadcast %lt3A_486 : i32 to vector<16xi32>
      %lt3A_488 = arith.cmpi slt, %add3A_485, %lt3A_487 : vector<16xi32>
      %jit3A_489 = arith.constant 0.000000e+00 : f32
      %broadcast_in_dim3A_490 = vector.broadcast %jit3A_489 : f32 to vector<16xf32>
      %select_n3A_491 = arith.select %lt3A_488, %exp3A_479, %broadcast_in_dim3A_490 : vector<16xi1>, vector<16xf32>
      %swap3A_492 = arith.constant 0 : index
      %swap3A_493 = tpu.vector_load %arg15[%swap3A_492] {strides = array<i32>} : memref<128xf32, #tpu.memory_space<vmem>>, vector<16xf32>,
      tpu.vector_store %arg15[%swap3A_492], %select_n3A_491 {strides = array<i32>} : memref<128xf32, #tpu.memory_space<vmem>>, vector<16xf32>,
      %get3A_494 = arith.index_cast %add3A_198 : i32 to index
      %get3A_495 = arith.constant 16 : index
      %get3A_496 = tpu.vector_load %arg10[%get3A_494, %get3A_495] {strides = array<i32>} : memref<158x128xi32, #tpu.memory_space<vmem>>, vector<16xi32>,
      %get3A_497 = arith.index_cast %add3A_198 : i32 to index
      %get3A_498 = arith.constant 16 : index
      %get3A_499 = tpu.vector_load %arg11[%get3A_497, %get3A_498] {strides = array<i32>} : memref<158x128xi32, #tpu.memory_space<vmem>>, vector<16xi32>,
      %gather3A_500 = tpu.vector_load_idx %arg12[%get3A_496] : memref<10000xf32, #tpu.memory_space<vmem>>[vector<16xi32>], vector<16xf32>,
      %gather3A_501 = tpu.vector_load_idx %arg13[%get3A_499] : memref<10000xf32, #tpu.memory_space<vmem>>[vector<16xi32>], vector<16xf32>,
      %add3A_502 = arith.addf %gather3A_500, %gather3A_501 : vector<16xf32>
      %gt3A_503 = arith.constant 0.000000e+00 : f32
      %gt3A_504 = vector.broadcast %gt3A_503 : f32 to vector<16xf32>
      %gt3A_505 = arith.cmpf ogt, %add3A_502, %gt3A_504 : vector<16xf32>
      %mul3A_506 = arith.constant 2.000000e-01 : f32
      %mul3A_507 = vector.broadcast %mul3A_506 : f32 to vector<16xf32>
      %mul3A_508 = arith.mulf %mul3A_507, %add3A_502 : vector<16xf32>
      %select_n3A_509 = arith.select %gt3A_505, %add3A_502, %mul3A_508 : vector<16xi1>, vector<16xf32>
      %exp3A_510 = math.exp %select_n3A_509 : vector<16xf32>
      %mul3A_511 = arith.constant 128 : i32
      %mul3A_512 = arith.muli %add3A_198, %mul3A_511 : i32
      %add3A_513 = arith.constant 16 : i32
      %add3A_514 = arith.addi %mul3A_512, %add3A_513 : i32
      %add3A_515 = vector.broadcast %add3A_514 : i32 to vector<16xi32>
      %add3A_516 = arith.addi %add3A_515, %iota3A : vector<16xi32>
      %lt3A_517 = arith.constant 20000 : i32
      %lt3A_518 = vector.broadcast %lt3A_517 : i32 to vector<16xi32>
      %lt3A_519 = arith.cmpi slt, %add3A_516, %lt3A_518 : vector<16xi32>
      %jit3A_520 = arith.constant 0.000000e+00 : f32
      %broadcast_in_dim3A_521 = vector.broadcast %jit3A_520 : f32 to vector<16xf32>
      %select_n3A_522 = arith.select %lt3A_519, %exp3A_510, %broadcast_in_dim3A_521 : vector<16xi1>, vector<16xf32>
      %swap3A_523 = arith.constant 16 : index
      %swap3A_524 = tpu.vector_load %arg15[%swap3A_523] {strides = array<i32>} : memref<128xf32, #tpu.memory_space<vmem>>, vector<16xf32>,
      tpu.vector_store %arg15[%swap3A_523], %select_n3A_522 {strides = array<i32>} : memref<128xf32, #tpu.memory_space<vmem>>, vector<16xf32>,
      %get3A_525 = arith.index_cast %add3A_198 : i32 to index
      %get3A_526 = arith.constant 32 : index
      %get3A_527 = tpu.vector_load %arg10[%get3A_525, %get3A_526] {strides = array<i32>} : memref<158x128xi32, #tpu.memory_space<vmem>>, vector<16xi32>,
      %get3A_528 = arith.index_cast %add3A_198 : i32 to index
      %get3A_529 = arith.constant 32 : index
      %get3A_530 = tpu.vector_load %arg11[%get3A_528, %get3A_529] {strides = array<i32>} : memref<158x128xi32, #tpu.memory_space<vmem>>, vector<16xi32>,
      %gather3A_531 = tpu.vector_load_idx %arg12[%get3A_527] : memref<10000xf32, #tpu.memory_space<vmem>>[vector<16xi32>], vector<16xf32>,
      %gather3A_532 = tpu.vector_load_idx %arg13[%get3A_530] : memref<10000xf32, #tpu.memory_space<vmem>>[vector<16xi32>], vector<16xf32>,
      %add3A_533 = arith.addf %gather3A_531, %gather3A_532 : vector<16xf32>
      %gt3A_534 = arith.constant 0.000000e+00 : f32
      %gt3A_535 = vector.broadcast %gt3A_534 : f32 to vector<16xf32>
      %gt3A_536 = arith.cmpf ogt, %add3A_533, %gt3A_535 : vector<16xf32>
      %mul3A_537 = arith.constant 2.000000e-01 : f32
      %mul3A_538 = vector.broadcast %mul3A_537 : f32 to vector<16xf32>
      %mul3A_539 = arith.mulf %mul3A_538, %add3A_533 : vector<16xf32>
      %select_n3A_540 = arith.select %gt3A_536, %add3A_533, %mul3A_539 : vector<16xi1>, vector<16xf32>
      %exp3A_541 = math.exp %select_n3A_540 : vector<16xf32>
      %mul3A_542 = arith.constant 128 : i32
      %mul3A_543 = arith.muli %add3A_198, %mul3A_542 : i32
      %add3A_544 = arith.constant 32 : i32
      %add3A_545 = arith.addi %mul3A_543, %add3A_544 : i32
      %add3A_546 = vector.broadcast %add3A_545 : i32 to vector<16xi32>
      %add3A_547 = arith.addi %add3A_546, %iota3A : vector<16xi32>
      %lt3A_548 = arith.constant 20000 : i32
      %lt3A_549 = vector.broadcast %lt3A_548 : i32 to vector<16xi32>
      %lt3A_550 = arith.cmpi slt, %add3A_547, %lt3A_549 : vector<16xi32>
      %jit3A_551 = arith.constant 0.000000e+00 : f32
      %broadcast_in_dim3A_552 = vector.broadcast %jit3A_551 : f32 to vector<16xf32>
      %select_n3A_553 = arith.select %lt3A_550, %exp3A_541, %broadcast_in_dim3A_552 : vector<16xi1>, vector<16xf32>
      %swap3A_554 = arith.constant 32 : index
      %swap3A_555 = tpu.vector_load %arg15[%swap3A_554] {strides = array<i32>} : memref<128xf32, #tpu.memory_space<vmem>>, vector<16xf32>,
      tpu.vector_store %arg15[%swap3A_554], %select_n3A_553 {strides = array<i32>} : memref<128xf32, #tpu.memory_space<vmem>>, vector<16xf32>,
      %get3A_556 = arith.index_cast %add3A_198 : i32 to index
      %get3A_557 = arith.constant 48 : index
      %get3A_558 = tpu.vector_load %arg10[%get3A_556, %get3A_557] {strides = array<i32>} : memref<158x128xi32, #tpu.memory_space<vmem>>, vector<16xi32>,
      %get3A_559 = arith.index_cast %add3A_198 : i32 to index
      %get3A_560 = arith.constant 48 : index
      %get3A_561 = tpu.vector_load %arg11[%get3A_559, %get3A_560] {strides = array<i32>} : memref<158x128xi32, #tpu.memory_space<vmem>>, vector<16xi32>,
      %gather3A_562 = tpu.vector_load_idx %arg12[%get3A_558] : memref<10000xf32, #tpu.memory_space<vmem>>[vector<16xi32>], vector<16xf32>,
      %gather3A_563 = tpu.vector_load_idx %arg13[%get3A_561] : memref<10000xf32, #tpu.memory_space<vmem>>[vector<16xi32>], vector<16xf32>,
      %add3A_564 = arith.addf %gather3A_562, %gather3A_563 : vector<16xf32>
      %gt3A_565 = arith.constant 0.000000e+00 : f32
      %gt3A_566 = vector.broadcast %gt3A_565 : f32 to vector<16xf32>
      %gt3A_567 = arith.cmpf ogt, %add3A_564, %gt3A_566 : vector<16xf32>
      %mul3A_568 = arith.constant 2.000000e-01 : f32
      %mul3A_569 = vector.broadcast %mul3A_568 : f32 to vector<16xf32>
      %mul3A_570 = arith.mulf %mul3A_569, %add3A_564 : vector<16xf32>
      %select_n3A_571 = arith.select %gt3A_567, %add3A_564, %mul3A_570 : vector<16xi1>, vector<16xf32>
      %exp3A_572 = math.exp %select_n3A_571 : vector<16xf32>
      %mul3A_573 = arith.constant 128 : i32
      %mul3A_574 = arith.muli %add3A_198, %mul3A_573 : i32
      %add3A_575 = arith.constant 48 : i32
      %add3A_576 = arith.addi %mul3A_574, %add3A_575 : i32
      %add3A_577 = vector.broadcast %add3A_576 : i32 to vector<16xi32>
      %add3A_578 = arith.addi %add3A_577, %iota3A : vector<16xi32>
      %lt3A_579 = arith.constant 20000 : i32
      %lt3A_580 = vector.broadcast %lt3A_579 : i32 to vector<16xi32>
      %lt3A_581 = arith.cmpi slt, %add3A_578, %lt3A_580 : vector<16xi32>
      %jit3A_582 = arith.constant 0.000000e+00 : f32
      %broadcast_in_dim3A_583 = vector.broadcast %jit3A_582 : f32 to vector<16xf32>
      %select_n3A_584 = arith.select %lt3A_581, %exp3A_572, %broadcast_in_dim3A_583 : vector<16xi1>, vector<16xf32>
      %swap3A_585 = arith.constant 48 : index
      %swap3A_586 = tpu.vector_load %arg15[%swap3A_585] {strides = array<i32>} : memref<128xf32, #tpu.memory_space<vmem>>, vector<16xf32>,
      tpu.vector_store %arg15[%swap3A_585], %select_n3A_584 {strides = array<i32>} : memref<128xf32, #tpu.memory_space<vmem>>, vector<16xf32>,
      %get3A_587 = arith.index_cast %add3A_198 : i32 to index
      %get3A_588 = arith.constant 64 : index
      %get3A_589 = tpu.vector_load %arg10[%get3A_587, %get3A_588] {strides = array<i32>} : memref<158x128xi32, #tpu.memory_space<vmem>>, vector<16xi32>,
      %get3A_590 = arith.index_cast %add3A_198 : i32 to index
      %get3A_591 = arith.constant 64 : index
      %get3A_592 = tpu.vector_load %arg11[%get3A_590, %get3A_591] {strides = array<i32>} : memref<158x128xi32, #tpu.memory_space<vmem>>, vector<16xi32>,
      %gather3A_593 = tpu.vector_load_idx %arg12[%get3A_589] : memref<10000xf32, #tpu.memory_space<vmem>>[vector<16xi32>], vector<16xf32>,
      %gather3A_594 = tpu.vector_load_idx %arg13[%get3A_592] : memref<10000xf32, #tpu.memory_space<vmem>>[vector<16xi32>], vector<16xf32>,
      %add3A_595 = arith.addf %gather3A_593, %gather3A_594 : vector<16xf32>
      %gt3A_596 = arith.constant 0.000000e+00 : f32
      %gt3A_597 = vector.broadcast %gt3A_596 : f32 to vector<16xf32>
      %gt3A_598 = arith.cmpf ogt, %add3A_595, %gt3A_597 : vector<16xf32>
      %mul3A_599 = arith.constant 2.000000e-01 : f32
      %mul3A_600 = vector.broadcast %mul3A_599 : f32 to vector<16xf32>
      %mul3A_601 = arith.mulf %mul3A_600, %add3A_595 : vector<16xf32>
      %select_n3A_602 = arith.select %gt3A_598, %add3A_595, %mul3A_601 : vector<16xi1>, vector<16xf32>
      %exp3A_603 = math.exp %select_n3A_602 : vector<16xf32>
      %mul3A_604 = arith.constant 128 : i32
      %mul3A_605 = arith.muli %add3A_198, %mul3A_604 : i32
      %add3A_606 = arith.constant 64 : i32
      %add3A_607 = arith.addi %mul3A_605, %add3A_606 : i32
      %add3A_608 = vector.broadcast %add3A_607 : i32 to vector<16xi32>
      %add3A_609 = arith.addi %add3A_608, %iota3A : vector<16xi32>
      %lt3A_610 = arith.constant 20000 : i32
      %lt3A_611 = vector.broadcast %lt3A_610 : i32 to vector<16xi32>
      %lt3A_612 = arith.cmpi slt, %add3A_609, %lt3A_611 : vector<16xi32>
      %jit3A_613 = arith.constant 0.000000e+00 : f32
      %broadcast_in_dim3A_614 = vector.broadcast %jit3A_613 : f32 to vector<16xf32>
      %select_n3A_615 = arith.select %lt3A_612, %exp3A_603, %broadcast_in_dim3A_614 : vector<16xi1>, vector<16xf32>
      %swap3A_616 = arith.constant 64 : index
      %swap3A_617 = tpu.vector_load %arg15[%swap3A_616] {strides = array<i32>} : memref<128xf32, #tpu.memory_space<vmem>>, vector<16xf32>,
      tpu.vector_store %arg15[%swap3A_616], %select_n3A_615 {strides = array<i32>} : memref<128xf32, #tpu.memory_space<vmem>>, vector<16xf32>,
      %get3A_618 = arith.index_cast %add3A_198 : i32 to index
      %get3A_619 = arith.constant 80 : index
      %get3A_620 = tpu.vector_load %arg10[%get3A_618, %get3A_619] {strides = array<i32>} : memref<158x128xi32, #tpu.memory_space<vmem>>, vector<16xi32>,
      %get3A_621 = arith.index_cast %add3A_198 : i32 to index
      %get3A_622 = arith.constant 80 : index
      %get3A_623 = tpu.vector_load %arg11[%get3A_621, %get3A_622] {strides = array<i32>} : memref<158x128xi32, #tpu.memory_space<vmem>>, vector<16xi32>,
      %gather3A_624 = tpu.vector_load_idx %arg12[%get3A_620] : memref<10000xf32, #tpu.memory_space<vmem>>[vector<16xi32>], vector<16xf32>,
      %gather3A_625 = tpu.vector_load_idx %arg13[%get3A_623] : memref<10000xf32, #tpu.memory_space<vmem>>[vector<16xi32>], vector<16xf32>,
      %add3A_626 = arith.addf %gather3A_624, %gather3A_625 : vector<16xf32>
      %gt3A_627 = arith.constant 0.000000e+00 : f32
      %gt3A_628 = vector.broadcast %gt3A_627 : f32 to vector<16xf32>
      %gt3A_629 = arith.cmpf ogt, %add3A_626, %gt3A_628 : vector<16xf32>
      %mul3A_630 = arith.constant 2.000000e-01 : f32
      %mul3A_631 = vector.broadcast %mul3A_630 : f32 to vector<16xf32>
      %mul3A_632 = arith.mulf %mul3A_631, %add3A_626 : vector<16xf32>
      %select_n3A_633 = arith.select %gt3A_629, %add3A_626, %mul3A_632 : vector<16xi1>, vector<16xf32>
      %exp3A_634 = math.exp %select_n3A_633 : vector<16xf32>
      %mul3A_635 = arith.constant 128 : i32
      %mul3A_636 = arith.muli %add3A_198, %mul3A_635 : i32
      %add3A_637 = arith.constant 80 : i32
      %add3A_638 = arith.addi %mul3A_636, %add3A_637 : i32
      %add3A_639 = vector.broadcast %add3A_638 : i32 to vector<16xi32>
      %add3A_640 = arith.addi %add3A_639, %iota3A : vector<16xi32>
      %lt3A_641 = arith.constant 20000 : i32
      %lt3A_642 = vector.broadcast %lt3A_641 : i32 to vector<16xi32>
      %lt3A_643 = arith.cmpi slt, %add3A_640, %lt3A_642 : vector<16xi32>
      %jit3A_644 = arith.constant 0.000000e+00 : f32
      %broadcast_in_dim3A_645 = vector.broadcast %jit3A_644 : f32 to vector<16xf32>
      %select_n3A_646 = arith.select %lt3A_643, %exp3A_634, %broadcast_in_dim3A_645 : vector<16xi1>, vector<16xf32>
      %swap3A_647 = arith.constant 80 : index
      %swap3A_648 = tpu.vector_load %arg15[%swap3A_647] {strides = array<i32>} : memref<128xf32, #tpu.memory_space<vmem>>, vector<16xf32>,
      tpu.vector_store %arg15[%swap3A_647], %select_n3A_646 {strides = array<i32>} : memref<128xf32, #tpu.memory_space<vmem>>, vector<16xf32>,
      %get3A_649 = arith.index_cast %add3A_198 : i32 to index
      %get3A_650 = arith.constant 96 : index
      %get3A_651 = tpu.vector_load %arg10[%get3A_649, %get3A_650] {strides = array<i32>} : memref<158x128xi32, #tpu.memory_space<vmem>>, vector<16xi32>,
      %get3A_652 = arith.index_cast %add3A_198 : i32 to index
      %get3A_653 = arith.constant 96 : index
      %get3A_654 = tpu.vector_load %arg11[%get3A_652, %get3A_653] {strides = array<i32>} : memref<158x128xi32, #tpu.memory_space<vmem>>, vector<16xi32>,
      %gather3A_655 = tpu.vector_load_idx %arg12[%get3A_651] : memref<10000xf32, #tpu.memory_space<vmem>>[vector<16xi32>], vector<16xf32>,
      %gather3A_656 = tpu.vector_load_idx %arg13[%get3A_654] : memref<10000xf32, #tpu.memory_space<vmem>>[vector<16xi32>], vector<16xf32>,
      %add3A_657 = arith.addf %gather3A_655, %gather3A_656 : vector<16xf32>
      %gt3A_658 = arith.constant 0.000000e+00 : f32
      %gt3A_659 = vector.broadcast %gt3A_658 : f32 to vector<16xf32>
      %gt3A_660 = arith.cmpf ogt, %add3A_657, %gt3A_659 : vector<16xf32>
      %mul3A_661 = arith.constant 2.000000e-01 : f32
      %mul3A_662 = vector.broadcast %mul3A_661 : f32 to vector<16xf32>
      %mul3A_663 = arith.mulf %mul3A_662, %add3A_657 : vector<16xf32>
      %select_n3A_664 = arith.select %gt3A_660, %add3A_657, %mul3A_663 : vector<16xi1>, vector<16xf32>
      %exp3A_665 = math.exp %select_n3A_664 : vector<16xf32>
      %mul3A_666 = arith.constant 128 : i32
      %mul3A_667 = arith.muli %add3A_198, %mul3A_666 : i32
      %add3A_668 = arith.constant 96 : i32
      %add3A_669 = arith.addi %mul3A_667, %add3A_668 : i32
      %add3A_670 = vector.broadcast %add3A_669 : i32 to vector<16xi32>
      %add3A_671 = arith.addi %add3A_670, %iota3A : vector<16xi32>
      %lt3A_672 = arith.constant 20000 : i32
      %lt3A_673 = vector.broadcast %lt3A_672 : i32 to vector<16xi32>
      %lt3A_674 = arith.cmpi slt, %add3A_671, %lt3A_673 : vector<16xi32>
      %jit3A_675 = arith.constant 0.000000e+00 : f32
      %broadcast_in_dim3A_676 = vector.broadcast %jit3A_675 : f32 to vector<16xf32>
      %select_n3A_677 = arith.select %lt3A_674, %exp3A_665, %broadcast_in_dim3A_676 : vector<16xi1>, vector<16xf32>
      %swap3A_678 = arith.constant 96 : index
      %swap3A_679 = tpu.vector_load %arg15[%swap3A_678] {strides = array<i32>} : memref<128xf32, #tpu.memory_space<vmem>>, vector<16xf32>,
      tpu.vector_store %arg15[%swap3A_678], %select_n3A_677 {strides = array<i32>} : memref<128xf32, #tpu.memory_space<vmem>>, vector<16xf32>,
      %get3A_680 = arith.index_cast %add3A_198 : i32 to index
      %get3A_681 = arith.constant 112 : index
      %get3A_682 = tpu.vector_load %arg10[%get3A_680, %get3A_681] {strides = array<i32>} : memref<158x128xi32, #tpu.memory_space<vmem>>, vector<16xi32>,
      %get3A_683 = arith.index_cast %add3A_198 : i32 to index
      %get3A_684 = arith.constant 112 : index
      %get3A_685 = tpu.vector_load %arg11[%get3A_683, %get3A_684] {strides = array<i32>} : memref<158x128xi32, #tpu.memory_space<vmem>>, vector<16xi32>,
      %gather3A_686 = tpu.vector_load_idx %arg12[%get3A_682] : memref<10000xf32, #tpu.memory_space<vmem>>[vector<16xi32>], vector<16xf32>,
      %gather3A_687 = tpu.vector_load_idx %arg13[%get3A_685] : memref<10000xf32, #tpu.memory_space<vmem>>[vector<16xi32>], vector<16xf32>,
      %add3A_688 = arith.addf %gather3A_686, %gather3A_687 : vector<16xf32>
      %gt3A_689 = arith.constant 0.000000e+00 : f32
      %gt3A_690 = vector.broadcast %gt3A_689 : f32 to vector<16xf32>
      %gt3A_691 = arith.cmpf ogt, %add3A_688, %gt3A_690 : vector<16xf32>
      %mul3A_692 = arith.constant 2.000000e-01 : f32
      %mul3A_693 = vector.broadcast %mul3A_692 : f32 to vector<16xf32>
      %mul3A_694 = arith.mulf %mul3A_693, %add3A_688 : vector<16xf32>
      %select_n3A_695 = arith.select %gt3A_691, %add3A_688, %mul3A_694 : vector<16xi1>, vector<16xf32>
      %exp3A_696 = math.exp %select_n3A_695 : vector<16xf32>
      %mul3A_697 = arith.constant 128 : i32
      %mul3A_698 = arith.muli %add3A_198, %mul3A_697 : i32
      %add3A_699 = arith.constant 112 : i32
      %add3A_700 = arith.addi %mul3A_698, %add3A_699 : i32
      %add3A_701 = vector.broadcast %add3A_700 : i32 to vector<16xi32>
      %add3A_702 = arith.addi %add3A_701, %iota3A : vector<16xi32>
      %lt3A_703 = arith.constant 20000 : i32
      %lt3A_704 = vector.broadcast %lt3A_703 : i32 to vector<16xi32>
      %lt3A_705 = arith.cmpi slt, %add3A_702, %lt3A_704 : vector<16xi32>
      %jit3A_706 = arith.constant 0.000000e+00 : f32
      %broadcast_in_dim3A_707 = vector.broadcast %jit3A_706 : f32 to vector<16xf32>
      %select_n3A_708 = arith.select %lt3A_705, %exp3A_696, %broadcast_in_dim3A_707 : vector<16xi1>, vector<16xf32>
      %swap3A_709 = arith.constant 112 : index
      %swap3A_710 = tpu.vector_load %arg15[%swap3A_709] {strides = array<i32>} : memref<128xf32, #tpu.memory_space<vmem>>, vector<16xf32>,
      tpu.vector_store %arg15[%swap3A_709], %select_n3A_708 {strides = array<i32>} : memref<128xf32, #tpu.memory_space<vmem>>, vector<16xf32>,
      %dma_start3A_711 = arith.constant 0 : i32
      %dma_start3A_712 = tpu.memref_slice %arg11[%add3A_198, %dma_start3A_711] : memref<158x128xi32, #tpu.memory_space<vmem>> -> memref<1x128xi32, #tpu.memory_space<vmem>>
      %dma_start3A_713 = tpu.memref_squeeze %dma_start3A_712 : memref<1x128xi32, #tpu.memory_space<vmem>> -> memref<128xi32, #tpu.memory_space<vmem>>
      %dma_start3A_714 = arith.constant 0 : i32
      %dma_start3A_715 = tpu.memref_slice %arg19[%dma_start3A_714] : memref<10000xf32, #tpu.memory_space<vmem_shared>> -> memref<10000xf32, #tpu.memory_space<vmem_shared>>
      tpu.enqueue_indirect_dma source(%arg15 : memref<128xf32, #tpu.memory_space<vmem>>) target(%dma_start3A_715 : memref<10000xf32, #tpu.memory_space<vmem_shared>>) offsets(%dma_start3A_713 : memref<128xi32, #tpu.memory_space<vmem>>) semaphore(%arg25 : memref<!tpu.dma_semaphore, #tpu.memory_space<semaphore_mem>>) {add = true}
      %dma_wait3A = arith.constant 0 : i32
      %dma_wait3A_716 = tpu.memref_slice %arg10[%mul3A_196, %dma_wait3A] : memref<158x128xi32, #tpu.memory_space<vmem>> -> memref<1x128xi32, #tpu.memory_space<vmem>>
      %dma_wait3A_717 = tpu.memref_squeeze %dma_wait3A_716 : memref<1x128xi32, #tpu.memory_space<vmem>> -> memref<128xi32, #tpu.memory_space<vmem>>
      %dma_wait3A_718 = arith.constant 0 : i32
      %dma_wait3A_719 = arith.constant 0 : i32
      %dma_wait3A_720 = tpu.memref_slice %arg2[%arg0, %dma_wait3A_718, %dma_wait3A_719] : memref<2x10000x64xf32, #tpu.memory_space<hbm>> -> memref<1x10000x64xf32, #tpu.memory_space<hbm>>
      %dma_wait3A_721 = tpu.memref_squeeze %dma_wait3A_720 : memref<1x10000x64xf32, #tpu.memory_space<hbm>> -> memref<10000x64xf32, #tpu.memory_space<hbm>>
      %dma_wait3A_722 = arith.constant 0 : i32
      %dma_wait3A_723 = arith.constant 0 : i32
      %dma_wait3A_724 = tpu.memref_slice %dma_wait3A_721[%dma_wait3A_722, %dma_wait3A_723] : memref<10000x64xf32, #tpu.memory_space<hbm>> -> memref<10000x64xf32, #tpu.memory_space<hbm>>
      tpu.wait_indirect_dma semaphore(%arg20 : memref<!tpu.dma_semaphore, #tpu.memory_space<semaphore_mem>>) src(%dma_wait3A_724 : memref<10000x64xf32, #tpu.memory_space<hbm>>) dst(%arg16 : memref<128x64xf32, #tpu.memory_space<vmem>>)
      %scan3A_725 = arith.constant 0 : i32
      %scan3A_726 = arith.constant 0 : i32
      %scan3A_727 = arith.constant 8 : i32
      %scan3A_728 = arith.addi %scan3A_726, %scan3A_727 : i32
      %scan3A_729 = arith.constant 1 : i32
      scf.for %scan3A_781 = %scan3A_726 to %scan3A_728 step %scan3A_729  : i32 {
        %mul3A_782 = arith.constant 16 : i32
        %mul3A_783 = arith.muli %scan3A_781, %mul3A_782 : i32
        %get3A_784 = arith.index_cast %mul3A_783 : i32 to index
        %get3A_785 = tpu.vector_load %arg14[%get3A_784] {strides = array<i32>} : memref<128xf32, #tpu.memory_space<vmem>>, vector<16xf32>,
        %mul3A_786 = arith.constant 16 : i32
        %mul3A_787 = arith.muli %scan3A_781, %mul3A_786 : i32
        %add3A_788 = arith.constant 0 : i32
        %add3A_789 = arith.addi %mul3A_787, %add3A_788 : i32
        %slice3A = vector.extract_strided_slice %get3A_785 {offsets = [0], sizes = [1], strides = [1]} : vector<16xf32> to vector<1xf32>
        %squeeze3A = vector.extract %slice3A[0] : f32 from vector<1xf32>
        %broadcast_in_dim3A_790 = vector.broadcast %squeeze3A : f32 to vector<16xf32>
        %get3A_791 = arith.index_cast %add3A_789 : i32 to index
        %get3A_792 = arith.constant 0 : index
        %get3A_793 = tpu.vector_load %arg16[%get3A_791, %get3A_792] {strides = array<i32>} : memref<128x64xf32, #tpu.memory_space<vmem>>, vector<16xf32>,
        %mul3A_794 = arith.mulf %get3A_793, %broadcast_in_dim3A_790 : vector<16xf32>
        %swap3A_795 = arith.index_cast %add3A_789 : i32 to index
        %swap3A_796 = arith.constant 0 : index
        %swap3A_797 = tpu.vector_load %arg16[%swap3A_795, %swap3A_796] {strides = array<i32>} : memref<128x64xf32, #tpu.memory_space<vmem>>, vector<16xf32>,
        tpu.vector_store %arg16[%swap3A_795, %swap3A_796], %mul3A_794 {strides = array<i32>} : memref<128x64xf32, #tpu.memory_space<vmem>>, vector<16xf32>,
        %get3A_798 = arith.index_cast %add3A_789 : i32 to index
        %get3A_799 = arith.constant 16 : index
        %get3A_800 = tpu.vector_load %arg16[%get3A_798, %get3A_799] {strides = array<i32>} : memref<128x64xf32, #tpu.memory_space<vmem>>, vector<16xf32>,
        %mul3A_801 = arith.mulf %get3A_800, %broadcast_in_dim3A_790 : vector<16xf32>
        %swap3A_802 = arith.index_cast %add3A_789 : i32 to index
        %swap3A_803 = arith.constant 16 : index
        %swap3A_804 = tpu.vector_load %arg16[%swap3A_802, %swap3A_803] {strides = array<i32>} : memref<128x64xf32, #tpu.memory_space<vmem>>, vector<16xf32>,
        tpu.vector_store %arg16[%swap3A_802, %swap3A_803], %mul3A_801 {strides = array<i32>} : memref<128x64xf32, #tpu.memory_space<vmem>>, vector<16xf32>,
        %get3A_805 = arith.index_cast %add3A_789 : i32 to index
        %get3A_806 = arith.constant 32 : index
        %get3A_807 = tpu.vector_load %arg16[%get3A_805, %get3A_806] {strides = array<i32>} : memref<128x64xf32, #tpu.memory_space<vmem>>, vector<16xf32>,
        %mul3A_808 = arith.mulf %get3A_807, %broadcast_in_dim3A_790 : vector<16xf32>
        %swap3A_809 = arith.index_cast %add3A_789 : i32 to index
        %swap3A_810 = arith.constant 32 : index
        %swap3A_811 = tpu.vector_load %arg16[%swap3A_809, %swap3A_810] {strides = array<i32>} : memref<128x64xf32, #tpu.memory_space<vmem>>, vector<16xf32>,
        tpu.vector_store %arg16[%swap3A_809, %swap3A_810], %mul3A_808 {strides = array<i32>} : memref<128x64xf32, #tpu.memory_space<vmem>>, vector<16xf32>,
        %get3A_812 = arith.index_cast %add3A_789 : i32 to index
        %get3A_813 = arith.constant 48 : index
        %get3A_814 = tpu.vector_load %arg16[%get3A_812, %get3A_813] {strides = array<i32>} : memref<128x64xf32, #tpu.memory_space<vmem>>, vector<16xf32>,
        %mul3A_815 = arith.mulf %get3A_814, %broadcast_in_dim3A_790 : vector<16xf32>
        %swap3A_816 = arith.index_cast %add3A_789 : i32 to index
        %swap3A_817 = arith.constant 48 : index
        %swap3A_818 = tpu.vector_load %arg16[%swap3A_816, %swap3A_817] {strides = array<i32>} : memref<128x64xf32, #tpu.memory_space<vmem>>, vector<16xf32>,
        tpu.vector_store %arg16[%swap3A_816, %swap3A_817], %mul3A_815 {strides = array<i32>} : memref<128x64xf32, #tpu.memory_space<vmem>>, vector<16xf32>,
        %mul3A_819 = arith.constant 16 : i32
        %mul3A_820 = arith.muli %scan3A_781, %mul3A_819 : i32
        %add3A_821 = arith.constant 1 : i32
        %add3A_822 = arith.addi %mul3A_820, %add3A_821 : i32
        %slice3A_823 = vector.extract_strided_slice %get3A_785 {offsets = [1], sizes = [1], strides = [1]} : vector<16xf32> to vector<1xf32>
        %squeeze3A_824 = vector.extract %slice3A_823[0] : f32 from vector<1xf32>
        %broadcast_in_dim3A_825 = vector.broadcast %squeeze3A_824 : f32 to vector<16xf32>
        %get3A_826 = arith.index_cast %add3A_822 : i32 to index
        %get3A_827 = arith.constant 0 : index
        %get3A_828 = tpu.vector_load %arg16[%get3A_826, %get3A_827] {strides = array<i32>} : memref<128x64xf32, #tpu.memory_space<vmem>>, vector<16xf32>,
        %mul3A_829 = arith.mulf %get3A_828, %broadcast_in_dim3A_825 : vector<16xf32>
        %swap3A_830 = arith.index_cast %add3A_822 : i32 to index
        %swap3A_831 = arith.constant 0 : index
        %swap3A_832 = tpu.vector_load %arg16[%swap3A_830, %swap3A_831] {strides = array<i32>} : memref<128x64xf32, #tpu.memory_space<vmem>>, vector<16xf32>,
        tpu.vector_store %arg16[%swap3A_830, %swap3A_831], %mul3A_829 {strides = array<i32>} : memref<128x64xf32, #tpu.memory_space<vmem>>, vector<16xf32>,
        %get3A_833 = arith.index_cast %add3A_822 : i32 to index
        %get3A_834 = arith.constant 16 : index
        %get3A_835 = tpu.vector_load %arg16[%get3A_833, %get3A_834] {strides = array<i32>} : memref<128x64xf32, #tpu.memory_space<vmem>>, vector<16xf32>,
        %mul3A_836 = arith.mulf %get3A_835, %broadcast_in_dim3A_825 : vector<16xf32>
        %swap3A_837 = arith.index_cast %add3A_822 : i32 to index
        %swap3A_838 = arith.constant 16 : index
        %swap3A_839 = tpu.vector_load %arg16[%swap3A_837, %swap3A_838] {strides = array<i32>} : memref<128x64xf32, #tpu.memory_space<vmem>>, vector<16xf32>,
        tpu.vector_store %arg16[%swap3A_837, %swap3A_838], %mul3A_836 {strides = array<i32>} : memref<128x64xf32, #tpu.memory_space<vmem>>, vector<16xf32>,
        %get3A_840 = arith.index_cast %add3A_822 : i32 to index
        %get3A_841 = arith.constant 32 : index
        %get3A_842 = tpu.vector_load %arg16[%get3A_840, %get3A_841] {strides = array<i32>} : memref<128x64xf32, #tpu.memory_space<vmem>>, vector<16xf32>,
        %mul3A_843 = arith.mulf %get3A_842, %broadcast_in_dim3A_825 : vector<16xf32>
        %swap3A_844 = arith.index_cast %add3A_822 : i32 to index
        %swap3A_845 = arith.constant 32 : index
        %swap3A_846 = tpu.vector_load %arg16[%swap3A_844, %swap3A_845] {strides = array<i32>} : memref<128x64xf32, #tpu.memory_space<vmem>>, vector<16xf32>,
        tpu.vector_store %arg16[%swap3A_844, %swap3A_845], %mul3A_843 {strides = array<i32>} : memref<128x64xf32, #tpu.memory_space<vmem>>, vector<16xf32>,
        %get3A_847 = arith.index_cast %add3A_822 : i32 to index
        %get3A_848 = arith.constant 48 : index
        %get3A_849 = tpu.vector_load %arg16[%get3A_847, %get3A_848] {strides = array<i32>} : memref<128x64xf32, #tpu.memory_space<vmem>>, vector<16xf32>,
        %mul3A_850 = arith.mulf %get3A_849, %broadcast_in_dim3A_825 : vector<16xf32>
        %swap3A_851 = arith.index_cast %add3A_822 : i32 to index
        %swap3A_852 = arith.constant 48 : index
        %swap3A_853 = tpu.vector_load %arg16[%swap3A_851, %swap3A_852] {strides = array<i32>} : memref<128x64xf32, #tpu.memory_space<vmem>>, vector<16xf32>,
        tpu.vector_store %arg16[%swap3A_851, %swap3A_852], %mul3A_850 {strides = array<i32>} : memref<128x64xf32, #tpu.memory_space<vmem>>, vector<16xf32>,
        %mul3A_854 = arith.constant 16 : i32
        %mul3A_855 = arith.muli %scan3A_781, %mul3A_854 : i32
        %add3A_856 = arith.constant 2 : i32
        %add3A_857 = arith.addi %mul3A_855, %add3A_856 : i32
        %slice3A_858 = vector.extract_strided_slice %get3A_785 {offsets = [2], sizes = [1], strides = [1]} : vector<16xf32> to vector<1xf32>
        %squeeze3A_859 = vector.extract %slice3A_858[0] : f32 from vector<1xf32>
        %broadcast_in_dim3A_860 = vector.broadcast %squeeze3A_859 : f32 to vector<16xf32>
        %get3A_861 = arith.index_cast %add3A_857 : i32 to index
        %get3A_862 = arith.constant 0 : index
        %get3A_863 = tpu.vector_load %arg16[%get3A_861, %get3A_862] {strides = array<i32>} : memref<128x64xf32, #tpu.memory_space<vmem>>, vector<16xf32>,
        %mul3A_864 = arith.mulf %get3A_863, %broadcast_in_dim3A_860 : vector<16xf32>
        %swap3A_865 = arith.index_cast %add3A_857 : i32 to index
        %swap3A_866 = arith.constant 0 : index
        %swap3A_867 = tpu.vector_load %arg16[%swap3A_865, %swap3A_866] {strides = array<i32>} : memref<128x64xf32, #tpu.memory_space<vmem>>, vector<16xf32>,
        tpu.vector_store %arg16[%swap3A_865, %swap3A_866], %mul3A_864 {strides = array<i32>} : memref<128x64xf32, #tpu.memory_space<vmem>>, vector<16xf32>,
        %get3A_868 = arith.index_cast %add3A_857 : i32 to index
        %get3A_869 = arith.constant 16 : index
        %get3A_870 = tpu.vector_load %arg16[%get3A_868, %get3A_869] {strides = array<i32>} : memref<128x64xf32, #tpu.memory_space<vmem>>, vector<16xf32>,
        %mul3A_871 = arith.mulf %get3A_870, %broadcast_in_dim3A_860 : vector<16xf32>
        %swap3A_872 = arith.index_cast %add3A_857 : i32 to index
        %swap3A_873 = arith.constant 16 : index
        %swap3A_874 = tpu.vector_load %arg16[%swap3A_872, %swap3A_873] {strides = array<i32>} : memref<128x64xf32, #tpu.memory_space<vmem>>, vector<16xf32>,
        tpu.vector_store %arg16[%swap3A_872, %swap3A_873], %mul3A_871 {strides = array<i32>} : memref<128x64xf32, #tpu.memory_space<vmem>>, vector<16xf32>,
        %get3A_875 = arith.index_cast %add3A_857 : i32 to index
        %get3A_876 = arith.constant 32 : index
        %get3A_877 = tpu.vector_load %arg16[%get3A_875, %get3A_876] {strides = array<i32>} : memref<128x64xf32, #tpu.memory_space<vmem>>, vector<16xf32>,
        %mul3A_878 = arith.mulf %get3A_877, %broadcast_in_dim3A_860 : vector<16xf32>
        %swap3A_879 = arith.index_cast %add3A_857 : i32 to index
        %swap3A_880 = arith.constant 32 : index
        %swap3A_881 = tpu.vector_load %arg16[%swap3A_879, %swap3A_880] {strides = array<i32>} : memref<128x64xf32, #tpu.memory_space<vmem>>, vector<16xf32>,
        tpu.vector_store %arg16[%swap3A_879, %swap3A_880], %mul3A_878 {strides = array<i32>} : memref<128x64xf32, #tpu.memory_space<vmem>>, vector<16xf32>,
        %get3A_882 = arith.index_cast %add3A_857 : i32 to index
        %get3A_883 = arith.constant 48 : index
        %get3A_884 = tpu.vector_load %arg16[%get3A_882, %get3A_883] {strides = array<i32>} : memref<128x64xf32, #tpu.memory_space<vmem>>, vector<16xf32>,
        %mul3A_885 = arith.mulf %get3A_884, %broadcast_in_dim3A_860 : vector<16xf32>
        %swap3A_886 = arith.index_cast %add3A_857 : i32 to index
        %swap3A_887 = arith.constant 48 : index
        %swap3A_888 = tpu.vector_load %arg16[%swap3A_886, %swap3A_887] {strides = array<i32>} : memref<128x64xf32, #tpu.memory_space<vmem>>, vector<16xf32>,
        tpu.vector_store %arg16[%swap3A_886, %swap3A_887], %mul3A_885 {strides = array<i32>} : memref<128x64xf32, #tpu.memory_space<vmem>>, vector<16xf32>,
        %mul3A_889 = arith.constant 16 : i32
        %mul3A_890 = arith.muli %scan3A_781, %mul3A_889 : i32
        %add3A_891 = arith.constant 3 : i32
        %add3A_892 = arith.addi %mul3A_890, %add3A_891 : i32
        %slice3A_893 = vector.extract_strided_slice %get3A_785 {offsets = [3], sizes = [1], strides = [1]} : vector<16xf32> to vector<1xf32>
        %squeeze3A_894 = vector.extract %slice3A_893[0] : f32 from vector<1xf32>
        %broadcast_in_dim3A_895 = vector.broadcast %squeeze3A_894 : f32 to vector<16xf32>
        %get3A_896 = arith.index_cast %add3A_892 : i32 to index
        %get3A_897 = arith.constant 0 : index
        %get3A_898 = tpu.vector_load %arg16[%get3A_896, %get3A_897] {strides = array<i32>} : memref<128x64xf32, #tpu.memory_space<vmem>>, vector<16xf32>,
        %mul3A_899 = arith.mulf %get3A_898, %broadcast_in_dim3A_895 : vector<16xf32>
        %swap3A_900 = arith.index_cast %add3A_892 : i32 to index
        %swap3A_901 = arith.constant 0 : index
        %swap3A_902 = tpu.vector_load %arg16[%swap3A_900, %swap3A_901] {strides = array<i32>} : memref<128x64xf32, #tpu.memory_space<vmem>>, vector<16xf32>,
        tpu.vector_store %arg16[%swap3A_900, %swap3A_901], %mul3A_899 {strides = array<i32>} : memref<128x64xf32, #tpu.memory_space<vmem>>, vector<16xf32>,
        %get3A_903 = arith.index_cast %add3A_892 : i32 to index
        %get3A_904 = arith.constant 16 : index
        %get3A_905 = tpu.vector_load %arg16[%get3A_903, %get3A_904] {strides = array<i32>} : memref<128x64xf32, #tpu.memory_space<vmem>>, vector<16xf32>,
        %mul3A_906 = arith.mulf %get3A_905, %broadcast_in_dim3A_895 : vector<16xf32>
        %swap3A_907 = arith.index_cast %add3A_892 : i32 to index
        %swap3A_908 = arith.constant 16 : index
        %swap3A_909 = tpu.vector_load %arg16[%swap3A_907, %swap3A_908] {strides = array<i32>} : memref<128x64xf32, #tpu.memory_space<vmem>>, vector<16xf32>,
        tpu.vector_store %arg16[%swap3A_907, %swap3A_908], %mul3A_906 {strides = array<i32>} : memref<128x64xf32, #tpu.memory_space<vmem>>, vector<16xf32>,
        %get3A_910 = arith.index_cast %add3A_892 : i32 to index
        %get3A_911 = arith.constant 32 : index
        %get3A_912 = tpu.vector_load %arg16[%get3A_910, %get3A_911] {strides = array<i32>} : memref<128x64xf32, #tpu.memory_space<vmem>>, vector<16xf32>,
        %mul3A_913 = arith.mulf %get3A_912, %broadcast_in_dim3A_895 : vector<16xf32>
        %swap3A_914 = arith.index_cast %add3A_892 : i32 to index
        %swap3A_915 = arith.constant 32 : index
        %swap3A_916 = tpu.vector_load %arg16[%swap3A_914, %swap3A_915] {strides = array<i32>} : memref<128x64xf32, #tpu.memory_space<vmem>>, vector<16xf32>,
        tpu.vector_store %arg16[%swap3A_914, %swap3A_915], %mul3A_913 {strides = array<i32>} : memref<128x64xf32, #tpu.memory_space<vmem>>, vector<16xf32>,
        %get3A_917 = arith.index_cast %add3A_892 : i32 to index
        %get3A_918 = arith.constant 48 : index
        %get3A_919 = tpu.vector_load %arg16[%get3A_917, %get3A_918] {strides = array<i32>} : memref<128x64xf32, #tpu.memory_space<vmem>>, vector<16xf32>,
        %mul3A_920 = arith.mulf %get3A_919, %broadcast_in_dim3A_895 : vector<16xf32>
        %swap3A_921 = arith.index_cast %add3A_892 : i32 to index
        %swap3A_922 = arith.constant 48 : index
        %swap3A_923 = tpu.vector_load %arg16[%swap3A_921, %swap3A_922] {strides = array<i32>} : memref<128x64xf32, #tpu.memory_space<vmem>>, vector<16xf32>,
        tpu.vector_store %arg16[%swap3A_921, %swap3A_922], %mul3A_920 {strides = array<i32>} : memref<128x64xf32, #tpu.memory_space<vmem>>, vector<16xf32>,
        %mul3A_924 = arith.constant 16 : i32
        %mul3A_925 = arith.muli %scan3A_781, %mul3A_924 : i32
        %add3A_926 = arith.constant 4 : i32
        %add3A_927 = arith.addi %mul3A_925, %add3A_926 : i32
        %slice3A_928 = vector.extract_strided_slice %get3A_785 {offsets = [4], sizes = [1], strides = [1]} : vector<16xf32> to vector<1xf32>
        %squeeze3A_929 = vector.extract %slice3A_928[0] : f32 from vector<1xf32>
        %broadcast_in_dim3A_930 = vector.broadcast %squeeze3A_929 : f32 to vector<16xf32>
        %get3A_931 = arith.index_cast %add3A_927 : i32 to index
        %get3A_932 = arith.constant 0 : index
        %get3A_933 = tpu.vector_load %arg16[%get3A_931, %get3A_932] {strides = array<i32>} : memref<128x64xf32, #tpu.memory_space<vmem>>, vector<16xf32>,
        %mul3A_934 = arith.mulf %get3A_933, %broadcast_in_dim3A_930 : vector<16xf32>
        %swap3A_935 = arith.index_cast %add3A_927 : i32 to index
        %swap3A_936 = arith.constant 0 : index
        %swap3A_937 = tpu.vector_load %arg16[%swap3A_935, %swap3A_936] {strides = array<i32>} : memref<128x64xf32, #tpu.memory_space<vmem>>, vector<16xf32>,
        tpu.vector_store %arg16[%swap3A_935, %swap3A_936], %mul3A_934 {strides = array<i32>} : memref<128x64xf32, #tpu.memory_space<vmem>>, vector<16xf32>,
        %get3A_938 = arith.index_cast %add3A_927 : i32 to index
        %get3A_939 = arith.constant 16 : index
        %get3A_940 = tpu.vector_load %arg16[%get3A_938, %get3A_939] {strides = array<i32>} : memref<128x64xf32, #tpu.memory_space<vmem>>, vector<16xf32>,
        %mul3A_941 = arith.mulf %get3A_940, %broadcast_in_dim3A_930 : vector<16xf32>
        %swap3A_942 = arith.index_cast %add3A_927 : i32 to index
        %swap3A_943 = arith.constant 16 : index
        %swap3A_944 = tpu.vector_load %arg16[%swap3A_942, %swap3A_943] {strides = array<i32>} : memref<128x64xf32, #tpu.memory_space<vmem>>, vector<16xf32>,
        tpu.vector_store %arg16[%swap3A_942, %swap3A_943], %mul3A_941 {strides = array<i32>} : memref<128x64xf32, #tpu.memory_space<vmem>>, vector<16xf32>,
        %get3A_945 = arith.index_cast %add3A_927 : i32 to index
        %get3A_946 = arith.constant 32 : index
        %get3A_947 = tpu.vector_load %arg16[%get3A_945, %get3A_946] {strides = array<i32>} : memref<128x64xf32, #tpu.memory_space<vmem>>, vector<16xf32>,
        %mul3A_948 = arith.mulf %get3A_947, %broadcast_in_dim3A_930 : vector<16xf32>
        %swap3A_949 = arith.index_cast %add3A_927 : i32 to index
        %swap3A_950 = arith.constant 32 : index
        %swap3A_951 = tpu.vector_load %arg16[%swap3A_949, %swap3A_950] {strides = array<i32>} : memref<128x64xf32, #tpu.memory_space<vmem>>, vector<16xf32>,
        tpu.vector_store %arg16[%swap3A_949, %swap3A_950], %mul3A_948 {strides = array<i32>} : memref<128x64xf32, #tpu.memory_space<vmem>>, vector<16xf32>,
        %get3A_952 = arith.index_cast %add3A_927 : i32 to index
        %get3A_953 = arith.constant 48 : index
        %get3A_954 = tpu.vector_load %arg16[%get3A_952, %get3A_953] {strides = array<i32>} : memref<128x64xf32, #tpu.memory_space<vmem>>, vector<16xf32>,
        %mul3A_955 = arith.mulf %get3A_954, %broadcast_in_dim3A_930 : vector<16xf32>
        %swap3A_956 = arith.index_cast %add3A_927 : i32 to index
        %swap3A_957 = arith.constant 48 : index
        %swap3A_958 = tpu.vector_load %arg16[%swap3A_956, %swap3A_957] {strides = array<i32>} : memref<128x64xf32, #tpu.memory_space<vmem>>, vector<16xf32>,
        tpu.vector_store %arg16[%swap3A_956, %swap3A_957], %mul3A_955 {strides = array<i32>} : memref<128x64xf32, #tpu.memory_space<vmem>>, vector<16xf32>,
        %mul3A_959 = arith.constant 16 : i32
        %mul3A_960 = arith.muli %scan3A_781, %mul3A_959 : i32
        %add3A_961 = arith.constant 5 : i32
        %add3A_962 = arith.addi %mul3A_960, %add3A_961 : i32
        %slice3A_963 = vector.extract_strided_slice %get3A_785 {offsets = [5], sizes = [1], strides = [1]} : vector<16xf32> to vector<1xf32>
        %squeeze3A_964 = vector.extract %slice3A_963[0] : f32 from vector<1xf32>
        %broadcast_in_dim3A_965 = vector.broadcast %squeeze3A_964 : f32 to vector<16xf32>
        %get3A_966 = arith.index_cast %add3A_962 : i32 to index
        %get3A_967 = arith.constant 0 : index
        %get3A_968 = tpu.vector_load %arg16[%get3A_966, %get3A_967] {strides = array<i32>} : memref<128x64xf32, #tpu.memory_space<vmem>>, vector<16xf32>,
        %mul3A_969 = arith.mulf %get3A_968, %broadcast_in_dim3A_965 : vector<16xf32>
        %swap3A_970 = arith.index_cast %add3A_962 : i32 to index
        %swap3A_971 = arith.constant 0 : index
        %swap3A_972 = tpu.vector_load %arg16[%swap3A_970, %swap3A_971] {strides = array<i32>} : memref<128x64xf32, #tpu.memory_space<vmem>>, vector<16xf32>,
        tpu.vector_store %arg16[%swap3A_970, %swap3A_971], %mul3A_969 {strides = array<i32>} : memref<128x64xf32, #tpu.memory_space<vmem>>, vector<16xf32>,
        %get3A_973 = arith.index_cast %add3A_962 : i32 to index
        %get3A_974 = arith.constant 16 : index
        %get3A_975 = tpu.vector_load %arg16[%get3A_973, %get3A_974] {strides = array<i32>} : memref<128x64xf32, #tpu.memory_space<vmem>>, vector<16xf32>,
        %mul3A_976 = arith.mulf %get3A_975, %broadcast_in_dim3A_965 : vector<16xf32>
        %swap3A_977 = arith.index_cast %add3A_962 : i32 to index
        %swap3A_978 = arith.constant 16 : index
        %swap3A_979 = tpu.vector_load %arg16[%swap3A_977, %swap3A_978] {strides = array<i32>} : memref<128x64xf32, #tpu.memory_space<vmem>>, vector<16xf32>,
        tpu.vector_store %arg16[%swap3A_977, %swap3A_978], %mul3A_976 {strides = array<i32>} : memref<128x64xf32, #tpu.memory_space<vmem>>, vector<16xf32>,
        %get3A_980 = arith.index_cast %add3A_962 : i32 to index
        %get3A_981 = arith.constant 32 : index
        %get3A_982 = tpu.vector_load %arg16[%get3A_980, %get3A_981] {strides = array<i32>} : memref<128x64xf32, #tpu.memory_space<vmem>>, vector<16xf32>,
        %mul3A_983 = arith.mulf %get3A_982, %broadcast_in_dim3A_965 : vector<16xf32>
        %swap3A_984 = arith.index_cast %add3A_962 : i32 to index
        %swap3A_985 = arith.constant 32 : index
        %swap3A_986 = tpu.vector_load %arg16[%swap3A_984, %swap3A_985] {strides = array<i32>} : memref<128x64xf32, #tpu.memory_space<vmem>>, vector<16xf32>,
        tpu.vector_store %arg16[%swap3A_984, %swap3A_985], %mul3A_983 {strides = array<i32>} : memref<128x64xf32, #tpu.memory_space<vmem>>, vector<16xf32>,
        %get3A_987 = arith.index_cast %add3A_962 : i32 to index
        %get3A_988 = arith.constant 48 : index
        %get3A_989 = tpu.vector_load %arg16[%get3A_987, %get3A_988] {strides = array<i32>} : memref<128x64xf32, #tpu.memory_space<vmem>>, vector<16xf32>,
        %mul3A_990 = arith.mulf %get3A_989, %broadcast_in_dim3A_965 : vector<16xf32>
        %swap3A_991 = arith.index_cast %add3A_962 : i32 to index
        %swap3A_992 = arith.constant 48 : index
        %swap3A_993 = tpu.vector_load %arg16[%swap3A_991, %swap3A_992] {strides = array<i32>} : memref<128x64xf32, #tpu.memory_space<vmem>>, vector<16xf32>,
        tpu.vector_store %arg16[%swap3A_991, %swap3A_992], %mul3A_990 {strides = array<i32>} : memref<128x64xf32, #tpu.memory_space<vmem>>, vector<16xf32>,
        %mul3A_994 = arith.constant 16 : i32
        %mul3A_995 = arith.muli %scan3A_781, %mul3A_994 : i32
        %add3A_996 = arith.constant 6 : i32
        %add3A_997 = arith.addi %mul3A_995, %add3A_996 : i32
        %slice3A_998 = vector.extract_strided_slice %get3A_785 {offsets = [6], sizes = [1], strides = [1]} : vector<16xf32> to vector<1xf32>
        %squeeze3A_999 = vector.extract %slice3A_998[0] : f32 from vector<1xf32>
        %broadcast_in_dim3A_1000 = vector.broadcast %squeeze3A_999 : f32 to vector<16xf32>
        %get3A_1001 = arith.index_cast %add3A_997 : i32 to index
        %get3A_1002 = arith.constant 0 : index
        %get3A_1003 = tpu.vector_load %arg16[%get3A_1001, %get3A_1002] {strides = array<i32>} : memref<128x64xf32, #tpu.memory_space<vmem>>, vector<16xf32>,
        %mul3A_1004 = arith.mulf %get3A_1003, %broadcast_in_dim3A_1000 : vector<16xf32>
        %swap3A_1005 = arith.index_cast %add3A_997 : i32 to index
        %swap3A_1006 = arith.constant 0 : index
        %swap3A_1007 = tpu.vector_load %arg16[%swap3A_1005, %swap3A_1006] {strides = array<i32>} : memref<128x64xf32, #tpu.memory_space<vmem>>, vector<16xf32>,
        tpu.vector_store %arg16[%swap3A_1005, %swap3A_1006], %mul3A_1004 {strides = array<i32>} : memref<128x64xf32, #tpu.memory_space<vmem>>, vector<16xf32>,
        %get3A_1008 = arith.index_cast %add3A_997 : i32 to index
        %get3A_1009 = arith.constant 16 : index
        %get3A_1010 = tpu.vector_load %arg16[%get3A_1008, %get3A_1009] {strides = array<i32>} : memref<128x64xf32, #tpu.memory_space<vmem>>, vector<16xf32>,
        %mul3A_1011 = arith.mulf %get3A_1010, %broadcast_in_dim3A_1000 : vector<16xf32>
        %swap3A_1012 = arith.index_cast %add3A_997 : i32 to index
        %swap3A_1013 = arith.constant 16 : index
        %swap3A_1014 = tpu.vector_load %arg16[%swap3A_1012, %swap3A_1013] {strides = array<i32>} : memref<128x64xf32, #tpu.memory_space<vmem>>, vector<16xf32>,
        tpu.vector_store %arg16[%swap3A_1012, %swap3A_1013], %mul3A_1011 {strides = array<i32>} : memref<128x64xf32, #tpu.memory_space<vmem>>, vector<16xf32>,
        %get3A_1015 = arith.index_cast %add3A_997 : i32 to index
        %get3A_1016 = arith.constant 32 : index
        %get3A_1017 = tpu.vector_load %arg16[%get3A_1015, %get3A_1016] {strides = array<i32>} : memref<128x64xf32, #tpu.memory_space<vmem>>, vector<16xf32>,
        %mul3A_1018 = arith.mulf %get3A_1017, %broadcast_in_dim3A_1000 : vector<16xf32>
        %swap3A_1019 = arith.index_cast %add3A_997 : i32 to index
        %swap3A_1020 = arith.constant 32 : index
        %swap3A_1021 = tpu.vector_load %arg16[%swap3A_1019, %swap3A_1020] {strides = array<i32>} : memref<128x64xf32, #tpu.memory_space<vmem>>, vector<16xf32>,
        tpu.vector_store %arg16[%swap3A_1019, %swap3A_1020], %mul3A_1018 {strides = array<i32>} : memref<128x64xf32, #tpu.memory_space<vmem>>, vector<16xf32>,
        %get3A_1022 = arith.index_cast %add3A_997 : i32 to index
        %get3A_1023 = arith.constant 48 : index
        %get3A_1024 = tpu.vector_load %arg16[%get3A_1022, %get3A_1023] {strides = array<i32>} : memref<128x64xf32, #tpu.memory_space<vmem>>, vector<16xf32>,
        %mul3A_1025 = arith.mulf %get3A_1024, %broadcast_in_dim3A_1000 : vector<16xf32>
        %swap3A_1026 = arith.index_cast %add3A_997 : i32 to index
        %swap3A_1027 = arith.constant 48 : index
        %swap3A_1028 = tpu.vector_load %arg16[%swap3A_1026, %swap3A_1027] {strides = array<i32>} : memref<128x64xf32, #tpu.memory_space<vmem>>, vector<16xf32>,
        tpu.vector_store %arg16[%swap3A_1026, %swap3A_1027], %mul3A_1025 {strides = array<i32>} : memref<128x64xf32, #tpu.memory_space<vmem>>, vector<16xf32>,
        %mul3A_1029 = arith.constant 16 : i32
        %mul3A_1030 = arith.muli %scan3A_781, %mul3A_1029 : i32
        %add3A_1031 = arith.constant 7 : i32
        %add3A_1032 = arith.addi %mul3A_1030, %add3A_1031 : i32
        %slice3A_1033 = vector.extract_strided_slice %get3A_785 {offsets = [7], sizes = [1], strides = [1]} : vector<16xf32> to vector<1xf32>
        %squeeze3A_1034 = vector.extract %slice3A_1033[0] : f32 from vector<1xf32>
        %broadcast_in_dim3A_1035 = vector.broadcast %squeeze3A_1034 : f32 to vector<16xf32>
        %get3A_1036 = arith.index_cast %add3A_1032 : i32 to index
        %get3A_1037 = arith.constant 0 : index
        %get3A_1038 = tpu.vector_load %arg16[%get3A_1036, %get3A_1037] {strides = array<i32>} : memref<128x64xf32, #tpu.memory_space<vmem>>, vector<16xf32>,
        %mul3A_1039 = arith.mulf %get3A_1038, %broadcast_in_dim3A_1035 : vector<16xf32>
        %swap3A_1040 = arith.index_cast %add3A_1032 : i32 to index
        %swap3A_1041 = arith.constant 0 : index
        %swap3A_1042 = tpu.vector_load %arg16[%swap3A_1040, %swap3A_1041] {strides = array<i32>} : memref<128x64xf32, #tpu.memory_space<vmem>>, vector<16xf32>,
        tpu.vector_store %arg16[%swap3A_1040, %swap3A_1041], %mul3A_1039 {strides = array<i32>} : memref<128x64xf32, #tpu.memory_space<vmem>>, vector<16xf32>,
        %get3A_1043 = arith.index_cast %add3A_1032 : i32 to index
        %get3A_1044 = arith.constant 16 : index
        %get3A_1045 = tpu.vector_load %arg16[%get3A_1043, %get3A_1044] {strides = array<i32>} : memref<128x64xf32, #tpu.memory_space<vmem>>, vector<16xf32>,
        %mul3A_1046 = arith.mulf %get3A_1045, %broadcast_in_dim3A_1035 : vector<16xf32>
        %swap3A_1047 = arith.index_cast %add3A_1032 : i32 to index
        %swap3A_1048 = arith.constant 16 : index
        %swap3A_1049 = tpu.vector_load %arg16[%swap3A_1047, %swap3A_1048] {strides = array<i32>} : memref<128x64xf32, #tpu.memory_space<vmem>>, vector<16xf32>,
        tpu.vector_store %arg16[%swap3A_1047, %swap3A_1048], %mul3A_1046 {strides = array<i32>} : memref<128x64xf32, #tpu.memory_space<vmem>>, vector<16xf32>,
        %get3A_1050 = arith.index_cast %add3A_1032 : i32 to index
        %get3A_1051 = arith.constant 32 : index
        %get3A_1052 = tpu.vector_load %arg16[%get3A_1050, %get3A_1051] {strides = array<i32>} : memref<128x64xf32, #tpu.memory_space<vmem>>, vector<16xf32>,
        %mul3A_1053 = arith.mulf %get3A_1052, %broadcast_in_dim3A_1035 : vector<16xf32>
        %swap3A_1054 = arith.index_cast %add3A_1032 : i32 to index
        %swap3A_1055 = arith.constant 32 : index
        %swap3A_1056 = tpu.vector_load %arg16[%swap3A_1054, %swap3A_1055] {strides = array<i32>} : memref<128x64xf32, #tpu.memory_space<vmem>>, vector<16xf32>,
        tpu.vector_store %arg16[%swap3A_1054, %swap3A_1055], %mul3A_1053 {strides = array<i32>} : memref<128x64xf32, #tpu.memory_space<vmem>>, vector<16xf32>,
        %get3A_1057 = arith.index_cast %add3A_1032 : i32 to index
        %get3A_1058 = arith.constant 48 : index
        %get3A_1059 = tpu.vector_load %arg16[%get3A_1057, %get3A_1058] {strides = array<i32>} : memref<128x64xf32, #tpu.memory_space<vmem>>, vector<16xf32>,
        %mul3A_1060 = arith.mulf %get3A_1059, %broadcast_in_dim3A_1035 : vector<16xf32>
        %swap3A_1061 = arith.index_cast %add3A_1032 : i32 to index
        %swap3A_1062 = arith.constant 48 : index
        %swap3A_1063 = tpu.vector_load %arg16[%swap3A_1061, %swap3A_1062] {strides = array<i32>} : memref<128x64xf32, #tpu.memory_space<vmem>>, vector<16xf32>,
        tpu.vector_store %arg16[%swap3A_1061, %swap3A_1062], %mul3A_1060 {strides = array<i32>} : memref<128x64xf32, #tpu.memory_space<vmem>>, vector<16xf32>,
        %mul3A_1064 = arith.constant 16 : i32
        %mul3A_1065 = arith.muli %scan3A_781, %mul3A_1064 : i32
        %add3A_1066 = arith.constant 8 : i32
        %add3A_1067 = arith.addi %mul3A_1065, %add3A_1066 : i32
        %slice3A_1068 = vector.extract_strided_slice %get3A_785 {offsets = [8], sizes = [1], strides = [1]} : vector<16xf32> to vector<1xf32>
        %squeeze3A_1069 = vector.extract %slice3A_1068[0] : f32 from vector<1xf32>
        %broadcast_in_dim3A_1070 = vector.broadcast %squeeze3A_1069 : f32 to vector<16xf32>
        %get3A_1071 = arith.index_cast %add3A_1067 : i32 to index
        %get3A_1072 = arith.constant 0 : index
        %get3A_1073 = tpu.vector_load %arg16[%get3A_1071, %get3A_1072] {strides = array<i32>} : memref<128x64xf32, #tpu.memory_space<vmem>>, vector<16xf32>,
        %mul3A_1074 = arith.mulf %get3A_1073, %broadcast_in_dim3A_1070 : vector<16xf32>
        %swap3A_1075 = arith.index_cast %add3A_1067 : i32 to index
        %swap3A_1076 = arith.constant 0 : index
        %swap3A_1077 = tpu.vector_load %arg16[%swap3A_1075, %swap3A_1076] {strides = array<i32>} : memref<128x64xf32, #tpu.memory_space<vmem>>, vector<16xf32>,
        tpu.vector_store %arg16[%swap3A_1075, %swap3A_1076], %mul3A_1074 {strides = array<i32>} : memref<128x64xf32, #tpu.memory_space<vmem>>, vector<16xf32>,
        %get3A_1078 = arith.index_cast %add3A_1067 : i32 to index
        %get3A_1079 = arith.constant 16 : index
        %get3A_1080 = tpu.vector_load %arg16[%get3A_1078, %get3A_1079] {strides = array<i32>} : memref<128x64xf32, #tpu.memory_space<vmem>>, vector<16xf32>,
        %mul3A_1081 = arith.mulf %get3A_1080, %broadcast_in_dim3A_1070 : vector<16xf32>
        %swap3A_1082 = arith.index_cast %add3A_1067 : i32 to index
        %swap3A_1083 = arith.constant 16 : index
        %swap3A_1084 = tpu.vector_load %arg16[%swap3A_1082, %swap3A_1083] {strides = array<i32>} : memref<128x64xf32, #tpu.memory_space<vmem>>, vector<16xf32>,
        tpu.vector_store %arg16[%swap3A_1082, %swap3A_1083], %mul3A_1081 {strides = array<i32>} : memref<128x64xf32, #tpu.memory_space<vmem>>, vector<16xf32>,
        %get3A_1085 = arith.index_cast %add3A_1067 : i32 to index
        %get3A_1086 = arith.constant 32 : index
        %get3A_1087 = tpu.vector_load %arg16[%get3A_1085, %get3A_1086] {strides = array<i32>} : memref<128x64xf32, #tpu.memory_space<vmem>>, vector<16xf32>,
        %mul3A_1088 = arith.mulf %get3A_1087, %broadcast_in_dim3A_1070 : vector<16xf32>
        %swap3A_1089 = arith.index_cast %add3A_1067 : i32 to index
        %swap3A_1090 = arith.constant 32 : index
        %swap3A_1091 = tpu.vector_load %arg16[%swap3A_1089, %swap3A_1090] {strides = array<i32>} : memref<128x64xf32, #tpu.memory_space<vmem>>, vector<16xf32>,
        tpu.vector_store %arg16[%swap3A_1089, %swap3A_1090], %mul3A_1088 {strides = array<i32>} : memref<128x64xf32, #tpu.memory_space<vmem>>, vector<16xf32>,
        %get3A_1092 = arith.index_cast %add3A_1067 : i32 to index
        %get3A_1093 = arith.constant 48 : index
        %get3A_1094 = tpu.vector_load %arg16[%get3A_1092, %get3A_1093] {strides = array<i32>} : memref<128x64xf32, #tpu.memory_space<vmem>>, vector<16xf32>,
        %mul3A_1095 = arith.mulf %get3A_1094, %broadcast_in_dim3A_1070 : vector<16xf32>
        %swap3A_1096 = arith.index_cast %add3A_1067 : i32 to index
        %swap3A_1097 = arith.constant 48 : index
        %swap3A_1098 = tpu.vector_load %arg16[%swap3A_1096, %swap3A_1097] {strides = array<i32>} : memref<128x64xf32, #tpu.memory_space<vmem>>, vector<16xf32>,
        tpu.vector_store %arg16[%swap3A_1096, %swap3A_1097], %mul3A_1095 {strides = array<i32>} : memref<128x64xf32, #tpu.memory_space<vmem>>, vector<16xf32>,
        %mul3A_1099 = arith.constant 16 : i32
        %mul3A_1100 = arith.muli %scan3A_781, %mul3A_1099 : i32
        %add3A_1101 = arith.constant 9 : i32
        %add3A_1102 = arith.addi %mul3A_1100, %add3A_1101 : i32
        %slice3A_1103 = vector.extract_strided_slice %get3A_785 {offsets = [9], sizes = [1], strides = [1]} : vector<16xf32> to vector<1xf32>
        %squeeze3A_1104 = vector.extract %slice3A_1103[0] : f32 from vector<1xf32>
        %broadcast_in_dim3A_1105 = vector.broadcast %squeeze3A_1104 : f32 to vector<16xf32>
        %get3A_1106 = arith.index_cast %add3A_1102 : i32 to index
        %get3A_1107 = arith.constant 0 : index
        %get3A_1108 = tpu.vector_load %arg16[%get3A_1106, %get3A_1107] {strides = array<i32>} : memref<128x64xf32, #tpu.memory_space<vmem>>, vector<16xf32>,
        %mul3A_1109 = arith.mulf %get3A_1108, %broadcast_in_dim3A_1105 : vector<16xf32>
        %swap3A_1110 = arith.index_cast %add3A_1102 : i32 to index
        %swap3A_1111 = arith.constant 0 : index
        %swap3A_1112 = tpu.vector_load %arg16[%swap3A_1110, %swap3A_1111] {strides = array<i32>} : memref<128x64xf32, #tpu.memory_space<vmem>>, vector<16xf32>,
        tpu.vector_store %arg16[%swap3A_1110, %swap3A_1111], %mul3A_1109 {strides = array<i32>} : memref<128x64xf32, #tpu.memory_space<vmem>>, vector<16xf32>,
        %get3A_1113 = arith.index_cast %add3A_1102 : i32 to index
        %get3A_1114 = arith.constant 16 : index
        %get3A_1115 = tpu.vector_load %arg16[%get3A_1113, %get3A_1114] {strides = array<i32>} : memref<128x64xf32, #tpu.memory_space<vmem>>, vector<16xf32>,
        %mul3A_1116 = arith.mulf %get3A_1115, %broadcast_in_dim3A_1105 : vector<16xf32>
        %swap3A_1117 = arith.index_cast %add3A_1102 : i32 to index
        %swap3A_1118 = arith.constant 16 : index
        %swap3A_1119 = tpu.vector_load %arg16[%swap3A_1117, %swap3A_1118] {strides = array<i32>} : memref<128x64xf32, #tpu.memory_space<vmem>>, vector<16xf32>,
        tpu.vector_store %arg16[%swap3A_1117, %swap3A_1118], %mul3A_1116 {strides = array<i32>} : memref<128x64xf32, #tpu.memory_space<vmem>>, vector<16xf32>,
        %get3A_1120 = arith.index_cast %add3A_1102 : i32 to index
        %get3A_1121 = arith.constant 32 : index
        %get3A_1122 = tpu.vector_load %arg16[%get3A_1120, %get3A_1121] {strides = array<i32>} : memref<128x64xf32, #tpu.memory_space<vmem>>, vector<16xf32>,
        %mul3A_1123 = arith.mulf %get3A_1122, %broadcast_in_dim3A_1105 : vector<16xf32>
        %swap3A_1124 = arith.index_cast %add3A_1102 : i32 to index
        %swap3A_1125 = arith.constant 32 : index
        %swap3A_1126 = tpu.vector_load %arg16[%swap3A_1124, %swap3A_1125] {strides = array<i32>} : memref<128x64xf32, #tpu.memory_space<vmem>>, vector<16xf32>,
        tpu.vector_store %arg16[%swap3A_1124, %swap3A_1125], %mul3A_1123 {strides = array<i32>} : memref<128x64xf32, #tpu.memory_space<vmem>>, vector<16xf32>,
        %get3A_1127 = arith.index_cast %add3A_1102 : i32 to index
        %get3A_1128 = arith.constant 48 : index
        %get3A_1129 = tpu.vector_load %arg16[%get3A_1127, %get3A_1128] {strides = array<i32>} : memref<128x64xf32, #tpu.memory_space<vmem>>, vector<16xf32>,
        %mul3A_1130 = arith.mulf %get3A_1129, %broadcast_in_dim3A_1105 : vector<16xf32>
        %swap3A_1131 = arith.index_cast %add3A_1102 : i32 to index
        %swap3A_1132 = arith.constant 48 : index
        %swap3A_1133 = tpu.vector_load %arg16[%swap3A_1131, %swap3A_1132] {strides = array<i32>} : memref<128x64xf32, #tpu.memory_space<vmem>>, vector<16xf32>,
        tpu.vector_store %arg16[%swap3A_1131, %swap3A_1132], %mul3A_1130 {strides = array<i32>} : memref<128x64xf32, #tpu.memory_space<vmem>>, vector<16xf32>,
        %mul3A_1134 = arith.constant 16 : i32
        %mul3A_1135 = arith.muli %scan3A_781, %mul3A_1134 : i32
        %add3A_1136 = arith.constant 10 : i32
        %add3A_1137 = arith.addi %mul3A_1135, %add3A_1136 : i32
        %slice3A_1138 = vector.extract_strided_slice %get3A_785 {offsets = [10], sizes = [1], strides = [1]} : vector<16xf32> to vector<1xf32>
        %squeeze3A_1139 = vector.extract %slice3A_1138[0] : f32 from vector<1xf32>
        %broadcast_in_dim3A_1140 = vector.broadcast %squeeze3A_1139 : f32 to vector<16xf32>
        %get3A_1141 = arith.index_cast %add3A_1137 : i32 to index
        %get3A_1142 = arith.constant 0 : index
        %get3A_1143 = tpu.vector_load %arg16[%get3A_1141, %get3A_1142] {strides = array<i32>} : memref<128x64xf32, #tpu.memory_space<vmem>>, vector<16xf32>,
        %mul3A_1144 = arith.mulf %get3A_1143, %broadcast_in_dim3A_1140 : vector<16xf32>
        %swap3A_1145 = arith.index_cast %add3A_1137 : i32 to index
        %swap3A_1146 = arith.constant 0 : index
        %swap3A_1147 = tpu.vector_load %arg16[%swap3A_1145, %swap3A_1146] {strides = array<i32>} : memref<128x64xf32, #tpu.memory_space<vmem>>, vector<16xf32>,
        tpu.vector_store %arg16[%swap3A_1145, %swap3A_1146], %mul3A_1144 {strides = array<i32>} : memref<128x64xf32, #tpu.memory_space<vmem>>, vector<16xf32>,
        %get3A_1148 = arith.index_cast %add3A_1137 : i32 to index
        %get3A_1149 = arith.constant 16 : index
        %get3A_1150 = tpu.vector_load %arg16[%get3A_1148, %get3A_1149] {strides = array<i32>} : memref<128x64xf32, #tpu.memory_space<vmem>>, vector<16xf32>,
        %mul3A_1151 = arith.mulf %get3A_1150, %broadcast_in_dim3A_1140 : vector<16xf32>
        %swap3A_1152 = arith.index_cast %add3A_1137 : i32 to index
        %swap3A_1153 = arith.constant 16 : index
        %swap3A_1154 = tpu.vector_load %arg16[%swap3A_1152, %swap3A_1153] {strides = array<i32>} : memref<128x64xf32, #tpu.memory_space<vmem>>, vector<16xf32>,
        tpu.vector_store %arg16[%swap3A_1152, %swap3A_1153], %mul3A_1151 {strides = array<i32>} : memref<128x64xf32, #tpu.memory_space<vmem>>, vector<16xf32>,
        %get3A_1155 = arith.index_cast %add3A_1137 : i32 to index
        %get3A_1156 = arith.constant 32 : index
        %get3A_1157 = tpu.vector_load %arg16[%get3A_1155, %get3A_1156] {strides = array<i32>} : memref<128x64xf32, #tpu.memory_space<vmem>>, vector<16xf32>,
        %mul3A_1158 = arith.mulf %get3A_1157, %broadcast_in_dim3A_1140 : vector<16xf32>
        %swap3A_1159 = arith.index_cast %add3A_1137 : i32 to index
        %swap3A_1160 = arith.constant 32 : index
        %swap3A_1161 = tpu.vector_load %arg16[%swap3A_1159, %swap3A_1160] {strides = array<i32>} : memref<128x64xf32, #tpu.memory_space<vmem>>, vector<16xf32>,
        tpu.vector_store %arg16[%swap3A_1159, %swap3A_1160], %mul3A_1158 {strides = array<i32>} : memref<128x64xf32, #tpu.memory_space<vmem>>, vector<16xf32>,
        %get3A_1162 = arith.index_cast %add3A_1137 : i32 to index
        %get3A_1163 = arith.constant 48 : index
        %get3A_1164 = tpu.vector_load %arg16[%get3A_1162, %get3A_1163] {strides = array<i32>} : memref<128x64xf32, #tpu.memory_space<vmem>>, vector<16xf32>,
        %mul3A_1165 = arith.mulf %get3A_1164, %broadcast_in_dim3A_1140 : vector<16xf32>
        %swap3A_1166 = arith.index_cast %add3A_1137 : i32 to index
        %swap3A_1167 = arith.constant 48 : index
        %swap3A_1168 = tpu.vector_load %arg16[%swap3A_1166, %swap3A_1167] {strides = array<i32>} : memref<128x64xf32, #tpu.memory_space<vmem>>, vector<16xf32>,
        tpu.vector_store %arg16[%swap3A_1166, %swap3A_1167], %mul3A_1165 {strides = array<i32>} : memref<128x64xf32, #tpu.memory_space<vmem>>, vector<16xf32>,
        %mul3A_1169 = arith.constant 16 : i32
        %mul3A_1170 = arith.muli %scan3A_781, %mul3A_1169 : i32
        %add3A_1171 = arith.constant 11 : i32
        %add3A_1172 = arith.addi %mul3A_1170, %add3A_1171 : i32
        %slice3A_1173 = vector.extract_strided_slice %get3A_785 {offsets = [11], sizes = [1], strides = [1]} : vector<16xf32> to vector<1xf32>
        %squeeze3A_1174 = vector.extract %slice3A_1173[0] : f32 from vector<1xf32>
        %broadcast_in_dim3A_1175 = vector.broadcast %squeeze3A_1174 : f32 to vector<16xf32>
        %get3A_1176 = arith.index_cast %add3A_1172 : i32 to index
        %get3A_1177 = arith.constant 0 : index
        %get3A_1178 = tpu.vector_load %arg16[%get3A_1176, %get3A_1177] {strides = array<i32>} : memref<128x64xf32, #tpu.memory_space<vmem>>, vector<16xf32>,
        %mul3A_1179 = arith.mulf %get3A_1178, %broadcast_in_dim3A_1175 : vector<16xf32>
        %swap3A_1180 = arith.index_cast %add3A_1172 : i32 to index
        %swap3A_1181 = arith.constant 0 : index
        %swap3A_1182 = tpu.vector_load %arg16[%swap3A_1180, %swap3A_1181] {strides = array<i32>} : memref<128x64xf32, #tpu.memory_space<vmem>>, vector<16xf32>,
        tpu.vector_store %arg16[%swap3A_1180, %swap3A_1181], %mul3A_1179 {strides = array<i32>} : memref<128x64xf32, #tpu.memory_space<vmem>>, vector<16xf32>,
        %get3A_1183 = arith.index_cast %add3A_1172 : i32 to index
        %get3A_1184 = arith.constant 16 : index
        %get3A_1185 = tpu.vector_load %arg16[%get3A_1183, %get3A_1184] {strides = array<i32>} : memref<128x64xf32, #tpu.memory_space<vmem>>, vector<16xf32>,
        %mul3A_1186 = arith.mulf %get3A_1185, %broadcast_in_dim3A_1175 : vector<16xf32>
        %swap3A_1187 = arith.index_cast %add3A_1172 : i32 to index
        %swap3A_1188 = arith.constant 16 : index
        %swap3A_1189 = tpu.vector_load %arg16[%swap3A_1187, %swap3A_1188] {strides = array<i32>} : memref<128x64xf32, #tpu.memory_space<vmem>>, vector<16xf32>,
        tpu.vector_store %arg16[%swap3A_1187, %swap3A_1188], %mul3A_1186 {strides = array<i32>} : memref<128x64xf32, #tpu.memory_space<vmem>>, vector<16xf32>,
        %get3A_1190 = arith.index_cast %add3A_1172 : i32 to index
        %get3A_1191 = arith.constant 32 : index
        %get3A_1192 = tpu.vector_load %arg16[%get3A_1190, %get3A_1191] {strides = array<i32>} : memref<128x64xf32, #tpu.memory_space<vmem>>, vector<16xf32>,
        %mul3A_1193 = arith.mulf %get3A_1192, %broadcast_in_dim3A_1175 : vector<16xf32>
        %swap3A_1194 = arith.index_cast %add3A_1172 : i32 to index
        %swap3A_1195 = arith.constant 32 : index
        %swap3A_1196 = tpu.vector_load %arg16[%swap3A_1194, %swap3A_1195] {strides = array<i32>} : memref<128x64xf32, #tpu.memory_space<vmem>>, vector<16xf32>,
        tpu.vector_store %arg16[%swap3A_1194, %swap3A_1195], %mul3A_1193 {strides = array<i32>} : memref<128x64xf32, #tpu.memory_space<vmem>>, vector<16xf32>,
        %get3A_1197 = arith.index_cast %add3A_1172 : i32 to index
        %get3A_1198 = arith.constant 48 : index
        %get3A_1199 = tpu.vector_load %arg16[%get3A_1197, %get3A_1198] {strides = array<i32>} : memref<128x64xf32, #tpu.memory_space<vmem>>, vector<16xf32>,
        %mul3A_1200 = arith.mulf %get3A_1199, %broadcast_in_dim3A_1175 : vector<16xf32>
        %swap3A_1201 = arith.index_cast %add3A_1172 : i32 to index
        %swap3A_1202 = arith.constant 48 : index
        %swap3A_1203 = tpu.vector_load %arg16[%swap3A_1201, %swap3A_1202] {strides = array<i32>} : memref<128x64xf32, #tpu.memory_space<vmem>>, vector<16xf32>,
        tpu.vector_store %arg16[%swap3A_1201, %swap3A_1202], %mul3A_1200 {strides = array<i32>} : memref<128x64xf32, #tpu.memory_space<vmem>>, vector<16xf32>,
        %mul3A_1204 = arith.constant 16 : i32
        %mul3A_1205 = arith.muli %scan3A_781, %mul3A_1204 : i32
        %add3A_1206 = arith.constant 12 : i32
        %add3A_1207 = arith.addi %mul3A_1205, %add3A_1206 : i32
        %slice3A_1208 = vector.extract_strided_slice %get3A_785 {offsets = [12], sizes = [1], strides = [1]} : vector<16xf32> to vector<1xf32>
        %squeeze3A_1209 = vector.extract %slice3A_1208[0] : f32 from vector<1xf32>
        %broadcast_in_dim3A_1210 = vector.broadcast %squeeze3A_1209 : f32 to vector<16xf32>
        %get3A_1211 = arith.index_cast %add3A_1207 : i32 to index
        %get3A_1212 = arith.constant 0 : index
        %get3A_1213 = tpu.vector_load %arg16[%get3A_1211, %get3A_1212] {strides = array<i32>} : memref<128x64xf32, #tpu.memory_space<vmem>>, vector<16xf32>,
        %mul3A_1214 = arith.mulf %get3A_1213, %broadcast_in_dim3A_1210 : vector<16xf32>
        %swap3A_1215 = arith.index_cast %add3A_1207 : i32 to index
        %swap3A_1216 = arith.constant 0 : index
        %swap3A_1217 = tpu.vector_load %arg16[%swap3A_1215, %swap3A_1216] {strides = array<i32>} : memref<128x64xf32, #tpu.memory_space<vmem>>, vector<16xf32>,
        tpu.vector_store %arg16[%swap3A_1215, %swap3A_1216], %mul3A_1214 {strides = array<i32>} : memref<128x64xf32, #tpu.memory_space<vmem>>, vector<16xf32>,
        %get3A_1218 = arith.index_cast %add3A_1207 : i32 to index
        %get3A_1219 = arith.constant 16 : index
        %get3A_1220 = tpu.vector_load %arg16[%get3A_1218, %get3A_1219] {strides = array<i32>} : memref<128x64xf32, #tpu.memory_space<vmem>>, vector<16xf32>,
        %mul3A_1221 = arith.mulf %get3A_1220, %broadcast_in_dim3A_1210 : vector<16xf32>
        %swap3A_1222 = arith.index_cast %add3A_1207 : i32 to index
        %swap3A_1223 = arith.constant 16 : index
        %swap3A_1224 = tpu.vector_load %arg16[%swap3A_1222, %swap3A_1223] {strides = array<i32>} : memref<128x64xf32, #tpu.memory_space<vmem>>, vector<16xf32>,
        tpu.vector_store %arg16[%swap3A_1222, %swap3A_1223], %mul3A_1221 {strides = array<i32>} : memref<128x64xf32, #tpu.memory_space<vmem>>, vector<16xf32>,
        %get3A_1225 = arith.index_cast %add3A_1207 : i32 to index
        %get3A_1226 = arith.constant 32 : index
        %get3A_1227 = tpu.vector_load %arg16[%get3A_1225, %get3A_1226] {strides = array<i32>} : memref<128x64xf32, #tpu.memory_space<vmem>>, vector<16xf32>,
        %mul3A_1228 = arith.mulf %get3A_1227, %broadcast_in_dim3A_1210 : vector<16xf32>
        %swap3A_1229 = arith.index_cast %add3A_1207 : i32 to index
        %swap3A_1230 = arith.constant 32 : index
        %swap3A_1231 = tpu.vector_load %arg16[%swap3A_1229, %swap3A_1230] {strides = array<i32>} : memref<128x64xf32, #tpu.memory_space<vmem>>, vector<16xf32>,
        tpu.vector_store %arg16[%swap3A_1229, %swap3A_1230], %mul3A_1228 {strides = array<i32>} : memref<128x64xf32, #tpu.memory_space<vmem>>, vector<16xf32>,
        %get3A_1232 = arith.index_cast %add3A_1207 : i32 to index
        %get3A_1233 = arith.constant 48 : index
        %get3A_1234 = tpu.vector_load %arg16[%get3A_1232, %get3A_1233] {strides = array<i32>} : memref<128x64xf32, #tpu.memory_space<vmem>>, vector<16xf32>,
        %mul3A_1235 = arith.mulf %get3A_1234, %broadcast_in_dim3A_1210 : vector<16xf32>
        %swap3A_1236 = arith.index_cast %add3A_1207 : i32 to index
        %swap3A_1237 = arith.constant 48 : index
        %swap3A_1238 = tpu.vector_load %arg16[%swap3A_1236, %swap3A_1237] {strides = array<i32>} : memref<128x64xf32, #tpu.memory_space<vmem>>, vector<16xf32>,
        tpu.vector_store %arg16[%swap3A_1236, %swap3A_1237], %mul3A_1235 {strides = array<i32>} : memref<128x64xf32, #tpu.memory_space<vmem>>, vector<16xf32>,
        %mul3A_1239 = arith.constant 16 : i32
        %mul3A_1240 = arith.muli %scan3A_781, %mul3A_1239 : i32
        %add3A_1241 = arith.constant 13 : i32
        %add3A_1242 = arith.addi %mul3A_1240, %add3A_1241 : i32
        %slice3A_1243 = vector.extract_strided_slice %get3A_785 {offsets = [13], sizes = [1], strides = [1]} : vector<16xf32> to vector<1xf32>
        %squeeze3A_1244 = vector.extract %slice3A_1243[0] : f32 from vector<1xf32>
        %broadcast_in_dim3A_1245 = vector.broadcast %squeeze3A_1244 : f32 to vector<16xf32>
        %get3A_1246 = arith.index_cast %add3A_1242 : i32 to index
        %get3A_1247 = arith.constant 0 : index
        %get3A_1248 = tpu.vector_load %arg16[%get3A_1246, %get3A_1247] {strides = array<i32>} : memref<128x64xf32, #tpu.memory_space<vmem>>, vector<16xf32>,
        %mul3A_1249 = arith.mulf %get3A_1248, %broadcast_in_dim3A_1245 : vector<16xf32>
        %swap3A_1250 = arith.index_cast %add3A_1242 : i32 to index
        %swap3A_1251 = arith.constant 0 : index
        %swap3A_1252 = tpu.vector_load %arg16[%swap3A_1250, %swap3A_1251] {strides = array<i32>} : memref<128x64xf32, #tpu.memory_space<vmem>>, vector<16xf32>,
        tpu.vector_store %arg16[%swap3A_1250, %swap3A_1251], %mul3A_1249 {strides = array<i32>} : memref<128x64xf32, #tpu.memory_space<vmem>>, vector<16xf32>,
        %get3A_1253 = arith.index_cast %add3A_1242 : i32 to index
        %get3A_1254 = arith.constant 16 : index
        %get3A_1255 = tpu.vector_load %arg16[%get3A_1253, %get3A_1254] {strides = array<i32>} : memref<128x64xf32, #tpu.memory_space<vmem>>, vector<16xf32>,
        %mul3A_1256 = arith.mulf %get3A_1255, %broadcast_in_dim3A_1245 : vector<16xf32>
        %swap3A_1257 = arith.index_cast %add3A_1242 : i32 to index
        %swap3A_1258 = arith.constant 16 : index
        %swap3A_1259 = tpu.vector_load %arg16[%swap3A_1257, %swap3A_1258] {strides = array<i32>} : memref<128x64xf32, #tpu.memory_space<vmem>>, vector<16xf32>,
        tpu.vector_store %arg16[%swap3A_1257, %swap3A_1258], %mul3A_1256 {strides = array<i32>} : memref<128x64xf32, #tpu.memory_space<vmem>>, vector<16xf32>,
        %get3A_1260 = arith.index_cast %add3A_1242 : i32 to index
        %get3A_1261 = arith.constant 32 : index
        %get3A_1262 = tpu.vector_load %arg16[%get3A_1260, %get3A_1261] {strides = array<i32>} : memref<128x64xf32, #tpu.memory_space<vmem>>, vector<16xf32>,
        %mul3A_1263 = arith.mulf %get3A_1262, %broadcast_in_dim3A_1245 : vector<16xf32>
        %swap3A_1264 = arith.index_cast %add3A_1242 : i32 to index
        %swap3A_1265 = arith.constant 32 : index
        %swap3A_1266 = tpu.vector_load %arg16[%swap3A_1264, %swap3A_1265] {strides = array<i32>} : memref<128x64xf32, #tpu.memory_space<vmem>>, vector<16xf32>,
        tpu.vector_store %arg16[%swap3A_1264, %swap3A_1265], %mul3A_1263 {strides = array<i32>} : memref<128x64xf32, #tpu.memory_space<vmem>>, vector<16xf32>,
        %get3A_1267 = arith.index_cast %add3A_1242 : i32 to index
        %get3A_1268 = arith.constant 48 : index
        %get3A_1269 = tpu.vector_load %arg16[%get3A_1267, %get3A_1268] {strides = array<i32>} : memref<128x64xf32, #tpu.memory_space<vmem>>, vector<16xf32>,
        %mul3A_1270 = arith.mulf %get3A_1269, %broadcast_in_dim3A_1245 : vector<16xf32>
        %swap3A_1271 = arith.index_cast %add3A_1242 : i32 to index
        %swap3A_1272 = arith.constant 48 : index
        %swap3A_1273 = tpu.vector_load %arg16[%swap3A_1271, %swap3A_1272] {strides = array<i32>} : memref<128x64xf32, #tpu.memory_space<vmem>>, vector<16xf32>,
        tpu.vector_store %arg16[%swap3A_1271, %swap3A_1272], %mul3A_1270 {strides = array<i32>} : memref<128x64xf32, #tpu.memory_space<vmem>>, vector<16xf32>,
        %mul3A_1274 = arith.constant 16 : i32
        %mul3A_1275 = arith.muli %scan3A_781, %mul3A_1274 : i32
        %add3A_1276 = arith.constant 14 : i32
        %add3A_1277 = arith.addi %mul3A_1275, %add3A_1276 : i32
        %slice3A_1278 = vector.extract_strided_slice %get3A_785 {offsets = [14], sizes = [1], strides = [1]} : vector<16xf32> to vector<1xf32>
        %squeeze3A_1279 = vector.extract %slice3A_1278[0] : f32 from vector<1xf32>
        %broadcast_in_dim3A_1280 = vector.broadcast %squeeze3A_1279 : f32 to vector<16xf32>
        %get3A_1281 = arith.index_cast %add3A_1277 : i32 to index
        %get3A_1282 = arith.constant 0 : index
        %get3A_1283 = tpu.vector_load %arg16[%get3A_1281, %get3A_1282] {strides = array<i32>} : memref<128x64xf32, #tpu.memory_space<vmem>>, vector<16xf32>,
        %mul3A_1284 = arith.mulf %get3A_1283, %broadcast_in_dim3A_1280 : vector<16xf32>
        %swap3A_1285 = arith.index_cast %add3A_1277 : i32 to index
        %swap3A_1286 = arith.constant 0 : index
        %swap3A_1287 = tpu.vector_load %arg16[%swap3A_1285, %swap3A_1286] {strides = array<i32>} : memref<128x64xf32, #tpu.memory_space<vmem>>, vector<16xf32>,
        tpu.vector_store %arg16[%swap3A_1285, %swap3A_1286], %mul3A_1284 {strides = array<i32>} : memref<128x64xf32, #tpu.memory_space<vmem>>, vector<16xf32>,
        %get3A_1288 = arith.index_cast %add3A_1277 : i32 to index
        %get3A_1289 = arith.constant 16 : index
        %get3A_1290 = tpu.vector_load %arg16[%get3A_1288, %get3A_1289] {strides = array<i32>} : memref<128x64xf32, #tpu.memory_space<vmem>>, vector<16xf32>,
        %mul3A_1291 = arith.mulf %get3A_1290, %broadcast_in_dim3A_1280 : vector<16xf32>
        %swap3A_1292 = arith.index_cast %add3A_1277 : i32 to index
        %swap3A_1293 = arith.constant 16 : index
        %swap3A_1294 = tpu.vector_load %arg16[%swap3A_1292, %swap3A_1293] {strides = array<i32>} : memref<128x64xf32, #tpu.memory_space<vmem>>, vector<16xf32>,
        tpu.vector_store %arg16[%swap3A_1292, %swap3A_1293], %mul3A_1291 {strides = array<i32>} : memref<128x64xf32, #tpu.memory_space<vmem>>, vector<16xf32>,
        %get3A_1295 = arith.index_cast %add3A_1277 : i32 to index
        %get3A_1296 = arith.constant 32 : index
        %get3A_1297 = tpu.vector_load %arg16[%get3A_1295, %get3A_1296] {strides = array<i32>} : memref<128x64xf32, #tpu.memory_space<vmem>>, vector<16xf32>,
        %mul3A_1298 = arith.mulf %get3A_1297, %broadcast_in_dim3A_1280 : vector<16xf32>
        %swap3A_1299 = arith.index_cast %add3A_1277 : i32 to index
        %swap3A_1300 = arith.constant 32 : index
        %swap3A_1301 = tpu.vector_load %arg16[%swap3A_1299, %swap3A_1300] {strides = array<i32>} : memref<128x64xf32, #tpu.memory_space<vmem>>, vector<16xf32>,
        tpu.vector_store %arg16[%swap3A_1299, %swap3A_1300], %mul3A_1298 {strides = array<i32>} : memref<128x64xf32, #tpu.memory_space<vmem>>, vector<16xf32>,
        %get3A_1302 = arith.index_cast %add3A_1277 : i32 to index
        %get3A_1303 = arith.constant 48 : index
        %get3A_1304 = tpu.vector_load %arg16[%get3A_1302, %get3A_1303] {strides = array<i32>} : memref<128x64xf32, #tpu.memory_space<vmem>>, vector<16xf32>,
        %mul3A_1305 = arith.mulf %get3A_1304, %broadcast_in_dim3A_1280 : vector<16xf32>
        %swap3A_1306 = arith.index_cast %add3A_1277 : i32 to index
        %swap3A_1307 = arith.constant 48 : index
        %swap3A_1308 = tpu.vector_load %arg16[%swap3A_1306, %swap3A_1307] {strides = array<i32>} : memref<128x64xf32, #tpu.memory_space<vmem>>, vector<16xf32>,
        tpu.vector_store %arg16[%swap3A_1306, %swap3A_1307], %mul3A_1305 {strides = array<i32>} : memref<128x64xf32, #tpu.memory_space<vmem>>, vector<16xf32>,
        %mul3A_1309 = arith.constant 16 : i32
        %mul3A_1310 = arith.muli %scan3A_781, %mul3A_1309 : i32
        %add3A_1311 = arith.constant 15 : i32
        %add3A_1312 = arith.addi %mul3A_1310, %add3A_1311 : i32
        %slice3A_1313 = vector.extract_strided_slice %get3A_785 {offsets = [15], sizes = [1], strides = [1]} : vector<16xf32> to vector<1xf32>
        %squeeze3A_1314 = vector.extract %slice3A_1313[0] : f32 from vector<1xf32>
        %broadcast_in_dim3A_1315 = vector.broadcast %squeeze3A_1314 : f32 to vector<16xf32>
        %get3A_1316 = arith.index_cast %add3A_1312 : i32 to index
        %get3A_1317 = arith.constant 0 : index
        %get3A_1318 = tpu.vector_load %arg16[%get3A_1316, %get3A_1317] {strides = array<i32>} : memref<128x64xf32, #tpu.memory_space<vmem>>, vector<16xf32>,
        %mul3A_1319 = arith.mulf %get3A_1318, %broadcast_in_dim3A_1315 : vector<16xf32>
        %swap3A_1320 = arith.index_cast %add3A_1312 : i32 to index
        %swap3A_1321 = arith.constant 0 : index
        %swap3A_1322 = tpu.vector_load %arg16[%swap3A_1320, %swap3A_1321] {strides = array<i32>} : memref<128x64xf32, #tpu.memory_space<vmem>>, vector<16xf32>,
        tpu.vector_store %arg16[%swap3A_1320, %swap3A_1321], %mul3A_1319 {strides = array<i32>} : memref<128x64xf32, #tpu.memory_space<vmem>>, vector<16xf32>,
        %get3A_1323 = arith.index_cast %add3A_1312 : i32 to index
        %get3A_1324 = arith.constant 16 : index
        %get3A_1325 = tpu.vector_load %arg16[%get3A_1323, %get3A_1324] {strides = array<i32>} : memref<128x64xf32, #tpu.memory_space<vmem>>, vector<16xf32>,
        %mul3A_1326 = arith.mulf %get3A_1325, %broadcast_in_dim3A_1315 : vector<16xf32>
        %swap3A_1327 = arith.index_cast %add3A_1312 : i32 to index
        %swap3A_1328 = arith.constant 16 : index
        %swap3A_1329 = tpu.vector_load %arg16[%swap3A_1327, %swap3A_1328] {strides = array<i32>} : memref<128x64xf32, #tpu.memory_space<vmem>>, vector<16xf32>,
        tpu.vector_store %arg16[%swap3A_1327, %swap3A_1328], %mul3A_1326 {strides = array<i32>} : memref<128x64xf32, #tpu.memory_space<vmem>>, vector<16xf32>,
        %get3A_1330 = arith.index_cast %add3A_1312 : i32 to index
        %get3A_1331 = arith.constant 32 : index
        %get3A_1332 = tpu.vector_load %arg16[%get3A_1330, %get3A_1331] {strides = array<i32>} : memref<128x64xf32, #tpu.memory_space<vmem>>, vector<16xf32>,
        %mul3A_1333 = arith.mulf %get3A_1332, %broadcast_in_dim3A_1315 : vector<16xf32>
        %swap3A_1334 = arith.index_cast %add3A_1312 : i32 to index
        %swap3A_1335 = arith.constant 32 : index
        %swap3A_1336 = tpu.vector_load %arg16[%swap3A_1334, %swap3A_1335] {strides = array<i32>} : memref<128x64xf32, #tpu.memory_space<vmem>>, vector<16xf32>,
        tpu.vector_store %arg16[%swap3A_1334, %swap3A_1335], %mul3A_1333 {strides = array<i32>} : memref<128x64xf32, #tpu.memory_space<vmem>>, vector<16xf32>,
        %get3A_1337 = arith.index_cast %add3A_1312 : i32 to index
        %get3A_1338 = arith.constant 48 : index
        %get3A_1339 = tpu.vector_load %arg16[%get3A_1337, %get3A_1338] {strides = array<i32>} : memref<128x64xf32, #tpu.memory_space<vmem>>, vector<16xf32>,
        %mul3A_1340 = arith.mulf %get3A_1339, %broadcast_in_dim3A_1315 : vector<16xf32>
        %swap3A_1341 = arith.index_cast %add3A_1312 : i32 to index
        %swap3A_1342 = arith.constant 48 : index
        %swap3A_1343 = tpu.vector_load %arg16[%swap3A_1341, %swap3A_1342] {strides = array<i32>} : memref<128x64xf32, #tpu.memory_space<vmem>>, vector<16xf32>,
        tpu.vector_store %arg16[%swap3A_1341, %swap3A_1342], %mul3A_1340 {strides = array<i32>} : memref<128x64xf32, #tpu.memory_space<vmem>>, vector<16xf32>,
      }
      %scan3A_730 = arith.constant 8 : i32
      %dma_start3A_731 = arith.constant 0 : i32
      %dma_start3A_732 = tpu.memref_slice %arg11[%mul3A_196, %dma_start3A_731] : memref<158x128xi32, #tpu.memory_space<vmem>> -> memref<1x128xi32, #tpu.memory_space<vmem>>
      %dma_start3A_733 = tpu.memref_squeeze %dma_start3A_732 : memref<1x128xi32, #tpu.memory_space<vmem>> -> memref<128xi32, #tpu.memory_space<vmem>>
      %dma_start3A_734 = arith.constant 0 : i32
      %dma_start3A_735 = arith.constant 0 : i32
      %dma_start3A_736 = tpu.memref_slice %arg18[%dma_start3A_734, %dma_start3A_735] : memref<10000x64xf32, #tpu.memory_space<vmem_shared>> -> memref<10000x64xf32, #tpu.memory_space<vmem_shared>>
      tpu.enqueue_indirect_dma source(%arg16 : memref<128x64xf32, #tpu.memory_space<vmem>>) target(%dma_start3A_736 : memref<10000x64xf32, #tpu.memory_space<vmem_shared>>) offsets(%dma_start3A_733 : memref<128xi32, #tpu.memory_space<vmem>>) semaphore(%arg22 : memref<!tpu.dma_semaphore, #tpu.memory_space<semaphore_mem>>) {add = true}
      %dma_wait3A_737 = arith.constant 0 : i32
      %dma_wait3A_738 = tpu.memref_slice %arg10[%add3A_198, %dma_wait3A_737] : memref<158x128xi32, #tpu.memory_space<vmem>> -> memref<1x128xi32, #tpu.memory_space<vmem>>
      %dma_wait3A_739 = tpu.memref_squeeze %dma_wait3A_738 : memref<1x128xi32, #tpu.memory_space<vmem>> -> memref<128xi32, #tpu.memory_space<vmem>>
      %dma_wait3A_740 = arith.constant 0 : i32
      %dma_wait3A_741 = arith.constant 0 : i32
      %dma_wait3A_742 = tpu.memref_slice %arg2[%arg0, %dma_wait3A_740, %dma_wait3A_741] : memref<2x10000x64xf32, #tpu.memory_space<hbm>> -> memref<1x10000x64xf32, #tpu.memory_space<hbm>>
      %dma_wait3A_743 = tpu.memref_squeeze %dma_wait3A_742 : memref<1x10000x64xf32, #tpu.memory_space<hbm>> -> memref<10000x64xf32, #tpu.memory_space<hbm>>
      %dma_wait3A_744 = arith.constant 0 : i32
      %dma_wait3A_745 = arith.constant 0 : i32
      %dma_wait3A_746 = tpu.memref_slice %dma_wait3A_743[%dma_wait3A_744, %dma_wait3A_745] : memref<10000x64xf32, #tpu.memory_space<hbm>> -> memref<10000x64xf32, #tpu.memory_space<hbm>>
      tpu.wait_indirect_dma semaphore(%arg21 : memref<!tpu.dma_semaphore, #tpu.memory_space<semaphore_mem>>) src(%dma_wait3A_746 : memref<10000x64xf32, #tpu.memory_space<hbm>>) dst(%arg17 : memref<128x64xf32, #tpu.memory_space<vmem>>)
      %scan3A_747 = arith.constant 0 : i32
      %scan3A_748 = arith.constant 0 : i32
      %scan3A_749 = arith.constant 8 : i32
      %scan3A_750 = arith.addi %scan3A_748, %scan3A_749 : i32
      %scan3A_751 = arith.constant 1 : i32
      scf.for %scan3A_781 = %scan3A_748 to %scan3A_750 step %scan3A_751  : i32 {
        %mul3A_782 = arith.constant 16 : i32
        %mul3A_783 = arith.muli %scan3A_781, %mul3A_782 : i32
        %get3A_784 = arith.index_cast %mul3A_783 : i32 to index
        %get3A_785 = tpu.vector_load %arg15[%get3A_784] {strides = array<i32>} : memref<128xf32, #tpu.memory_space<vmem>>, vector<16xf32>,
        %mul3A_786 = arith.constant 16 : i32
        %mul3A_787 = arith.muli %scan3A_781, %mul3A_786 : i32
        %add3A_788 = arith.constant 0 : i32
        %add3A_789 = arith.addi %mul3A_787, %add3A_788 : i32
        %slice3A = vector.extract_strided_slice %get3A_785 {offsets = [0], sizes = [1], strides = [1]} : vector<16xf32> to vector<1xf32>
        %squeeze3A = vector.extract %slice3A[0] : f32 from vector<1xf32>
        %broadcast_in_dim3A_790 = vector.broadcast %squeeze3A : f32 to vector<16xf32>
        %get3A_791 = arith.index_cast %add3A_789 : i32 to index
        %get3A_792 = arith.constant 0 : index
        %get3A_793 = tpu.vector_load %arg17[%get3A_791, %get3A_792] {strides = array<i32>} : memref<128x64xf32, #tpu.memory_space<vmem>>, vector<16xf32>,
        %mul3A_794 = arith.mulf %get3A_793, %broadcast_in_dim3A_790 : vector<16xf32>
        %swap3A_795 = arith.index_cast %add3A_789 : i32 to index
        %swap3A_796 = arith.constant 0 : index
        %swap3A_797 = tpu.vector_load %arg17[%swap3A_795, %swap3A_796] {strides = array<i32>} : memref<128x64xf32, #tpu.memory_space<vmem>>, vector<16xf32>,
        tpu.vector_store %arg17[%swap3A_795, %swap3A_796], %mul3A_794 {strides = array<i32>} : memref<128x64xf32, #tpu.memory_space<vmem>>, vector<16xf32>,
        %get3A_798 = arith.index_cast %add3A_789 : i32 to index
        %get3A_799 = arith.constant 16 : index
        %get3A_800 = tpu.vector_load %arg17[%get3A_798, %get3A_799] {strides = array<i32>} : memref<128x64xf32, #tpu.memory_space<vmem>>, vector<16xf32>,
        %mul3A_801 = arith.mulf %get3A_800, %broadcast_in_dim3A_790 : vector<16xf32>
        %swap3A_802 = arith.index_cast %add3A_789 : i32 to index
        %swap3A_803 = arith.constant 16 : index
        %swap3A_804 = tpu.vector_load %arg17[%swap3A_802, %swap3A_803] {strides = array<i32>} : memref<128x64xf32, #tpu.memory_space<vmem>>, vector<16xf32>,
        tpu.vector_store %arg17[%swap3A_802, %swap3A_803], %mul3A_801 {strides = array<i32>} : memref<128x64xf32, #tpu.memory_space<vmem>>, vector<16xf32>,
        %get3A_805 = arith.index_cast %add3A_789 : i32 to index
        %get3A_806 = arith.constant 32 : index
        %get3A_807 = tpu.vector_load %arg17[%get3A_805, %get3A_806] {strides = array<i32>} : memref<128x64xf32, #tpu.memory_space<vmem>>, vector<16xf32>,
        %mul3A_808 = arith.mulf %get3A_807, %broadcast_in_dim3A_790 : vector<16xf32>
        %swap3A_809 = arith.index_cast %add3A_789 : i32 to index
        %swap3A_810 = arith.constant 32 : index
        %swap3A_811 = tpu.vector_load %arg17[%swap3A_809, %swap3A_810] {strides = array<i32>} : memref<128x64xf32, #tpu.memory_space<vmem>>, vector<16xf32>,
        tpu.vector_store %arg17[%swap3A_809, %swap3A_810], %mul3A_808 {strides = array<i32>} : memref<128x64xf32, #tpu.memory_space<vmem>>, vector<16xf32>,
        %get3A_812 = arith.index_cast %add3A_789 : i32 to index
        %get3A_813 = arith.constant 48 : index
        %get3A_814 = tpu.vector_load %arg17[%get3A_812, %get3A_813] {strides = array<i32>} : memref<128x64xf32, #tpu.memory_space<vmem>>, vector<16xf32>,
        %mul3A_815 = arith.mulf %get3A_814, %broadcast_in_dim3A_790 : vector<16xf32>
        %swap3A_816 = arith.index_cast %add3A_789 : i32 to index
        %swap3A_817 = arith.constant 48 : index
        %swap3A_818 = tpu.vector_load %arg17[%swap3A_816, %swap3A_817] {strides = array<i32>} : memref<128x64xf32, #tpu.memory_space<vmem>>, vector<16xf32>,
        tpu.vector_store %arg17[%swap3A_816, %swap3A_817], %mul3A_815 {strides = array<i32>} : memref<128x64xf32, #tpu.memory_space<vmem>>, vector<16xf32>,
        %mul3A_819 = arith.constant 16 : i32
        %mul3A_820 = arith.muli %scan3A_781, %mul3A_819 : i32
        %add3A_821 = arith.constant 1 : i32
        %add3A_822 = arith.addi %mul3A_820, %add3A_821 : i32
        %slice3A_823 = vector.extract_strided_slice %get3A_785 {offsets = [1], sizes = [1], strides = [1]} : vector<16xf32> to vector<1xf32>
        %squeeze3A_824 = vector.extract %slice3A_823[0] : f32 from vector<1xf32>
        %broadcast_in_dim3A_825 = vector.broadcast %squeeze3A_824 : f32 to vector<16xf32>
        %get3A_826 = arith.index_cast %add3A_822 : i32 to index
        %get3A_827 = arith.constant 0 : index
        %get3A_828 = tpu.vector_load %arg17[%get3A_826, %get3A_827] {strides = array<i32>} : memref<128x64xf32, #tpu.memory_space<vmem>>, vector<16xf32>,
        %mul3A_829 = arith.mulf %get3A_828, %broadcast_in_dim3A_825 : vector<16xf32>
        %swap3A_830 = arith.index_cast %add3A_822 : i32 to index
        %swap3A_831 = arith.constant 0 : index
        %swap3A_832 = tpu.vector_load %arg17[%swap3A_830, %swap3A_831] {strides = array<i32>} : memref<128x64xf32, #tpu.memory_space<vmem>>, vector<16xf32>,
        tpu.vector_store %arg17[%swap3A_830, %swap3A_831], %mul3A_829 {strides = array<i32>} : memref<128x64xf32, #tpu.memory_space<vmem>>, vector<16xf32>,
        %get3A_833 = arith.index_cast %add3A_822 : i32 to index
        %get3A_834 = arith.constant 16 : index
        %get3A_835 = tpu.vector_load %arg17[%get3A_833, %get3A_834] {strides = array<i32>} : memref<128x64xf32, #tpu.memory_space<vmem>>, vector<16xf32>,
        %mul3A_836 = arith.mulf %get3A_835, %broadcast_in_dim3A_825 : vector<16xf32>
        %swap3A_837 = arith.index_cast %add3A_822 : i32 to index
        %swap3A_838 = arith.constant 16 : index
        %swap3A_839 = tpu.vector_load %arg17[%swap3A_837, %swap3A_838] {strides = array<i32>} : memref<128x64xf32, #tpu.memory_space<vmem>>, vector<16xf32>,
        tpu.vector_store %arg17[%swap3A_837, %swap3A_838], %mul3A_836 {strides = array<i32>} : memref<128x64xf32, #tpu.memory_space<vmem>>, vector<16xf32>,
        %get3A_840 = arith.index_cast %add3A_822 : i32 to index
        %get3A_841 = arith.constant 32 : index
        %get3A_842 = tpu.vector_load %arg17[%get3A_840, %get3A_841] {strides = array<i32>} : memref<128x64xf32, #tpu.memory_space<vmem>>, vector<16xf32>,
        %mul3A_843 = arith.mulf %get3A_842, %broadcast_in_dim3A_825 : vector<16xf32>
        %swap3A_844 = arith.index_cast %add3A_822 : i32 to index
        %swap3A_845 = arith.constant 32 : index
        %swap3A_846 = tpu.vector_load %arg17[%swap3A_844, %swap3A_845] {strides = array<i32>} : memref<128x64xf32, #tpu.memory_space<vmem>>, vector<16xf32>,
        tpu.vector_store %arg17[%swap3A_844, %swap3A_845], %mul3A_843 {strides = array<i32>} : memref<128x64xf32, #tpu.memory_space<vmem>>, vector<16xf32>,
        %get3A_847 = arith.index_cast %add3A_822 : i32 to index
        %get3A_848 = arith.constant 48 : index
        %get3A_849 = tpu.vector_load %arg17[%get3A_847, %get3A_848] {strides = array<i32>} : memref<128x64xf32, #tpu.memory_space<vmem>>, vector<16xf32>,
        %mul3A_850 = arith.mulf %get3A_849, %broadcast_in_dim3A_825 : vector<16xf32>
        %swap3A_851 = arith.index_cast %add3A_822 : i32 to index
        %swap3A_852 = arith.constant 48 : index
        %swap3A_853 = tpu.vector_load %arg17[%swap3A_851, %swap3A_852] {strides = array<i32>} : memref<128x64xf32, #tpu.memory_space<vmem>>, vector<16xf32>,
        tpu.vector_store %arg17[%swap3A_851, %swap3A_852], %mul3A_850 {strides = array<i32>} : memref<128x64xf32, #tpu.memory_space<vmem>>, vector<16xf32>,
        %mul3A_854 = arith.constant 16 : i32
        %mul3A_855 = arith.muli %scan3A_781, %mul3A_854 : i32
        %add3A_856 = arith.constant 2 : i32
        %add3A_857 = arith.addi %mul3A_855, %add3A_856 : i32
        %slice3A_858 = vector.extract_strided_slice %get3A_785 {offsets = [2], sizes = [1], strides = [1]} : vector<16xf32> to vector<1xf32>
        %squeeze3A_859 = vector.extract %slice3A_858[0] : f32 from vector<1xf32>
        %broadcast_in_dim3A_860 = vector.broadcast %squeeze3A_859 : f32 to vector<16xf32>
        %get3A_861 = arith.index_cast %add3A_857 : i32 to index
        %get3A_862 = arith.constant 0 : index
        %get3A_863 = tpu.vector_load %arg17[%get3A_861, %get3A_862] {strides = array<i32>} : memref<128x64xf32, #tpu.memory_space<vmem>>, vector<16xf32>,
        %mul3A_864 = arith.mulf %get3A_863, %broadcast_in_dim3A_860 : vector<16xf32>
        %swap3A_865 = arith.index_cast %add3A_857 : i32 to index
        %swap3A_866 = arith.constant 0 : index
        %swap3A_867 = tpu.vector_load %arg17[%swap3A_865, %swap3A_866] {strides = array<i32>} : memref<128x64xf32, #tpu.memory_space<vmem>>, vector<16xf32>,
        tpu.vector_store %arg17[%swap3A_865, %swap3A_866], %mul3A_864 {strides = array<i32>} : memref<128x64xf32, #tpu.memory_space<vmem>>, vector<16xf32>,
        %get3A_868 = arith.index_cast %add3A_857 : i32 to index
        %get3A_869 = arith.constant 16 : index
        %get3A_870 = tpu.vector_load %arg17[%get3A_868, %get3A_869] {strides = array<i32>} : memref<128x64xf32, #tpu.memory_space<vmem>>, vector<16xf32>,
        %mul3A_871 = arith.mulf %get3A_870, %broadcast_in_dim3A_860 : vector<16xf32>
        %swap3A_872 = arith.index_cast %add3A_857 : i32 to index
        %swap3A_873 = arith.constant 16 : index
        %swap3A_874 = tpu.vector_load %arg17[%swap3A_872, %swap3A_873] {strides = array<i32>} : memref<128x64xf32, #tpu.memory_space<vmem>>, vector<16xf32>,
        tpu.vector_store %arg17[%swap3A_872, %swap3A_873], %mul3A_871 {strides = array<i32>} : memref<128x64xf32, #tpu.memory_space<vmem>>, vector<16xf32>,
        %get3A_875 = arith.index_cast %add3A_857 : i32 to index
        %get3A_876 = arith.constant 32 : index
        %get3A_877 = tpu.vector_load %arg17[%get3A_875, %get3A_876] {strides = array<i32>} : memref<128x64xf32, #tpu.memory_space<vmem>>, vector<16xf32>,
        %mul3A_878 = arith.mulf %get3A_877, %broadcast_in_dim3A_860 : vector<16xf32>
        %swap3A_879 = arith.index_cast %add3A_857 : i32 to index
        %swap3A_880 = arith.constant 32 : index
        %swap3A_881 = tpu.vector_load %arg17[%swap3A_879, %swap3A_880] {strides = array<i32>} : memref<128x64xf32, #tpu.memory_space<vmem>>, vector<16xf32>,
        tpu.vector_store %arg17[%swap3A_879, %swap3A_880], %mul3A_878 {strides = array<i32>} : memref<128x64xf32, #tpu.memory_space<vmem>>, vector<16xf32>,
        %get3A_882 = arith.index_cast %add3A_857 : i32 to index
        %get3A_883 = arith.constant 48 : index
        %get3A_884 = tpu.vector_load %arg17[%get3A_882, %get3A_883] {strides = array<i32>} : memref<128x64xf32, #tpu.memory_space<vmem>>, vector<16xf32>,
        %mul3A_885 = arith.mulf %get3A_884, %broadcast_in_dim3A_860 : vector<16xf32>
        %swap3A_886 = arith.index_cast %add3A_857 : i32 to index
        %swap3A_887 = arith.constant 48 : index
        %swap3A_888 = tpu.vector_load %arg17[%swap3A_886, %swap3A_887] {strides = array<i32>} : memref<128x64xf32, #tpu.memory_space<vmem>>, vector<16xf32>,
        tpu.vector_store %arg17[%swap3A_886, %swap3A_887], %mul3A_885 {strides = array<i32>} : memref<128x64xf32, #tpu.memory_space<vmem>>, vector<16xf32>,
        %mul3A_889 = arith.constant 16 : i32
        %mul3A_890 = arith.muli %scan3A_781, %mul3A_889 : i32
        %add3A_891 = arith.constant 3 : i32
        %add3A_892 = arith.addi %mul3A_890, %add3A_891 : i32
        %slice3A_893 = vector.extract_strided_slice %get3A_785 {offsets = [3], sizes = [1], strides = [1]} : vector<16xf32> to vector<1xf32>
        %squeeze3A_894 = vector.extract %slice3A_893[0] : f32 from vector<1xf32>
        %broadcast_in_dim3A_895 = vector.broadcast %squeeze3A_894 : f32 to vector<16xf32>
        %get3A_896 = arith.index_cast %add3A_892 : i32 to index
        %get3A_897 = arith.constant 0 : index
        %get3A_898 = tpu.vector_load %arg17[%get3A_896, %get3A_897] {strides = array<i32>} : memref<128x64xf32, #tpu.memory_space<vmem>>, vector<16xf32>,
        %mul3A_899 = arith.mulf %get3A_898, %broadcast_in_dim3A_895 : vector<16xf32>
        %swap3A_900 = arith.index_cast %add3A_892 : i32 to index
        %swap3A_901 = arith.constant 0 : index
        %swap3A_902 = tpu.vector_load %arg17[%swap3A_900, %swap3A_901] {strides = array<i32>} : memref<128x64xf32, #tpu.memory_space<vmem>>, vector<16xf32>,
        tpu.vector_store %arg17[%swap3A_900, %swap3A_901], %mul3A_899 {strides = array<i32>} : memref<128x64xf32, #tpu.memory_space<vmem>>, vector<16xf32>,
        %get3A_903 = arith.index_cast %add3A_892 : i32 to index
        %get3A_904 = arith.constant 16 : index
        %get3A_905 = tpu.vector_load %arg17[%get3A_903, %get3A_904] {strides = array<i32>} : memref<128x64xf32, #tpu.memory_space<vmem>>, vector<16xf32>,
        %mul3A_906 = arith.mulf %get3A_905, %broadcast_in_dim3A_895 : vector<16xf32>
        %swap3A_907 = arith.index_cast %add3A_892 : i32 to index
        %swap3A_908 = arith.constant 16 : index
        %swap3A_909 = tpu.vector_load %arg17[%swap3A_907, %swap3A_908] {strides = array<i32>} : memref<128x64xf32, #tpu.memory_space<vmem>>, vector<16xf32>,
        tpu.vector_store %arg17[%swap3A_907, %swap3A_908], %mul3A_906 {strides = array<i32>} : memref<128x64xf32, #tpu.memory_space<vmem>>, vector<16xf32>,
        %get3A_910 = arith.index_cast %add3A_892 : i32 to index
        %get3A_911 = arith.constant 32 : index
        %get3A_912 = tpu.vector_load %arg17[%get3A_910, %get3A_911] {strides = array<i32>} : memref<128x64xf32, #tpu.memory_space<vmem>>, vector<16xf32>,
        %mul3A_913 = arith.mulf %get3A_912, %broadcast_in_dim3A_895 : vector<16xf32>
        %swap3A_914 = arith.index_cast %add3A_892 : i32 to index
        %swap3A_915 = arith.constant 32 : index
        %swap3A_916 = tpu.vector_load %arg17[%swap3A_914, %swap3A_915] {strides = array<i32>} : memref<128x64xf32, #tpu.memory_space<vmem>>, vector<16xf32>,
        tpu.vector_store %arg17[%swap3A_914, %swap3A_915], %mul3A_913 {strides = array<i32>} : memref<128x64xf32, #tpu.memory_space<vmem>>, vector<16xf32>,
        %get3A_917 = arith.index_cast %add3A_892 : i32 to index
        %get3A_918 = arith.constant 48 : index
        %get3A_919 = tpu.vector_load %arg17[%get3A_917, %get3A_918] {strides = array<i32>} : memref<128x64xf32, #tpu.memory_space<vmem>>, vector<16xf32>,
        %mul3A_920 = arith.mulf %get3A_919, %broadcast_in_dim3A_895 : vector<16xf32>
        %swap3A_921 = arith.index_cast %add3A_892 : i32 to index
        %swap3A_922 = arith.constant 48 : index
        %swap3A_923 = tpu.vector_load %arg17[%swap3A_921, %swap3A_922] {strides = array<i32>} : memref<128x64xf32, #tpu.memory_space<vmem>>, vector<16xf32>,
        tpu.vector_store %arg17[%swap3A_921, %swap3A_922], %mul3A_920 {strides = array<i32>} : memref<128x64xf32, #tpu.memory_space<vmem>>, vector<16xf32>,
        %mul3A_924 = arith.constant 16 : i32
        %mul3A_925 = arith.muli %scan3A_781, %mul3A_924 : i32
        %add3A_926 = arith.constant 4 : i32
        %add3A_927 = arith.addi %mul3A_925, %add3A_926 : i32
        %slice3A_928 = vector.extract_strided_slice %get3A_785 {offsets = [4], sizes = [1], strides = [1]} : vector<16xf32> to vector<1xf32>
        %squeeze3A_929 = vector.extract %slice3A_928[0] : f32 from vector<1xf32>
        %broadcast_in_dim3A_930 = vector.broadcast %squeeze3A_929 : f32 to vector<16xf32>
        %get3A_931 = arith.index_cast %add3A_927 : i32 to index
        %get3A_932 = arith.constant 0 : index
        %get3A_933 = tpu.vector_load %arg17[%get3A_931, %get3A_932] {strides = array<i32>} : memref<128x64xf32, #tpu.memory_space<vmem>>, vector<16xf32>,
        %mul3A_934 = arith.mulf %get3A_933, %broadcast_in_dim3A_930 : vector<16xf32>
        %swap3A_935 = arith.index_cast %add3A_927 : i32 to index
        %swap3A_936 = arith.constant 0 : index
        %swap3A_937 = tpu.vector_load %arg17[%swap3A_935, %swap3A_936] {strides = array<i32>} : memref<128x64xf32, #tpu.memory_space<vmem>>, vector<16xf32>,
        tpu.vector_store %arg17[%swap3A_935, %swap3A_936], %mul3A_934 {strides = array<i32>} : memref<128x64xf32, #tpu.memory_space<vmem>>, vector<16xf32>,
        %get3A_938 = arith.index_cast %add3A_927 : i32 to index
        %get3A_939 = arith.constant 16 : index
        %get3A_940 = tpu.vector_load %arg17[%get3A_938, %get3A_939] {strides = array<i32>} : memref<128x64xf32, #tpu.memory_space<vmem>>, vector<16xf32>,
        %mul3A_941 = arith.mulf %get3A_940, %broadcast_in_dim3A_930 : vector<16xf32>
        %swap3A_942 = arith.index_cast %add3A_927 : i32 to index
        %swap3A_943 = arith.constant 16 : index
        %swap3A_944 = tpu.vector_load %arg17[%swap3A_942, %swap3A_943] {strides = array<i32>} : memref<128x64xf32, #tpu.memory_space<vmem>>, vector<16xf32>,
        tpu.vector_store %arg17[%swap3A_942, %swap3A_943], %mul3A_941 {strides = array<i32>} : memref<128x64xf32, #tpu.memory_space<vmem>>, vector<16xf32>,
        %get3A_945 = arith.index_cast %add3A_927 : i32 to index
        %get3A_946 = arith.constant 32 : index
        %get3A_947 = tpu.vector_load %arg17[%get3A_945, %get3A_946] {strides = array<i32>} : memref<128x64xf32, #tpu.memory_space<vmem>>, vector<16xf32>,
        %mul3A_948 = arith.mulf %get3A_947, %broadcast_in_dim3A_930 : vector<16xf32>
        %swap3A_949 = arith.index_cast %add3A_927 : i32 to index
        %swap3A_950 = arith.constant 32 : index
        %swap3A_951 = tpu.vector_load %arg17[%swap3A_949, %swap3A_950] {strides = array<i32>} : memref<128x64xf32, #tpu.memory_space<vmem>>, vector<16xf32>,
        tpu.vector_store %arg17[%swap3A_949, %swap3A_950], %mul3A_948 {strides = array<i32>} : memref<128x64xf32, #tpu.memory_space<vmem>>, vector<16xf32>,
        %get3A_952 = arith.index_cast %add3A_927 : i32 to index
        %get3A_953 = arith.constant 48 : index
        %get3A_954 = tpu.vector_load %arg17[%get3A_952, %get3A_953] {strides = array<i32>} : memref<128x64xf32, #tpu.memory_space<vmem>>, vector<16xf32>,
        %mul3A_955 = arith.mulf %get3A_954, %broadcast_in_dim3A_930 : vector<16xf32>
        %swap3A_956 = arith.index_cast %add3A_927 : i32 to index
        %swap3A_957 = arith.constant 48 : index
        %swap3A_958 = tpu.vector_load %arg17[%swap3A_956, %swap3A_957] {strides = array<i32>} : memref<128x64xf32, #tpu.memory_space<vmem>>, vector<16xf32>,
        tpu.vector_store %arg17[%swap3A_956, %swap3A_957], %mul3A_955 {strides = array<i32>} : memref<128x64xf32, #tpu.memory_space<vmem>>, vector<16xf32>,
        %mul3A_959 = arith.constant 16 : i32
        %mul3A_960 = arith.muli %scan3A_781, %mul3A_959 : i32
        %add3A_961 = arith.constant 5 : i32
        %add3A_962 = arith.addi %mul3A_960, %add3A_961 : i32
        %slice3A_963 = vector.extract_strided_slice %get3A_785 {offsets = [5], sizes = [1], strides = [1]} : vector<16xf32> to vector<1xf32>
        %squeeze3A_964 = vector.extract %slice3A_963[0] : f32 from vector<1xf32>
        %broadcast_in_dim3A_965 = vector.broadcast %squeeze3A_964 : f32 to vector<16xf32>
        %get3A_966 = arith.index_cast %add3A_962 : i32 to index
        %get3A_967 = arith.constant 0 : index
        %get3A_968 = tpu.vector_load %arg17[%get3A_966, %get3A_967] {strides = array<i32>} : memref<128x64xf32, #tpu.memory_space<vmem>>, vector<16xf32>,
        %mul3A_969 = arith.mulf %get3A_968, %broadcast_in_dim3A_965 : vector<16xf32>
        %swap3A_970 = arith.index_cast %add3A_962 : i32 to index
        %swap3A_971 = arith.constant 0 : index
        %swap3A_972 = tpu.vector_load %arg17[%swap3A_970, %swap3A_971] {strides = array<i32>} : memref<128x64xf32, #tpu.memory_space<vmem>>, vector<16xf32>,
        tpu.vector_store %arg17[%swap3A_970, %swap3A_971], %mul3A_969 {strides = array<i32>} : memref<128x64xf32, #tpu.memory_space<vmem>>, vector<16xf32>,
        %get3A_973 = arith.index_cast %add3A_962 : i32 to index
        %get3A_974 = arith.constant 16 : index
        %get3A_975 = tpu.vector_load %arg17[%get3A_973, %get3A_974] {strides = array<i32>} : memref<128x64xf32, #tpu.memory_space<vmem>>, vector<16xf32>,
        %mul3A_976 = arith.mulf %get3A_975, %broadcast_in_dim3A_965 : vector<16xf32>
        %swap3A_977 = arith.index_cast %add3A_962 : i32 to index
        %swap3A_978 = arith.constant 16 : index
        %swap3A_979 = tpu.vector_load %arg17[%swap3A_977, %swap3A_978] {strides = array<i32>} : memref<128x64xf32, #tpu.memory_space<vmem>>, vector<16xf32>,
        tpu.vector_store %arg17[%swap3A_977, %swap3A_978], %mul3A_976 {strides = array<i32>} : memref<128x64xf32, #tpu.memory_space<vmem>>, vector<16xf32>,
        %get3A_980 = arith.index_cast %add3A_962 : i32 to index
        %get3A_981 = arith.constant 32 : index
        %get3A_982 = tpu.vector_load %arg17[%get3A_980, %get3A_981] {strides = array<i32>} : memref<128x64xf32, #tpu.memory_space<vmem>>, vector<16xf32>,
        %mul3A_983 = arith.mulf %get3A_982, %broadcast_in_dim3A_965 : vector<16xf32>
        %swap3A_984 = arith.index_cast %add3A_962 : i32 to index
        %swap3A_985 = arith.constant 32 : index
        %swap3A_986 = tpu.vector_load %arg17[%swap3A_984, %swap3A_985] {strides = array<i32>} : memref<128x64xf32, #tpu.memory_space<vmem>>, vector<16xf32>,
        tpu.vector_store %arg17[%swap3A_984, %swap3A_985], %mul3A_983 {strides = array<i32>} : memref<128x64xf32, #tpu.memory_space<vmem>>, vector<16xf32>,
        %get3A_987 = arith.index_cast %add3A_962 : i32 to index
        %get3A_988 = arith.constant 48 : index
        %get3A_989 = tpu.vector_load %arg17[%get3A_987, %get3A_988] {strides = array<i32>} : memref<128x64xf32, #tpu.memory_space<vmem>>, vector<16xf32>,
        %mul3A_990 = arith.mulf %get3A_989, %broadcast_in_dim3A_965 : vector<16xf32>
        %swap3A_991 = arith.index_cast %add3A_962 : i32 to index
        %swap3A_992 = arith.constant 48 : index
        %swap3A_993 = tpu.vector_load %arg17[%swap3A_991, %swap3A_992] {strides = array<i32>} : memref<128x64xf32, #tpu.memory_space<vmem>>, vector<16xf32>,
        tpu.vector_store %arg17[%swap3A_991, %swap3A_992], %mul3A_990 {strides = array<i32>} : memref<128x64xf32, #tpu.memory_space<vmem>>, vector<16xf32>,
        %mul3A_994 = arith.constant 16 : i32
        %mul3A_995 = arith.muli %scan3A_781, %mul3A_994 : i32
        %add3A_996 = arith.constant 6 : i32
        %add3A_997 = arith.addi %mul3A_995, %add3A_996 : i32
        %slice3A_998 = vector.extract_strided_slice %get3A_785 {offsets = [6], sizes = [1], strides = [1]} : vector<16xf32> to vector<1xf32>
        %squeeze3A_999 = vector.extract %slice3A_998[0] : f32 from vector<1xf32>
        %broadcast_in_dim3A_1000 = vector.broadcast %squeeze3A_999 : f32 to vector<16xf32>
        %get3A_1001 = arith.index_cast %add3A_997 : i32 to index
        %get3A_1002 = arith.constant 0 : index
        %get3A_1003 = tpu.vector_load %arg17[%get3A_1001, %get3A_1002] {strides = array<i32>} : memref<128x64xf32, #tpu.memory_space<vmem>>, vector<16xf32>,
        %mul3A_1004 = arith.mulf %get3A_1003, %broadcast_in_dim3A_1000 : vector<16xf32>
        %swap3A_1005 = arith.index_cast %add3A_997 : i32 to index
        %swap3A_1006 = arith.constant 0 : index
        %swap3A_1007 = tpu.vector_load %arg17[%swap3A_1005, %swap3A_1006] {strides = array<i32>} : memref<128x64xf32, #tpu.memory_space<vmem>>, vector<16xf32>,
        tpu.vector_store %arg17[%swap3A_1005, %swap3A_1006], %mul3A_1004 {strides = array<i32>} : memref<128x64xf32, #tpu.memory_space<vmem>>, vector<16xf32>,
        %get3A_1008 = arith.index_cast %add3A_997 : i32 to index
        %get3A_1009 = arith.constant 16 : index
        %get3A_1010 = tpu.vector_load %arg17[%get3A_1008, %get3A_1009] {strides = array<i32>} : memref<128x64xf32, #tpu.memory_space<vmem>>, vector<16xf32>,
        %mul3A_1011 = arith.mulf %get3A_1010, %broadcast_in_dim3A_1000 : vector<16xf32>
        %swap3A_1012 = arith.index_cast %add3A_997 : i32 to index
        %swap3A_1013 = arith.constant 16 : index
        %swap3A_1014 = tpu.vector_load %arg17[%swap3A_1012, %swap3A_1013] {strides = array<i32>} : memref<128x64xf32, #tpu.memory_space<vmem>>, vector<16xf32>,
        tpu.vector_store %arg17[%swap3A_1012, %swap3A_1013], %mul3A_1011 {strides = array<i32>} : memref<128x64xf32, #tpu.memory_space<vmem>>, vector<16xf32>,
        %get3A_1015 = arith.index_cast %add3A_997 : i32 to index
        %get3A_1016 = arith.constant 32 : index
        %get3A_1017 = tpu.vector_load %arg17[%get3A_1015, %get3A_1016] {strides = array<i32>} : memref<128x64xf32, #tpu.memory_space<vmem>>, vector<16xf32>,
        %mul3A_1018 = arith.mulf %get3A_1017, %broadcast_in_dim3A_1000 : vector<16xf32>
        %swap3A_1019 = arith.index_cast %add3A_997 : i32 to index
        %swap3A_1020 = arith.constant 32 : index
        %swap3A_1021 = tpu.vector_load %arg17[%swap3A_1019, %swap3A_1020] {strides = array<i32>} : memref<128x64xf32, #tpu.memory_space<vmem>>, vector<16xf32>,
        tpu.vector_store %arg17[%swap3A_1019, %swap3A_1020], %mul3A_1018 {strides = array<i32>} : memref<128x64xf32, #tpu.memory_space<vmem>>, vector<16xf32>,
        %get3A_1022 = arith.index_cast %add3A_997 : i32 to index
        %get3A_1023 = arith.constant 48 : index
        %get3A_1024 = tpu.vector_load %arg17[%get3A_1022, %get3A_1023] {strides = array<i32>} : memref<128x64xf32, #tpu.memory_space<vmem>>, vector<16xf32>,
        %mul3A_1025 = arith.mulf %get3A_1024, %broadcast_in_dim3A_1000 : vector<16xf32>
        %swap3A_1026 = arith.index_cast %add3A_997 : i32 to index
        %swap3A_1027 = arith.constant 48 : index
        %swap3A_1028 = tpu.vector_load %arg17[%swap3A_1026, %swap3A_1027] {strides = array<i32>} : memref<128x64xf32, #tpu.memory_space<vmem>>, vector<16xf32>,
        tpu.vector_store %arg17[%swap3A_1026, %swap3A_1027], %mul3A_1025 {strides = array<i32>} : memref<128x64xf32, #tpu.memory_space<vmem>>, vector<16xf32>,
        %mul3A_1029 = arith.constant 16 : i32
        %mul3A_1030 = arith.muli %scan3A_781, %mul3A_1029 : i32
        %add3A_1031 = arith.constant 7 : i32
        %add3A_1032 = arith.addi %mul3A_1030, %add3A_1031 : i32
        %slice3A_1033 = vector.extract_strided_slice %get3A_785 {offsets = [7], sizes = [1], strides = [1]} : vector<16xf32> to vector<1xf32>
        %squeeze3A_1034 = vector.extract %slice3A_1033[0] : f32 from vector<1xf32>
        %broadcast_in_dim3A_1035 = vector.broadcast %squeeze3A_1034 : f32 to vector<16xf32>
        %get3A_1036 = arith.index_cast %add3A_1032 : i32 to index
        %get3A_1037 = arith.constant 0 : index
        %get3A_1038 = tpu.vector_load %arg17[%get3A_1036, %get3A_1037] {strides = array<i32>} : memref<128x64xf32, #tpu.memory_space<vmem>>, vector<16xf32>,
        %mul3A_1039 = arith.mulf %get3A_1038, %broadcast_in_dim3A_1035 : vector<16xf32>
        %swap3A_1040 = arith.index_cast %add3A_1032 : i32 to index
        %swap3A_1041 = arith.constant 0 : index
        %swap3A_1042 = tpu.vector_load %arg17[%swap3A_1040, %swap3A_1041] {strides = array<i32>} : memref<128x64xf32, #tpu.memory_space<vmem>>, vector<16xf32>,
        tpu.vector_store %arg17[%swap3A_1040, %swap3A_1041], %mul3A_1039 {strides = array<i32>} : memref<128x64xf32, #tpu.memory_space<vmem>>, vector<16xf32>,
        %get3A_1043 = arith.index_cast %add3A_1032 : i32 to index
        %get3A_1044 = arith.constant 16 : index
        %get3A_1045 = tpu.vector_load %arg17[%get3A_1043, %get3A_1044] {strides = array<i32>} : memref<128x64xf32, #tpu.memory_space<vmem>>, vector<16xf32>,
        %mul3A_1046 = arith.mulf %get3A_1045, %broadcast_in_dim3A_1035 : vector<16xf32>
        %swap3A_1047 = arith.index_cast %add3A_1032 : i32 to index
        %swap3A_1048 = arith.constant 16 : index
        %swap3A_1049 = tpu.vector_load %arg17[%swap3A_1047, %swap3A_1048] {strides = array<i32>} : memref<128x64xf32, #tpu.memory_space<vmem>>, vector<16xf32>,
        tpu.vector_store %arg17[%swap3A_1047, %swap3A_1048], %mul3A_1046 {strides = array<i32>} : memref<128x64xf32, #tpu.memory_space<vmem>>, vector<16xf32>,
        %get3A_1050 = arith.index_cast %add3A_1032 : i32 to index
        %get3A_1051 = arith.constant 32 : index
        %get3A_1052 = tpu.vector_load %arg17[%get3A_1050, %get3A_1051] {strides = array<i32>} : memref<128x64xf32, #tpu.memory_space<vmem>>, vector<16xf32>,
        %mul3A_1053 = arith.mulf %get3A_1052, %broadcast_in_dim3A_1035 : vector<16xf32>
        %swap3A_1054 = arith.index_cast %add3A_1032 : i32 to index
        %swap3A_1055 = arith.constant 32 : index
        %swap3A_1056 = tpu.vector_load %arg17[%swap3A_1054, %swap3A_1055] {strides = array<i32>} : memref<128x64xf32, #tpu.memory_space<vmem>>, vector<16xf32>,
        tpu.vector_store %arg17[%swap3A_1054, %swap3A_1055], %mul3A_1053 {strides = array<i32>} : memref<128x64xf32, #tpu.memory_space<vmem>>, vector<16xf32>,
        %get3A_1057 = arith.index_cast %add3A_1032 : i32 to index
        %get3A_1058 = arith.constant 48 : index
        %get3A_1059 = tpu.vector_load %arg17[%get3A_1057, %get3A_1058] {strides = array<i32>} : memref<128x64xf32, #tpu.memory_space<vmem>>, vector<16xf32>,
        %mul3A_1060 = arith.mulf %get3A_1059, %broadcast_in_dim3A_1035 : vector<16xf32>
        %swap3A_1061 = arith.index_cast %add3A_1032 : i32 to index
        %swap3A_1062 = arith.constant 48 : index
        %swap3A_1063 = tpu.vector_load %arg17[%swap3A_1061, %swap3A_1062] {strides = array<i32>} : memref<128x64xf32, #tpu.memory_space<vmem>>, vector<16xf32>,
        tpu.vector_store %arg17[%swap3A_1061, %swap3A_1062], %mul3A_1060 {strides = array<i32>} : memref<128x64xf32, #tpu.memory_space<vmem>>, vector<16xf32>,
        %mul3A_1064 = arith.constant 16 : i32
        %mul3A_1065 = arith.muli %scan3A_781, %mul3A_1064 : i32
        %add3A_1066 = arith.constant 8 : i32
        %add3A_1067 = arith.addi %mul3A_1065, %add3A_1066 : i32
        %slice3A_1068 = vector.extract_strided_slice %get3A_785 {offsets = [8], sizes = [1], strides = [1]} : vector<16xf32> to vector<1xf32>
        %squeeze3A_1069 = vector.extract %slice3A_1068[0] : f32 from vector<1xf32>
        %broadcast_in_dim3A_1070 = vector.broadcast %squeeze3A_1069 : f32 to vector<16xf32>
        %get3A_1071 = arith.index_cast %add3A_1067 : i32 to index
        %get3A_1072 = arith.constant 0 : index
        %get3A_1073 = tpu.vector_load %arg17[%get3A_1071, %get3A_1072] {strides = array<i32>} : memref<128x64xf32, #tpu.memory_space<vmem>>, vector<16xf32>,
        %mul3A_1074 = arith.mulf %get3A_1073, %broadcast_in_dim3A_1070 : vector<16xf32>
        %swap3A_1075 = arith.index_cast %add3A_1067 : i32 to index
        %swap3A_1076 = arith.constant 0 : index
        %swap3A_1077 = tpu.vector_load %arg17[%swap3A_1075, %swap3A_1076] {strides = array<i32>} : memref<128x64xf32, #tpu.memory_space<vmem>>, vector<16xf32>,
        tpu.vector_store %arg17[%swap3A_1075, %swap3A_1076], %mul3A_1074 {strides = array<i32>} : memref<128x64xf32, #tpu.memory_space<vmem>>, vector<16xf32>,
        %get3A_1078 = arith.index_cast %add3A_1067 : i32 to index
        %get3A_1079 = arith.constant 16 : index
        %get3A_1080 = tpu.vector_load %arg17[%get3A_1078, %get3A_1079] {strides = array<i32>} : memref<128x64xf32, #tpu.memory_space<vmem>>, vector<16xf32>,
        %mul3A_1081 = arith.mulf %get3A_1080, %broadcast_in_dim3A_1070 : vector<16xf32>
        %swap3A_1082 = arith.index_cast %add3A_1067 : i32 to index
        %swap3A_1083 = arith.constant 16 : index
        %swap3A_1084 = tpu.vector_load %arg17[%swap3A_1082, %swap3A_1083] {strides = array<i32>} : memref<128x64xf32, #tpu.memory_space<vmem>>, vector<16xf32>,
        tpu.vector_store %arg17[%swap3A_1082, %swap3A_1083], %mul3A_1081 {strides = array<i32>} : memref<128x64xf32, #tpu.memory_space<vmem>>, vector<16xf32>,
        %get3A_1085 = arith.index_cast %add3A_1067 : i32 to index
        %get3A_1086 = arith.constant 32 : index
        %get3A_1087 = tpu.vector_load %arg17[%get3A_1085, %get3A_1086] {strides = array<i32>} : memref<128x64xf32, #tpu.memory_space<vmem>>, vector<16xf32>,
        %mul3A_1088 = arith.mulf %get3A_1087, %broadcast_in_dim3A_1070 : vector<16xf32>
        %swap3A_1089 = arith.index_cast %add3A_1067 : i32 to index
        %swap3A_1090 = arith.constant 32 : index
        %swap3A_1091 = tpu.vector_load %arg17[%swap3A_1089, %swap3A_1090] {strides = array<i32>} : memref<128x64xf32, #tpu.memory_space<vmem>>, vector<16xf32>,
        tpu.vector_store %arg17[%swap3A_1089, %swap3A_1090], %mul3A_1088 {strides = array<i32>} : memref<128x64xf32, #tpu.memory_space<vmem>>, vector<16xf32>,
        %get3A_1092 = arith.index_cast %add3A_1067 : i32 to index
        %get3A_1093 = arith.constant 48 : index
        %get3A_1094 = tpu.vector_load %arg17[%get3A_1092, %get3A_1093] {strides = array<i32>} : memref<128x64xf32, #tpu.memory_space<vmem>>, vector<16xf32>,
        %mul3A_1095 = arith.mulf %get3A_1094, %broadcast_in_dim3A_1070 : vector<16xf32>
        %swap3A_1096 = arith.index_cast %add3A_1067 : i32 to index
        %swap3A_1097 = arith.constant 48 : index
        %swap3A_1098 = tpu.vector_load %arg17[%swap3A_1096, %swap3A_1097] {strides = array<i32>} : memref<128x64xf32, #tpu.memory_space<vmem>>, vector<16xf32>,
        tpu.vector_store %arg17[%swap3A_1096, %swap3A_1097], %mul3A_1095 {strides = array<i32>} : memref<128x64xf32, #tpu.memory_space<vmem>>, vector<16xf32>,
        %mul3A_1099 = arith.constant 16 : i32
        %mul3A_1100 = arith.muli %scan3A_781, %mul3A_1099 : i32
        %add3A_1101 = arith.constant 9 : i32
        %add3A_1102 = arith.addi %mul3A_1100, %add3A_1101 : i32
        %slice3A_1103 = vector.extract_strided_slice %get3A_785 {offsets = [9], sizes = [1], strides = [1]} : vector<16xf32> to vector<1xf32>
        %squeeze3A_1104 = vector.extract %slice3A_1103[0] : f32 from vector<1xf32>
        %broadcast_in_dim3A_1105 = vector.broadcast %squeeze3A_1104 : f32 to vector<16xf32>
        %get3A_1106 = arith.index_cast %add3A_1102 : i32 to index
        %get3A_1107 = arith.constant 0 : index
        %get3A_1108 = tpu.vector_load %arg17[%get3A_1106, %get3A_1107] {strides = array<i32>} : memref<128x64xf32, #tpu.memory_space<vmem>>, vector<16xf32>,
        %mul3A_1109 = arith.mulf %get3A_1108, %broadcast_in_dim3A_1105 : vector<16xf32>
        %swap3A_1110 = arith.index_cast %add3A_1102 : i32 to index
        %swap3A_1111 = arith.constant 0 : index
        %swap3A_1112 = tpu.vector_load %arg17[%swap3A_1110, %swap3A_1111] {strides = array<i32>} : memref<128x64xf32, #tpu.memory_space<vmem>>, vector<16xf32>,
        tpu.vector_store %arg17[%swap3A_1110, %swap3A_1111], %mul3A_1109 {strides = array<i32>} : memref<128x64xf32, #tpu.memory_space<vmem>>, vector<16xf32>,
        %get3A_1113 = arith.index_cast %add3A_1102 : i32 to index
        %get3A_1114 = arith.constant 16 : index
        %get3A_1115 = tpu.vector_load %arg17[%get3A_1113, %get3A_1114] {strides = array<i32>} : memref<128x64xf32, #tpu.memory_space<vmem>>, vector<16xf32>,
        %mul3A_1116 = arith.mulf %get3A_1115, %broadcast_in_dim3A_1105 : vector<16xf32>
        %swap3A_1117 = arith.index_cast %add3A_1102 : i32 to index
        %swap3A_1118 = arith.constant 16 : index
        %swap3A_1119 = tpu.vector_load %arg17[%swap3A_1117, %swap3A_1118] {strides = array<i32>} : memref<128x64xf32, #tpu.memory_space<vmem>>, vector<16xf32>,
        tpu.vector_store %arg17[%swap3A_1117, %swap3A_1118], %mul3A_1116 {strides = array<i32>} : memref<128x64xf32, #tpu.memory_space<vmem>>, vector<16xf32>,
        %get3A_1120 = arith.index_cast %add3A_1102 : i32 to index
        %get3A_1121 = arith.constant 32 : index
        %get3A_1122 = tpu.vector_load %arg17[%get3A_1120, %get3A_1121] {strides = array<i32>} : memref<128x64xf32, #tpu.memory_space<vmem>>, vector<16xf32>,
        %mul3A_1123 = arith.mulf %get3A_1122, %broadcast_in_dim3A_1105 : vector<16xf32>
        %swap3A_1124 = arith.index_cast %add3A_1102 : i32 to index
        %swap3A_1125 = arith.constant 32 : index
        %swap3A_1126 = tpu.vector_load %arg17[%swap3A_1124, %swap3A_1125] {strides = array<i32>} : memref<128x64xf32, #tpu.memory_space<vmem>>, vector<16xf32>,
        tpu.vector_store %arg17[%swap3A_1124, %swap3A_1125], %mul3A_1123 {strides = array<i32>} : memref<128x64xf32, #tpu.memory_space<vmem>>, vector<16xf32>,
        %get3A_1127 = arith.index_cast %add3A_1102 : i32 to index
        %get3A_1128 = arith.constant 48 : index
        %get3A_1129 = tpu.vector_load %arg17[%get3A_1127, %get3A_1128] {strides = array<i32>} : memref<128x64xf32, #tpu.memory_space<vmem>>, vector<16xf32>,
        %mul3A_1130 = arith.mulf %get3A_1129, %broadcast_in_dim3A_1105 : vector<16xf32>
        %swap3A_1131 = arith.index_cast %add3A_1102 : i32 to index
        %swap3A_1132 = arith.constant 48 : index
        %swap3A_1133 = tpu.vector_load %arg17[%swap3A_1131, %swap3A_1132] {strides = array<i32>} : memref<128x64xf32, #tpu.memory_space<vmem>>, vector<16xf32>,
        tpu.vector_store %arg17[%swap3A_1131, %swap3A_1132], %mul3A_1130 {strides = array<i32>} : memref<128x64xf32, #tpu.memory_space<vmem>>, vector<16xf32>,
        %mul3A_1134 = arith.constant 16 : i32
        %mul3A_1135 = arith.muli %scan3A_781, %mul3A_1134 : i32
        %add3A_1136 = arith.constant 10 : i32
        %add3A_1137 = arith.addi %mul3A_1135, %add3A_1136 : i32
        %slice3A_1138 = vector.extract_strided_slice %get3A_785 {offsets = [10], sizes = [1], strides = [1]} : vector<16xf32> to vector<1xf32>
        %squeeze3A_1139 = vector.extract %slice3A_1138[0] : f32 from vector<1xf32>
        %broadcast_in_dim3A_1140 = vector.broadcast %squeeze3A_1139 : f32 to vector<16xf32>
        %get3A_1141 = arith.index_cast %add3A_1137 : i32 to index
        %get3A_1142 = arith.constant 0 : index
        %get3A_1143 = tpu.vector_load %arg17[%get3A_1141, %get3A_1142] {strides = array<i32>} : memref<128x64xf32, #tpu.memory_space<vmem>>, vector<16xf32>,
        %mul3A_1144 = arith.mulf %get3A_1143, %broadcast_in_dim3A_1140 : vector<16xf32>
        %swap3A_1145 = arith.index_cast %add3A_1137 : i32 to index
        %swap3A_1146 = arith.constant 0 : index
        %swap3A_1147 = tpu.vector_load %arg17[%swap3A_1145, %swap3A_1146] {strides = array<i32>} : memref<128x64xf32, #tpu.memory_space<vmem>>, vector<16xf32>,
        tpu.vector_store %arg17[%swap3A_1145, %swap3A_1146], %mul3A_1144 {strides = array<i32>} : memref<128x64xf32, #tpu.memory_space<vmem>>, vector<16xf32>,
        %get3A_1148 = arith.index_cast %add3A_1137 : i32 to index
        %get3A_1149 = arith.constant 16 : index
        %get3A_1150 = tpu.vector_load %arg17[%get3A_1148, %get3A_1149] {strides = array<i32>} : memref<128x64xf32, #tpu.memory_space<vmem>>, vector<16xf32>,
        %mul3A_1151 = arith.mulf %get3A_1150, %broadcast_in_dim3A_1140 : vector<16xf32>
        %swap3A_1152 = arith.index_cast %add3A_1137 : i32 to index
        %swap3A_1153 = arith.constant 16 : index
        %swap3A_1154 = tpu.vector_load %arg17[%swap3A_1152, %swap3A_1153] {strides = array<i32>} : memref<128x64xf32, #tpu.memory_space<vmem>>, vector<16xf32>,
        tpu.vector_store %arg17[%swap3A_1152, %swap3A_1153], %mul3A_1151 {strides = array<i32>} : memref<128x64xf32, #tpu.memory_space<vmem>>, vector<16xf32>,
        %get3A_1155 = arith.index_cast %add3A_1137 : i32 to index
        %get3A_1156 = arith.constant 32 : index
        %get3A_1157 = tpu.vector_load %arg17[%get3A_1155, %get3A_1156] {strides = array<i32>} : memref<128x64xf32, #tpu.memory_space<vmem>>, vector<16xf32>,
        %mul3A_1158 = arith.mulf %get3A_1157, %broadcast_in_dim3A_1140 : vector<16xf32>
        %swap3A_1159 = arith.index_cast %add3A_1137 : i32 to index
        %swap3A_1160 = arith.constant 32 : index
        %swap3A_1161 = tpu.vector_load %arg17[%swap3A_1159, %swap3A_1160] {strides = array<i32>} : memref<128x64xf32, #tpu.memory_space<vmem>>, vector<16xf32>,
        tpu.vector_store %arg17[%swap3A_1159, %swap3A_1160], %mul3A_1158 {strides = array<i32>} : memref<128x64xf32, #tpu.memory_space<vmem>>, vector<16xf32>,
        %get3A_1162 = arith.index_cast %add3A_1137 : i32 to index
        %get3A_1163 = arith.constant 48 : index
        %get3A_1164 = tpu.vector_load %arg17[%get3A_1162, %get3A_1163] {strides = array<i32>} : memref<128x64xf32, #tpu.memory_space<vmem>>, vector<16xf32>,
        %mul3A_1165 = arith.mulf %get3A_1164, %broadcast_in_dim3A_1140 : vector<16xf32>
        %swap3A_1166 = arith.index_cast %add3A_1137 : i32 to index
        %swap3A_1167 = arith.constant 48 : index
        %swap3A_1168 = tpu.vector_load %arg17[%swap3A_1166, %swap3A_1167] {strides = array<i32>} : memref<128x64xf32, #tpu.memory_space<vmem>>, vector<16xf32>,
        tpu.vector_store %arg17[%swap3A_1166, %swap3A_1167], %mul3A_1165 {strides = array<i32>} : memref<128x64xf32, #tpu.memory_space<vmem>>, vector<16xf32>,
        %mul3A_1169 = arith.constant 16 : i32
        %mul3A_1170 = arith.muli %scan3A_781, %mul3A_1169 : i32
        %add3A_1171 = arith.constant 11 : i32
        %add3A_1172 = arith.addi %mul3A_1170, %add3A_1171 : i32
        %slice3A_1173 = vector.extract_strided_slice %get3A_785 {offsets = [11], sizes = [1], strides = [1]} : vector<16xf32> to vector<1xf32>
        %squeeze3A_1174 = vector.extract %slice3A_1173[0] : f32 from vector<1xf32>
        %broadcast_in_dim3A_1175 = vector.broadcast %squeeze3A_1174 : f32 to vector<16xf32>
        %get3A_1176 = arith.index_cast %add3A_1172 : i32 to index
        %get3A_1177 = arith.constant 0 : index
        %get3A_1178 = tpu.vector_load %arg17[%get3A_1176, %get3A_1177] {strides = array<i32>} : memref<128x64xf32, #tpu.memory_space<vmem>>, vector<16xf32>,
        %mul3A_1179 = arith.mulf %get3A_1178, %broadcast_in_dim3A_1175 : vector<16xf32>
        %swap3A_1180 = arith.index_cast %add3A_1172 : i32 to index
        %swap3A_1181 = arith.constant 0 : index
        %swap3A_1182 = tpu.vector_load %arg17[%swap3A_1180, %swap3A_1181] {strides = array<i32>} : memref<128x64xf32, #tpu.memory_space<vmem>>, vector<16xf32>,
        tpu.vector_store %arg17[%swap3A_1180, %swap3A_1181], %mul3A_1179 {strides = array<i32>} : memref<128x64xf32, #tpu.memory_space<vmem>>, vector<16xf32>,
        %get3A_1183 = arith.index_cast %add3A_1172 : i32 to index
        %get3A_1184 = arith.constant 16 : index
        %get3A_1185 = tpu.vector_load %arg17[%get3A_1183, %get3A_1184] {strides = array<i32>} : memref<128x64xf32, #tpu.memory_space<vmem>>, vector<16xf32>,
        %mul3A_1186 = arith.mulf %get3A_1185, %broadcast_in_dim3A_1175 : vector<16xf32>
        %swap3A_1187 = arith.index_cast %add3A_1172 : i32 to index
        %swap3A_1188 = arith.constant 16 : index
        %swap3A_1189 = tpu.vector_load %arg17[%swap3A_1187, %swap3A_1188] {strides = array<i32>} : memref<128x64xf32, #tpu.memory_space<vmem>>, vector<16xf32>,
        tpu.vector_store %arg17[%swap3A_1187, %swap3A_1188], %mul3A_1186 {strides = array<i32>} : memref<128x64xf32, #tpu.memory_space<vmem>>, vector<16xf32>,
        %get3A_1190 = arith.index_cast %add3A_1172 : i32 to index
        %get3A_1191 = arith.constant 32 : index
        %get3A_1192 = tpu.vector_load %arg17[%get3A_1190, %get3A_1191] {strides = array<i32>} : memref<128x64xf32, #tpu.memory_space<vmem>>, vector<16xf32>,
        %mul3A_1193 = arith.mulf %get3A_1192, %broadcast_in_dim3A_1175 : vector<16xf32>
        %swap3A_1194 = arith.index_cast %add3A_1172 : i32 to index
        %swap3A_1195 = arith.constant 32 : index
        %swap3A_1196 = tpu.vector_load %arg17[%swap3A_1194, %swap3A_1195] {strides = array<i32>} : memref<128x64xf32, #tpu.memory_space<vmem>>, vector<16xf32>,
        tpu.vector_store %arg17[%swap3A_1194, %swap3A_1195], %mul3A_1193 {strides = array<i32>} : memref<128x64xf32, #tpu.memory_space<vmem>>, vector<16xf32>,
        %get3A_1197 = arith.index_cast %add3A_1172 : i32 to index
        %get3A_1198 = arith.constant 48 : index
        %get3A_1199 = tpu.vector_load %arg17[%get3A_1197, %get3A_1198] {strides = array<i32>} : memref<128x64xf32, #tpu.memory_space<vmem>>, vector<16xf32>,
        %mul3A_1200 = arith.mulf %get3A_1199, %broadcast_in_dim3A_1175 : vector<16xf32>
        %swap3A_1201 = arith.index_cast %add3A_1172 : i32 to index
        %swap3A_1202 = arith.constant 48 : index
        %swap3A_1203 = tpu.vector_load %arg17[%swap3A_1201, %swap3A_1202] {strides = array<i32>} : memref<128x64xf32, #tpu.memory_space<vmem>>, vector<16xf32>,
        tpu.vector_store %arg17[%swap3A_1201, %swap3A_1202], %mul3A_1200 {strides = array<i32>} : memref<128x64xf32, #tpu.memory_space<vmem>>, vector<16xf32>,
        %mul3A_1204 = arith.constant 16 : i32
        %mul3A_1205 = arith.muli %scan3A_781, %mul3A_1204 : i32
        %add3A_1206 = arith.constant 12 : i32
        %add3A_1207 = arith.addi %mul3A_1205, %add3A_1206 : i32
        %slice3A_1208 = vector.extract_strided_slice %get3A_785 {offsets = [12], sizes = [1], strides = [1]} : vector<16xf32> to vector<1xf32>
        %squeeze3A_1209 = vector.extract %slice3A_1208[0] : f32 from vector<1xf32>
        %broadcast_in_dim3A_1210 = vector.broadcast %squeeze3A_1209 : f32 to vector<16xf32>
        %get3A_1211 = arith.index_cast %add3A_1207 : i32 to index
        %get3A_1212 = arith.constant 0 : index
        %get3A_1213 = tpu.vector_load %arg17[%get3A_1211, %get3A_1212] {strides = array<i32>} : memref<128x64xf32, #tpu.memory_space<vmem>>, vector<16xf32>,
        %mul3A_1214 = arith.mulf %get3A_1213, %broadcast_in_dim3A_1210 : vector<16xf32>
        %swap3A_1215 = arith.index_cast %add3A_1207 : i32 to index
        %swap3A_1216 = arith.constant 0 : index
        %swap3A_1217 = tpu.vector_load %arg17[%swap3A_1215, %swap3A_1216] {strides = array<i32>} : memref<128x64xf32, #tpu.memory_space<vmem>>, vector<16xf32>,
        tpu.vector_store %arg17[%swap3A_1215, %swap3A_1216], %mul3A_1214 {strides = array<i32>} : memref<128x64xf32, #tpu.memory_space<vmem>>, vector<16xf32>,
        %get3A_1218 = arith.index_cast %add3A_1207 : i32 to index
        %get3A_1219 = arith.constant 16 : index
        %get3A_1220 = tpu.vector_load %arg17[%get3A_1218, %get3A_1219] {strides = array<i32>} : memref<128x64xf32, #tpu.memory_space<vmem>>, vector<16xf32>,
        %mul3A_1221 = arith.mulf %get3A_1220, %broadcast_in_dim3A_1210 : vector<16xf32>
        %swap3A_1222 = arith.index_cast %add3A_1207 : i32 to index
        %swap3A_1223 = arith.constant 16 : index
        %swap3A_1224 = tpu.vector_load %arg17[%swap3A_1222, %swap3A_1223] {strides = array<i32>} : memref<128x64xf32, #tpu.memory_space<vmem>>, vector<16xf32>,
        tpu.vector_store %arg17[%swap3A_1222, %swap3A_1223], %mul3A_1221 {strides = array<i32>} : memref<128x64xf32, #tpu.memory_space<vmem>>, vector<16xf32>,
        %get3A_1225 = arith.index_cast %add3A_1207 : i32 to index
        %get3A_1226 = arith.constant 32 : index
        %get3A_1227 = tpu.vector_load %arg17[%get3A_1225, %get3A_1226] {strides = array<i32>} : memref<128x64xf32, #tpu.memory_space<vmem>>, vector<16xf32>,
        %mul3A_1228 = arith.mulf %get3A_1227, %broadcast_in_dim3A_1210 : vector<16xf32>
        %swap3A_1229 = arith.index_cast %add3A_1207 : i32 to index
        %swap3A_1230 = arith.constant 32 : index
        %swap3A_1231 = tpu.vector_load %arg17[%swap3A_1229, %swap3A_1230] {strides = array<i32>} : memref<128x64xf32, #tpu.memory_space<vmem>>, vector<16xf32>,
        tpu.vector_store %arg17[%swap3A_1229, %swap3A_1230], %mul3A_1228 {strides = array<i32>} : memref<128x64xf32, #tpu.memory_space<vmem>>, vector<16xf32>,
        %get3A_1232 = arith.index_cast %add3A_1207 : i32 to index
        %get3A_1233 = arith.constant 48 : index
        %get3A_1234 = tpu.vector_load %arg17[%get3A_1232, %get3A_1233] {strides = array<i32>} : memref<128x64xf32, #tpu.memory_space<vmem>>, vector<16xf32>,
        %mul3A_1235 = arith.mulf %get3A_1234, %broadcast_in_dim3A_1210 : vector<16xf32>
        %swap3A_1236 = arith.index_cast %add3A_1207 : i32 to index
        %swap3A_1237 = arith.constant 48 : index
        %swap3A_1238 = tpu.vector_load %arg17[%swap3A_1236, %swap3A_1237] {strides = array<i32>} : memref<128x64xf32, #tpu.memory_space<vmem>>, vector<16xf32>,
        tpu.vector_store %arg17[%swap3A_1236, %swap3A_1237], %mul3A_1235 {strides = array<i32>} : memref<128x64xf32, #tpu.memory_space<vmem>>, vector<16xf32>,
        %mul3A_1239 = arith.constant 16 : i32
        %mul3A_1240 = arith.muli %scan3A_781, %mul3A_1239 : i32
        %add3A_1241 = arith.constant 13 : i32
        %add3A_1242 = arith.addi %mul3A_1240, %add3A_1241 : i32
        %slice3A_1243 = vector.extract_strided_slice %get3A_785 {offsets = [13], sizes = [1], strides = [1]} : vector<16xf32> to vector<1xf32>
        %squeeze3A_1244 = vector.extract %slice3A_1243[0] : f32 from vector<1xf32>
        %broadcast_in_dim3A_1245 = vector.broadcast %squeeze3A_1244 : f32 to vector<16xf32>
        %get3A_1246 = arith.index_cast %add3A_1242 : i32 to index
        %get3A_1247 = arith.constant 0 : index
        %get3A_1248 = tpu.vector_load %arg17[%get3A_1246, %get3A_1247] {strides = array<i32>} : memref<128x64xf32, #tpu.memory_space<vmem>>, vector<16xf32>,
        %mul3A_1249 = arith.mulf %get3A_1248, %broadcast_in_dim3A_1245 : vector<16xf32>
        %swap3A_1250 = arith.index_cast %add3A_1242 : i32 to index
        %swap3A_1251 = arith.constant 0 : index
        %swap3A_1252 = tpu.vector_load %arg17[%swap3A_1250, %swap3A_1251] {strides = array<i32>} : memref<128x64xf32, #tpu.memory_space<vmem>>, vector<16xf32>,
        tpu.vector_store %arg17[%swap3A_1250, %swap3A_1251], %mul3A_1249 {strides = array<i32>} : memref<128x64xf32, #tpu.memory_space<vmem>>, vector<16xf32>,
        %get3A_1253 = arith.index_cast %add3A_1242 : i32 to index
        %get3A_1254 = arith.constant 16 : index
        %get3A_1255 = tpu.vector_load %arg17[%get3A_1253, %get3A_1254] {strides = array<i32>} : memref<128x64xf32, #tpu.memory_space<vmem>>, vector<16xf32>,
        %mul3A_1256 = arith.mulf %get3A_1255, %broadcast_in_dim3A_1245 : vector<16xf32>
        %swap3A_1257 = arith.index_cast %add3A_1242 : i32 to index
        %swap3A_1258 = arith.constant 16 : index
        %swap3A_1259 = tpu.vector_load %arg17[%swap3A_1257, %swap3A_1258] {strides = array<i32>} : memref<128x64xf32, #tpu.memory_space<vmem>>, vector<16xf32>,
        tpu.vector_store %arg17[%swap3A_1257, %swap3A_1258], %mul3A_1256 {strides = array<i32>} : memref<128x64xf32, #tpu.memory_space<vmem>>, vector<16xf32>,
        %get3A_1260 = arith.index_cast %add3A_1242 : i32 to index
        %get3A_1261 = arith.constant 32 : index
        %get3A_1262 = tpu.vector_load %arg17[%get3A_1260, %get3A_1261] {strides = array<i32>} : memref<128x64xf32, #tpu.memory_space<vmem>>, vector<16xf32>,
        %mul3A_1263 = arith.mulf %get3A_1262, %broadcast_in_dim3A_1245 : vector<16xf32>
        %swap3A_1264 = arith.index_cast %add3A_1242 : i32 to index
        %swap3A_1265 = arith.constant 32 : index
        %swap3A_1266 = tpu.vector_load %arg17[%swap3A_1264, %swap3A_1265] {strides = array<i32>} : memref<128x64xf32, #tpu.memory_space<vmem>>, vector<16xf32>,
        tpu.vector_store %arg17[%swap3A_1264, %swap3A_1265], %mul3A_1263 {strides = array<i32>} : memref<128x64xf32, #tpu.memory_space<vmem>>, vector<16xf32>,
        %get3A_1267 = arith.index_cast %add3A_1242 : i32 to index
        %get3A_1268 = arith.constant 48 : index
        %get3A_1269 = tpu.vector_load %arg17[%get3A_1267, %get3A_1268] {strides = array<i32>} : memref<128x64xf32, #tpu.memory_space<vmem>>, vector<16xf32>,
        %mul3A_1270 = arith.mulf %get3A_1269, %broadcast_in_dim3A_1245 : vector<16xf32>
        %swap3A_1271 = arith.index_cast %add3A_1242 : i32 to index
        %swap3A_1272 = arith.constant 48 : index
        %swap3A_1273 = tpu.vector_load %arg17[%swap3A_1271, %swap3A_1272] {strides = array<i32>} : memref<128x64xf32, #tpu.memory_space<vmem>>, vector<16xf32>,
        tpu.vector_store %arg17[%swap3A_1271, %swap3A_1272], %mul3A_1270 {strides = array<i32>} : memref<128x64xf32, #tpu.memory_space<vmem>>, vector<16xf32>,
        %mul3A_1274 = arith.constant 16 : i32
        %mul3A_1275 = arith.muli %scan3A_781, %mul3A_1274 : i32
        %add3A_1276 = arith.constant 14 : i32
        %add3A_1277 = arith.addi %mul3A_1275, %add3A_1276 : i32
        %slice3A_1278 = vector.extract_strided_slice %get3A_785 {offsets = [14], sizes = [1], strides = [1]} : vector<16xf32> to vector<1xf32>
        %squeeze3A_1279 = vector.extract %slice3A_1278[0] : f32 from vector<1xf32>
        %broadcast_in_dim3A_1280 = vector.broadcast %squeeze3A_1279 : f32 to vector<16xf32>
        %get3A_1281 = arith.index_cast %add3A_1277 : i32 to index
        %get3A_1282 = arith.constant 0 : index
        %get3A_1283 = tpu.vector_load %arg17[%get3A_1281, %get3A_1282] {strides = array<i32>} : memref<128x64xf32, #tpu.memory_space<vmem>>, vector<16xf32>,
        %mul3A_1284 = arith.mulf %get3A_1283, %broadcast_in_dim3A_1280 : vector<16xf32>
        %swap3A_1285 = arith.index_cast %add3A_1277 : i32 to index
        %swap3A_1286 = arith.constant 0 : index
        %swap3A_1287 = tpu.vector_load %arg17[%swap3A_1285, %swap3A_1286] {strides = array<i32>} : memref<128x64xf32, #tpu.memory_space<vmem>>, vector<16xf32>,
        tpu.vector_store %arg17[%swap3A_1285, %swap3A_1286], %mul3A_1284 {strides = array<i32>} : memref<128x64xf32, #tpu.memory_space<vmem>>, vector<16xf32>,
        %get3A_1288 = arith.index_cast %add3A_1277 : i32 to index
        %get3A_1289 = arith.constant 16 : index
        %get3A_1290 = tpu.vector_load %arg17[%get3A_1288, %get3A_1289] {strides = array<i32>} : memref<128x64xf32, #tpu.memory_space<vmem>>, vector<16xf32>,
        %mul3A_1291 = arith.mulf %get3A_1290, %broadcast_in_dim3A_1280 : vector<16xf32>
        %swap3A_1292 = arith.index_cast %add3A_1277 : i32 to index
        %swap3A_1293 = arith.constant 16 : index
        %swap3A_1294 = tpu.vector_load %arg17[%swap3A_1292, %swap3A_1293] {strides = array<i32>} : memref<128x64xf32, #tpu.memory_space<vmem>>, vector<16xf32>,
        tpu.vector_store %arg17[%swap3A_1292, %swap3A_1293], %mul3A_1291 {strides = array<i32>} : memref<128x64xf32, #tpu.memory_space<vmem>>, vector<16xf32>,
        %get3A_1295 = arith.index_cast %add3A_1277 : i32 to index
        %get3A_1296 = arith.constant 32 : index
        %get3A_1297 = tpu.vector_load %arg17[%get3A_1295, %get3A_1296] {strides = array<i32>} : memref<128x64xf32, #tpu.memory_space<vmem>>, vector<16xf32>,
        %mul3A_1298 = arith.mulf %get3A_1297, %broadcast_in_dim3A_1280 : vector<16xf32>
        %swap3A_1299 = arith.index_cast %add3A_1277 : i32 to index
        %swap3A_1300 = arith.constant 32 : index
        %swap3A_1301 = tpu.vector_load %arg17[%swap3A_1299, %swap3A_1300] {strides = array<i32>} : memref<128x64xf32, #tpu.memory_space<vmem>>, vector<16xf32>,
        tpu.vector_store %arg17[%swap3A_1299, %swap3A_1300], %mul3A_1298 {strides = array<i32>} : memref<128x64xf32, #tpu.memory_space<vmem>>, vector<16xf32>,
        %get3A_1302 = arith.index_cast %add3A_1277 : i32 to index
        %get3A_1303 = arith.constant 48 : index
        %get3A_1304 = tpu.vector_load %arg17[%get3A_1302, %get3A_1303] {strides = array<i32>} : memref<128x64xf32, #tpu.memory_space<vmem>>, vector<16xf32>,
        %mul3A_1305 = arith.mulf %get3A_1304, %broadcast_in_dim3A_1280 : vector<16xf32>
        %swap3A_1306 = arith.index_cast %add3A_1277 : i32 to index
        %swap3A_1307 = arith.constant 48 : index
        %swap3A_1308 = tpu.vector_load %arg17[%swap3A_1306, %swap3A_1307] {strides = array<i32>} : memref<128x64xf32, #tpu.memory_space<vmem>>, vector<16xf32>,
        tpu.vector_store %arg17[%swap3A_1306, %swap3A_1307], %mul3A_1305 {strides = array<i32>} : memref<128x64xf32, #tpu.memory_space<vmem>>, vector<16xf32>,
        %mul3A_1309 = arith.constant 16 : i32
        %mul3A_1310 = arith.muli %scan3A_781, %mul3A_1309 : i32
        %add3A_1311 = arith.constant 15 : i32
        %add3A_1312 = arith.addi %mul3A_1310, %add3A_1311 : i32
        %slice3A_1313 = vector.extract_strided_slice %get3A_785 {offsets = [15], sizes = [1], strides = [1]} : vector<16xf32> to vector<1xf32>
        %squeeze3A_1314 = vector.extract %slice3A_1313[0] : f32 from vector<1xf32>
        %broadcast_in_dim3A_1315 = vector.broadcast %squeeze3A_1314 : f32 to vector<16xf32>
        %get3A_1316 = arith.index_cast %add3A_1312 : i32 to index
        %get3A_1317 = arith.constant 0 : index
        %get3A_1318 = tpu.vector_load %arg17[%get3A_1316, %get3A_1317] {strides = array<i32>} : memref<128x64xf32, #tpu.memory_space<vmem>>, vector<16xf32>,
        %mul3A_1319 = arith.mulf %get3A_1318, %broadcast_in_dim3A_1315 : vector<16xf32>
        %swap3A_1320 = arith.index_cast %add3A_1312 : i32 to index
        %swap3A_1321 = arith.constant 0 : index
        %swap3A_1322 = tpu.vector_load %arg17[%swap3A_1320, %swap3A_1321] {strides = array<i32>} : memref<128x64xf32, #tpu.memory_space<vmem>>, vector<16xf32>,
        tpu.vector_store %arg17[%swap3A_1320, %swap3A_1321], %mul3A_1319 {strides = array<i32>} : memref<128x64xf32, #tpu.memory_space<vmem>>, vector<16xf32>,
        %get3A_1323 = arith.index_cast %add3A_1312 : i32 to index
        %get3A_1324 = arith.constant 16 : index
        %get3A_1325 = tpu.vector_load %arg17[%get3A_1323, %get3A_1324] {strides = array<i32>} : memref<128x64xf32, #tpu.memory_space<vmem>>, vector<16xf32>,
        %mul3A_1326 = arith.mulf %get3A_1325, %broadcast_in_dim3A_1315 : vector<16xf32>
        %swap3A_1327 = arith.index_cast %add3A_1312 : i32 to index
        %swap3A_1328 = arith.constant 16 : index
        %swap3A_1329 = tpu.vector_load %arg17[%swap3A_1327, %swap3A_1328] {strides = array<i32>} : memref<128x64xf32, #tpu.memory_space<vmem>>, vector<16xf32>,
        tpu.vector_store %arg17[%swap3A_1327, %swap3A_1328], %mul3A_1326 {strides = array<i32>} : memref<128x64xf32, #tpu.memory_space<vmem>>, vector<16xf32>,
        %get3A_1330 = arith.index_cast %add3A_1312 : i32 to index
        %get3A_1331 = arith.constant 32 : index
        %get3A_1332 = tpu.vector_load %arg17[%get3A_1330, %get3A_1331] {strides = array<i32>} : memref<128x64xf32, #tpu.memory_space<vmem>>, vector<16xf32>,
        %mul3A_1333 = arith.mulf %get3A_1332, %broadcast_in_dim3A_1315 : vector<16xf32>
        %swap3A_1334 = arith.index_cast %add3A_1312 : i32 to index
        %swap3A_1335 = arith.constant 32 : index
        %swap3A_1336 = tpu.vector_load %arg17[%swap3A_1334, %swap3A_1335] {strides = array<i32>} : memref<128x64xf32, #tpu.memory_space<vmem>>, vector<16xf32>,
        tpu.vector_store %arg17[%swap3A_1334, %swap3A_1335], %mul3A_1333 {strides = array<i32>} : memref<128x64xf32, #tpu.memory_space<vmem>>, vector<16xf32>,
        %get3A_1337 = arith.index_cast %add3A_1312 : i32 to index
        %get3A_1338 = arith.constant 48 : index
        %get3A_1339 = tpu.vector_load %arg17[%get3A_1337, %get3A_1338] {strides = array<i32>} : memref<128x64xf32, #tpu.memory_space<vmem>>, vector<16xf32>,
        %mul3A_1340 = arith.mulf %get3A_1339, %broadcast_in_dim3A_1315 : vector<16xf32>
        %swap3A_1341 = arith.index_cast %add3A_1312 : i32 to index
        %swap3A_1342 = arith.constant 48 : index
        %swap3A_1343 = tpu.vector_load %arg17[%swap3A_1341, %swap3A_1342] {strides = array<i32>} : memref<128x64xf32, #tpu.memory_space<vmem>>, vector<16xf32>,
        tpu.vector_store %arg17[%swap3A_1341, %swap3A_1342], %mul3A_1340 {strides = array<i32>} : memref<128x64xf32, #tpu.memory_space<vmem>>, vector<16xf32>,
      }
      %scan3A_752 = arith.constant 8 : i32
      %dma_start3A_753 = arith.constant 0 : i32
      %dma_start3A_754 = tpu.memref_slice %arg11[%add3A_198, %dma_start3A_753] : memref<158x128xi32, #tpu.memory_space<vmem>> -> memref<1x128xi32, #tpu.memory_space<vmem>>
      %dma_start3A_755 = tpu.memref_squeeze %dma_start3A_754 : memref<1x128xi32, #tpu.memory_space<vmem>> -> memref<128xi32, #tpu.memory_space<vmem>>
      %dma_start3A_756 = arith.constant 0 : i32
      %dma_start3A_757 = arith.constant 0 : i32
      %dma_start3A_758 = tpu.memref_slice %arg18[%dma_start3A_756, %dma_start3A_757] : memref<10000x64xf32, #tpu.memory_space<vmem_shared>> -> memref<10000x64xf32, #tpu.memory_space<vmem_shared>>
      tpu.enqueue_indirect_dma source(%arg17 : memref<128x64xf32, #tpu.memory_space<vmem>>) target(%dma_start3A_758 : memref<10000x64xf32, #tpu.memory_space<vmem_shared>>) offsets(%dma_start3A_755 : memref<128xi32, #tpu.memory_space<vmem>>) semaphore(%arg23 : memref<!tpu.dma_semaphore, #tpu.memory_space<semaphore_mem>>) {add = true}
      %dma_wait3A_759 = arith.constant 0 : i32
      %dma_wait3A_760 = tpu.memref_slice %arg11[%mul3A_196, %dma_wait3A_759] : memref<158x128xi32, #tpu.memory_space<vmem>> -> memref<1x128xi32, #tpu.memory_space<vmem>>
      %dma_wait3A_761 = tpu.memref_squeeze %dma_wait3A_760 : memref<1x128xi32, #tpu.memory_space<vmem>> -> memref<128xi32, #tpu.memory_space<vmem>>
      %dma_wait3A_762 = arith.constant 0 : i32
      %dma_wait3A_763 = tpu.memref_slice %arg19[%dma_wait3A_762] : memref<10000xf32, #tpu.memory_space<vmem_shared>> -> memref<10000xf32, #tpu.memory_space<vmem_shared>>
      tpu.wait_indirect_dma semaphore(%arg24 : memref<!tpu.dma_semaphore, #tpu.memory_space<semaphore_mem>>) src(%arg14 : memref<128xf32, #tpu.memory_space<vmem>>) dst(%dma_wait3A_763 : memref<10000xf32, #tpu.memory_space<vmem_shared>>)
      %dma_wait3A_764 = arith.constant 0 : i32
      %dma_wait3A_765 = tpu.memref_slice %arg11[%add3A_198, %dma_wait3A_764] : memref<158x128xi32, #tpu.memory_space<vmem>> -> memref<1x128xi32, #tpu.memory_space<vmem>>
      %dma_wait3A_766 = tpu.memref_squeeze %dma_wait3A_765 : memref<1x128xi32, #tpu.memory_space<vmem>> -> memref<128xi32, #tpu.memory_space<vmem>>
      %dma_wait3A_767 = arith.constant 0 : i32
      %dma_wait3A_768 = tpu.memref_slice %arg19[%dma_wait3A_767] : memref<10000xf32, #tpu.memory_space<vmem_shared>> -> memref<10000xf32, #tpu.memory_space<vmem_shared>>
      tpu.wait_indirect_dma semaphore(%arg25 : memref<!tpu.dma_semaphore, #tpu.memory_space<semaphore_mem>>) src(%arg15 : memref<128xf32, #tpu.memory_space<vmem>>) dst(%dma_wait3A_768 : memref<10000xf32, #tpu.memory_space<vmem_shared>>)
      %dma_wait3A_769 = arith.constant 0 : i32
      %dma_wait3A_770 = tpu.memref_slice %arg11[%mul3A_196, %dma_wait3A_769] : memref<158x128xi32, #tpu.memory_space<vmem>> -> memref<1x128xi32, #tpu.memory_space<vmem>>
      %dma_wait3A_771 = tpu.memref_squeeze %dma_wait3A_770 : memref<1x128xi32, #tpu.memory_space<vmem>> -> memref<128xi32, #tpu.memory_space<vmem>>
      %dma_wait3A_772 = arith.constant 0 : i32
      %dma_wait3A_773 = arith.constant 0 : i32
      %dma_wait3A_774 = tpu.memref_slice %arg18[%dma_wait3A_772, %dma_wait3A_773] : memref<10000x64xf32, #tpu.memory_space<vmem_shared>> -> memref<10000x64xf32, #tpu.memory_space<vmem_shared>>
      tpu.wait_indirect_dma semaphore(%arg22 : memref<!tpu.dma_semaphore, #tpu.memory_space<semaphore_mem>>) src(%arg16 : memref<128x64xf32, #tpu.memory_space<vmem>>) dst(%dma_wait3A_774 : memref<10000x64xf32, #tpu.memory_space<vmem_shared>>)
      %dma_wait3A_775 = arith.constant 0 : i32
      %dma_wait3A_776 = tpu.memref_slice %arg11[%add3A_198, %dma_wait3A_775] : memref<158x128xi32, #tpu.memory_space<vmem>> -> memref<1x128xi32, #tpu.memory_space<vmem>>
      %dma_wait3A_777 = tpu.memref_squeeze %dma_wait3A_776 : memref<1x128xi32, #tpu.memory_space<vmem>> -> memref<128xi32, #tpu.memory_space<vmem>>
      %dma_wait3A_778 = arith.constant 0 : i32
      %dma_wait3A_779 = arith.constant 0 : i32
      %dma_wait3A_780 = tpu.memref_slice %arg18[%dma_wait3A_778, %dma_wait3A_779] : memref<10000x64xf32, #tpu.memory_space<vmem_shared>> -> memref<10000x64xf32, #tpu.memory_space<vmem_shared>>
      tpu.wait_indirect_dma semaphore(%arg23 : memref<!tpu.dma_semaphore, #tpu.memory_space<semaphore_mem>>) src(%arg17 : memref<128x64xf32, #tpu.memory_space<vmem>>) dst(%dma_wait3A_780 : memref<10000x64xf32, #tpu.memory_space<vmem_shared>>)
    }
    %scan3A_179 = arith.constant 79 : i32
    %barrier3A_180 = arith.constant 0 : index
    tpu.barrier barrier_id(%barrier3A_180)
    %mul3A = arith.constant 624 : i32
    %mul3A_181 = arith.muli %arg1, %mul3A : i32
    %mul3A_182 = arith.constant 624 : i32
    %mul3A_183 = arith.muli %arg1, %mul3A_182 : i32
    "tpu.region"() ({
      %run_scoped3A = tpu.sem_alloc : memref<!tpu.dma_semaphore, #tpu.memory_space<semaphore_mem>>
      %dma_start3A = arith.constant 0 : i32
      %dma_start3A_194 = tpu.memref_slice %arg8[%arg0, %mul3A_183, %dma_start3A] : memref<2x10000x64xf32, #tpu.memory_space<hbm>> -> memref<1x624x64xf32, #tpu.memory_space<hbm>>
      %dma_start3A_195 = tpu.memref_squeeze %dma_start3A_194 : memref<1x624x64xf32, #tpu.memory_space<hbm>> -> memref<624x64xf32, #tpu.memory_space<hbm>>
      %dma_start3A_196 = arith.constant 0 : i32
      %dma_start3A_197 = tpu.memref_slice %arg18[%mul3A_181, %dma_start3A_196] : memref<10000x64xf32, #tpu.memory_space<vmem_shared>> -> memref<624x64xf32, #tpu.memory_space<vmem_shared>>
      tpu.enqueue_dma source(%dma_start3A_197 : memref<624x64xf32, #tpu.memory_space<vmem_shared>>) target(%dma_start3A_195 : memref<624x64xf32, #tpu.memory_space<hbm>>) target_semaphore(%run_scoped3A : memref<!tpu.dma_semaphore, #tpu.memory_space<semaphore_mem>>)
      %dma_wait3A = arith.constant 0 : i32
      %dma_wait3A_198 = tpu.memref_slice %arg8[%arg0, %mul3A_183, %dma_wait3A] : memref<2x10000x64xf32, #tpu.memory_space<hbm>> -> memref<1x624x64xf32, #tpu.memory_space<hbm>>
      %dma_wait3A_199 = tpu.memref_squeeze %dma_wait3A_198 : memref<1x624x64xf32, #tpu.memory_space<hbm>> -> memref<624x64xf32, #tpu.memory_space<hbm>>
      %dma_wait3A_200 = arith.constant 0 : i32
      %dma_wait3A_201 = tpu.memref_slice %arg18[%mul3A_181, %dma_wait3A_200] : memref<10000x64xf32, #tpu.memory_space<vmem_shared>> -> memref<624x64xf32, #tpu.memory_space<vmem_shared>>
      tpu.wait_dma2 semaphore(%run_scoped3A : memref<!tpu.dma_semaphore, #tpu.memory_space<semaphore_mem>>) src(%dma_wait3A_201 : memref<624x64xf32, #tpu.memory_space<vmem_shared>>) dst(%dma_wait3A_199 : memref<624x64xf32, #tpu.memory_space<hbm>>)
      tpu.yield
    }) : () -> ()
    %eq3A_184 = arith.constant 15 : i32
    %eq3A_185 = arith.cmpi eq, %arg1, %eq3A_184 : i32
    %convert_element_type3A_186 = arith.extui %eq3A_185 : i1 to i32
    %cond3A_187 = arith.constant 0 : i32
    %cond3A_188 = arith.cmpi ne, %convert_element_type3A_186, %cond3A_187 : i32
    scf.if %cond3A_188 {
      "tpu.region"() ({
        %run_scoped3A = tpu.sem_alloc : memref<!tpu.dma_semaphore, #tpu.memory_space<semaphore_mem>>
        %dma_start3A = arith.constant 9984 : i32
        %dma_start3A_194 = arith.constant 0 : i32
        %dma_start3A_195 = tpu.memref_slice %arg8[%arg0, %dma_start3A, %dma_start3A_194] : memref<2x10000x64xf32, #tpu.memory_space<hbm>> -> memref<1x16x64xf32, #tpu.memory_space<hbm>>
        %dma_start3A_196 = tpu.memref_squeeze %dma_start3A_195 : memref<1x16x64xf32, #tpu.memory_space<hbm>> -> memref<16x64xf32, #tpu.memory_space<hbm>>
        %dma_start3A_197 = arith.constant 9984 : i32
        %dma_start3A_198 = arith.constant 0 : i32
        %dma_start3A_199 = tpu.memref_slice %arg18[%dma_start3A_197, %dma_start3A_198] : memref<10000x64xf32, #tpu.memory_space<vmem_shared>> -> memref<16x64xf32, #tpu.memory_space<vmem_shared>>
        tpu.enqueue_dma source(%dma_start3A_199 : memref<16x64xf32, #tpu.memory_space<vmem_shared>>) target(%dma_start3A_196 : memref<16x64xf32, #tpu.memory_space<hbm>>) target_semaphore(%run_scoped3A : memref<!tpu.dma_semaphore, #tpu.memory_space<semaphore_mem>>)
        %dma_wait3A = arith.constant 9984 : i32
        %dma_wait3A_200 = arith.constant 0 : i32
        %dma_wait3A_201 = tpu.memref_slice %arg8[%arg0, %dma_wait3A, %dma_wait3A_200] : memref<2x10000x64xf32, #tpu.memory_space<hbm>> -> memref<1x16x64xf32, #tpu.memory_space<hbm>>
        %dma_wait3A_202 = tpu.memref_squeeze %dma_wait3A_201 : memref<1x16x64xf32, #tpu.memory_space<hbm>> -> memref<16x64xf32, #tpu.memory_space<hbm>>
        %dma_wait3A_203 = arith.constant 9984 : i32
        %dma_wait3A_204 = arith.constant 0 : i32
        %dma_wait3A_205 = tpu.memref_slice %arg18[%dma_wait3A_203, %dma_wait3A_204] : memref<10000x64xf32, #tpu.memory_space<vmem_shared>> -> memref<16x64xf32, #tpu.memory_space<vmem_shared>>
        tpu.wait_dma2 semaphore(%run_scoped3A : memref<!tpu.dma_semaphore, #tpu.memory_space<semaphore_mem>>) src(%dma_wait3A_205 : memref<16x64xf32, #tpu.memory_space<vmem_shared>>) dst(%dma_wait3A_202 : memref<16x64xf32, #tpu.memory_space<hbm>>)
        tpu.yield
      }) : () -> ()
    } else {
    }
    %eq3A_189 = arith.constant 0 : i32
    %eq3A_190 = arith.cmpi eq, %arg1, %eq3A_189 : i32
    %convert_element_type3A_191 = arith.extui %eq3A_190 : i1 to i32
    %cond3A_192 = arith.constant 0 : i32
    %cond3A_193 = arith.cmpi ne, %convert_element_type3A_191, %cond3A_192 : i32
    scf.if %cond3A_193 {
      "tpu.region"() ({
        %run_scoped3A = tpu.sem_alloc : memref<!tpu.dma_semaphore, #tpu.memory_space<semaphore_mem>>
        %dma_start3A = arith.constant 0 : i32
        %dma_start3A_194 = tpu.memref_slice %arg9[%arg0, %dma_start3A] : memref<2x10000xf32, #tpu.memory_space<hbm>> -> memref<1x10000xf32, #tpu.memory_space<hbm>>
        %dma_start3A_195 = tpu.memref_squeeze %dma_start3A_194 : memref<1x10000xf32, #tpu.memory_space<hbm>> -> memref<10000xf32, #tpu.memory_space<hbm>>
        tpu.enqueue_dma source(%arg19 : memref<10000xf32, #tpu.memory_space<vmem_shared>>) target(%dma_start3A_195 : memref<10000xf32, #tpu.memory_space<hbm>>) target_semaphore(%run_scoped3A : memref<!tpu.dma_semaphore, #tpu.memory_space<semaphore_mem>>)
        %dma_wait3A = arith.constant 0 : i32
        %dma_wait3A_196 = tpu.memref_slice %arg9[%arg0, %dma_wait3A] : memref<2x10000xf32, #tpu.memory_space<hbm>> -> memref<1x10000xf32, #tpu.memory_space<hbm>>
        %dma_wait3A_197 = tpu.memref_squeeze %dma_wait3A_196 : memref<1x10000xf32, #tpu.memory_space<hbm>> -> memref<10000xf32, #tpu.memory_space<hbm>>
        tpu.wait_dma2 semaphore(%run_scoped3A : memref<!tpu.dma_semaphore, #tpu.memory_space<semaphore_mem>>) src(%arg19 : memref<10000xf32, #tpu.memory_space<vmem_shared>>) dst(%dma_wait3A_197 : memref<10000xf32, #tpu.memory_space<hbm>>)
        tpu.yield
      }) : () -> ()
    } else {
    }
    return
  }
}

module attributes {stable_mosaic.version = 14 : i64} {
  func.func @_pre_body(%arg0: i32, %arg1: memref<1000x128xf32, #tpu.memory_space<vmem>>, %arg2: memref<128x128xf32, #tpu.memory_space<vmem>>, %arg3: memref<128x2xf32, #tpu.memory_space<vmem>>, %arg4: memref<2x1000x64xf32, #tpu.memory_space<vmem>>, %arg5: memref<1000x1xf32, #tpu.memory_space<vmem>>, %arg6: memref<1000x1xf32, #tpu.memory_space<vmem>>) attributes {dimension_semantics = [#tpu.dimension_semantics<arbitrary>], iteration_bounds = array<i64: 10>, scalar_prefetch = 0 : i64, scratch_operands = 0 : i64, tpu.core_type = #tpu.core_type<tc>, window_params = [{transform_indices = @transform_0, window_bounds = array<i64: 1000, 128>}, {pipeline_mode = #tpu.pipeline_mode<synchronous>, transform_indices = @transform_1, window_bounds = array<i64: 128, 128>}, {pipeline_mode = #tpu.pipeline_mode<synchronous>, transform_indices = @transform_2, window_bounds = array<i64: 128, 2>}, {transform_indices = @transform_3, window_bounds = array<i64: 2, 1000, 64>}, {transform_indices = @transform_4, window_bounds = array<i64: 1000, 1>}, {transform_indices = @transform_5, window_bounds = array<i64: 1000, 1>}]} {
    %get3A = arith.constant 0 : index
    %get3A_0 = arith.constant 0 : index
    %get3A_1 = vector.load %arg1[%get3A, %get3A_0] : memref<1000x128xf32, #tpu.memory_space<vmem>>, vector<1000x128xf32>
    %get3A_2 = arith.constant 0 : index
    %get3A_3 = arith.constant 0 : index
    %get3A_4 = vector.load %arg2[%get3A_2, %get3A_3] : memref<128x128xf32, #tpu.memory_space<vmem>>, vector<128x128xf32>
    %dot_general3A = arith.constant dense<0.000000e+00> : vector<1000x128xf32>
    %dot_general3A_5 = tpu.matmul %get3A_1, %get3A_4, %dot_general3A {dimension_numbers = #tpu.dot_dimension_numbers<[1], [0], [0], [1], [0, 0, 1, 1], [], []>, transpose_lhs_hint = false} : vector<1000x128xf32>, vector<128x128xf32>, vector<1000x128xf32> -> vector<1000x128xf32>
    %slice3A = vector.extract_strided_slice %dot_general3A_5 {offsets = [0, 0], sizes = [1000, 64], strides = [1, 1]} : vector<1000x128xf32> to vector<1000x64xf32>
    %swap3A = arith.constant 0 : index
    %swap3A_6 = arith.constant 0 : index
    %swap3A_7 = arith.constant 0 : index
    %swap3A_8 = vector.load %arg4[%swap3A, %swap3A_6, %swap3A_7] : memref<2x1000x64xf32, #tpu.memory_space<vmem>>, vector<1x1000x64xf32>
    %swap3A_9 = vector.shape_cast %swap3A_8 : vector<1x1000x64xf32> to vector<1000x64xf32>
    %swap3A_10 = vector.shape_cast %slice3A : vector<1000x64xf32> to vector<1x1000x64xf32>
    tpu.vector_store %arg4[%swap3A, %swap3A_6, %swap3A_7], %swap3A_10 {strides = array<i32>} : memref<2x1000x64xf32, #tpu.memory_space<vmem>>, vector<1x1000x64xf32>,
    %slice3A_11 = vector.extract_strided_slice %dot_general3A_5 {offsets = [0, 64], sizes = [1000, 64], strides = [1, 1]} : vector<1000x128xf32> to vector<1000x64xf32>
    %swap3A_12 = arith.constant 1 : index
    %swap3A_13 = arith.constant 0 : index
    %swap3A_14 = arith.constant 0 : index
    %swap3A_15 = vector.load %arg4[%swap3A_12, %swap3A_13, %swap3A_14] : memref<2x1000x64xf32, #tpu.memory_space<vmem>>, vector<1x1000x64xf32>
    %swap3A_16 = vector.shape_cast %swap3A_15 : vector<1x1000x64xf32> to vector<1000x64xf32>
    %swap3A_17 = vector.shape_cast %slice3A_11 : vector<1000x64xf32> to vector<1x1000x64xf32>
    tpu.vector_store %arg4[%swap3A_12, %swap3A_13, %swap3A_14], %swap3A_17 {strides = array<i32>} : memref<2x1000x64xf32, #tpu.memory_space<vmem>>, vector<1x1000x64xf32>,
    %get3A_18 = arith.constant 0 : index
    %get3A_19 = arith.constant 0 : index
    %get3A_20 = vector.load %arg3[%get3A_18, %get3A_19] : memref<128x2xf32, #tpu.memory_space<vmem>>, vector<128x2xf32>
    %dot_general3A_21 = arith.constant dense<0.000000e+00> : vector<1000x2xf32>
    %dot_general3A_22 = tpu.matmul %dot_general3A_5, %get3A_20, %dot_general3A_21 {dimension_numbers = #tpu.dot_dimension_numbers<[1], [0], [0], [1], [0, 0, 1, 1], [], []>, transpose_lhs_hint = false} : vector<1000x128xf32>, vector<128x2xf32>, vector<1000x2xf32> -> vector<1000x2xf32>
    %slice3A_23 = vector.extract_strided_slice %dot_general3A_22 {offsets = [0, 0], sizes = [1000, 1], strides = [1, 1]} : vector<1000x2xf32> to vector<1000x1xf32>
    %swap3A_24 = arith.constant 0 : index
    %swap3A_25 = arith.constant 0 : index
    %swap3A_26 = vector.load %arg5[%swap3A_24, %swap3A_25] : memref<1000x1xf32, #tpu.memory_space<vmem>>, vector<1000x1xf32>
    tpu.vector_store %arg5[%swap3A_24, %swap3A_25], %slice3A_23 {strides = array<i32>} : memref<1000x1xf32, #tpu.memory_space<vmem>>, vector<1000x1xf32>,
    %slice3A_27 = vector.extract_strided_slice %dot_general3A_22 {offsets = [0, 1], sizes = [1000, 1], strides = [1, 1]} : vector<1000x2xf32> to vector<1000x1xf32>
    %swap3A_28 = arith.constant 0 : index
    %swap3A_29 = arith.constant 0 : index
    %swap3A_30 = vector.load %arg6[%swap3A_28, %swap3A_29] : memref<1000x1xf32, #tpu.memory_space<vmem>>, vector<1000x1xf32>
    tpu.vector_store %arg6[%swap3A_28, %swap3A_29], %slice3A_27 {strides = array<i32>} : memref<1000x1xf32, #tpu.memory_space<vmem>>, vector<1000x1xf32>,
    return
  }
  func.func @transform_0(%arg0: i32) -> (i32, i32) {
    %c0_i32 = arith.constant 0 : i32
    %c0_i32_0 = arith.constant 0 : i32
    return %arg0, %c0_i32 : i32, i32
  }
  func.func @transform_1(%arg0: i32) -> (i32, i32) {
    %c0_i32 = arith.constant 0 : i32
    %c0_i32_0 = arith.constant 0 : i32
    %c0_i32_1 = arith.constant 0 : i32
    return %c0_i32, %c0_i32_0 : i32, i32
  }
  func.func @transform_2(%arg0: i32) -> (i32, i32) {
    %c0_i32 = arith.constant 0 : i32
    %c0_i32_0 = arith.constant 0 : i32
    %c0_i32_1 = arith.constant 0 : i32
    return %c0_i32, %c0_i32_0 : i32, i32
  }
  func.func @transform_3(%arg0: i32) -> (i32, i32, i32) {
    %c0_i32 = arith.constant 0 : i32
    %c0_i32_0 = arith.constant 0 : i32
    %c0_i32_1 = arith.constant 0 : i32
    return %c0_i32, %arg0, %c0_i32_0 : i32, i32, i32
  }
  func.func @transform_4(%arg0: i32) -> (i32, i32) {
    %c0_i32 = arith.constant 0 : i32
    %c0_i32_0 = arith.constant 0 : i32
    return %arg0, %c0_i32 : i32, i32
  }
  func.func @transform_5(%arg0: i32) -> (i32, i32) {
    %c0_i32 = arith.constant 0 : i32
    %c0_i32_0 = arith.constant 0 : i32
    return %arg0, %c0_i32 : i32, i32
  }
}

module attributes {stable_mosaic.version = 14 : i64} {
  func.func @_post_body(%arg0: i32, %arg1: memref<2x1000x64xf32, #tpu.memory_space<vmem>>, %arg2: memref<1000x2xf32, #tpu.memory_space<vmem>>, %arg3: memref<1x1x1000xi32, #tpu.memory_space<vmem>>, %arg4: memref<1x128xf32, #tpu.memory_space<vmem>>, %arg5: memref<128x1xf32, #tpu.memory_space<vmem>>, %arg6: memref<1x1xf32, #tpu.memory_space<vmem>>, %arg7: memref<128x1xf32, #tpu.memory_space<vmem>>, %arg8: memref<128x128xf32, #tpu.memory_space<vmem>>, %arg9: memref<128x1xf32, #tpu.memory_space<vmem>>) attributes {dimension_semantics = [#tpu.dimension_semantics<arbitrary>], iteration_bounds = array<i64: 10>, scalar_prefetch = 0 : i64, scratch_operands = 2 : i64, tpu.core_type = #tpu.core_type<tc>, window_params = [{transform_indices = @transform_0, window_bounds = array<i64: 2, 1000, 64>}, {transform_indices = @transform_1, window_bounds = array<i64: 1000, 2>}, {transform_indices = @transform_2, window_bounds = array<i64: 1, 1, 1000>}, {pipeline_mode = #tpu.pipeline_mode<synchronous>, transform_indices = @transform_3, window_bounds = array<i64: 1, 128>}, {pipeline_mode = #tpu.pipeline_mode<synchronous>, transform_indices = @transform_4, window_bounds = array<i64: 128, 1>}, {pipeline_mode = #tpu.pipeline_mode<synchronous>, transform_indices = @transform_5, window_bounds = array<i64: 1, 1>}, {pipeline_mode = #tpu.pipeline_mode<synchronous>, transform_indices = @transform_6, window_bounds = array<i64: 128, 1>}]} {
    %eq3A = arith.constant 0 : i32
    %eq3A_0 = arith.cmpi eq, %arg0, %eq3A : i32
    %convert_element_type3A = arith.extui %eq3A_0 : i1 to i32
    %cond3A = arith.constant 0 : i32
    %cond3A_1 = arith.cmpi ne, %convert_element_type3A, %cond3A : i32
    scf.if %cond3A_1 {
      %broadcast_in_dim3A_92 = arith.constant 0.000000e+00 : f32
      %broadcast_in_dim3A_93 = vector.broadcast %broadcast_in_dim3A_92 : f32 to vector<128x128xf32>
      %swap3A_94 = arith.constant 0 : index
      %swap3A_95 = arith.constant 0 : index
      %swap3A_96 = vector.load %arg8[%swap3A_94, %swap3A_95] : memref<128x128xf32, #tpu.memory_space<vmem>>, vector<128x128xf32>
      tpu.vector_store %arg8[%swap3A_94, %swap3A_95], %broadcast_in_dim3A_93 {strides = array<i32>} : memref<128x128xf32, #tpu.memory_space<vmem>>, vector<128x128xf32>,
      %broadcast_in_dim3A_97 = arith.constant 0.000000e+00 : f32
      %broadcast_in_dim3A_98 = vector.broadcast %broadcast_in_dim3A_97 : f32 to vector<128x1xf32>
      %swap3A_99 = arith.constant 0 : index
      %swap3A_100 = arith.constant 0 : index
      %swap3A_101 = vector.load %arg9[%swap3A_99, %swap3A_100] : memref<128x1xf32, #tpu.memory_space<vmem>>, vector<128x1xf32>
      tpu.vector_store %arg9[%swap3A_99, %swap3A_100], %broadcast_in_dim3A_98 {strides = array<i32>} : memref<128x1xf32, #tpu.memory_space<vmem>>, vector<128x1xf32>,
    } else {
    }
    %get3A = arith.constant 0 : index
    %get3A_2 = arith.constant 0 : index
    %get3A_3 = vector.load %arg2[%get3A, %get3A_2] : memref<1000x2xf32, #tpu.memory_space<vmem>>, vector<1000x2xf32>
    %slice3A = vector.extract_strided_slice %get3A_3 {offsets = [0, 0], sizes = [1000, 1], strides = [1, 1]} : vector<1000x2xf32> to vector<1000x1xf32>
    %squeeze3A = vector.shape_cast %slice3A : vector<1000x1xf32> to vector<1000xf32>
    %gt3A = arith.constant 0.000000e+00 : f32
    %gt3A_4 = vector.broadcast %gt3A : f32 to vector<1000xf32>
    %gt3A_5 = arith.cmpf ogt, %squeeze3A, %gt3A_4 : vector<1000xf32>
    %jit3A = arith.constant 1.000000e+00 : f32
    %broadcast_in_dim3A = vector.broadcast %jit3A : f32 to vector<1000xf32>
    %select_n3A = arith.select %gt3A_5, %squeeze3A, %broadcast_in_dim3A : vector<1000xi1>, vector<1000xf32>
    %broadcast_in_dim3A_6 = vector.shape_cast %squeeze3A : vector<1000xf32> to vector<1000x1xf32>
    %gt3A_7 = arith.constant 0.000000e+00 : f32
    %gt3A_8 = vector.broadcast %gt3A_7 : f32 to vector<1000x1xf32>
    %gt3A_9 = arith.cmpf ogt, %broadcast_in_dim3A_6, %gt3A_8 : vector<1000x1xf32>
    %get3A_10 = arith.constant 0 : index
    %get3A_11 = arith.constant 0 : index
    %get3A_12 = arith.constant 0 : index
    %get3A_13 = vector.load %arg1[%get3A_10, %get3A_11, %get3A_12] : memref<2x1000x64xf32, #tpu.memory_space<vmem>>, vector<1x1000x64xf32>
    %get3A_14 = vector.shape_cast %get3A_13 : vector<1x1000x64xf32> to vector<1000x64xf32>
    %broadcast_in_dim3A_15 = vector.shape_cast %select_n3A : vector<1000xf32> to vector<1000x1xf32>
    %div3A = vector.broadcast %broadcast_in_dim3A_15 : vector<1000x1xf32> to vector<1000x64xf32>
    %div3A_16 = arith.divf %get3A_14, %div3A : vector<1000x64xf32>
    %jit3A_17 = arith.constant 0.000000e+00 : f32
    %broadcast_in_dim3A_18 = vector.shape_cast %gt3A_9 : vector<1000x1xi1> to vector<1000x1xi1>
    %broadcast_in_dim3A_19 = vector.broadcast %broadcast_in_dim3A_18 : vector<1000x1xi1> to vector<1000x64xi1>
    %broadcast_in_dim3A_20 = vector.broadcast %jit3A_17 : f32 to vector<1000x64xf32>
    %select_n3A_21 = arith.select %broadcast_in_dim3A_19, %div3A_16, %broadcast_in_dim3A_20 : vector<1000x64xi1>, vector<1000x64xf32>
    %get3A_22 = arith.constant 0 : index
    %get3A_23 = arith.constant 0 : index
    %get3A_24 = vector.load %arg2[%get3A_22, %get3A_23] : memref<1000x2xf32, #tpu.memory_space<vmem>>, vector<1000x2xf32>
    %slice3A_25 = vector.extract_strided_slice %get3A_24 {offsets = [0, 1], sizes = [1000, 1], strides = [1, 1]} : vector<1000x2xf32> to vector<1000x1xf32>
    %squeeze3A_26 = vector.shape_cast %slice3A_25 : vector<1000x1xf32> to vector<1000xf32>
    %gt3A_27 = arith.constant 0.000000e+00 : f32
    %gt3A_28 = vector.broadcast %gt3A_27 : f32 to vector<1000xf32>
    %gt3A_29 = arith.cmpf ogt, %squeeze3A_26, %gt3A_28 : vector<1000xf32>
    %jit3A_30 = arith.constant 1.000000e+00 : f32
    %broadcast_in_dim3A_31 = vector.broadcast %jit3A_30 : f32 to vector<1000xf32>
    %select_n3A_32 = arith.select %gt3A_29, %squeeze3A_26, %broadcast_in_dim3A_31 : vector<1000xi1>, vector<1000xf32>
    %broadcast_in_dim3A_33 = vector.shape_cast %squeeze3A_26 : vector<1000xf32> to vector<1000x1xf32>
    %gt3A_34 = arith.constant 0.000000e+00 : f32
    %gt3A_35 = vector.broadcast %gt3A_34 : f32 to vector<1000x1xf32>
    %gt3A_36 = arith.cmpf ogt, %broadcast_in_dim3A_33, %gt3A_35 : vector<1000x1xf32>
    %get3A_37 = arith.constant 1 : index
    %get3A_38 = arith.constant 0 : index
    %get3A_39 = arith.constant 0 : index
    %get3A_40 = vector.load %arg1[%get3A_37, %get3A_38, %get3A_39] : memref<2x1000x64xf32, #tpu.memory_space<vmem>>, vector<1x1000x64xf32>
    %get3A_41 = vector.shape_cast %get3A_40 : vector<1x1000x64xf32> to vector<1000x64xf32>
    %broadcast_in_dim3A_42 = vector.shape_cast %select_n3A_32 : vector<1000xf32> to vector<1000x1xf32>
    %div3A_43 = vector.broadcast %broadcast_in_dim3A_42 : vector<1000x1xf32> to vector<1000x64xf32>
    %div3A_44 = arith.divf %get3A_41, %div3A_43 : vector<1000x64xf32>
    %jit3A_45 = arith.constant 0.000000e+00 : f32
    %broadcast_in_dim3A_46 = vector.shape_cast %gt3A_36 : vector<1000x1xi1> to vector<1000x1xi1>
    %broadcast_in_dim3A_47 = vector.broadcast %broadcast_in_dim3A_46 : vector<1000x1xi1> to vector<1000x64xi1>
    %broadcast_in_dim3A_48 = vector.broadcast %jit3A_45 : f32 to vector<1000x64xf32>
    %select_n3A_49 = arith.select %broadcast_in_dim3A_47, %div3A_44, %broadcast_in_dim3A_48 : vector<1000x64xi1>, vector<1000x64xf32>
    %concatenate3A = tpu.concatenate %select_n3A_21, %select_n3A_49 in 1 : vector<1000x64xf32>, vector<1000x64xf32> -> vector<1000x128xf32>
    %get3A_50 = arith.constant 0 : index
    %get3A_51 = arith.constant 0 : index
    %get3A_52 = vector.load %arg4[%get3A_50, %get3A_51] : memref<1x128xf32, #tpu.memory_space<vmem>>, vector<1x128xf32>
    %add3A = vector.broadcast %get3A_52 : vector<1x128xf32> to vector<1000x128xf32>
    %add3A_53 = arith.addf %concatenate3A, %add3A : vector<1000x128xf32>
    %logistic3A = arith.negf %add3A_53 : vector<1000x128xf32>
    %logistic3A_54 = math.exp %logistic3A : vector<1000x128xf32>
    %logistic3A_55 = arith.constant 1.000000e+00 : f32
    %logistic3A_56 = vector.broadcast %logistic3A_55 : f32 to vector<1000x128xf32>
    %logistic3A_57 = arith.addf %logistic3A_56, %logistic3A_54 : vector<1000x128xf32>
    %logistic3A_58 = arith.divf %logistic3A_56, %logistic3A_57 : vector<1000x128xf32>
    %mul3A = arith.mulf %add3A_53, %logistic3A_58 : vector<1000x128xf32>
    %get3A_59 = arith.constant 0 : index
    %get3A_60 = arith.constant 0 : index
    %get3A_61 = arith.constant 0 : index
    %get3A_62 = vector.load %arg3[%get3A_59, %get3A_60, %get3A_61] : memref<1x1x1000xi32, #tpu.memory_space<vmem>>, vector<1x1x1000xi32>
    %get3A_63 = vector.shape_cast %get3A_62 : vector<1x1x1000xi32> to vector<1000xi32>
    %iota3A = tpu.iota {dimensions = array<i32: 1>} : vector<1000x128xi32>
    %broadcast_in_dim3A_64 = vector.shape_cast %get3A_63 : vector<1000xi32> to vector<1000x1xi32>
    %eq3A_65 = vector.broadcast %broadcast_in_dim3A_64 : vector<1000x1xi32> to vector<1000x128xi32>
    %eq3A_66 = arith.cmpi eq, %eq3A_65, %iota3A : vector<1000x128xi32>
    %convert_element_type3A_67 = arith.extui %eq3A_66 : vector<1000x128xi1> to vector<1000x128xi32>
    %convert_element_type3A_68 = arith.sitofp %convert_element_type3A_67 : vector<1000x128xi32> to vector<1000x128xf32>
    %get3A_69 = arith.constant 0 : index
    %get3A_70 = arith.constant 0 : index
    %get3A_71 = vector.load %arg8[%get3A_69, %get3A_70] : memref<128x128xf32, #tpu.memory_space<vmem>>, vector<128x128xf32>
    %dot_general3A = arith.constant dense<0.000000e+00> : vector<128x128xf32>
    %dot_general3A_72 = tpu.matmul %convert_element_type3A_68, %mul3A, %dot_general3A {dimension_numbers = #tpu.dot_dimension_numbers<[0], [0], [1], [1], [0, 1, 1, 1], [], []>, transpose_lhs_hint = false} : vector<1000x128xf32>, vector<1000x128xf32>, vector<128x128xf32> -> vector<128x128xf32>
    %add3A_73 = arith.addf %get3A_71, %dot_general3A_72 : vector<128x128xf32>
    %swap3A = arith.constant 0 : index
    %swap3A_74 = arith.constant 0 : index
    %swap3A_75 = vector.load %arg8[%swap3A, %swap3A_74] : memref<128x128xf32, #tpu.memory_space<vmem>>, vector<128x128xf32>
    tpu.vector_store %arg8[%swap3A, %swap3A_74], %add3A_73 {strides = array<i32>} : memref<128x128xf32, #tpu.memory_space<vmem>>, vector<128x128xf32>,
    %get3A_76 = arith.constant 0 : index
    %get3A_77 = arith.constant 0 : index
    %get3A_78 = vector.load %arg9[%get3A_76, %get3A_77] : memref<128x1xf32, #tpu.memory_space<vmem>>, vector<128x1xf32>
    %broadcast_in_dim3A_79 = arith.constant 1.000000e+00 : f32
    %broadcast_in_dim3A_80 = vector.broadcast %broadcast_in_dim3A_79 : f32 to vector<1000x1xf32>
    %dot_general3A_81 = arith.constant dense<0.000000e+00> : vector<128x1xf32>
    %dot_general3A_82 = tpu.matmul %convert_element_type3A_68, %broadcast_in_dim3A_80, %dot_general3A_81 {dimension_numbers = #tpu.dot_dimension_numbers<[0], [0], [1], [1], [0, 1, 1, 1], [], []>, transpose_lhs_hint = false} : vector<1000x128xf32>, vector<1000x1xf32>, vector<128x1xf32> -> vector<128x1xf32>
    %add3A_83 = arith.addf %get3A_78, %dot_general3A_82 : vector<128x1xf32>
    %swap3A_84 = arith.constant 0 : index
    %swap3A_85 = arith.constant 0 : index
    %swap3A_86 = vector.load %arg9[%swap3A_84, %swap3A_85] : memref<128x1xf32, #tpu.memory_space<vmem>>, vector<128x1xf32>
    tpu.vector_store %arg9[%swap3A_84, %swap3A_85], %add3A_83 {strides = array<i32>} : memref<128x1xf32, #tpu.memory_space<vmem>>, vector<128x1xf32>,
    %eq3A_87 = arith.constant 9 : i32
    %eq3A_88 = arith.cmpi eq, %arg0, %eq3A_87 : i32
    %convert_element_type3A_89 = arith.extui %eq3A_88 : i1 to i32
    %cond3A_90 = arith.constant 0 : i32
    %cond3A_91 = arith.cmpi ne, %convert_element_type3A_89, %cond3A_90 : i32
    scf.if %cond3A_91 {
      %get3A_92 = arith.constant 0 : index
      %get3A_93 = arith.constant 0 : index
      %get3A_94 = vector.load %arg8[%get3A_92, %get3A_93] : memref<128x128xf32, #tpu.memory_space<vmem>>, vector<128x128xf32>
      %get3A_95 = arith.constant 0 : index
      %get3A_96 = arith.constant 0 : index
      %get3A_97 = vector.load %arg9[%get3A_95, %get3A_96] : memref<128x1xf32, #tpu.memory_space<vmem>>, vector<128x1xf32>
      %max3A = arith.constant 1.000000e+00 : f32
      %max3A_98 = vector.broadcast %max3A : f32 to vector<128x1xf32>
      %max3A_99 = arith.maximumf %get3A_97, %max3A_98 : vector<128x1xf32>
      %div3A_100 = vector.broadcast %max3A_99 : vector<128x1xf32> to vector<128x128xf32>
      %div3A_101 = arith.divf %get3A_94, %div3A_100 : vector<128x128xf32>
      %get3A_102 = arith.constant 0 : index
      %get3A_103 = arith.constant 0 : index
      %get3A_104 = vector.load %arg5[%get3A_102, %get3A_103] : memref<128x1xf32, #tpu.memory_space<vmem>>, vector<128x1xf32>
      %dot_general3A_105 = arith.constant dense<0.000000e+00> : vector<128x1xf32>
      %dot_general3A_106 = tpu.matmul %div3A_101, %get3A_104, %dot_general3A_105 {dimension_numbers = #tpu.dot_dimension_numbers<[1], [0], [0], [1], [0, 0, 1, 1], [], []>, transpose_lhs_hint = false} : vector<128x128xf32>, vector<128x1xf32>, vector<128x1xf32> -> vector<128x1xf32>
      %get3A_107 = arith.constant 0 : index
      %get3A_108 = arith.constant 0 : index
      %get3A_109 = vector.load %arg6[%get3A_107, %get3A_108] : memref<1x1xf32, #tpu.memory_space<vmem>>, vector<1x1xf32>
      %add3A_110 = vector.broadcast %get3A_109 : vector<1x1xf32> to vector<128x1xf32>
      %add3A_111 = arith.addf %dot_general3A_106, %add3A_110 : vector<128x1xf32>
      %swap3A_112 = arith.constant 0 : index
      %swap3A_113 = arith.constant 0 : index
      %swap3A_114 = vector.load %arg7[%swap3A_112, %swap3A_113] : memref<128x1xf32, #tpu.memory_space<vmem>>, vector<128x1xf32>
      tpu.vector_store %arg7[%swap3A_112, %swap3A_113], %add3A_111 {strides = array<i32>} : memref<128x1xf32, #tpu.memory_space<vmem>>, vector<128x1xf32>,
    } else {
    }
    return
  }
  func.func @transform_0(%arg0: i32) -> (i32, i32, i32) {
    %c0_i32 = arith.constant 0 : i32
    %c0_i32_0 = arith.constant 0 : i32
    %c0_i32_1 = arith.constant 0 : i32
    return %c0_i32, %arg0, %c0_i32_0 : i32, i32, i32
  }
  func.func @transform_1(%arg0: i32) -> (i32, i32) {
    %c0_i32 = arith.constant 0 : i32
    %c0_i32_0 = arith.constant 0 : i32
    return %arg0, %c0_i32 : i32, i32
  }
  func.func @transform_2(%arg0: i32) -> (i32, i32, i32) {
    %c0_i32 = arith.constant 0 : i32
    %c0_i32_0 = arith.constant 0 : i32
    %c0_i32_1 = arith.constant 0 : i32
    return %arg0, %c0_i32, %c0_i32_0 : i32, i32, i32
  }
  func.func @transform_3(%arg0: i32) -> (i32, i32) {
    %c0_i32 = arith.constant 0 : i32
    %c0_i32_0 = arith.constant 0 : i32
    %c0_i32_1 = arith.constant 0 : i32
    return %c0_i32, %c0_i32_0 : i32, i32
  }
  func.func @transform_4(%arg0: i32) -> (i32, i32) {
    %c0_i32 = arith.constant 0 : i32
    %c0_i32_0 = arith.constant 0 : i32
    %c0_i32_1 = arith.constant 0 : i32
    return %c0_i32, %c0_i32_0 : i32, i32
  }
  func.func @transform_5(%arg0: i32) -> (i32, i32) {
    %c0_i32 = arith.constant 0 : i32
    %c0_i32_0 = arith.constant 0 : i32
    %c0_i32_1 = arith.constant 0 : i32
    return %c0_i32, %c0_i32_0 : i32, i32
  }
  func.func @transform_6(%arg0: i32) -> (i32, i32) {
    %c0_i32 = arith.constant 0 : i32
    %c0_i32_0 = arith.constant 0 : i32
    %c0_i32_1 = arith.constant 0 : i32
    return %c0_i32, %c0_i32_0 : i32, i32
  }
}

</mosaic_0001>

<sc_bundles>
// kernel: kernel.5.cloned.1.call-start
scs
__scs_entry_jumppad:
0x0: {  	(pc) =	sbr.rel $0x88, $3  }
0x1: {  	(tag) =	ssettag $0x0;
	lr =	simm.s32 $0x1  }
0x2: {  	[smem:$0x3F98] =	sst lr;
	_ =	strace $0xD0000000  }
0x3: {  	_ = 	snop  }
0x4: {  	_ = 	snop  }
0x5: {  	_ = 	snop  }
0x6: {  	_ = 	snop  }
0x7: {  	_ = 	snop  }
__scs_overlays_trampoline_lowered:
0x8: {  	[smem:$0x3FA7] =	sst s0  }
0x9: {  	[smem:$0x3FA8] =	sst s1  }
0xa: {  	[smem:$0x3FA9] =	sst s2  }
0xb: {  	[smem:$0x3FAA] =	sst s3  }
0xc: {  	[smem:$0x3FAB] =	sst s4  }
0xd: {  	[smem:$0x3FAC] =	sst s5  }
0xe: {  	[smem:$0x3FAD] =	sst s6  }
0xf: {  	[smem:$0x3FAE] =	sst s7  }
0x10: {  	[smem:$0x3FAF] =	sst s8  }
0x11: {  	[smem:$0x3FB0] =	sst s9;
	s0 =	simm.s32 @!p0 $0x0  }
0x12: {  	s1 =	sld [smem:$0x3F96];
	s0 =	simm.s32 @p0 $0x1  }
0x13: {  	[smem:$0x3FB1] =	sst s0;
	s0 =	simm.s32 @!p1 $0x0  }
0x14: {  	s2 =	sld [smem:$0x3F95];
	s0 =	simm.s32 @p1 $0x1  }
0x15: {  	[smem:$0x3FB2] =	sst s0;
	s0 =	simm.s32 @!p2 $0x0  }
0x16: {  	s3 =	sld [smem:$0x3FDB];
	s0 =	simm.s32 @p2 $0x1  }
0x17: {  	s4 =	simm.s32 $0x1BF5;
	[smem:$0x3FB4] =	sst s0  }
0x18: {  	s0 =	sld [smem:$0x3F97];
	_ =	swait.ge [sflag:s4], $0x0  }
0x19: {  	s7 =	sld [smem:$0x3F98]  }
0x1a: {  	s8 =	sadd.s32 $0xFFFFE003, lr  }
0x1b: {  	s9 =	sadd.s32 $0xFFFFFEF7, lr;
	s5 =	simm.s32 $0xFFFFFFFF;
	p2 =	slt.u32 s8, $0xFFFFF086  }
0x1c: {  	p1 =	slt.u32 s9, $0xF7A;
	s5 =	simm.s32 @!p2 $0x0  }
0x1d: {  	s5 =	simm.s32 @p1 $0x1;
	p0 =	seq.s32 s7, s2  }
0x1e: {  	s7 =	smul.u32 @!p0 $0xF7A, s2;
	p2 =	seq.s32 @!p0 s5, $0x0  }
0x1f: {  	s9 =	smul.u32 $0xF7A, s1;
	s8 =	simm.s32 @!p0 $0x1BF5;
	p2 =	por !p2, p0  }
0x20: {  	[sflag:s8] =	ssyncset.s32 @!p0 $0xFFFFF086;
	s6 =	sadd.s32 @!p0 s3, s7;
	s7 =	simm.s32 @!p0 $0x108  }
0x21: {  	s3 =	sadd.s32 s3, s9;
	s6 =	sadd.s32 @!p0 $0x88, s6;
	s7 =	simm.s32 @p2 $0x1082  }
0x22: {  	[simem:s7], [sflag:s8] =	dma.local @!p0 [hbm:s6], $0xF7A  }
0x23: {  	s9 =	sor.u32 $0xD0000000, s2;
	s6 =	simm.s32 $0x108;
	_ =	swait.ge @!p0 [sflag:s8], $0x0  }
0x24: {  	s3 =	sadd.s32 $0x88, s3;
	s6 =	simm.s32 @!p1 $0x1082;
	[sflag:s4] =	ssyncset.s32 $0xFFFFF086  }
0x25: {  	[simem:s6], [sflag:s4] =	dma.local [hbm:s3], $0xF7A  }
0x26: {  	[smem:$0x3F98] =	sst s1;
	(tag) =	ssettag s2;
	_ =	strace s9  }
0x27: {  	s1 =	sld [smem:$0x3FA8]  }
0x28: {  	s2 =	sld [smem:$0x3FA9]  }
0x29: {  	s4 =	sld [smem:$0x3FAB]  }
0x2a: {  	p0 =	seq.s32 s5, $0x0;
	s5 =	sld [smem:$0x3FAC]  }
0x2b: {  	s6 =	sld [smem:$0x3FAD]  }
0x2c: {  	s7 =	sld [smem:$0x3FAE]  }
0x2d: {  	s3 =	simm.s32 $0x108;
	s8 =	sld [smem:$0x3FAF]  }
0x2e: {  	s3 =	simm.s32 @!p0 $0x1082;
	s9 =	sld [smem:$0x3FB0]  }
0x2f: {  	lr =	sadd.s32 s0, s3;
	s0 =	sld [smem:$0x3FA7]  }
0x30: {  	s3 =	sld [smem:$0x3FAA]  }
0x31: {  	[smem:$0x3FB3] =	sst s10  }
0x32: {  	s10 =	sld [smem:$0x3FB1];
	_ =	sdelay $0x3  }
0x33: {  	p0 =	seq.s32 s10, $0x1;
	s10 =	sld [smem:$0x3FB3];
	_ =	sdelay $0x3  }
0x34: {  	[smem:$0x3FB3] =	sst s10  }
0x35: {  	s10 =	sld [smem:$0x3FB2];
	_ =	sdelay $0x3  }
0x36: {  	p1 =	seq.s32 s10, $0x1;
	s10 =	sld [smem:$0x3FB3];
	_ =	sdelay $0x3  }
0x37: {  	[smem:$0x3FB3] =	sst s10  }
0x38: {  	s10 =	sld [smem:$0x3FB4]  }
0x39: {  	_ = 	snop;
	(pc) =	sbr.ind lr, $3  }
0x3a: {  	_ = 	snop  }
0x3b: {  	_ = 	snop  }
0x3c: {  	p2 =	seq.s32 s10, $0x1;
	s10 =	sld [smem:$0x3FB3]  }
0x3d: {  	_ =	shalt  }
0x3e: {  	_ =	shalt  }
0x3f: {  	_ =	shalt  }
0x40: {  	_ =	shalt  }
0x41: {  	_ =	shalt  }
0x42: {  	_ =	shalt  }
0x43: {  	_ =	shalt  }
0x44: {  	_ =	shalt  }
0x45: {  	_ =	shalt  }
0x46: {  	_ =	shalt  }
0x47: {  	_ =	shalt  }
0x48: {  	_ =	shalt  }
0x49: {  	_ =	shalt  }
0x4a: {  	_ =	shalt  }
0x4b: {  	_ =	shalt  }
0x4c: {  	_ =	shalt  }
0x4d: {  	_ =	shalt  }
0x4e: {  	_ =	shalt  }
0x4f: {  	_ =	shalt  }
0x50: {  	_ =	shalt  }
0x51: {  	_ =	shalt  }
0x52: {  	_ =	shalt  }
0x53: {  	_ =	shalt  }
0x54: {  	_ =	shalt  }
0x55: {  	_ =	shalt  }
0x56: {  	_ =	shalt  }
0x57: {  	_ =	shalt  }
0x58: {  	_ =	shalt  }
0x59: {  	_ =	shalt  }
0x5a: {  	_ =	shalt  }
0x5b: {  	_ =	shalt  }
0x5c: {  	_ =	shalt  }
0x5d: {  	_ =	shalt  }
0x5e: {  	_ =	shalt  }
0x5f: {  	_ =	shalt  }
0x60: {  	_ =	shalt  }
0x61: {  	_ =	shalt  }
0x62: {  	_ =	shalt  }
0x63: {  	_ =	shalt  }
0x64: {  	_ =	shalt  }
0x65: {  	_ =	shalt  }
0x66: {  	_ =	shalt  }
0x67: {  	_ =	shalt  }
0x68: {  	_ =	shalt  }
0x69: {  	_ =	shalt  }
0x6a: {  	_ =	shalt  }
0x6b: {  	_ =	shalt  }
0x6c: {  	_ =	shalt  }
0x6d: {  	_ =	shalt  }
0x6e: {  	_ =	shalt  }
0x6f: {  	_ =	shalt  }
0x70: {  	_ =	shalt  }
0x71: {  	_ =	shalt  }
0x72: {  	_ =	shalt  }
0x73: {  	_ =	shalt  }
0x74: {  	_ =	shalt  }
0x75: {  	_ =	shalt  }
0x76: {  	_ =	shalt  }
0x77: {  	_ =	shalt  }
0x78: {  	_ =	shalt  }
0x79: {  	_ =	shalt  }
0x7a: {  	_ =	shalt  }
0x7b: {  	_ =	shalt  }
0x7c: {  	_ =	shalt  }
0x7d: {  	_ =	shalt  }
0x7e: {  	_ =	shalt  }
0x7f: {  	_ =	shalt  }
0x80: {  	_ =	shalt  }
0x81: {  	_ =	shalt  }
0x82: {  	_ =	shalt  }
0x83: {  	_ =	shalt  }
0x84: {  	_ =	shalt  }
0x85: {  	_ =	shalt  }
0x86: {  	_ =	shalt  }
0x87: {  	_ =	shalt  }
.Lfunc_end0:
.L_simem_size_0:
called_computation_lowered:
.L_overlay_start_0:
0x88: {  	s2 =	sld [smem:$0x3FD9]  }
0x89: {  	s3 =	sld [smem:$0x3FFE];
	_ =	sdelay $0x1  }
0x8a: {  	s1 =	srdreg.scid  }
0x8b: {  	s0 =	sand.u32 $0x1, s1  }
0x8c: {  	s16 =	sshll.u32 s0, $0xA;
	s2 =	sadd.s32 s3, s2  }
0x8d: {  	s2 =	sadd.s32 s2, s16  }
0x8e: {  	[smem:$0x3FBF] =	sst s2  }
0x8f: {  	_ = 	snop  }
0x90: {  	(tm) =	ssettm $0x1  }
0x91: {  	s17 =	sld [smem:$0x3FFB];
	_ =	sdelay $0x3  }
0x92: {  	_ =	strace s17  }
0x93: {  	s2 =	sld [smem:$0x3FFC];
	_ =	sdelay $0x3  }
0x94: {  	_ =	strace s2  }
0x95: {  	s2 =	sld [smem:$0x3FFD];
	_ =	sdelay $0x3  }
0x96: {  	_ =	strace s2  }
0x97: {  	_ =	strace $0x8FFFFFFF  }
0x98: {  	s18 =	sld [smem:$0x3FDB];
	_ =	sdelay $0x1  }
0x99: {  	s19 =	simm.s32 $_scs_section_size  }
0x9a: {  	s4 =	simm.s32 $_size__tile_overlayer_lowered;
	s5 =	simm.s32 $_tile_overlayer_lowered  }
0x9b: {  	s22 =	simm.s32 $0x1BFF;
	s21 =	sshll.u32 s5, $0x1;
	s2 =	sadd.s32 s19, s18  }
0x9c: {  	s6 =	simm.s32 $0x0;
	s20 =	sshll.u32 s4, $0x1;
	s4 =	sadd.s32 s21, s2  }
0x9d: {  	[timem:s6], [sflag:s22] =	dma.local [hbm:s4], s20  }
0x9e: {  	_ =	swait.ge [sflag:s22], s20  }
0x9f: {  	s3 =	ssub.s32 $0x0, s20;
	[sflag:s22] =	ssyncset.done $0x0  }
0xa0: {  	[sflag:s22] =	ssyncadd.s32 s3;
	_ =	sdelay $0x1  }
0xa1: {  	s23 =	simm.s32 $0x1B8B  }
0xa2: {  	_ =	swait.ge [sflag:s23], $0x1  }
0xa3: {  	[sflag:s23] =	ssyncset.done $0x0  }
0xa4: {  	s25 =	simm.s32 $0x1B8E;
	s24 =	sld [smem:$0x3FFE];
	[sflag:s23] =	ssyncadd.s32 $0xFFFFFFFF  }
0xa5: {  	s26 =	simm.s32 $execute0_lowered;
	[smem:$0x3FD2] =	sst s25  }
0xa6: {  	s4 =	sshll.u32 s26, $0x1;
	_ =	strace $0x80000046;
	[dreg:$0x1] =	wrdreg $0xFFFFFFFF  }
0xa7: {  	s28 =	simm.s32 $_size_execute0_lowered;
	s2 =	sadd.s32 s2, s4;
	[dreg:$0x0] =	wrdreg $0x0  }
0xa8: {  	s4 =	sshll.u32 s28, $0x1;
	[dreg:$0x2] =	wrdreg s2  }
0xa9: {  	[dreg:$0x3] =	wrdreg s4  }
0xaa: {  	[dreg:$0x4] =	wrdreg $0xC0  }
0xab: {  	_ =	task [dreg:s6], $0x5FFFF  }
0xac: {  	[dreg:$0x1] =	wrdreg $0xFFFFFFFF  }
0xad: {  	[dreg:$0x0] =	wrdreg $0x60  }
0xae: {  	[dreg:$0x2] =	wrdreg s24  }
0xaf: {  	[dreg:$0x3] =	wrdreg $0x12D200  }
0xb0: {  	[dreg:$0x4] =	wrdreg $0x1C9600  }
0xb1: {  	[dreg:$0x5] =	wrdreg $0x9  }
0xb2: {  	_ =	task.clear_ibuf [dreg:s6], $0x6FFFF;
	_ =	strace $0x90000046  }
0xb3: {  	s29 =	simm.s32 $0x9;
	_ =	strace $0x80000048  }
0xb4: {  	_ =	swait.ge [sflag:s29], $0x1  }
0xb5: {  	[sflag:s29] =	ssyncadd.s32 $0xFFFFFFFF  }
0xb6: {  	_ =	strace $0x90000048  }
0xb7: {  	_ =	sfence  }
0xb8: {  	s30 =	sld [smem:$0x0];
	_ =	sdelay $0x2  }
0xb9: {  	s31 =	sshll.u32 s1, $0xD;
	s1 =	sshrl.u32 s1, $0x2  }
0xba: {  	s3 =	sand.u32 $0x4000, s31;
	s1 =	sadd.s32 s1, s30  }
0xbb: {  	s0 =	sor.u32 s3, s0;
	s1 =	sshll.u32 s1, $0x11  }
0xbc: {  	s0 =	sor.u32 s1, s0  }
0xbd: {  	s0 =	sadd.s32 $0x8F2B, s0  }
0xbe: {  	[sflag:s0] =	ssyncadd.remote.s32 $0x1  }
0xbf: {  	_ =	sfence.sel $0xFFFF  }
0xc0: {  	[dreg:$0x0] =	wrdreg $0xFFFFFFFF;
	(pc) =	sbr.abs _section_cstart, $3  }
0xc1: {  	[dreg:$0x1] =	wrdreg $0xFFFFFFFF  }
0xc2: {  	_ =	task.clear_ibuf [dreg:s6], $0x2FFFF;
	_ =	strace $0x9FFFFFFF  }
0xc3: {  	(tm) =	ssettm $0x7FFFFFFF  }
tec
execute0_lowered:
.L_overlay_start_1:
0x0: {  	(tag) =	ssettag $0x1  }
0x1: {  	s0 =	rddreg [dreg:$0x0]  }
0x2: {  	s1 =	rddreg [dreg:$0x1]  }
0x3: {  	s2 =	rddreg [dreg:$0x2];
	s3 =	srdreg.scid  }
0x4: {  	s4 =	simm.s32 $0x0;
	s22 =	stileid.u32;
	s3 =	sand.u32 $0x1, s3  }
0x5: {  	[smem:$0x7FF] =	sst s4;
	s6 =	smul.u32 $0x9E0, s22;
	s7 =	sadd.s32 $0xA00, s0  }
0x6: {  	s20 =	sadd.s32 $0x400, s0;
	s9 =	sadd.s32 $0x15000, s0;
	s11 =	sshll.u32 s22, $0xD  }
0x7: {  	s23 =	sshll.u32 s22, $0x6;
	s13 =	sor.u32 $0x10, s22;
	s15 =	sor.u32 $0x20, s22  }
0x8: {  	s16 =	smul.u32 $0x9C00, s22;
	s18 =	sor.u32 $0x30, s22;
	p0 =	sgt.u32 s22, $0xD  }
0x9: {  	p2 =	sgt.u32 s22, $0xB;
	_ =	strace $0x80000047;
	[dreg:$0x4] =	wrdreg s7  }
0xa: {  	p4 =	seq.s32 s22, $0x0;
	s5 =	smul.u32 $0x13880, s3;
	[dreg:$0x5] =	wrdreg s20  }
0xb: {  	s8 =	smul.u32 $0x4E2, s3;
	s7 =	sadd.s32 $0x14C00, s0;
	s10 =	ssub.s32 $0x2, s3  }
0xc: {  	s11 =	sadd.s32 s11, s1;
	s3 =	smul.u32 $0x9C400, s3;
	s14 =	sshll.u32 s13, $0xD  }
0xd: {  	s17 =	sshll.u32 s15, $0xD;
	s19 =	sshll.u32 s18, $0xD;
	s13 =	sshll.u32 s13, $0x6  }
0xe: {  	s26 =	sshll.u32 s15, $0x6;
	s28 =	sshll.u32 s18, $0x6;
	p1 =	sne.s32 @p0 s22, $0xE  }
0xf: {  	p3 =	sne.s32 @p2 s22, $0xC;
	p5 =	sne.s32 @!p4 s22, $0xF;
	s6 =	sadd.s32 s6, s0  }
0x10: {  	s21 =	sshrl.u32 s10, $0x1;
	s14 =	sadd.s32 s14, s1;
	s17 =	sadd.s32 s17, s1  }
0x11: {  	s19 =	sadd.s32 s19, s1;
	s25 =	sadd.s32 s13, s2;
	s15 =	sadd.s32 s26, s2  }
0x12: {  	s30 =	sadd.s32 s28, s2;
	p1 =	por p1, !p0;
	p3 =	por p3, !p2  }
0x13: {  	p5 =	por p5, p4;
	s5 =	sadd.s32 s5, s0;
	s0 =	sadd.s32 s8, s0  }
0x14: {  	s12 =	ssub.s32 s10, s21;
	s8 =	sor.u32 $0x1C07, s23;
	s20 =	sadd.s32 s16, s3  }
0x15: {  	s21 =	sor.u32 $0x40, s22;
	s3 =	sshrl.u32 s3, $0x3;
	s10 =	sadd.s32 s23, s2  }
0x16: {  	s31 =	sadd.s32 $0xAE00, s6;
	s6 =	sadd.s32 $0x1000, s6;
	s17 =	sshrl.u32 s17, $0x3  }
0x17: {  	s19 =	sshrl.u32 s19, $0x3;
	s23 =	sshrl.u32 s15, $0x3;
	s15 =	simm.s32 $0x10D20  }
0x18: {  	s22 =	simm.s32 $0x3;
	s20 =	sshrl.u32 s20, $0x3;
	s3 =	sadd.s32 s9, s3  }
0x19: {  	s24 =	sshll.u32 s21, $0xD;
	s29 =	sshll.u32 s21, $0x6;
	[dreg:$0x7] =	wrdreg s31  }
0x1a: {  	[dreg:$0x8] =	wrdreg s6;
	s13 =	sadd.s32 $0x4E600, s5;
	s5 =	sadd.s32 s16, s1  }
0x1b: {  	s0 =	sadd.s32 $0x3C200, s0;
	s6 =	smax.u32 s12, $0x1;
	[dreg:$0xe] =	wrdreg s17  }
0x1c: {  	s12 =	sshrl.u32 s11, $0x3;
	s16 =	sshrl.u32 s14, $0x3;
	[dreg:$0xf] =	wrdreg s19  }
0x1d: {  	[dreg:$0x12] =	wrdreg s23;
	s26 =	sadd.s32 $0x1400, s10;
	s28 =	sadd.s32 $0x1800, s10  }
0x1e: {  	s31 =	sadd.s32 $0x2000, s10;
	s11 =	simm.s32 $0xC510;
	s14 =	simm.s32 $0xED20  }
0x1f: {  	s17 =	simm.s32 $0xECA0;
	s19 =	simm.s32 $0x2;
	[dreg:$0x9] =	wrdreg s0  }
0x20: {  	s21 =	simm.s32 $0x6;
	s23 =	simm.s32 $0x4;
	[dreg:$0xb] =	wrdreg s6  }
0x21: {  	s20 =	sadd.s32 s9, s20;
	s9 =	sadd.s32 s24, s1;
	[dreg:$0xc] =	wrdreg s12  }
0x22: {  	s18 =	sadd.s32 s29, s2;
	s3 =	sadd.s32 $0x13800, s3;
	[dreg:$0xd] =	wrdreg s16  }
0x23: {  	s24 =	sshrl.u32 s30, $0x3;
	s29 =	sshrl.u32 s28, $0x3;
	[dreg:$0x6] =	wrdreg s20  }
0x24: {  	s30 =	sadd.s32 $0x1C00, s10;
	s6 =	simm.s32 $0x7;
	[dreg:$0xa] =	wrdreg s3  }
0x25: {  	s12 =	simm.s32 $0x80;
	s16 =	simm.s32 $0xEC20;
	[dreg:$0x13] =	wrdreg s24  }
0x26: {  	s0 =	sshrl.u32 @!p0 s9, $0x3;
	s20 =	sshrl.u32 s25, $0x3;
	[dreg:$0x16] =	wrdreg s29  }
0x27: {  	s25 =	sshrl.u32 s18, $0x3;
	[dreg:$0x10] =	wrdreg s0;
	s0 =	sshrl.u32 s26, $0x3  }
0x28: {  	s3 =	sshrl.u32 s5, $0x3;
	[dreg:$0x15] =	wrdreg s0;
	s0 =	sshrl.u32 s30, $0x3  }
0x29: {  	s5 =	sadd.s32 $0x9C000, s1;
	[dreg:$0x17] =	wrdreg s0;
	s0 =	sshrl.u32 s31, $0x3  }
0x2a: {  	s9 =	simm.s32 $0x9E00;
	[dreg:$0x18] =	wrdreg s0;
	s0 =	sadd.s32 $0x2700, s2  }
0x2b: {  	s18 =	simm.s32 $0x1;
	[dreg:$0x11] =	wrdreg s20;
	s0 =	sshrl.u32 @!p3 s0, $0x3  }
0x2c: {  	s24 =	simm.s32 $0x0;
	[dreg:$0x19] =	wrdreg s0;
	s0 =	sadd.s32 $0x2400, s10  }
0x2d: {  	[dreg:$0x14] =	wrdreg s25;
	s20 =	simm.s32 $0x5;
	s0 =	sshrl.u32 @!p2 s0, $0x3  }
.LBB2_1:
0x2e: {  	s25 =	rddreg [dreg:$0xc]  }
0x2f: {  	[spmem:s25], [sflag:s8] =	dma.local [hbm:s7], $0x400  }
0x30: {  	_ =	swait.ge [sflag:s6], $0x400  }
0x31: {  	[sflag:s6] =	ssyncset.done $0x0  }
0x32: {  	s31 =	rddreg [dreg:$0xd];
	[sflag:s6] =	ssyncadd.s32 $0xFFFFFC00  }
0x33: {  	[spmem:s31], [sflag:s8] =	dma.local [hbm:s7], $0x400  }
0x34: {  	_ =	swait.ge [sflag:s6], $0x400  }
0x35: {  	[sflag:s6] =	ssyncset.done $0x0  }
0x36: {  	s26 =	rddreg [dreg:$0xe];
	[sflag:s6] =	ssyncadd.s32 $0xFFFFFC00  }
0x37: {  	[spmem:s26], [sflag:s8] =	dma.local [hbm:s7], $0x400  }
0x38: {  	_ =	swait.ge [sflag:s6], $0x400  }
0x39: {  	[sflag:s6] =	ssyncset.done $0x0  }
0x3a: {  	s28 =	rddreg [dreg:$0xf];
	[sflag:s6] =	ssyncadd.s32 $0xFFFFFC00  }
0x3b: {  	[spmem:s28], [sflag:s8] =	dma.local [hbm:s7], $0x400  }
0x3c: {  	_ =	swait.ge [sflag:s6], $0x400  }
0x3d: {  	[sflag:s6] =	ssyncset.done $0x0  }
0x3e: {  	s25 =	sshrl.u32 @!p1 s5, $0x3;
	[sflag:s6] =	ssyncadd.s32 $0xFFFFFC00  }
0x3f: {  	[spmem:s25], [sflag:s8] =	dma.local @!p1 [hbm:s7], $0x80  }
0x40: {  	s25 =	simm.s32 @!p1 $0x7  }
0x41: {  	_ =	swait.ge @!p1 [sflag:s25], $0x80  }
0x42: {  	[sflag:s25] =	ssyncset.done @!p1 $0x0  }
0x43: {  	[sflag:s25] =	ssyncadd.s32 @!p1 $0xFFFFFF80;
	s25 =	rddreg [dreg:$0x10]  }
0x44: {  	[spmem:s25], [sflag:s8] =	dma.local @!p0 [hbm:s7], $0x400  }
0x45: {  	s25 =	simm.s32 @!p0 $0x7  }
0x46: {  	_ =	swait.ge @!p0 [sflag:s25], $0x400  }
0x47: {  	[sflag:s25] =	ssyncset.done @!p0 $0x0  }
0x48: {  	s29 =	sshrl.u32 s10, $0x3;
	[sflag:s25] =	ssyncadd.s32 @!p0 $0xFFFFFC00  }
0x49: {  	[spmem:s29], [sflag:s8] =	dma.local [hbm:s7], $0x8  }
0x4a: {  	_ =	swait.ge [sflag:s6], $0x8  }
0x4b: {  	[sflag:s6] =	ssyncset.done $0x0  }
0x4c: {  	s30 =	rddreg [dreg:$0x11];
	[sflag:s6] =	ssyncadd.s32 $0xFFFFFFF8  }
0x4d: {  	[spmem:s30], [sflag:s8] =	dma.local [hbm:s7], $0x8  }
0x4e: {  	_ =	swait.ge [sflag:s6], $0x8  }
0x4f: {  	[sflag:s6] =	ssyncset.done $0x0  }
0x50: {  	s31 =	rddreg [dreg:$0x12];
	[sflag:s6] =	ssyncadd.s32 $0xFFFFFFF8  }
0x51: {  	[spmem:s31], [sflag:s8] =	dma.local [hbm:s7], $0x8  }
0x52: {  	_ =	swait.ge [sflag:s6], $0x8  }
0x53: {  	[sflag:s6] =	ssyncset.done $0x0  }
0x54: {  	s26 =	rddreg [dreg:$0x13];
	[sflag:s6] =	ssyncadd.s32 $0xFFFFFFF8  }
0x55: {  	[spmem:s26], [sflag:s8] =	dma.local [hbm:s7], $0x8  }
0x56: {  	_ =	swait.ge [sflag:s6], $0x8  }
0x57: {  	[sflag:s6] =	ssyncset.done $0x0  }
0x58: {  	s28 =	rddreg [dreg:$0x14];
	[sflag:s6] =	ssyncadd.s32 $0xFFFFFFF8  }
0x59: {  	[spmem:s28], [sflag:s8] =	dma.local [hbm:s7], $0x8  }
0x5a: {  	_ =	swait.ge [sflag:s6], $0x8  }
0x5b: {  	[sflag:s6] =	ssyncset.done $0x0  }
0x5c: {  	s29 =	rddreg [dreg:$0x15];
	[sflag:s6] =	ssyncadd.s32 $0xFFFFFFF8  }
0x5d: {  	[spmem:s29], [sflag:s8] =	dma.local [hbm:s7], $0x8  }
0x5e: {  	_ =	swait.ge [sflag:s6], $0x8  }
0x5f: {  	[sflag:s6] =	ssyncset.done $0x0  }
0x60: {  	s30 =	rddreg [dreg:$0x16];
	[sflag:s6] =	ssyncadd.s32 $0xFFFFFFF8  }
0x61: {  	[spmem:s30], [sflag:s8] =	dma.local [hbm:s7], $0x8  }
0x62: {  	_ =	swait.ge [sflag:s6], $0x8  }
0x63: {  	[sflag:s6] =	ssyncset.done $0x0  }
0x64: {  	s31 =	rddreg [dreg:$0x17];
	[sflag:s6] =	ssyncadd.s32 $0xFFFFFFF8  }
0x65: {  	[spmem:s31], [sflag:s8] =	dma.local [hbm:s7], $0x8  }
0x66: {  	_ =	swait.ge [sflag:s6], $0x8  }
0x67: {  	[sflag:s6] =	ssyncset.done $0x0  }
0x68: {  	s26 =	rddreg [dreg:$0x18];
	[sflag:s6] =	ssyncadd.s32 $0xFFFFFFF8  }
0x69: {  	[spmem:s26], [sflag:s8] =	dma.local [hbm:s7], $0x8  }
0x6a: {  	_ =	swait.ge [sflag:s6], $0x8  }
0x6b: {  	[sflag:s6] =	ssyncset.done $0x0  }
0x6c: {  	s25 =	rddreg [dreg:$0x19];
	[sflag:s6] =	ssyncadd.s32 $0xFFFFFFF8  }
0x6d: {  	[spmem:s25], [sflag:s8] =	dma.local @!p3 [hbm:s7], $0x2  }
0x6e: {  	s25 =	simm.s32 @!p3 $0x7  }
0x6f: {  	_ =	swait.ge @!p3 [sflag:s25], $0x2  }
0x70: {  	[sflag:s25] =	ssyncset.done @!p3 $0x0  }
0x71: {  	[sflag:s25] =	ssyncadd.s32 @!p3 $0xFFFFFFFE;
	s25 =	simm.s32 @!p2 $0x7  }
0x72: {  	[spmem:s0], [sflag:s8] =	dma.local @!p2 [hbm:s7], $0x8  }
0x73: {  	_ =	swait.ge @!p2 [sflag:s25], $0x8  }
0x74: {  	[sflag:s25] =	ssyncset.done @!p2 $0x0  }
0x75: {  	[sflag:s25] =	ssyncadd.s32 @!p2 $0xFFFFFFF8  }
0x76: {  	[bflag:$0x0] =	sbarrier.arrive $0xFFFF  }
0x77: {  	s28 =	rddreg [dreg:$0x7]  }
0x78: {  	[tilespmem:s4], [sflag:$0x7] =	stream.linear.gather [hbm4b:s28+s4], $0x4F00, $0x38;
	[tilespmem:$0x1CBD8] =	vst v63  }
0x79: {  	_ =	swait.ge [sflag:s6], $0x4F00  }
0x7a: {  	[sflag:s6] =	ssyncset.done $0x0  }
0x7b: {  	s26 =	simm.s32 $0x4F00;
	s29 =	rddreg [dreg:$0x8];
	[sflag:s6] =	ssyncadd.s32 $0xFFFFB100  }
0x7c: {  	[tilespmem:s26], [sflag:$0x7] =	stream.linear.gather [hbm4b:s29+s4], $0x4F00, $0x38;
	[tilespmem:$0x1CBD8] =	vst v63  }
0x7d: {  	_ =	swait.ge [sflag:s6], $0x4F00  }
0x7e: {  	[sflag:s6] =	ssyncset.done $0x0  }
0x7f: {  	s30 =	rddreg [dreg:$0x4];
	[sflag:s6] =	ssyncadd.s32 $0xFFFFB100  }
0x80: {  	[tilespmem:s9], [sflag:$0x7] =	stream.linear.gather [hbm4b:s30+s4], $0x2710, $0x38;
	[tilespmem:$0x1CBD8] =	vst v63  }
0x81: {  	_ =	swait.ge [sflag:s6], $0x2710  }
0x82: {  	[sflag:s6] =	ssyncset.done $0x0  }
0x83: {  	s31 =	rddreg [dreg:$0x5];
	[sflag:s6] =	ssyncadd.s32 $0xFFFFD8F0  }
0x84: {  	[tilespmem:s11], [sflag:$0x7] =	stream.linear.gather [hbm4b:s31+s4], $0x2710, $0x38;
	[tilespmem:$0x1CBD8] =	vst v63  }
0x85: {  	_ =	swait.ge [sflag:s6], $0x2710  }
0x86: {  	[sflag:s6] =	ssyncset.done $0x0  }
0x87: {  	s25 =	simm.s32 $0x0;
	[sflag:s6] =	ssyncadd.s32 $0xFFFFD8F0  }
.LBB2_2:
0x88: {  	s26 =	sshll.u32 s25, $0x8  }
0x89: {  	[tilespmem:s14], [sflag:$0x1] =	stream.indirect.gather [hbm4b:s13+s12], $0x40, s26, s12, $0xb8;
	[tilespmem:$0x1CBD8] =	vst v63  }
0x8a: {  	s29 =	sor.u32 $0x80, s26  }
0x8b: {  	[tilespmem:s15], [sflag:$0x2] =	stream.indirect.gather [hbm4b:s13+s12], $0x40, s29, s12, $0xb8;
	[tilespmem:$0x1CBD8] =	vst v63  }
0x8c: {  	v0 =	vld [tilespmem:s26+$0x0]  }
0x8d: {  	v1 =	vld [tilespmem:s26+$0x4F00];
	_ =	sdelay $0x6  }
0x8e: {  	v0 =	vld.idx.msk [tilespmem:v0+s9+$0x0], $0xffff  }
0x8f: {  	v1 =	vld.idx.msk [tilespmem:v1+s11+$0x0], $0xffff;
	_ =	sdelay $0x4  }
0x90: {  	v0 =	vadd.f32 v1, v0;
	_ =	sdelay $0x1  }
0x91: {  	v1 =	vmul.f32 $2.000000030e-01, v0  }
0x92: {  	vm0 =	vgt.f32 v0, $0.0e+00  }
0x93: {  	v0 =	vsel vm0, v0, v1  }
0x94: {  	v0 =	vmul.f32 $1.442695020e+00, v0;
	_ =	sdelay $0x1  }
0x95: {  	(erf) = vpow2.f32 v0;
	_ =	sdelay $0x8  }
0x96: {  	v0 =	vpop (erf)  }
0x97: {  	[tilespmem:$0xEC20] =	vst v0  }
0x98: {  	v0 =	vld [tilespmem:s26+$0x10]  }
0x99: {  	v49 =	vld [tilespmem:s26+$0x4F10];
	_ =	sdelay $0x6  }
0x9a: {  	v0 =	vld.idx.msk [tilespmem:v0+s9+$0x0], $0xffff  }
0x9b: {  	v1 =	vld.idx.msk [tilespmem:v49+s11+$0x0], $0xffff;
	_ =	sdelay $0x4  }
0x9c: {  	v0 =	vadd.f32 v1, v0;
	_ =	sdelay $0x1  }
0x9d: {  	v1 =	vmul.f32 $2.000000030e-01, v0  }
0x9e: {  	vm13 =	vgt.f32 v0, $0.0e+00  }
0x9f: {  	v0 =	vsel vm13, v0, v1  }
0xa0: {  	v0 =	vmul.f32 $1.442695020e+00, v0;
	_ =	sdelay $0x1  }
0xa1: {  	(erf) = vpow2.f32 v0;
	_ =	sdelay $0x8  }
0xa2: {  	v0 =	vpop (erf)  }
0xa3: {  	[tilespmem:$0xEC30] =	vst v0  }
0xa4: {  	v0 =	vld [tilespmem:s26+$0x20]  }
0xa5: {  	v50 =	vld [tilespmem:s26+$0x4F20];
	_ =	sdelay $0x6  }
0xa6: {  	v0 =	vld.idx.msk [tilespmem:v0+s9+$0x0], $0xffff  }
0xa7: {  	v1 =	vld.idx.msk [tilespmem:v50+s11+$0x0], $0xffff;
	_ =	sdelay $0x4  }
0xa8: {  	v0 =	vadd.f32 v1, v0;
	_ =	sdelay $0x1  }
0xa9: {  	v1 =	vmul.f32 $2.000000030e-01, v0  }
0xaa: {  	vm14 =	vgt.f32 v0, $0.0e+00  }
0xab: {  	v0 =	vsel vm14, v0, v1  }
0xac: {  	v0 =	vmul.f32 $1.442695020e+00, v0;
	_ =	sdelay $0x1  }
0xad: {  	(erf) = vpow2.f32 v0;
	_ =	sdelay $0x7  }
0xae: {  	s28 =	sor.u32 $0x20, s26  }
0xaf: {  	p6 =	slt.u32 s28, $0x4E20;
	v0 =	vpop (erf)  }
0xb0: {  	v0 =	vpsel !p6, $0x0, v0  }
0xb1: {  	[tilespmem:$0xEC40] =	vst v0  }
0xb2: {  	v0 =	vld [tilespmem:s26+$0x30]  }
0xb3: {  	v51 =	vld [tilespmem:s26+$0x4F30];
	_ =	sdelay $0x6  }
0xb4: {  	v0 =	vld.idx.msk [tilespmem:v0+s9+$0x0], $0xffff  }
0xb5: {  	v1 =	vld.idx.msk [tilespmem:v51+s11+$0x0], $0xffff;
	_ =	sdelay $0x4  }
0xb6: {  	v0 =	vadd.f32 v1, v0;
	_ =	sdelay $0x1  }
0xb7: {  	v1 =	vmul.f32 $2.000000030e-01, v0  }
0xb8: {  	vm15 =	vgt.f32 v0, $0.0e+00  }
0xb9: {  	v0 =	vsel vm15, v0, v1  }
0xba: {  	v0 =	vmul.f32 $1.442695020e+00, v0;
	_ =	sdelay $0x1  }
0xbb: {  	(erf) = vpow2.f32 v0;
	_ =	sdelay $0x7  }
0xbc: {  	s28 =	sor.u32 $0x30, s26  }
0xbd: {  	p6 =	slt.u32 s28, $0x4E20;
	v0 =	vpop (erf)  }
0xbe: {  	v0 =	vpsel !p6, $0x0, v0  }
0xbf: {  	[tilespmem:$0xEC50] =	vst v0  }
0xc0: {  	v0 =	vld [tilespmem:s26+$0x40]  }
0xc1: {  	v52 =	vld [tilespmem:s26+$0x4F40];
	_ =	sdelay $0x6  }
0xc2: {  	v0 =	vld.idx.msk [tilespmem:v0+s9+$0x0], $0xffff  }
0xc3: {  	v1 =	vld.idx.msk [tilespmem:v52+s11+$0x0], $0xffff;
	_ =	sdelay $0x4  }
0xc4: {  	v0 =	vadd.f32 v1, v0;
	_ =	sdelay $0x1  }
0xc5: {  	v1 =	vmul.f32 $2.000000030e-01, v0  }
0xc6: {  	vm4 =	vgt.f32 v0, $0.0e+00  }
0xc7: {  	v0 =	vsel vm4, v0, v1  }
0xc8: {  	v0 =	vmul.f32 $1.442695020e+00, v0;
	_ =	sdelay $0x1  }
0xc9: {  	(erf) = vpow2.f32 v0;
	_ =	sdelay $0x7  }
0xca: {  	s28 =	sor.u32 $0x40, s26  }
0xcb: {  	p6 =	slt.u32 s28, $0x4E20;
	v0 =	vpop (erf)  }
0xcc: {  	v0 =	vpsel !p6, $0x0, v0  }
0xcd: {  	[tilespmem:$0xEC60] =	vst v0  }
0xce: {  	v0 =	vld [tilespmem:s26+$0x50]  }
0xcf: {  	v53 =	vld [tilespmem:s26+$0x4F50];
	_ =	sdelay $0x6  }
0xd0: {  	v0 =	vld.idx.msk [tilespmem:v0+s9+$0x0], $0xffff  }
0xd1: {  	v1 =	vld.idx.msk [tilespmem:v53+s11+$0x0], $0xffff;
	_ =	sdelay $0x4  }
0xd2: {  	v0 =	vadd.f32 v1, v0;
	_ =	sdelay $0x1  }
0xd3: {  	v1 =	vmul.f32 $2.000000030e-01, v0  }
0xd4: {  	vm5 =	vgt.f32 v0, $0.0e+00  }
0xd5: {  	v0 =	vsel vm5, v0, v1  }
0xd6: {  	v0 =	vmul.f32 $1.442695020e+00, v0;
	_ =	sdelay $0x1  }
0xd7: {  	(erf) = vpow2.f32 v0;
	_ =	sdelay $0x7  }
0xd8: {  	s28 =	sor.u32 $0x50, s26  }
0xd9: {  	p6 =	slt.u32 s28, $0x4E20;
	v0 =	vpop (erf)  }
0xda: {  	v0 =	vpsel !p6, $0x0, v0  }
0xdb: {  	[tilespmem:$0xEC70] =	vst v0  }
0xdc: {  	v0 =	vld [tilespmem:s26+$0x60]  }
0xdd: {  	v54 =	vld [tilespmem:s26+$0x4F60];
	_ =	sdelay $0x6  }
0xde: {  	v0 =	vld.idx.msk [tilespmem:v0+s9+$0x0], $0xffff  }
0xdf: {  	v1 =	vld.idx.msk [tilespmem:v54+s11+$0x0], $0xffff;
	_ =	sdelay $0x4  }
0xe0: {  	v0 =	vadd.f32 v1, v0;
	_ =	sdelay $0x1  }
0xe1: {  	v1 =	vmul.f32 $2.000000030e-01, v0  }
0xe2: {  	vm6 =	vgt.f32 v0, $0.0e+00  }
0xe3: {  	v0 =	vsel vm6, v0, v1  }
0xe4: {  	v0 =	vmul.f32 $1.442695020e+00, v0;
	_ =	sdelay $0x1  }
0xe5: {  	(erf) = vpow2.f32 v0;
	_ =	sdelay $0x7  }
0xe6: {  	s28 =	sor.u32 $0x60, s26  }
0xe7: {  	p6 =	slt.u32 s28, $0x4E20;
	v0 =	vpop (erf)  }
0xe8: {  	v0 =	vpsel !p6, $0x0, v0  }
0xe9: {  	[tilespmem:$0xEC80] =	vst v0  }
0xea: {  	v0 =	vld [tilespmem:s26+$0x70]  }
0xeb: {  	v55 =	vld [tilespmem:s26+$0x4F70];
	_ =	sdelay $0x6  }
0xec: {  	v0 =	vld.idx.msk [tilespmem:v0+s9+$0x0], $0xffff  }
0xed: {  	v1 =	vld.idx.msk [tilespmem:v55+s11+$0x0], $0xffff;
	_ =	sdelay $0x4  }
0xee: {  	v0 =	vadd.f32 v1, v0;
	_ =	sdelay $0x1  }
0xef: {  	v1 =	vmul.f32 $2.000000030e-01, v0  }
0xf0: {  	vm7 =	vgt.f32 v0, $0.0e+00  }
0xf1: {  	v0 =	vsel vm7, v0, v1  }
0xf2: {  	v0 =	vmul.f32 $1.442695020e+00, v0;
	_ =	sdelay $0x1  }
0xf3: {  	(erf) = vpow2.f32 v0;
	_ =	sdelay $0x7  }
0xf4: {  	s28 =	sor.u32 $0x70, s26  }
0xf5: {  	p6 =	slt.u32 s28, $0x4E20;
	v0 =	vpop (erf)  }
0xf6: {  	v0 =	vpsel !p6, $0x0, v0  }
0xf7: {  	s28 =	sadd.s32 $0x4F00, s26;
	[tilespmem:$0xEC90] =	vst v0  }
0xf8: {  	[spmem:s2] =	stream.indirect.scatter.add.f32 [tilespmem:s16], [sflag:$0x5], $0x1, s28, s12, $0xb8;
	[tilespmem:$0x1CBD8] =	vst v63  }
0xf9: {  	v0 =	vld [tilespmem:s26+$0x80]  }
0xfa: {  	v56 =	vld [tilespmem:s26+$0x4F80];
	_ =	sdelay $0x6  }
0xfb: {  	v0 =	vld.idx.msk [tilespmem:v0+s9+$0x0], $0xffff  }
0xfc: {  	v1 =	vld.idx.msk [tilespmem:v56+s11+$0x0], $0xffff;
	_ =	sdelay $0x4  }
0xfd: {  	v0 =	vadd.f32 v1, v0;
	_ =	sdelay $0x1  }
0xfe: {  	v1 =	vmul.f32 $2.000000030e-01, v0  }
0xff: {  	vm8 =	vgt.f32 v0, $0.0e+00  }
0x100: {  	v0 =	vsel vm8, v0, v1  }
0x101: {  	v0 =	vmul.f32 $1.442695020e+00, v0;
	_ =	sdelay $0x1  }
0x102: {  	(erf) = vpow2.f32 v0;
	_ =	sdelay $0x8  }
0x103: {  	p6 =	slt.u32 s29, $0x4E20;
	v0 =	vpop (erf)  }
0x104: {  	v0 =	vpsel !p6, $0x0, v0  }
0x105: {  	[tilespmem:$0xECA0] =	vst v0  }
0x106: {  	v0 =	vld [tilespmem:s26+$0x90]  }
0x107: {  	v57 =	vld [tilespmem:s26+$0x4F90];
	_ =	sdelay $0x6  }
0x108: {  	v0 =	vld.idx.msk [tilespmem:v0+s9+$0x0], $0xffff  }
0x109: {  	v1 =	vld.idx.msk [tilespmem:v57+s11+$0x0], $0xffff;
	_ =	sdelay $0x4  }
0x10a: {  	v0 =	vadd.f32 v1, v0;
	_ =	sdelay $0x1  }
0x10b: {  	v1 =	vmul.f32 $2.000000030e-01, v0  }
0x10c: {  	vm9 =	vgt.f32 v0, $0.0e+00  }
0x10d: {  	v0 =	vsel vm9, v0, v1  }
0x10e: {  	v0 =	vmul.f32 $1.442695020e+00, v0;
	_ =	sdelay $0x1  }
0x10f: {  	(erf) = vpow2.f32 v0;
	_ =	sdelay $0x7  }
0x110: {  	s29 =	sor.u32 $0x90, s26  }
0x111: {  	p6 =	slt.u32 s29, $0x4E20;
	v0 =	vpop (erf)  }
0x112: {  	v0 =	vpsel !p6, $0x0, v0  }
0x113: {  	[tilespmem:$0xECB0] =	vst v0  }
0x114: {  	v0 =	vld [tilespmem:s26+$0xA0]  }
0x115: {  	v58 =	vld [tilespmem:s26+$0x4FA0];
	_ =	sdelay $0x6  }
0x116: {  	v0 =	vld.idx.msk [tilespmem:v0+s9+$0x0], $0xffff  }
0x117: {  	v1 =	vld.idx.msk [tilespmem:v58+s11+$0x0], $0xffff;
	_ =	sdelay $0x4  }
0x118: {  	v0 =	vadd.f32 v1, v0;
	_ =	sdelay $0x1  }
0x119: {  	v1 =	vmul.f32 $2.000000030e-01, v0  }
0x11a: {  	vm10 =	vgt.f32 v0, $0.0e+00  }
0x11b: {  	v0 =	vsel vm10, v0, v1  }
0x11c: {  	v0 =	vmul.f32 $1.442695020e+00, v0;
	_ =	sdelay $0x1  }
0x11d: {  	(erf) = vpow2.f32 v0;
	_ =	sdelay $0x7  }
0x11e: {  	s29 =	sor.u32 $0xA0, s26  }
0x11f: {  	p6 =	slt.u32 s29, $0x4E20;
	v0 =	vpop (erf)  }
0x120: {  	v0 =	vpsel !p6, $0x0, v0  }
0x121: {  	[tilespmem:$0xECC0] =	vst v0  }
0x122: {  	v0 =	vld [tilespmem:s26+$0xB0]  }
0x123: {  	v59 =	vld [tilespmem:s26+$0x4FB0];
	_ =	sdelay $0x6  }
0x124: {  	v0 =	vld.idx.msk [tilespmem:v0+s9+$0x0], $0xffff  }
0x125: {  	v1 =	vld.idx.msk [tilespmem:v59+s11+$0x0], $0xffff;
	_ =	sdelay $0x4  }
0x126: {  	v0 =	vadd.f32 v1, v0;
	_ =	sdelay $0x1  }
0x127: {  	v1 =	vmul.f32 $2.000000030e-01, v0  }
0x128: {  	vm11 =	vgt.f32 v0, $0.0e+00  }
0x129: {  	v0 =	vsel vm11, v0, v1  }
0x12a: {  	v0 =	vmul.f32 $1.442695020e+00, v0;
	_ =	sdelay $0x1  }
0x12b: {  	(erf) = vpow2.f32 v0;
	_ =	sdelay $0x7  }
0x12c: {  	s29 =	sor.u32 $0xB0, s26  }
0x12d: {  	p6 =	slt.u32 s29, $0x4E20;
	v0 =	vpop (erf)  }
0x12e: {  	v0 =	vpsel !p6, $0x0, v0  }
0x12f: {  	[tilespmem:$0xECD0] =	vst v0  }
0x130: {  	v0 =	vld [tilespmem:s26+$0xC0]  }
0x131: {  	v60 =	vld [tilespmem:s26+$0x4FC0];
	_ =	sdelay $0x6  }
0x132: {  	v0 =	vld.idx.msk [tilespmem:v0+s9+$0x0], $0xffff  }
0x133: {  	v1 =	vld.idx.msk [tilespmem:v60+s11+$0x0], $0xffff;
	_ =	sdelay $0x4  }
0x134: {  	v0 =	vadd.f32 v1, v0;
	_ =	sdelay $0x1  }
0x135: {  	v1 =	vmul.f32 $2.000000030e-01, v0  }
0x136: {  	vm12 =	vgt.f32 v0, $0.0e+00  }
0x137: {  	v0 =	vsel vm12, v0, v1  }
0x138: {  	v0 =	vmul.f32 $1.442695020e+00, v0;
	_ =	sdelay $0x1  }
0x139: {  	(erf) = vpow2.f32 v0;
	_ =	sdelay $0x7  }
0x13a: {  	s29 =	sor.u32 $0xC0, s26  }
0x13b: {  	p6 =	slt.u32 s29, $0x4E20;
	v0 =	vpop (erf)  }
0x13c: {  	v0 =	vpsel !p6, $0x0, v0  }
0x13d: {  	[tilespmem:$0xECE0] =	vst v0  }
0x13e: {  	v0 =	vld [tilespmem:s26+$0xD0]  }
0x13f: {  	v61 =	vld [tilespmem:s26+$0x4FD0];
	_ =	sdelay $0x6  }
0x140: {  	v0 =	vld.idx.msk [tilespmem:v0+s9+$0x0], $0xffff  }
0x141: {  	v1 =	vld.idx.msk [tilespmem:v61+s11+$0x0], $0xffff;
	_ =	sdelay $0x4  }
0x142: {  	v0 =	vadd.f32 v1, v0;
	_ =	sdelay $0x1  }
0x143: {  	v1 =	vmul.f32 $2.000000030e-01, v0  }
0x144: {  	vm13 =	vgt.f32 v0, $0.0e+00  }
0x145: {  	v0 =	vsel vm13, v0, v1  }
0x146: {  	v0 =	vmul.f32 $1.442695020e+00, v0;
	_ =	sdelay $0x1  }
0x147: {  	(erf) = vpow2.f32 v0;
	_ =	sdelay $0x7  }
0x148: {  	s29 =	sor.u32 $0xD0, s26  }
0x149: {  	p6 =	slt.u32 s29, $0x4E20;
	v0 =	vpop (erf)  }
0x14a: {  	v0 =	vpsel !p6, $0x0, v0  }
0x14b: {  	[tilespmem:$0xECF0] =	vst v0  }
0x14c: {  	v0 =	vld [tilespmem:s26+$0xE0]  }
0x14d: {  	v62 =	vld [tilespmem:s26+$0x4FE0];
	_ =	sdelay $0x6  }
0x14e: {  	v0 =	vld.idx.msk [tilespmem:v0+s9+$0x0], $0xffff  }
0x14f: {  	v1 =	vld.idx.msk [tilespmem:v62+s11+$0x0], $0xffff;
	_ =	sdelay $0x4  }
0x150: {  	v0 =	vadd.f32 v1, v0;
	_ =	sdelay $0x1  }
0x151: {  	v1 =	vmul.f32 $2.000000030e-01, v0  }
0x152: {  	vm14 =	vgt.f32 v0, $0.0e+00  }
0x153: {  	v0 =	vsel vm14, v0, v1  }
0x154: {  	v0 =	vmul.f32 $1.442695020e+00, v0;
	_ =	sdelay $0x1  }
0x155: {  	(erf) = vpow2.f32 v0;
	_ =	sdelay $0x7  }
0x156: {  	s29 =	sor.u32 $0xE0, s26  }
0x157: {  	p6 =	slt.u32 s29, $0x4E20;
	v0 =	vpop (erf)  }
0x158: {  	v0 =	vpsel !p6, $0x0, v0  }
0x159: {  	[tilespmem:$0xED00] =	vst v0  }
0x15a: {  	v0 =	vld [tilespmem:s26+$0xF0]  }
0x15b: {  	v63 =	vld [tilespmem:s26+$0x4FF0];
	_ =	sdelay $0x6  }
0x15c: {  	v0 =	vld.idx.msk [tilespmem:v0+s9+$0x0], $0xffff  }
0x15d: {  	v1 =	vld.idx.msk [tilespmem:v63+s11+$0x0], $0xffff;
	_ =	sdelay $0x4  }
0x15e: {  	v0 =	vadd.f32 v1, v0;
	_ =	sdelay $0x1  }
0x15f: {  	v1 =	vmul.f32 $2.000000030e-01, v0  }
0x160: {  	vm15 =	vgt.f32 v0, $0.0e+00  }
0x161: {  	v0 =	vsel vm15, v0, v1  }
0x162: {  	v0 =	vmul.f32 $1.442695020e+00, v0;
	_ =	sdelay $0x1  }
0x163: {  	(erf) = vpow2.f32 v0;
	_ =	sdelay $0x7  }
0x164: {  	s29 =	sor.u32 $0xF0, s26  }
0x165: {  	p6 =	slt.u32 s29, $0x4E20;
	v0 =	vpop (erf)  }
0x166: {  	v0 =	vpsel !p6, $0x0, v0  }
0x167: {  	s26 =	sadd.s32 $0x4F80, s26;
	[tilespmem:$0xED10] =	vst v0  }
0x168: {  	[spmem:s2] =	stream.indirect.scatter.add.f32 [tilespmem:s17], [sflag:$0x6], $0x1, s26, s12, $0xb8;
	[tilespmem:$0x1CBD8] =	vst v63  }
0x169: {  	_ =	swait.ge [sflag:s18], $0x2000  }
0x16a: {  	[sflag:s18] =	ssyncset.done $0x0  }
0x16b: {  	s30 =	simm.s32 $0xEF20;
	s29 =	simm.s32 $0x0;
	[sflag:s18] =	ssyncadd.s32 $0xFFFFE000  }
.LBB2_3:
0x16c: {  	s31 =	sshra.s32 s29, $0x2  }
0x16d: {  	v0 =	vld [tilespmem:s31+$0xEC20];
	_ =	sdelay $0x1  }
0x16e: {  	v1 =	vld [tilespmem:s30+$0xFFFFFE00];
	_ =	sdelay $0x1  }
0x16f: {  	v47 =	vld [tilespmem:s30+$0xFFFFFE10]  }
0x170: {  	v2 =	vbroadcast v0, $0x0  }
0x171: {  	v48 =	vld [tilespmem:s30+$0xFFFFFE20]  }
0x172: {  	v1 =	vmul.f32 v2, v1  }
0x173: {  	v49 =	vld [tilespmem:s30+$0xFFFFFE30]  }
0x174: {  	[tilespmem:s30+$0xFFFFFE00] =	vst v1;
	v1 =	vmul.f32 v47, v2  }
0x175: {  	v50 =	vld [tilespmem:s30+$0xFFFFFE40]  }
0x176: {  	[tilespmem:s30+$0xFFFFFE10] =	vst v1;
	v1 =	vmul.f32 v48, v2  }
0x177: {  	v52 =	vld [tilespmem:s30+$0xFFFFFE50]  }
0x178: {  	v51 =	vbroadcast v0, $0x1;
	[tilespmem:s30+$0xFFFFFE20] =	vst v1;
	v1 =	vmul.f32 v49, v2  }
0x179: {  	v53 =	vld [tilespmem:s30+$0xFFFFFE60]  }
0x17a: {  	[tilespmem:s30+$0xFFFFFE30] =	vst v1;
	v1 =	vmul.f32 v50, v51  }
0x17b: {  	v54 =	vld [tilespmem:s30+$0xFFFFFE70]  }
0x17c: {  	[tilespmem:s30+$0xFFFFFE40] =	vst v1;
	v1 =	vmul.f32 v52, v51  }
0x17d: {  	v55 =	vld [tilespmem:s30+$0xFFFFFE80]  }
0x17e: {  	[tilespmem:s30+$0xFFFFFE50] =	vst v1;
	v1 =	vmul.f32 v53, v51  }
0x17f: {  	v57 =	vld [tilespmem:s30+$0xFFFFFE90]  }
0x180: {  	v56 =	vbroadcast v0, $0x2;
	[tilespmem:s30+$0xFFFFFE60] =	vst v1;
	v1 =	vmul.f32 v54, v51  }
0x181: {  	v58 =	vld [tilespmem:s30+$0xFFFFFEA0]  }
0x182: {  	[tilespmem:s30+$0xFFFFFE70] =	vst v1;
	v1 =	vmul.f32 v55, v56  }
0x183: {  	v59 =	vld [tilespmem:s30+$0xFFFFFEB0]  }
0x184: {  	[tilespmem:s30+$0xFFFFFE80] =	vst v1;
	v1 =	vmul.f32 v57, v56  }
0x185: {  	v60 =	vld [tilespmem:s30+$0xFFFFFEC0]  }
0x186: {  	[tilespmem:s30+$0xFFFFFE90] =	vst v1;
	v1 =	vmul.f32 v58, v56  }
0x187: {  	v62 =	vld [tilespmem:s30+$0xFFFFFED0]  }
0x188: {  	v61 =	vbroadcast v0, $0x3;
	[tilespmem:s30+$0xFFFFFEA0] =	vst v1;
	v1 =	vmul.f32 v59, v56  }
0x189: {  	v63 =	vld [tilespmem:s30+$0xFFFFFEE0]  }
0x18a: {  	[tilespmem:s30+$0xFFFFFEB0] =	vst v1;
	v1 =	vmul.f32 v60, v61  }
0x18b: {  	v4 =	vld [tilespmem:s30+$0xFFFFFEF0]  }
0x18c: {  	[tilespmem:s30+$0xFFFFFEC0] =	vst v1;
	v1 =	vmul.f32 v62, v61  }
0x18d: {  	v5 =	vld [tilespmem:s30+$0xFFFFFF00]  }
0x18e: {  	[tilespmem:s30+$0xFFFFFED0] =	vst v1;
	v1 =	vmul.f32 v63, v61  }
0x18f: {  	v7 =	vld [tilespmem:s30+$0xFFFFFF10]  }
0x190: {  	v6 =	vbroadcast v0, $0x4;
	[tilespmem:s30+$0xFFFFFEE0] =	vst v1;
	v1 =	vmul.f32 v4, v61  }
0x191: {  	v8 =	vld [tilespmem:s30+$0xFFFFFF20]  }
0x192: {  	[tilespmem:s30+$0xFFFFFEF0] =	vst v1;
	v1 =	vmul.f32 v5, v6  }
0x193: {  	v9 =	vld [tilespmem:s30+$0xFFFFFF30]  }
0x194: {  	[tilespmem:s30+$0xFFFFFF00] =	vst v1;
	v1 =	vmul.f32 v7, v6  }
0x195: {  	v10 =	vld [tilespmem:s30+$0xFFFFFF40]  }
0x196: {  	[tilespmem:s30+$0xFFFFFF10] =	vst v1;
	v1 =	vmul.f32 v8, v6  }
0x197: {  	v12 =	vld [tilespmem:s30+$0xFFFFFF50]  }
0x198: {  	v11 =	vbroadcast v0, $0x5;
	[tilespmem:s30+$0xFFFFFF20] =	vst v1;
	v1 =	vmul.f32 v9, v6  }
0x199: {  	v13 =	vld [tilespmem:s30+$0xFFFFFF60]  }
0x19a: {  	[tilespmem:s30+$0xFFFFFF30] =	vst v1;
	v1 =	vmul.f32 v10, v11  }
0x19b: {  	v14 =	vld [tilespmem:s30+$0xFFFFFF70]  }
0x19c: {  	[tilespmem:s30+$0xFFFFFF40] =	vst v1;
	v1 =	vmul.f32 v12, v11  }
0x19d: {  	v15 =	vld [tilespmem:s30+$0xFFFFFF80]  }
0x19e: {  	[tilespmem:s30+$0xFFFFFF50] =	vst v1;
	v1 =	vmul.f32 v13, v11  }
0x19f: {  	v17 =	vld [tilespmem:s30+$0xFFFFFF90]  }
0x1a0: {  	v16 =	vbroadcast v0, $0x6;
	[tilespmem:s30+$0xFFFFFF60] =	vst v1;
	v1 =	vmul.f32 v14, v11  }
0x1a1: {  	v18 =	vld [tilespmem:s30+$0xFFFFFFA0]  }
0x1a2: {  	[tilespmem:s30+$0xFFFFFF70] =	vst v1;
	v1 =	vmul.f32 v15, v16  }
0x1a3: {  	v19 =	vld [tilespmem:s30+$0xFFFFFFB0]  }
0x1a4: {  	[tilespmem:s30+$0xFFFFFF80] =	vst v1;
	v1 =	vmul.f32 v17, v16  }
0x1a5: {  	v20 =	vld [tilespmem:s30+$0xFFFFFFC0]  }
0x1a6: {  	[tilespmem:s30+$0xFFFFFF90] =	vst v1;
	v1 =	vmul.f32 v18, v16  }
0x1a7: {  	v22 =	vld [tilespmem:s30+$0xFFFFFFD0]  }
0x1a8: {  	v21 =	vbroadcast v0, $0x7;
	[tilespmem:s30+$0xFFFFFFA0] =	vst v1;
	v1 =	vmul.f32 v19, v16  }
0x1a9: {  	v23 =	vld [tilespmem:s30+$0xFFFFFFE0]  }
0x1aa: {  	[tilespmem:s30+$0xFFFFFFB0] =	vst v1;
	v1 =	vmul.f32 v20, v21  }
0x1ab: {  	v24 =	vld [tilespmem:s30+$0xFFFFFFF0]  }
0x1ac: {  	[tilespmem:s30+$0xFFFFFFC0] =	vst v1;
	v1 =	vmul.f32 v22, v21  }
0x1ad: {  	v25 =	vld [tilespmem:s30+$0x0]  }
0x1ae: {  	[tilespmem:s30+$0xFFFFFFD0] =	vst v1;
	v1 =	vmul.f32 v23, v21  }
0x1af: {  	v27 =	vld [tilespmem:s30+$0x10]  }
0x1b0: {  	v26 =	vbroadcast v0, $0x8;
	[tilespmem:s30+$0xFFFFFFE0] =	vst v1;
	v1 =	vmul.f32 v24, v21  }
0x1b1: {  	v28 =	vld [tilespmem:s30+$0x20]  }
0x1b2: {  	[tilespmem:s30+$0xFFFFFFF0] =	vst v1;
	v1 =	vmul.f32 v25, v26  }
0x1b3: {  	v29 =	vld [tilespmem:s30+$0x30]  }
0x1b4: {  	[tilespmem:s30+$0x0] =	vst v1;
	v1 =	vmul.f32 v27, v26  }
0x1b5: {  	v30 =	vld [tilespmem:s30+$0x40]  }
0x1b6: {  	[tilespmem:s30+$0x10] =	vst v1;
	v1 =	vmul.f32 v28, v26  }
0x1b7: {  	v32 =	vld [tilespmem:s30+$0x50]  }
0x1b8: {  	v31 =	vbroadcast v0, $0x9;
	[tilespmem:s30+$0x20] =	vst v1;
	v1 =	vmul.f32 v29, v26  }
0x1b9: {  	v33 =	vld [tilespmem:s30+$0x60]  }
0x1ba: {  	[tilespmem:s30+$0x30] =	vst v1;
	v1 =	vmul.f32 v30, v31  }
0x1bb: {  	v34 =	vld [tilespmem:s30+$0x70]  }
0x1bc: {  	[tilespmem:s30+$0x40] =	vst v1;
	v1 =	vmul.f32 v32, v31  }
0x1bd: {  	v35 =	vld [tilespmem:s30+$0x80]  }
0x1be: {  	[tilespmem:s30+$0x50] =	vst v1;
	v1 =	vmul.f32 v33, v31  }
0x1bf: {  	v37 =	vld [tilespmem:s30+$0x90]  }
0x1c0: {  	v36 =	vbroadcast v0, $0xA;
	[tilespmem:s30+$0x60] =	vst v1;
	v1 =	vmul.f32 v34, v31  }
0x1c1: {  	v38 =	vld [tilespmem:s30+$0xA0]  }
0x1c2: {  	[tilespmem:s30+$0x70] =	vst v1;
	v1 =	vmul.f32 v35, v36  }
0x1c3: {  	v39 =	vld [tilespmem:s30+$0xB0]  }
0x1c4: {  	[tilespmem:s30+$0x80] =	vst v1;
	v1 =	vmul.f32 v37, v36  }
0x1c5: {  	v40 =	vld [tilespmem:s30+$0xC0]  }
0x1c6: {  	[tilespmem:s30+$0x90] =	vst v1;
	v1 =	vmul.f32 v38, v36  }
0x1c7: {  	v42 =	vld [tilespmem:s30+$0xD0]  }
0x1c8: {  	v41 =	vbroadcast v0, $0xB;
	[tilespmem:s30+$0xA0] =	vst v1;
	v1 =	vmul.f32 v39, v36  }
0x1c9: {  	v43 =	vld [tilespmem:s30+$0xE0]  }
0x1ca: {  	[tilespmem:s30+$0xB0] =	vst v1;
	v1 =	vmul.f32 v40, v41  }
0x1cb: {  	v44 =	vld [tilespmem:s30+$0xF0]  }
0x1cc: {  	[tilespmem:s30+$0xC0] =	vst v1;
	v1 =	vmul.f32 v42, v41  }
0x1cd: {  	v45 =	vld [tilespmem:s30+$0x100]  }
0x1ce: {  	[tilespmem:s30+$0xD0] =	vst v1;
	v1 =	vmul.f32 v43, v41  }
0x1cf: {  	v47 =	vld [tilespmem:s30+$0x110]  }
0x1d0: {  	v46 =	vbroadcast v0, $0xC;
	[tilespmem:s30+$0xE0] =	vst v1;
	v1 =	vmul.f32 v44, v41  }
0x1d1: {  	v48 =	vld [tilespmem:s30+$0x120]  }
0x1d2: {  	[tilespmem:s30+$0xF0] =	vst v1;
	v1 =	vmul.f32 v45, v46  }
0x1d3: {  	v49 =	vld [tilespmem:s30+$0x130]  }
0x1d4: {  	[tilespmem:s30+$0x100] =	vst v1;
	v1 =	vmul.f32 v47, v46  }
0x1d5: {  	v50 =	vld [tilespmem:s30+$0x140]  }
0x1d6: {  	[tilespmem:s30+$0x110] =	vst v1;
	v1 =	vmul.f32 v48, v46  }
0x1d7: {  	v52 =	vld [tilespmem:s30+$0x150]  }
0x1d8: {  	v51 =	vbroadcast v0, $0xD;
	[tilespmem:s30+$0x120] =	vst v1;
	v1 =	vmul.f32 v49, v46  }
0x1d9: {  	v53 =	vld [tilespmem:s30+$0x160]  }
0x1da: {  	[tilespmem:s30+$0x130] =	vst v1;
	v1 =	vmul.f32 v50, v51  }
0x1db: {  	v54 =	vld [tilespmem:s30+$0x170]  }
0x1dc: {  	[tilespmem:s30+$0x140] =	vst v1;
	v1 =	vmul.f32 v52, v51  }
0x1dd: {  	v55 =	vld [tilespmem:s30+$0x180]  }
0x1de: {  	[tilespmem:s30+$0x150] =	vst v1;
	v1 =	vmul.f32 v53, v51  }
0x1df: {  	v57 =	vld [tilespmem:s30+$0x190]  }
0x1e0: {  	v56 =	vbroadcast v0, $0xE;
	[tilespmem:s30+$0x160] =	vst v1;
	v1 =	vmul.f32 v54, v51  }
0x1e1: {  	v58 =	vld [tilespmem:s30+$0x1A0]  }
0x1e2: {  	[tilespmem:s30+$0x170] =	vst v1;
	v1 =	vmul.f32 v55, v56  }
0x1e3: {  	v59 =	vld [tilespmem:s30+$0x1B0]  }
0x1e4: {  	[tilespmem:s30+$0x180] =	vst v1;
	v1 =	vmul.f32 v57, v56  }
0x1e5: {  	v60 =	vld [tilespmem:s30+$0x1C0]  }
0x1e6: {  	[tilespmem:s30+$0x190] =	vst v1;
	v1 =	vmul.f32 v58, v56  }
0x1e7: {  	v61 =	vld [tilespmem:s30+$0x1D0]  }
0x1e8: {  	v0 =	vbroadcast v0, $0xF;
	[tilespmem:s30+$0x1A0] =	vst v1;
	v1 =	vmul.f32 v59, v56  }
0x1e9: {  	v62 =	vld [tilespmem:s30+$0x1E0]  }
0x1ea: {  	v63 =	vld [tilespmem:s30+$0x1F0];
	[tilespmem:s30+$0x1B0] =	vst v1;
	v1 =	vmul.f32 v60, v0;
	_ =	sdelay $0x1  }
0x1eb: {  	p6 =	sne.s32 s29, $0x1C0;
	[tilespmem:s30+$0x1C0] =	vst v1;
	v1 =	vmul.f32 v61, v0  }
.Ltmp0:
0x1ec: {  	_ = 	snop;
	(pc) =	sbr.rel @p6 .LBB2_3-.Ltmp0, $4  }
0x1ed: {  	[tilespmem:s30+$0x1D0] =	vst v1;
	v1 =	vmul.f32 v62, v0  }
0x1ee: {  	v0 =	vmul.f32 v63, v0  }
0x1ef: {  	[tilespmem:s30+$0x1E0] =	vst v1  }
0x1f0: {  	s29 =	sadd.s32 $0x40, s29;
	[tilespmem:s30+$0x1F0] =	vst v0;
	s30 =	sadd.s32 $0x400, s30  }
0x1f1: {  	[spmem:s1] =	stream.indirect.scatter.add.f32 [tilespmem:s14], [sflag:$0x3], $0x40, s28, s12, $0xb8;
	[tilespmem:$0x1CBD8] =	vst v63  }
0x1f2: {  	_ =	swait.ge [sflag:s19], $0x2000  }
0x1f3: {  	[sflag:s19] =	ssyncset.done $0x0  }
0x1f4: {  	s28 =	simm.s32 $0x0;
	s29 =	simm.s32 $0x10F20;
	[sflag:s19] =	ssyncadd.s32 $0xFFFFE000  }
.LBB2_5:
0x1f5: {  	s30 =	sshra.s32 s28, $0x2  }
0x1f6: {  	v0 =	vld [tilespmem:s30+$0xECA0];
	_ =	sdelay $0x1  }
0x1f7: {  	v1 =	vld [tilespmem:s29+$0xFFFFFE00];
	_ =	sdelay $0x1  }
0x1f8: {  	v47 =	vld [tilespmem:s29+$0xFFFFFE10]  }
0x1f9: {  	v2 =	vbroadcast v0, $0x0  }
0x1fa: {  	v48 =	vld [tilespmem:s29+$0xFFFFFE20]  }
0x1fb: {  	v1 =	vmul.f32 v2, v1  }
0x1fc: {  	v49 =	vld [tilespmem:s29+$0xFFFFFE30]  }
0x1fd: {  	[tilespmem:s29+$0xFFFFFE00] =	vst v1;
	v1 =	vmul.f32 v47, v2  }
0x1fe: {  	v50 =	vld [tilespmem:s29+$0xFFFFFE40]  }
0x1ff: {  	[tilespmem:s29+$0xFFFFFE10] =	vst v1;
	v1 =	vmul.f32 v48, v2  }
0x200: {  	v52 =	vld [tilespmem:s29+$0xFFFFFE50]  }
0x201: {  	v51 =	vbroadcast v0, $0x1;
	[tilespmem:s29+$0xFFFFFE20] =	vst v1;
	v1 =	vmul.f32 v49, v2  }
0x202: {  	v53 =	vld [tilespmem:s29+$0xFFFFFE60]  }
0x203: {  	[tilespmem:s29+$0xFFFFFE30] =	vst v1;
	v1 =	vmul.f32 v50, v51  }
0x204: {  	v54 =	vld [tilespmem:s29+$0xFFFFFE70]  }
0x205: {  	[tilespmem:s29+$0xFFFFFE40] =	vst v1;
	v1 =	vmul.f32 v52, v51  }
0x206: {  	v55 =	vld [tilespmem:s29+$0xFFFFFE80]  }
0x207: {  	[tilespmem:s29+$0xFFFFFE50] =	vst v1;
	v1 =	vmul.f32 v53, v51  }
0x208: {  	v57 =	vld [tilespmem:s29+$0xFFFFFE90]  }
0x209: {  	v56 =	vbroadcast v0, $0x2;
	[tilespmem:s29+$0xFFFFFE60] =	vst v1;
	v1 =	vmul.f32 v54, v51  }
0x20a: {  	v58 =	vld [tilespmem:s29+$0xFFFFFEA0]  }
0x20b: {  	[tilespmem:s29+$0xFFFFFE70] =	vst v1;
	v1 =	vmul.f32 v55, v56  }
0x20c: {  	v59 =	vld [tilespmem:s29+$0xFFFFFEB0]  }
0x20d: {  	[tilespmem:s29+$0xFFFFFE80] =	vst v1;
	v1 =	vmul.f32 v57, v56  }
0x20e: {  	v60 =	vld [tilespmem:s29+$0xFFFFFEC0]  }
0x20f: {  	[tilespmem:s29+$0xFFFFFE90] =	vst v1;
	v1 =	vmul.f32 v58, v56  }
0x210: {  	v62 =	vld [tilespmem:s29+$0xFFFFFED0]  }
0x211: {  	v61 =	vbroadcast v0, $0x3;
	[tilespmem:s29+$0xFFFFFEA0] =	vst v1;
	v1 =	vmul.f32 v59, v56  }
0x212: {  	v63 =	vld [tilespmem:s29+$0xFFFFFEE0]  }
0x213: {  	[tilespmem:s29+$0xFFFFFEB0] =	vst v1;
	v1 =	vmul.f32 v60, v61  }
0x214: {  	v4 =	vld [tilespmem:s29+$0xFFFFFEF0]  }
0x215: {  	[tilespmem:s29+$0xFFFFFEC0] =	vst v1;
	v1 =	vmul.f32 v62, v61  }
0x216: {  	v5 =	vld [tilespmem:s29+$0xFFFFFF00]  }
0x217: {  	[tilespmem:s29+$0xFFFFFED0] =	vst v1;
	v1 =	vmul.f32 v63, v61  }
0x218: {  	v7 =	vld [tilespmem:s29+$0xFFFFFF10]  }
0x219: {  	v6 =	vbroadcast v0, $0x4;
	[tilespmem:s29+$0xFFFFFEE0] =	vst v1;
	v1 =	vmul.f32 v4, v61  }
0x21a: {  	v8 =	vld [tilespmem:s29+$0xFFFFFF20]  }
0x21b: {  	[tilespmem:s29+$0xFFFFFEF0] =	vst v1;
	v1 =	vmul.f32 v5, v6  }
0x21c: {  	v9 =	vld [tilespmem:s29+$0xFFFFFF30]  }
0x21d: {  	[tilespmem:s29+$0xFFFFFF00] =	vst v1;
	v1 =	vmul.f32 v7, v6  }
0x21e: {  	v10 =	vld [tilespmem:s29+$0xFFFFFF40]  }
0x21f: {  	[tilespmem:s29+$0xFFFFFF10] =	vst v1;
	v1 =	vmul.f32 v8, v6  }
0x220: {  	v12 =	vld [tilespmem:s29+$0xFFFFFF50]  }
0x221: {  	v11 =	vbroadcast v0, $0x5;
	[tilespmem:s29+$0xFFFFFF20] =	vst v1;
	v1 =	vmul.f32 v9, v6  }
0x222: {  	v13 =	vld [tilespmem:s29+$0xFFFFFF60]  }
0x223: {  	[tilespmem:s29+$0xFFFFFF30] =	vst v1;
	v1 =	vmul.f32 v10, v11  }
0x224: {  	v14 =	vld [tilespmem:s29+$0xFFFFFF70]  }
0x225: {  	[tilespmem:s29+$0xFFFFFF40] =	vst v1;
	v1 =	vmul.f32 v12, v11  }
0x226: {  	v15 =	vld [tilespmem:s29+$0xFFFFFF80]  }
0x227: {  	[tilespmem:s29+$0xFFFFFF50] =	vst v1;
	v1 =	vmul.f32 v13, v11  }
0x228: {  	v17 =	vld [tilespmem:s29+$0xFFFFFF90]  }
0x229: {  	v16 =	vbroadcast v0, $0x6;
	[tilespmem:s29+$0xFFFFFF60] =	vst v1;
	v1 =	vmul.f32 v14, v11  }
0x22a: {  	v18 =	vld [tilespmem:s29+$0xFFFFFFA0]  }
0x22b: {  	[tilespmem:s29+$0xFFFFFF70] =	vst v1;
	v1 =	vmul.f32 v15, v16  }
0x22c: {  	v19 =	vld [tilespmem:s29+$0xFFFFFFB0]  }
0x22d: {  	[tilespmem:s29+$0xFFFFFF80] =	vst v1;
	v1 =	vmul.f32 v17, v16  }
0x22e: {  	v20 =	vld [tilespmem:s29+$0xFFFFFFC0]  }
0x22f: {  	[tilespmem:s29+$0xFFFFFF90] =	vst v1;
	v1 =	vmul.f32 v18, v16  }
0x230: {  	v22 =	vld [tilespmem:s29+$0xFFFFFFD0]  }
0x231: {  	v21 =	vbroadcast v0, $0x7;
	[tilespmem:s29+$0xFFFFFFA0] =	vst v1;
	v1 =	vmul.f32 v19, v16  }
0x232: {  	v23 =	vld [tilespmem:s29+$0xFFFFFFE0]  }
0x233: {  	[tilespmem:s29+$0xFFFFFFB0] =	vst v1;
	v1 =	vmul.f32 v20, v21  }
0x234: {  	v24 =	vld [tilespmem:s29+$0xFFFFFFF0]  }
0x235: {  	[tilespmem:s29+$0xFFFFFFC0] =	vst v1;
	v1 =	vmul.f32 v22, v21  }
0x236: {  	v25 =	vld [tilespmem:s29+$0x0]  }
0x237: {  	[tilespmem:s29+$0xFFFFFFD0] =	vst v1;
	v1 =	vmul.f32 v23, v21  }
0x238: {  	v27 =	vld [tilespmem:s29+$0x10]  }
0x239: {  	v26 =	vbroadcast v0, $0x8;
	[tilespmem:s29+$0xFFFFFFE0] =	vst v1;
	v1 =	vmul.f32 v24, v21  }
0x23a: {  	v28 =	vld [tilespmem:s29+$0x20]  }
0x23b: {  	[tilespmem:s29+$0xFFFFFFF0] =	vst v1;
	v1 =	vmul.f32 v25, v26  }
0x23c: {  	v29 =	vld [tilespmem:s29+$0x30]  }
0x23d: {  	[tilespmem:s29+$0x0] =	vst v1;
	v1 =	vmul.f32 v27, v26  }
0x23e: {  	v30 =	vld [tilespmem:s29+$0x40]  }
0x23f: {  	[tilespmem:s29+$0x10] =	vst v1;
	v1 =	vmul.f32 v28, v26  }
0x240: {  	v32 =	vld [tilespmem:s29+$0x50]  }
0x241: {  	v31 =	vbroadcast v0, $0x9;
	[tilespmem:s29+$0x20] =	vst v1;
	v1 =	vmul.f32 v29, v26  }
0x242: {  	v33 =	vld [tilespmem:s29+$0x60]  }
0x243: {  	[tilespmem:s29+$0x30] =	vst v1;
	v1 =	vmul.f32 v30, v31  }
0x244: {  	v34 =	vld [tilespmem:s29+$0x70]  }
0x245: {  	[tilespmem:s29+$0x40] =	vst v1;
	v1 =	vmul.f32 v32, v31  }
0x246: {  	v35 =	vld [tilespmem:s29+$0x80]  }
0x247: {  	[tilespmem:s29+$0x50] =	vst v1;
	v1 =	vmul.f32 v33, v31  }
0x248: {  	v37 =	vld [tilespmem:s29+$0x90]  }
0x249: {  	v36 =	vbroadcast v0, $0xA;
	[tilespmem:s29+$0x60] =	vst v1;
	v1 =	vmul.f32 v34, v31  }
0x24a: {  	v38 =	vld [tilespmem:s29+$0xA0]  }
0x24b: {  	[tilespmem:s29+$0x70] =	vst v1;
	v1 =	vmul.f32 v35, v36  }
0x24c: {  	v39 =	vld [tilespmem:s29+$0xB0]  }
0x24d: {  	[tilespmem:s29+$0x80] =	vst v1;
	v1 =	vmul.f32 v37, v36  }
0x24e: {  	v40 =	vld [tilespmem:s29+$0xC0]  }
0x24f: {  	[tilespmem:s29+$0x90] =	vst v1;
	v1 =	vmul.f32 v38, v36  }
0x250: {  	v42 =	vld [tilespmem:s29+$0xD0]  }
0x251: {  	v41 =	vbroadcast v0, $0xB;
	[tilespmem:s29+$0xA0] =	vst v1;
	v1 =	vmul.f32 v39, v36  }
0x252: {  	v43 =	vld [tilespmem:s29+$0xE0]  }
0x253: {  	[tilespmem:s29+$0xB0] =	vst v1;
	v1 =	vmul.f32 v40, v41  }
0x254: {  	v44 =	vld [tilespmem:s29+$0xF0]  }
0x255: {  	[tilespmem:s29+$0xC0] =	vst v1;
	v1 =	vmul.f32 v42, v41  }
0x256: {  	v45 =	vld [tilespmem:s29+$0x100]  }
0x257: {  	[tilespmem:s29+$0xD0] =	vst v1;
	v1 =	vmul.f32 v43, v41  }
0x258: {  	v47 =	vld [tilespmem:s29+$0x110]  }
0x259: {  	v46 =	vbroadcast v0, $0xC;
	[tilespmem:s29+$0xE0] =	vst v1;
	v1 =	vmul.f32 v44, v41  }
0x25a: {  	v48 =	vld [tilespmem:s29+$0x120]  }
0x25b: {  	[tilespmem:s29+$0xF0] =	vst v1;
	v1 =	vmul.f32 v45, v46  }
0x25c: {  	v49 =	vld [tilespmem:s29+$0x130]  }
0x25d: {  	[tilespmem:s29+$0x100] =	vst v1;
	v1 =	vmul.f32 v47, v46  }
0x25e: {  	v50 =	vld [tilespmem:s29+$0x140]  }
0x25f: {  	[tilespmem:s29+$0x110] =	vst v1;
	v1 =	vmul.f32 v48, v46  }
0x260: {  	v52 =	vld [tilespmem:s29+$0x150]  }
0x261: {  	v51 =	vbroadcast v0, $0xD;
	[tilespmem:s29+$0x120] =	vst v1;
	v1 =	vmul.f32 v49, v46  }
0x262: {  	v53 =	vld [tilespmem:s29+$0x160]  }
0x263: {  	[tilespmem:s29+$0x130] =	vst v1;
	v1 =	vmul.f32 v50, v51  }
0x264: {  	v54 =	vld [tilespmem:s29+$0x170]  }
0x265: {  	[tilespmem:s29+$0x140] =	vst v1;
	v1 =	vmul.f32 v52, v51  }
0x266: {  	v55 =	vld [tilespmem:s29+$0x180]  }
0x267: {  	[tilespmem:s29+$0x150] =	vst v1;
	v1 =	vmul.f32 v53, v51  }
0x268: {  	v57 =	vld [tilespmem:s29+$0x190]  }
0x269: {  	v56 =	vbroadcast v0, $0xE;
	[tilespmem:s29+$0x160] =	vst v1;
	v1 =	vmul.f32 v54, v51  }
0x26a: {  	v58 =	vld [tilespmem:s29+$0x1A0]  }
0x26b: {  	[tilespmem:s29+$0x170] =	vst v1;
	v1 =	vmul.f32 v55, v56  }
0x26c: {  	v59 =	vld [tilespmem:s29+$0x1B0]  }
0x26d: {  	[tilespmem:s29+$0x180] =	vst v1;
	v1 =	vmul.f32 v57, v56  }
0x26e: {  	v60 =	vld [tilespmem:s29+$0x1C0]  }
0x26f: {  	[tilespmem:s29+$0x190] =	vst v1;
	v1 =	vmul.f32 v58, v56  }
0x270: {  	v61 =	vld [tilespmem:s29+$0x1D0]  }
0x271: {  	v0 =	vbroadcast v0, $0xF;
	[tilespmem:s29+$0x1A0] =	vst v1;
	v1 =	vmul.f32 v59, v56  }
0x272: {  	v62 =	vld [tilespmem:s29+$0x1E0]  }
0x273: {  	v63 =	vld [tilespmem:s29+$0x1F0];
	[tilespmem:s29+$0x1B0] =	vst v1;
	v1 =	vmul.f32 v60, v0;
	_ =	sdelay $0x1  }
0x274: {  	p6 =	sne.s32 s28, $0x1C0;
	[tilespmem:s29+$0x1C0] =	vst v1;
	v1 =	vmul.f32 v61, v0  }
.Ltmp1:
0x275: {  	_ = 	snop;
	(pc) =	sbr.rel @p6 .LBB2_5-.Ltmp1, $4  }
0x276: {  	[tilespmem:s29+$0x1D0] =	vst v1;
	v1 =	vmul.f32 v62, v0  }
0x277: {  	v0 =	vmul.f32 v63, v0  }
0x278: {  	[tilespmem:s29+$0x1E0] =	vst v1  }
0x279: {  	s28 =	sadd.s32 $0x40, s28;
	[tilespmem:s29+$0x1F0] =	vst v0;
	s29 =	sadd.s32 $0x400, s29  }
0x27a: {  	[spmem:s1] =	stream.indirect.scatter.add.f32 [tilespmem:s15], [sflag:$0x4], $0x40, s26, s12, $0xb8;
	[tilespmem:$0x1CBD8] =	vst v63  }
0x27b: {  	_ =	swait.ge [sflag:s20], $0x80  }
0x27c: {  	[sflag:s20] =	ssyncset.done $0x0  }
0x27d: {  	[sflag:s20] =	ssyncadd.s32 $0xFFFFFF80  }
0x27e: {  	_ =	swait.ge [sflag:s21], $0x80  }
0x27f: {  	[sflag:s21] =	ssyncset.done $0x0  }
0x280: {  	s25 =	sadd.s32 $0x1, s25;
	[sflag:s21] =	ssyncadd.s32 $0xFFFFFF80  }
0x281: {  	p6 =	sne.s32 s25, $0x4F;
	_ =	swait.ge [sflag:s22], $0x2000  }
.Ltmp2:
0x282: {  	[sflag:s22] =	ssyncset.done $0x0;
	(pc) =	sbr.rel @p6 .LBB2_2-.Ltmp2, $4  }
0x283: {  	[sflag:s22] =	ssyncadd.s32 $0xFFFFE000  }
0x284: {  	_ =	swait.ge [sflag:s23], $0x2000  }
0x285: {  	[sflag:s23] =	ssyncset.done $0x0  }
0x286: {  	[sflag:s23] =	ssyncadd.s32 $0xFFFFE000  }
0x287: {  	[bflag:$0x0] =	sbarrier.arrive $0xFFFF  }
0x288: {  	s25 =	rddreg [dreg:$0x6]  }
0x289: {  	[hbm:s25], [sflag:s8] =	dma.local [spmem:s3], $0x1380  }
0x28a: {  	_ =	swait.ge [sflag:s6], $0x1380  }
0x28b: {  	[sflag:s6] =	ssyncset.done $0x0  }
0x28c: {  	s25 =	sshrl.u32 @p4 s2, $0x3;
	s26 =	rddreg [dreg:$0x9];
	[sflag:s6] =	ssyncadd.s32 $0xFFFFEC80  }
0x28d: {  	[hbm:s26], [sflag:s8] =	dma.local @p4 [spmem:s25], $0x4E2  }
0x28e: {  	s25 =	simm.s32 @p4 $0x7  }
0x28f: {  	_ =	swait.ge @p4 [sflag:s25], $0x4E2  }
0x290: {  	[sflag:s25] =	ssyncset.done @p4 $0x0  }
0x291: {  	s26 =	rddreg [dreg:$0xa];
	[sflag:s25] =	ssyncadd.s32 @p4 $0xFFFFFB1E;
	s25 =	sshrl.u32 @!p5 s5, $0x3  }
0x292: {  	[hbm:s26], [sflag:s8] =	dma.local @!p5 [spmem:s25], $0x80  }
0x293: {  	s25 =	simm.s32 @!p5 $0x7  }
0x294: {  	_ =	swait.ge @!p5 [sflag:s25], $0x80  }
0x295: {  	s24 =	sadd.s32 $0x1, s24;
	s31 =	rddreg [dreg:$0xb]  }
0x296: {  	p6 =	sne.s32 s24, s31  }
.Ltmp3:
0x297: {  	_ = 	snop;
	(pc) =	sbr.rel @p6 .LBB2_1-.Ltmp3, $3  }
0x298: {  	_ =	sdelay $0x1  }
0x299: {  	[sflag:s25] =	ssyncset.done @!p5 $0x0  }
0x29a: {  	[sflag:s25] =	ssyncadd.s32 @!p5 $0xFFFFFF80  }
0x29b: {  	_ =	sfence.sel $0x180000  }
0x29c: {  	[bflag:$0x0] =	sbarrier.arrive $0xFFFF  }
0x29d: {  	_ =	strace $0x90000047  }
0x29e: {  	s0 =	stileid.u32;
	[bflag:$0x2] =	sbarrier.arrive $0xFFFF  }
0x29f: {  	p0 =	sne.s32 s0, $0x0;
	s0 =	rddreg [dreg:$0x3]  }
0x2a0: {  	s0 =	sadd.s32 @!p0 $0x100000, s0  }
0x2a1: {  	[sflag:s0] =	ssyncadd.tile.s32 @!p0 $0x1;
	_ =	shalt  }
.Lfunc_end2:
_tile_overlayer_lowered:
.L_overlay_start_2:
0x2a2: {  	(tag) =	ssettag $0x2  }
0x2a3: {  	s0 =	rddreg [dreg:$0x0];
	s2 =	stileid.u32  }
0x2a4: {  	s1 =	rddreg [dreg:$0x1];
	p0 =	sne.s32 s2, $0x0  }
0x2a5: {  	s3 =	rddreg [dreg:$0x2];
	[bflag:$0x3] =	sbarrier.arrive $0xFFFF;
	s2 =	simm.s32 @!p0 $0x1C07  }
0x2a6: {  	[timem:s3], [sflag:s2] =	dma.local @!p0 [hbm:s0], s1  }
0x2a7: {  	s0 =	simm.s32 @!p0 $0x7  }
0x2a8: {  	_ =	swait.ge @!p0 [sflag:s0], s1  }
0x2a9: {  	s1 =	ssub.s32 @!p0 $0x0, s1;
	[sflag:s0] =	ssyncset.done @!p0 $0x0  }
0x2aa: {  	[sflag:s0] =	ssyncadd.s32 @!p0 s1  }
0x2ab: {  	[bflag:$0x3] =	sbarrier.arrive $0xFFFF  }
0x2ac: {  	_ =	shalt  }

</sc_bundles>
